<compile_context>
chip_gen: v7x
topology: tpu7x:2x2x1
jax: 0.10.2.dev20260603
libtpu: 0.0.44.dev20260713+nightly
codegen_flags: <defaults>
</compile_context>

<pallas_src>
import functools

import jax
import jax.numpy as jnp
from jax import lax
from jax.experimental import pallas as pl
from jax.experimental.pallas import tpu as pltpu
from jax.experimental.pallas import tpu_sc as plsc

N = 100000
B = 128
D = 128
NC = 2
NS = 16
NW = NC * NS
CH = 160
NCHUNK = N // CH
MAXK = -(-NCHUNK // NW)

_mesh = plsc.VectorSubcoreMesh(core_axis_name="c", subcore_axis_name="s")


def _wid():
    return lax.axis_index("s") * NC + lax.axis_index("c")


def _fill(h_hbm, batch_hbm, hbuf, idxbufs, hsem, isem, slot, g):
    pltpu.make_async_copy(h_hbm.at[pl.ds(g * CH, CH)],
                          hbuf.at[slot], hsem[slot]).start()
    pltpu.make_async_copy(batch_hbm.at[pl.ds(g * CH, CH)],
                          idxbufs[slot].at[pl.ds(0, CH)], isem[slot]).start()


def _fill_wait(h_hbm, batch_hbm, hbuf, idxbufs, hsem, isem, slot, g):
    pltpu.make_async_copy(h_hbm.at[pl.ds(g * CH, CH)],
                          hbuf.at[slot], hsem[slot]).wait()
    pltpu.make_async_copy(batch_hbm.at[pl.ds(g * CH, CH)],
                          idxbufs[slot].at[pl.ds(0, CH)], isem[slot]).wait()


PCH = 128
PNCHUNK = N // PCH
PTAIL = N - PNCHUNK * PCH
PMAXK = -(-PNCHUNK // NW)


def _pfill(h_hbm, batch_hbm, hbuf, idxbufs, hsem, isem, slot, g):
    pltpu.make_async_copy(h_hbm.at[pl.ds(g * PCH, PCH)],
                          hbuf.at[slot], hsem[slot]).start()
    pltpu.make_async_copy(batch_hbm.at[pl.ds(g * PCH, PCH)],
                          idxbufs[slot], isem[slot]).start()


def _pfill_wait(h_hbm, batch_hbm, hbuf, idxbufs, hsem, isem, slot, g):
    pltpu.make_async_copy(h_hbm.at[pl.ds(g * PCH, PCH)],
                          hbuf.at[slot], hsem[slot]).wait()
    pltpu.make_async_copy(batch_hbm.at[pl.ds(g * PCH, PCH)],
                          idxbufs[slot], isem[slot]).wait()


@functools.partial(
    pl.kernel,
    mesh=_mesh,
    out_type=jax.ShapeDtypeStruct((NC, B, D), jnp.float32),
    scratch_types=[
        pltpu.VMEM((4, PCH, D), jnp.float32),
        pltpu.VMEM((PCH,), jnp.int32),
        pltpu.VMEM((PCH,), jnp.int32),
        pltpu.VMEM((PCH,), jnp.int32),
        pltpu.VMEM((PCH,), jnp.int32),
        pltpu.VMEM((PTAIL,), jnp.int32),
        pltpu.VMEM((8, D), jnp.float32),
        pltpu.VMEM_SHARED((B, D), jnp.float32),
        pltpu.SemaphoreType.DMA,
        pltpu.SemaphoreType.DMA,
        pltpu.SemaphoreType.DMA,
        pltpu.SemaphoreType.DMA,
        pltpu.SemaphoreType.DMA,
        pltpu.SemaphoreType.DMA,
        pltpu.SemaphoreType.DMA,
        pltpu.SemaphoreType.DMA,
    ],
)
def _sc_pool(h_hbm, batch_hbm, out_hbm, hbuf, idx0, idx1, idx2, idx3,
             idxt, zbuf, pool, hs0, hs1, hs2, hs3, is0, is1, is2, is3):
    sid = lax.axis_index("s")
    core = lax.axis_index("c")
    w = sid * NC + core
    hsem = [hs0, hs1, hs2, hs3]
    isem = [is0, is1, is2, is3]
    idxbuf = [idx0, idx1, idx2, idx3]

    _pfill(h_hbm, batch_hbm, hbuf, idxbuf, hsem, isem, 0, w)

    @pl.when(w + NW < PNCHUNK)
    def _():
        _pfill(h_hbm, batch_hbm, hbuf, idxbuf, hsem, isem, 1, w + NW)

    zero = jnp.zeros((16,), jnp.float32)
    for r in range(8):
        for j in range(D // 16):
            zbuf[r, pl.ds(j * 16, 16)] = zero
    pltpu.sync_copy(zbuf, pool.at[pl.ds(sid * 8, 8)])
    plsc.subcore_barrier()

    def chunk4(k4, carry):
        for sub in range(4):
            k = k4 * 4 + sub
            g = w + k * NW

            @pl.when(g < PNCHUNK)
            def _():
                _pfill_wait(h_hbm, batch_hbm, hbuf, idxbuf, hsem, isem,
                            sub, g)

                @pl.when(g + 2 * NW < PNCHUNK)
                def _():
                    _pfill(h_hbm, batch_hbm, hbuf, idxbuf, hsem, isem,
                           (sub + 2) % 4, g + 2 * NW)

                pltpu.sync_copy(hbuf.at[sub], pool.at[idxbuf[sub]],
                                add=True)

        return carry

    lax.fori_loop(0, (PMAXK + 3) // 4, chunk4, 0)

    @pl.when(jnp.logical_and(sid == 0, core == 0))
    def _():
        pltpu.sync_copy(h_hbm.at[pl.ds(PNCHUNK * PCH, PTAIL)],
                        hbuf.at[0, pl.ds(0, PTAIL)])
        pltpu.sync_copy(batch_hbm.at[pl.ds(PNCHUNK * PCH, PTAIL)], idxt)
        pltpu.sync_copy(hbuf.at[0, pl.ds(0, PTAIL)], pool.at[idxt],
                        add=True)

    plsc.subcore_barrier()

    @pl.when(sid == 0)
    def _():
        pltpu.sync_copy(pool, out_hbm.at[core])


@functools.partial(
    pl.kernel,
    mesh=_mesh,
    out_type=jax.ShapeDtypeStruct((N, D), jnp.float32),
    scratch_types=[
        pltpu.VMEM((4, CH, D), jnp.float32),
        pltpu.VMEM((CH + 16,), jnp.int32),
        pltpu.VMEM((CH + 16,), jnp.int32),
        pltpu.VMEM((CH + 16,), jnp.int32),
        pltpu.VMEM((CH + 16,), jnp.int32),
        pltpu.VMEM((B, D), jnp.float32),
        pltpu.SemaphoreType.DMA,
        pltpu.SemaphoreType.DMA,
        pltpu.SemaphoreType.DMA,
        pltpu.SemaphoreType.DMA,
        pltpu.SemaphoreType.DMA,
        pltpu.SemaphoreType.DMA,
        pltpu.SemaphoreType.DMA,
        pltpu.SemaphoreType.DMA,
        pltpu.SemaphoreType.DMA,
        pltpu.SemaphoreType.DMA,
        pltpu.SemaphoreType.DMA,
        pltpu.SemaphoreType.DMA,
    ],
)
def _sc_bcast(h_hbm, batch_hbm, vn_hbm, out_hbm, hbuf,
              idx0, idx1, idx2, idx3, vnbuf,
              hs0, hs1, hs2, hs3, is0, is1, is2, is3, os0, os1, os2, os3):
    w = _wid()
    hsem = [hs0, hs1, hs2, hs3]
    isem = [is0, is1, is2, is3]
    osem = [os0, os1, os2, os3]
    idxbuf = [idx0, idx1, idx2, idx3]

    def store(slot, g):
        pltpu.make_async_copy(hbuf.at[slot],
                              out_hbm.at[pl.ds(g * CH, CH)],
                              osem[slot]).start()

    def store_wait(slot, g):
        pltpu.make_async_copy(hbuf.at[slot],
                              out_hbm.at[pl.ds(g * CH, CH)],
                              osem[slot]).wait()

    _fill(h_hbm, batch_hbm, hbuf, idxbuf, hsem, isem, 0, w)
    _fill(h_hbm, batch_hbm, hbuf, idxbuf, hsem, isem, 1, w + NW)
    pltpu.sync_copy(vn_hbm, vnbuf)

    def chunk4(k4, carry):
        for sub in range(4):
            k = k4 * 4 + sub
            g = w + k * NW

            @pl.when(g < NCHUNK)
            def _():
                @pl.when(k >= 2)
                def _():
                    store_wait((sub + 2) % 4, g - 2 * NW)

                @pl.when(g + 2 * NW < NCHUNK)
                def _():
                    _fill(h_hbm, batch_hbm, hbuf, idxbuf, hsem, isem,
                          (sub + 2) % 4, g + 2 * NW)

                _fill_wait(h_hbm, batch_hbm, hbuf, idxbuf, hsem, isem,
                           sub, g)

                @plsc.parallel_loop(0, CH, step=1, unroll=4)
                def row(i):
                    seg = idxbuf[sub][pl.ds(i, 16)][0]
                    for j in range(D // 16):
                        plsc.addupdate(hbuf.at[sub, i, pl.ds(j * 16, 16)],
                                       vnbuf[seg, pl.ds(j * 16, 16)])

                store(sub, g)

        return carry

    lax.fori_loop(0, MAXK // 4, chunk4, 0)

    nk = (NCHUNK - 1 - w) // NW + 1
    for back in (2, 1):
        kk = nk - back
        for sub in range(4):
            @pl.when(jnp.logical_and(kk >= 0, lax.rem(kk, 4) == sub))
            def _():
                store_wait(sub, w + kk * NW)


def _mlp_kernel(part_ref, vnh_ref, w_ref, bias_ref, vnout_ref):
    pool = jnp.sum(part_ref[...], axis=0)
    x = vnh_ref[...] + pool
    t = lax.dot_general(x, w_ref[...], (((1,), (0,)), ((), ())),
                        preferred_element_type=jnp.float32)
    vnout_ref[...] = vnh_ref[...] + jnp.maximum(t + bias_ref[...], 0.0)


@jax.jit
def kernel(h, batch, vn_h, W, b):
    batch32 = batch.astype(jnp.int32)
    bias2 = b.reshape(1, D)

    partials = _sc_pool(h, batch32)

    vn_new = pl.pallas_call(
        _mlp_kernel,
        out_shape=jax.ShapeDtypeStruct((B, D), jnp.float32),
    )(partials, vn_h, W, bias2)

    h_new = _sc_bcast(h, batch32, vn_new)

    return h_new, vn_new

# --- scband reference (transcript-rebuilt; emitter-appended) ---
"""Pipeline reference for scband-virtual-node-pyg-65128884076584 (READ-ONLY COPY).

The authoritative reference and input builder live on the scoring server;
editing this copy changes nothing except your own understanding.
"""

import jax, jax.numpy as jnp
import numpy as np

N = 100000
B = 128
D = 128

def setup_inputs(seed: int = 0) -> dict:
    key = jax.random.key(seed)
    k1, k2, k3, k4 = jax.random.split(key, 4)
    h = jax.random.normal(k1, (N, D), dtype=jnp.float32)
    batch = jnp.sort(jax.random.randint(k2, (N,), 0, B))
    vn_h = jax.random.normal(k3, (B, D), dtype=jnp.float32)
    W = jax.random.normal(k4, (D, D), dtype=jnp.float32) * (1.0 / np.sqrt(D))
    b = jnp.zeros((D,), dtype=jnp.float32)
    return {"h": h, "batch": batch, "vn_h": vn_h, "W": W, "b": b}

def reference(h, batch, vn_h, W, b):
    # VirtualNodePyg forward with vn_type='sum', activation='relu',
    # dropout=0, normalization='none', residual=True, use_edges=False.
    # 1) pool node features per graph (scatter-add by batch id)
    pool = jax.ops.segment_sum(h, batch, num_segments=B)
    # 2) FC layer on (vn_h + pooled): linear -> relu (dropout=0, norm=none)
    vn_temp = jax.nn.relu(jnp.dot(vn_h + pool, W) + b)
    # 3) residual connection on the virtual node
    vn_new = vn_h + vn_temp
    # 4) broadcast virtual node back to every node (gather by batch id)
    h_new = h + jnp.take(vn_new, batch, axis=0)
    return h_new, vn_new

if __name__ == "__main__":
    import jax
    _d = setup_inputs()
    print(jax.jit(kernel)(*tuple(_d.values())))

</pallas_src>

<mosaic_0001>
#map = affine_map<(d0, d1) -> (0, 0)>
#map1 = affine_map<(d0, d1) -> (0)>
module attributes {stable_mosaic.version = 14 : i64} {
  func.func @_sc_bcast(%arg0: i32, %arg1: i32, %arg2: memref<100000x128xf32, #tpu.memory_space<hbm>>, %arg3: memref<100000xi32, #tpu.memory_space<hbm>>, %arg4: memref<128x128xf32, #tpu.memory_space<hbm>>, %arg5: memref<100000x128xf32, #tpu.memory_space<hbm>>, %arg6: memref<4x160x128xf32, #tpu.memory_space<vmem>>, %arg7: memref<176xi32, #tpu.memory_space<vmem>>, %arg8: memref<176xi32, #tpu.memory_space<vmem>>, %arg9: memref<176xi32, #tpu.memory_space<vmem>>, %arg10: memref<176xi32, #tpu.memory_space<vmem>>, %arg11: memref<128x128xf32, #tpu.memory_space<vmem>>, %arg12: memref<!tpu.dma_semaphore, #tpu.memory_space<semaphore_mem>>, %arg13: memref<!tpu.dma_semaphore, #tpu.memory_space<semaphore_mem>>, %arg14: memref<!tpu.dma_semaphore, #tpu.memory_space<semaphore_mem>>, %arg15: memref<!tpu.dma_semaphore, #tpu.memory_space<semaphore_mem>>, %arg16: memref<!tpu.dma_semaphore, #tpu.memory_space<semaphore_mem>>, %arg17: memref<!tpu.dma_semaphore, #tpu.memory_space<semaphore_mem>>, %arg18: memref<!tpu.dma_semaphore, #tpu.memory_space<semaphore_mem>>, %arg19: memref<!tpu.dma_semaphore, #tpu.memory_space<semaphore_mem>>, %arg20: memref<!tpu.dma_semaphore, #tpu.memory_space<semaphore_mem>>, %arg21: memref<!tpu.dma_semaphore, #tpu.memory_space<semaphore_mem>>, %arg22: memref<!tpu.dma_semaphore, #tpu.memory_space<semaphore_mem>>, %arg23: memref<!tpu.dma_semaphore, #tpu.memory_space<semaphore_mem>>) attributes {dimension_semantics = [#tpu.dimension_semantics<core_parallel>, #tpu.dimension_semantics<subcore_parallel>], iteration_bounds = array<i64: 2, 16>, scalar_prefetch = 0 : i64, scratch_operands = 18 : i64, tpu.core_type = #tpu.core_type<sc_vector_subcore>, window_params = [{transform_indices = #map}, {transform_indices = #map1}, {transform_indices = #map}, {transform_indices = #map}]} {
    %mul3A = arith.constant 2 : i32
    %mul3A_0 = arith.muli %arg1, %mul3A : i32
    %add3A = arith.addi %mul3A_0, %arg0 : i32
    %mul3A_1 = arith.constant 160 : i32
    %mul3A_2 = arith.muli %add3A, %mul3A_1 : i32
    %dma_start3A = arith.constant 0 : i32
    %dma_start3A_3 = arith.constant 0 : i32
    %dma_start3A_4 = arith.constant 0 : i32
    %dma_start3A_5 = tpu.memref_slice %arg6[%dma_start3A, %dma_start3A_3, %dma_start3A_4] : memref<4x160x128xf32, #tpu.memory_space<vmem>> -> memref<1x160x128xf32, #tpu.memory_space<vmem>>
    %dma_start3A_6 = tpu.memref_squeeze %dma_start3A_5 : memref<1x160x128xf32, #tpu.memory_space<vmem>> -> memref<160x128xf32, #tpu.memory_space<vmem>>
    %dma_start3A_7 = arith.constant 0 : i32
    %dma_start3A_8 = tpu.memref_slice %arg2[%mul3A_2, %dma_start3A_7] : memref<100000x128xf32, #tpu.memory_space<hbm>> -> memref<160x128xf32, #tpu.memory_space<hbm>>
    %dma_start3A_9 = arith.constant 0 : i32
    %dma_start3A_10 = arith.constant 0 : i32
    %dma_start3A_11 = tpu.memref_slice %arg6[%dma_start3A, %dma_start3A_9, %dma_start3A_10] : memref<4x160x128xf32, #tpu.memory_space<vmem>> -> memref<1x160x128xf32, #tpu.memory_space<vmem>>
    %dma_start3A_12 = tpu.memref_squeeze %dma_start3A_11 : memref<1x160x128xf32, #tpu.memory_space<vmem>> -> memref<160x128xf32, #tpu.memory_space<vmem>>
    %dma_start3A_13 = arith.constant 0 : i32
    %dma_start3A_14 = tpu.memref_slice %arg2[%mul3A_2, %dma_start3A_13] : memref<100000x128xf32, #tpu.memory_space<hbm>> -> memref<160x128xf32, #tpu.memory_space<hbm>>
    tpu.enqueue_dma source(%dma_start3A_14 : memref<160x128xf32, #tpu.memory_space<hbm>>) target(%dma_start3A_12 : memref<160x128xf32, #tpu.memory_space<vmem>>) target_semaphore(%arg12 : memref<!tpu.dma_semaphore, #tpu.memory_space<semaphore_mem>>)
    %mul3A_15 = arith.constant 160 : i32
    %mul3A_16 = arith.muli %add3A, %mul3A_15 : i32
    %dma_start3A_17 = arith.constant 0 : i32
    %dma_start3A_18 = tpu.memref_slice %arg7[%dma_start3A_17] : memref<176xi32, #tpu.memory_space<vmem>> -> memref<160xi32, #tpu.memory_space<vmem>>
    %dma_start3A_19 = tpu.memref_slice %arg3[%mul3A_16] : memref<100000xi32, #tpu.memory_space<hbm>> -> memref<160xi32, #tpu.memory_space<hbm>>
    %dma_start3A_20 = arith.constant 0 : i32
    %dma_start3A_21 = tpu.memref_slice %arg7[%dma_start3A_20] : memref<176xi32, #tpu.memory_space<vmem>> -> memref<160xi32, #tpu.memory_space<vmem>>
    %dma_start3A_22 = tpu.memref_slice %arg3[%mul3A_16] : memref<100000xi32, #tpu.memory_space<hbm>> -> memref<160xi32, #tpu.memory_space<hbm>>
    tpu.enqueue_dma source(%dma_start3A_22 : memref<160xi32, #tpu.memory_space<hbm>>) target(%dma_start3A_21 : memref<160xi32, #tpu.memory_space<vmem>>) target_semaphore(%arg16 : memref<!tpu.dma_semaphore, #tpu.memory_space<semaphore_mem>>)
    %add3A_23 = arith.constant 32 : i32
    %add3A_24 = arith.addi %add3A, %add3A_23 : i32
    %mul3A_25 = arith.constant 160 : i32
    %mul3A_26 = arith.muli %add3A_24, %mul3A_25 : i32
    %dma_start3A_27 = arith.constant 1 : i32
    %dma_start3A_28 = arith.constant 0 : i32
    %dma_start3A_29 = arith.constant 0 : i32
    %dma_start3A_30 = tpu.memref_slice %arg6[%dma_start3A_27, %dma_start3A_28, %dma_start3A_29] : memref<4x160x128xf32, #tpu.memory_space<vmem>> -> memref<1x160x128xf32, #tpu.memory_space<vmem>>
    %dma_start3A_31 = tpu.memref_squeeze %dma_start3A_30 : memref<1x160x128xf32, #tpu.memory_space<vmem>> -> memref<160x128xf32, #tpu.memory_space<vmem>>
    %dma_start3A_32 = arith.constant 0 : i32
    %dma_start3A_33 = tpu.memref_slice %arg2[%mul3A_26, %dma_start3A_32] : memref<100000x128xf32, #tpu.memory_space<hbm>> -> memref<160x128xf32, #tpu.memory_space<hbm>>
    %dma_start3A_34 = arith.constant 0 : i32
    %dma_start3A_35 = arith.constant 0 : i32
    %dma_start3A_36 = tpu.memref_slice %arg6[%dma_start3A_27, %dma_start3A_34, %dma_start3A_35] : memref<4x160x128xf32, #tpu.memory_space<vmem>> -> memref<1x160x128xf32, #tpu.memory_space<vmem>>
    %dma_start3A_37 = tpu.memref_squeeze %dma_start3A_36 : memref<1x160x128xf32, #tpu.memory_space<vmem>> -> memref<160x128xf32, #tpu.memory_space<vmem>>
    %dma_start3A_38 = arith.constant 0 : i32
    %dma_start3A_39 = tpu.memref_slice %arg2[%mul3A_26, %dma_start3A_38] : memref<100000x128xf32, #tpu.memory_space<hbm>> -> memref<160x128xf32, #tpu.memory_space<hbm>>
    tpu.enqueue_dma source(%dma_start3A_39 : memref<160x128xf32, #tpu.memory_space<hbm>>) target(%dma_start3A_37 : memref<160x128xf32, #tpu.memory_space<vmem>>) target_semaphore(%arg13 : memref<!tpu.dma_semaphore, #tpu.memory_space<semaphore_mem>>)
    %mul3A_40 = arith.constant 160 : i32
    %mul3A_41 = arith.muli %add3A_24, %mul3A_40 : i32
    %dma_start3A_42 = arith.constant 0 : i32
    %dma_start3A_43 = tpu.memref_slice %arg8[%dma_start3A_42] : memref<176xi32, #tpu.memory_space<vmem>> -> memref<160xi32, #tpu.memory_space<vmem>>
    %dma_start3A_44 = tpu.memref_slice %arg3[%mul3A_41] : memref<100000xi32, #tpu.memory_space<hbm>> -> memref<160xi32, #tpu.memory_space<hbm>>
    %dma_start3A_45 = arith.constant 0 : i32
    %dma_start3A_46 = tpu.memref_slice %arg8[%dma_start3A_45] : memref<176xi32, #tpu.memory_space<vmem>> -> memref<160xi32, #tpu.memory_space<vmem>>
    %dma_start3A_47 = tpu.memref_slice %arg3[%mul3A_41] : memref<100000xi32, #tpu.memory_space<hbm>> -> memref<160xi32, #tpu.memory_space<hbm>>
    tpu.enqueue_dma source(%dma_start3A_47 : memref<160xi32, #tpu.memory_space<hbm>>) target(%dma_start3A_46 : memref<160xi32, #tpu.memory_space<vmem>>) target_semaphore(%arg17 : memref<!tpu.dma_semaphore, #tpu.memory_space<semaphore_mem>>)
    "tpu.region"() ({
      %run_scoped3A = tpu.sem_alloc : memref<!tpu.dma_semaphore, #tpu.memory_space<semaphore_mem>>
      tpu.enqueue_dma source(%arg4 : memref<128x128xf32, #tpu.memory_space<hbm>>) target(%arg11 : memref<128x128xf32, #tpu.memory_space<vmem>>) target_semaphore(%run_scoped3A : memref<!tpu.dma_semaphore, #tpu.memory_space<semaphore_mem>>)
      tpu.wait_dma2 semaphore(%run_scoped3A : memref<!tpu.dma_semaphore, #tpu.memory_space<semaphore_mem>>) src(%arg4 : memref<128x128xf32, #tpu.memory_space<hbm>>) dst(%arg11 : memref<128x128xf32, #tpu.memory_space<vmem>>)
      tpu.yield
    }) : () -> ()
    %scan3A = arith.constant 0 : i32
    %scan3A_48 = arith.constant 0 : i32
    %scan3A_49 = arith.constant 5 : i32
    %scan3A_50 = arith.addi %scan3A_48, %scan3A_49 : i32
    %scan3A_51 = arith.constant 1 : i32
    scf.for %scan3A_153 = %scan3A_48 to %scan3A_50 step %scan3A_51  : i32 {
      %mul3A_154 = arith.constant 4 : i32
      %mul3A_155 = arith.muli %scan3A_153, %mul3A_154 : i32
      %add3A_156 = arith.constant 0 : i32
      %add3A_157 = arith.addi %mul3A_155, %add3A_156 : i32
      %mul3A_158 = arith.constant 32 : i32
      %mul3A_159 = arith.muli %add3A_157, %mul3A_158 : i32
      %add3A_160 = arith.addi %add3A, %mul3A_159 : i32
      %lt3A = arith.constant 625 : i32
      %lt3A_161 = arith.cmpi slt, %add3A_160, %lt3A : i32
      %convert_element_type3A_162 = arith.extui %lt3A_161 : i1 to i32
      %cond3A_163 = arith.constant 0 : i32
      %cond3A_164 = arith.cmpi ne, %convert_element_type3A_162, %cond3A_163 : i32
      scf.if %cond3A_164 {
        %ge3A_201 = arith.constant 2 : i32
        %ge3A_202 = arith.cmpi sge, %add3A_157, %ge3A_201 : i32
        %convert_element_type3A_203 = arith.extui %ge3A_202 : i1 to i32
        %cond3A_204 = arith.constant 0 : i32
        %cond3A_205 = arith.cmpi ne, %convert_element_type3A_203, %cond3A_204 : i32
        scf.if %cond3A_205 {
          %sub3A_252 = arith.constant 64 : i32
          %sub3A_253 = arith.subi %add3A_160, %sub3A_252 : i32
          %mul3A_254 = arith.constant 160 : i32
          %mul3A_255 = arith.muli %sub3A_253, %mul3A_254 : i32
          %dma_wait3A_256 = arith.constant 2 : i32
          %dma_wait3A_257 = arith.constant 0 : i32
          %dma_wait3A_258 = arith.constant 0 : i32
          %dma_wait3A_259 = tpu.memref_slice %arg6[%dma_wait3A_256, %dma_wait3A_257, %dma_wait3A_258] : memref<4x160x128xf32, #tpu.memory_space<vmem>> -> memref<1x160x128xf32, #tpu.memory_space<vmem>>
          %dma_wait3A_260 = tpu.memref_squeeze %dma_wait3A_259 : memref<1x160x128xf32, #tpu.memory_space<vmem>> -> memref<160x128xf32, #tpu.memory_space<vmem>>
          %dma_wait3A_261 = arith.constant 0 : i32
          %dma_wait3A_262 = tpu.memref_slice %arg5[%mul3A_255, %dma_wait3A_261] : memref<100000x128xf32, #tpu.memory_space<hbm>> -> memref<160x128xf32, #tpu.memory_space<hbm>>
          %dma_wait3A_263 = arith.constant 0 : i32
          %dma_wait3A_264 = tpu.memref_slice %arg5[%mul3A_255, %dma_wait3A_263] : memref<100000x128xf32, #tpu.memory_space<hbm>> -> memref<160x128xf32, #tpu.memory_space<hbm>>
          %dma_wait3A_265 = arith.constant 0 : i32
          %dma_wait3A_266 = arith.constant 0 : i32
          %dma_wait3A_267 = tpu.memref_slice %arg6[%dma_wait3A_256, %dma_wait3A_265, %dma_wait3A_266] : memref<4x160x128xf32, #tpu.memory_space<vmem>> -> memref<1x160x128xf32, #tpu.memory_space<vmem>>
          %dma_wait3A_268 = tpu.memref_squeeze %dma_wait3A_267 : memref<1x160x128xf32, #tpu.memory_space<vmem>> -> memref<160x128xf32, #tpu.memory_space<vmem>>
          tpu.wait_dma2 semaphore(%arg22 : memref<!tpu.dma_semaphore, #tpu.memory_space<semaphore_mem>>) src(%dma_wait3A_268 : memref<160x128xf32, #tpu.memory_space<vmem>>) dst(%dma_wait3A_264 : memref<160x128xf32, #tpu.memory_space<hbm>>)
        } else {
        }
        %add3A_206 = arith.constant 64 : i32
        %add3A_207 = arith.addi %add3A_160, %add3A_206 : i32
        %lt3A_208 = arith.constant 625 : i32
        %lt3A_209 = arith.cmpi slt, %add3A_207, %lt3A_208 : i32
        %convert_element_type3A_210 = arith.extui %lt3A_209 : i1 to i32
        %cond3A_211 = arith.constant 0 : i32
        %cond3A_212 = arith.cmpi ne, %convert_element_type3A_210, %cond3A_211 : i32
        scf.if %cond3A_212 {
          %add3A_252 = arith.constant 64 : i32
          %add3A_253 = arith.addi %add3A_160, %add3A_252 : i32
          %mul3A_254 = arith.constant 160 : i32
          %mul3A_255 = arith.muli %add3A_253, %mul3A_254 : i32
          %dma_start3A_256 = arith.constant 2 : i32
          %dma_start3A_257 = arith.constant 0 : i32
          %dma_start3A_258 = arith.constant 0 : i32
          %dma_start3A_259 = tpu.memref_slice %arg6[%dma_start3A_256, %dma_start3A_257, %dma_start3A_258] : memref<4x160x128xf32, #tpu.memory_space<vmem>> -> memref<1x160x128xf32, #tpu.memory_space<vmem>>
          %dma_start3A_260 = tpu.memref_squeeze %dma_start3A_259 : memref<1x160x128xf32, #tpu.memory_space<vmem>> -> memref<160x128xf32, #tpu.memory_space<vmem>>
          %dma_start3A_261 = arith.constant 0 : i32
          %dma_start3A_262 = tpu.memref_slice %arg2[%mul3A_255, %dma_start3A_261] : memref<100000x128xf32, #tpu.memory_space<hbm>> -> memref<160x128xf32, #tpu.memory_space<hbm>>
          %dma_start3A_263 = arith.constant 0 : i32
          %dma_start3A_264 = arith.constant 0 : i32
          %dma_start3A_265 = tpu.memref_slice %arg6[%dma_start3A_256, %dma_start3A_263, %dma_start3A_264] : memref<4x160x128xf32, #tpu.memory_space<vmem>> -> memref<1x160x128xf32, #tpu.memory_space<vmem>>
          %dma_start3A_266 = tpu.memref_squeeze %dma_start3A_265 : memref<1x160x128xf32, #tpu.memory_space<vmem>> -> memref<160x128xf32, #tpu.memory_space<vmem>>
          %dma_start3A_267 = arith.constant 0 : i32
          %dma_start3A_268 = tpu.memref_slice %arg2[%mul3A_255, %dma_start3A_267] : memref<100000x128xf32, #tpu.memory_space<hbm>> -> memref<160x128xf32, #tpu.memory_space<hbm>>
          tpu.enqueue_dma source(%dma_start3A_268 : memref<160x128xf32, #tpu.memory_space<hbm>>) target(%dma_start3A_266 : memref<160x128xf32, #tpu.memory_space<vmem>>) target_semaphore(%arg14 : memref<!tpu.dma_semaphore, #tpu.memory_space<semaphore_mem>>)
          %mul3A_269 = arith.constant 160 : i32
          %mul3A_270 = arith.muli %add3A_253, %mul3A_269 : i32
          %dma_start3A_271 = arith.constant 0 : i32
          %dma_start3A_272 = tpu.memref_slice %arg9[%dma_start3A_271] : memref<176xi32, #tpu.memory_space<vmem>> -> memref<160xi32, #tpu.memory_space<vmem>>
          %dma_start3A_273 = tpu.memref_slice %arg3[%mul3A_270] : memref<100000xi32, #tpu.memory_space<hbm>> -> memref<160xi32, #tpu.memory_space<hbm>>
          %dma_start3A_274 = arith.constant 0 : i32
          %dma_start3A_275 = tpu.memref_slice %arg9[%dma_start3A_274] : memref<176xi32, #tpu.memory_space<vmem>> -> memref<160xi32, #tpu.memory_space<vmem>>
          %dma_start3A_276 = tpu.memref_slice %arg3[%mul3A_270] : memref<100000xi32, #tpu.memory_space<hbm>> -> memref<160xi32, #tpu.memory_space<hbm>>
          tpu.enqueue_dma source(%dma_start3A_276 : memref<160xi32, #tpu.memory_space<hbm>>) target(%dma_start3A_275 : memref<160xi32, #tpu.memory_space<vmem>>) target_semaphore(%arg18 : memref<!tpu.dma_semaphore, #tpu.memory_space<semaphore_mem>>)
        } else {
        }
        %mul3A_213 = arith.constant 160 : i32
        %mul3A_214 = arith.muli %add3A_160, %mul3A_213 : i32
        %dma_wait3A = arith.constant 0 : i32
        %dma_wait3A_215 = arith.constant 0 : i32
        %dma_wait3A_216 = arith.constant 0 : i32
        %dma_wait3A_217 = tpu.memref_slice %arg6[%dma_wait3A, %dma_wait3A_215, %dma_wait3A_216] : memref<4x160x128xf32, #tpu.memory_space<vmem>> -> memref<1x160x128xf32, #tpu.memory_space<vmem>>
        %dma_wait3A_218 = tpu.memref_squeeze %dma_wait3A_217 : memref<1x160x128xf32, #tpu.memory_space<vmem>> -> memref<160x128xf32, #tpu.memory_space<vmem>>
        %dma_wait3A_219 = arith.constant 0 : i32
        %dma_wait3A_220 = tpu.memref_slice %arg2[%mul3A_214, %dma_wait3A_219] : memref<100000x128xf32, #tpu.memory_space<hbm>> -> memref<160x128xf32, #tpu.memory_space<hbm>>
        %dma_wait3A_221 = arith.constant 0 : i32
        %dma_wait3A_222 = arith.constant 0 : i32
        %dma_wait3A_223 = tpu.memref_slice %arg6[%dma_wait3A, %dma_wait3A_221, %dma_wait3A_222] : memref<4x160x128xf32, #tpu.memory_space<vmem>> -> memref<1x160x128xf32, #tpu.memory_space<vmem>>
        %dma_wait3A_224 = tpu.memref_squeeze %dma_wait3A_223 : memref<1x160x128xf32, #tpu.memory_space<vmem>> -> memref<160x128xf32, #tpu.memory_space<vmem>>
        %dma_wait3A_225 = arith.constant 0 : i32
        %dma_wait3A_226 = tpu.memref_slice %arg2[%mul3A_214, %dma_wait3A_225] : memref<100000x128xf32, #tpu.memory_space<hbm>> -> memref<160x128xf32, #tpu.memory_space<hbm>>
        tpu.wait_dma2 semaphore(%arg12 : memref<!tpu.dma_semaphore, #tpu.memory_space<semaphore_mem>>) src(%dma_wait3A_226 : memref<160x128xf32, #tpu.memory_space<hbm>>) dst(%dma_wait3A_224 : memref<160x128xf32, #tpu.memory_space<vmem>>)
        %mul3A_227 = arith.constant 160 : i32
        %mul3A_228 = arith.muli %add3A_160, %mul3A_227 : i32
        %dma_wait3A_229 = arith.constant 0 : i32
        %dma_wait3A_230 = tpu.memref_slice %arg7[%dma_wait3A_229] : memref<176xi32, #tpu.memory_space<vmem>> -> memref<160xi32, #tpu.memory_space<vmem>>
        %dma_wait3A_231 = tpu.memref_slice %arg3[%mul3A_228] : memref<100000xi32, #tpu.memory_space<hbm>> -> memref<160xi32, #tpu.memory_space<hbm>>
        %dma_wait3A_232 = arith.constant 0 : i32
        %dma_wait3A_233 = tpu.memref_slice %arg7[%dma_wait3A_232] : memref<176xi32, #tpu.memory_space<vmem>> -> memref<160xi32, #tpu.memory_space<vmem>>
        %dma_wait3A_234 = tpu.memref_slice %arg3[%mul3A_228] : memref<100000xi32, #tpu.memory_space<hbm>> -> memref<160xi32, #tpu.memory_space<hbm>>
        tpu.wait_dma2 semaphore(%arg16 : memref<!tpu.dma_semaphore, #tpu.memory_space<semaphore_mem>>) src(%dma_wait3A_234 : memref<160xi32, #tpu.memory_space<hbm>>) dst(%dma_wait3A_233 : memref<160xi32, #tpu.memory_space<vmem>>)
        %parallel_loop3A = arith.constant 0 : i32
        %parallel_loop3A_235 = arith.constant 160 : i32
        %parallel_loop3A_236 = arith.constant 1 : i32
        scf.for %parallel_loop3A_252 = %parallel_loop3A to %parallel_loop3A_235 step %parallel_loop3A_236  : i32 {
          %parallel_loop3A_253 = arith.index_cast %parallel_loop3A_252 : i32 to index
          %parallel_loop3A_254 = tpu.vector_load %arg7[%parallel_loop3A_253] {strides = array<i32>} : memref<176xi32, #tpu.memory_space<vmem>>, vector<16xi32>,
          %parallel_loop3A_255 = vector.shape_cast %parallel_loop3A_254 : vector<16xi32> to vector<16xi32>
          %parallel_loop3A_256 = vector.extract_strided_slice %parallel_loop3A_255 {offsets = [0], sizes = [1], strides = [1]} : vector<16xi32> to vector<1xi32>
          %parallel_loop3A_257 = vector.extract %parallel_loop3A_256[0] : i32 from vector<1xi32>
          %parallel_loop3A_258 = arith.index_cast %parallel_loop3A_257 : i32 to index
          %parallel_loop3A_259 = arith.constant 0 : index
          %parallel_loop3A_260 = tpu.vector_load %arg11[%parallel_loop3A_258, %parallel_loop3A_259] {strides = array<i32>} : memref<128x128xf32, #tpu.memory_space<vmem>>, vector<1x16xf32>,
          %parallel_loop3A_261 = vector.shape_cast %parallel_loop3A_260 : vector<1x16xf32> to vector<16xf32>
          %parallel_loop3A_262 = arith.constant 0 : i32
          %parallel_loop3A_263 = arith.index_cast %parallel_loop3A_262 : i32 to index
          %parallel_loop3A_264 = arith.index_cast %parallel_loop3A_252 : i32 to index
          %parallel_loop3A_265 = arith.constant 0 : index
          %parallel_loop3A_266 = tpu.vector_load %arg6[%parallel_loop3A_263, %parallel_loop3A_264, %parallel_loop3A_265] {strides = array<i32>} : memref<4x160x128xf32, #tpu.memory_space<vmem>>, vector<1x1x16xf32>,
          %parallel_loop3A_267 = vector.shape_cast %parallel_loop3A_266 : vector<1x1x16xf32> to vector<16xf32>
          %parallel_loop3A_268 = vector.shape_cast %parallel_loop3A_261 : vector<16xf32> to vector<1x1x16xf32>
          tpu.vector_store %arg6[%parallel_loop3A_263, %parallel_loop3A_264, %parallel_loop3A_265], %parallel_loop3A_268 {add = true, strides = array<i32>} : memref<4x160x128xf32, #tpu.memory_space<vmem>>, vector<1x1x16xf32>,
          %parallel_loop3A_269 = arith.index_cast %parallel_loop3A_257 : i32 to index
          %parallel_loop3A_270 = arith.constant 16 : index
          %parallel_loop3A_271 = tpu.vector_load %arg11[%parallel_loop3A_269, %parallel_loop3A_270] {strides = array<i32>} : memref<128x128xf32, #tpu.memory_space<vmem>>, vector<1x16xf32>,
          %parallel_loop3A_272 = vector.shape_cast %parallel_loop3A_271 : vector<1x16xf32> to vector<16xf32>
          %parallel_loop3A_273 = arith.constant 0 : i32
          %parallel_loop3A_274 = arith.index_cast %parallel_loop3A_273 : i32 to index
          %parallel_loop3A_275 = arith.index_cast %parallel_loop3A_252 : i32 to index
          %parallel_loop3A_276 = arith.constant 16 : index
          %parallel_loop3A_277 = tpu.vector_load %arg6[%parallel_loop3A_274, %parallel_loop3A_275, %parallel_loop3A_276] {strides = array<i32>} : memref<4x160x128xf32, #tpu.memory_space<vmem>>, vector<1x1x16xf32>,
          %parallel_loop3A_278 = vector.shape_cast %parallel_loop3A_277 : vector<1x1x16xf32> to vector<16xf32>
          %parallel_loop3A_279 = vector.shape_cast %parallel_loop3A_272 : vector<16xf32> to vector<1x1x16xf32>
          tpu.vector_store %arg6[%parallel_loop3A_274, %parallel_loop3A_275, %parallel_loop3A_276], %parallel_loop3A_279 {add = true, strides = array<i32>} : memref<4x160x128xf32, #tpu.memory_space<vmem>>, vector<1x1x16xf32>,
          %parallel_loop3A_280 = arith.index_cast %parallel_loop3A_257 : i32 to index
          %parallel_loop3A_281 = arith.constant 32 : index
          %parallel_loop3A_282 = tpu.vector_load %arg11[%parallel_loop3A_280, %parallel_loop3A_281] {strides = array<i32>} : memref<128x128xf32, #tpu.memory_space<vmem>>, vector<1x16xf32>,
          %parallel_loop3A_283 = vector.shape_cast %parallel_loop3A_282 : vector<1x16xf32> to vector<16xf32>
          %parallel_loop3A_284 = arith.constant 0 : i32
          %parallel_loop3A_285 = arith.index_cast %parallel_loop3A_284 : i32 to index
          %parallel_loop3A_286 = arith.index_cast %parallel_loop3A_252 : i32 to index
          %parallel_loop3A_287 = arith.constant 32 : index
          %parallel_loop3A_288 = tpu.vector_load %arg6[%parallel_loop3A_285, %parallel_loop3A_286, %parallel_loop3A_287] {strides = array<i32>} : memref<4x160x128xf32, #tpu.memory_space<vmem>>, vector<1x1x16xf32>,
          %parallel_loop3A_289 = vector.shape_cast %parallel_loop3A_288 : vector<1x1x16xf32> to vector<16xf32>
          %parallel_loop3A_290 = vector.shape_cast %parallel_loop3A_283 : vector<16xf32> to vector<1x1x16xf32>
          tpu.vector_store %arg6[%parallel_loop3A_285, %parallel_loop3A_286, %parallel_loop3A_287], %parallel_loop3A_290 {add = true, strides = array<i32>} : memref<4x160x128xf32, #tpu.memory_space<vmem>>, vector<1x1x16xf32>,
          %parallel_loop3A_291 = arith.index_cast %parallel_loop3A_257 : i32 to index
          %parallel_loop3A_292 = arith.constant 48 : index
          %parallel_loop3A_293 = tpu.vector_load %arg11[%parallel_loop3A_291, %parallel_loop3A_292] {strides = array<i32>} : memref<128x128xf32, #tpu.memory_space<vmem>>, vector<1x16xf32>,
          %parallel_loop3A_294 = vector.shape_cast %parallel_loop3A_293 : vector<1x16xf32> to vector<16xf32>
          %parallel_loop3A_295 = arith.constant 0 : i32
          %parallel_loop3A_296 = arith.index_cast %parallel_loop3A_295 : i32 to index
          %parallel_loop3A_297 = arith.index_cast %parallel_loop3A_252 : i32 to index
          %parallel_loop3A_298 = arith.constant 48 : index
          %parallel_loop3A_299 = tpu.vector_load %arg6[%parallel_loop3A_296, %parallel_loop3A_297, %parallel_loop3A_298] {strides = array<i32>} : memref<4x160x128xf32, #tpu.memory_space<vmem>>, vector<1x1x16xf32>,
          %parallel_loop3A_300 = vector.shape_cast %parallel_loop3A_299 : vector<1x1x16xf32> to vector<16xf32>
          %parallel_loop3A_301 = vector.shape_cast %parallel_loop3A_294 : vector<16xf32> to vector<1x1x16xf32>
          tpu.vector_store %arg6[%parallel_loop3A_296, %parallel_loop3A_297, %parallel_loop3A_298], %parallel_loop3A_301 {add = true, strides = array<i32>} : memref<4x160x128xf32, #tpu.memory_space<vmem>>, vector<1x1x16xf32>,
          %parallel_loop3A_302 = arith.index_cast %parallel_loop3A_257 : i32 to index
          %parallel_loop3A_303 = arith.constant 64 : index
          %parallel_loop3A_304 = tpu.vector_load %arg11[%parallel_loop3A_302, %parallel_loop3A_303] {strides = array<i32>} : memref<128x128xf32, #tpu.memory_space<vmem>>, vector<1x16xf32>,
          %parallel_loop3A_305 = vector.shape_cast %parallel_loop3A_304 : vector<1x16xf32> to vector<16xf32>
          %parallel_loop3A_306 = arith.constant 0 : i32
          %parallel_loop3A_307 = arith.index_cast %parallel_loop3A_306 : i32 to index
          %parallel_loop3A_308 = arith.index_cast %parallel_loop3A_252 : i32 to index
          %parallel_loop3A_309 = arith.constant 64 : index
          %parallel_loop3A_310 = tpu.vector_load %arg6[%parallel_loop3A_307, %parallel_loop3A_308, %parallel_loop3A_309] {strides = array<i32>} : memref<4x160x128xf32, #tpu.memory_space<vmem>>, vector<1x1x16xf32>,
          %parallel_loop3A_311 = vector.shape_cast %parallel_loop3A_310 : vector<1x1x16xf32> to vector<16xf32>
          %parallel_loop3A_312 = vector.shape_cast %parallel_loop3A_305 : vector<16xf32> to vector<1x1x16xf32>
          tpu.vector_store %arg6[%parallel_loop3A_307, %parallel_loop3A_308, %parallel_loop3A_309], %parallel_loop3A_312 {add = true, strides = array<i32>} : memref<4x160x128xf32, #tpu.memory_space<vmem>>, vector<1x1x16xf32>,
          %parallel_loop3A_313 = arith.index_cast %parallel_loop3A_257 : i32 to index
          %parallel_loop3A_314 = arith.constant 80 : index
          %parallel_loop3A_315 = tpu.vector_load %arg11[%parallel_loop3A_313, %parallel_loop3A_314] {strides = array<i32>} : memref<128x128xf32, #tpu.memory_space<vmem>>, vector<1x16xf32>,
          %parallel_loop3A_316 = vector.shape_cast %parallel_loop3A_315 : vector<1x16xf32> to vector<16xf32>
          %parallel_loop3A_317 = arith.constant 0 : i32
          %parallel_loop3A_318 = arith.index_cast %parallel_loop3A_317 : i32 to index
          %parallel_loop3A_319 = arith.index_cast %parallel_loop3A_252 : i32 to index
          %parallel_loop3A_320 = arith.constant 80 : index
          %parallel_loop3A_321 = tpu.vector_load %arg6[%parallel_loop3A_318, %parallel_loop3A_319, %parallel_loop3A_320] {strides = array<i32>} : memref<4x160x128xf32, #tpu.memory_space<vmem>>, vector<1x1x16xf32>,
          %parallel_loop3A_322 = vector.shape_cast %parallel_loop3A_321 : vector<1x1x16xf32> to vector<16xf32>
          %parallel_loop3A_323 = vector.shape_cast %parallel_loop3A_316 : vector<16xf32> to vector<1x1x16xf32>
          tpu.vector_store %arg6[%parallel_loop3A_318, %parallel_loop3A_319, %parallel_loop3A_320], %parallel_loop3A_323 {add = true, strides = array<i32>} : memref<4x160x128xf32, #tpu.memory_space<vmem>>, vector<1x1x16xf32>,
          %parallel_loop3A_324 = arith.index_cast %parallel_loop3A_257 : i32 to index
          %parallel_loop3A_325 = arith.constant 96 : index
          %parallel_loop3A_326 = tpu.vector_load %arg11[%parallel_loop3A_324, %parallel_loop3A_325] {strides = array<i32>} : memref<128x128xf32, #tpu.memory_space<vmem>>, vector<1x16xf32>,
          %parallel_loop3A_327 = vector.shape_cast %parallel_loop3A_326 : vector<1x16xf32> to vector<16xf32>
          %parallel_loop3A_328 = arith.constant 0 : i32
          %parallel_loop3A_329 = arith.index_cast %parallel_loop3A_328 : i32 to index
          %parallel_loop3A_330 = arith.index_cast %parallel_loop3A_252 : i32 to index
          %parallel_loop3A_331 = arith.constant 96 : index
          %parallel_loop3A_332 = tpu.vector_load %arg6[%parallel_loop3A_329, %parallel_loop3A_330, %parallel_loop3A_331] {strides = array<i32>} : memref<4x160x128xf32, #tpu.memory_space<vmem>>, vector<1x1x16xf32>,
          %parallel_loop3A_333 = vector.shape_cast %parallel_loop3A_332 : vector<1x1x16xf32> to vector<16xf32>
          %parallel_loop3A_334 = vector.shape_cast %parallel_loop3A_327 : vector<16xf32> to vector<1x1x16xf32>
          tpu.vector_store %arg6[%parallel_loop3A_329, %parallel_loop3A_330, %parallel_loop3A_331], %parallel_loop3A_334 {add = true, strides = array<i32>} : memref<4x160x128xf32, #tpu.memory_space<vmem>>, vector<1x1x16xf32>,
          %parallel_loop3A_335 = arith.index_cast %parallel_loop3A_257 : i32 to index
          %parallel_loop3A_336 = arith.constant 112 : index
          %parallel_loop3A_337 = tpu.vector_load %arg11[%parallel_loop3A_335, %parallel_loop3A_336] {strides = array<i32>} : memref<128x128xf32, #tpu.memory_space<vmem>>, vector<1x16xf32>,
          %parallel_loop3A_338 = vector.shape_cast %parallel_loop3A_337 : vector<1x16xf32> to vector<16xf32>
          %parallel_loop3A_339 = arith.constant 0 : i32
          %parallel_loop3A_340 = arith.index_cast %parallel_loop3A_339 : i32 to index
          %parallel_loop3A_341 = arith.index_cast %parallel_loop3A_252 : i32 to index
          %parallel_loop3A_342 = arith.constant 112 : index
          %parallel_loop3A_343 = tpu.vector_load %arg6[%parallel_loop3A_340, %parallel_loop3A_341, %parallel_loop3A_342] {strides = array<i32>} : memref<4x160x128xf32, #tpu.memory_space<vmem>>, vector<1x1x16xf32>,
          %parallel_loop3A_344 = vector.shape_cast %parallel_loop3A_343 : vector<1x1x16xf32> to vector<16xf32>
          %parallel_loop3A_345 = vector.shape_cast %parallel_loop3A_338 : vector<16xf32> to vector<1x1x16xf32>
          tpu.vector_store %arg6[%parallel_loop3A_340, %parallel_loop3A_341, %parallel_loop3A_342], %parallel_loop3A_345 {add = true, strides = array<i32>} : memref<4x160x128xf32, #tpu.memory_space<vmem>>, vector<1x1x16xf32>,
        } {sc.loop_unroll_factor = 4 : i64, sc.parallel_access}
        %mul3A_237 = arith.constant 160 : i32
        %mul3A_238 = arith.muli %add3A_160, %mul3A_237 : i32
        %dma_start3A_239 = arith.constant 0 : i32
        %dma_start3A_240 = arith.constant 0 : i32
        %dma_start3A_241 = arith.constant 0 : i32
        %dma_start3A_242 = tpu.memref_slice %arg6[%dma_start3A_239, %dma_start3A_240, %dma_start3A_241] : memref<4x160x128xf32, #tpu.memory_space<vmem>> -> memref<1x160x128xf32, #tpu.memory_space<vmem>>
        %dma_start3A_243 = tpu.memref_squeeze %dma_start3A_242 : memref<1x160x128xf32, #tpu.memory_space<vmem>> -> memref<160x128xf32, #tpu.memory_space<vmem>>
        %dma_start3A_244 = arith.constant 0 : i32
        %dma_start3A_245 = tpu.memref_slice %arg5[%mul3A_238, %dma_start3A_244] : memref<100000x128xf32, #tpu.memory_space<hbm>> -> memref<160x128xf32, #tpu.memory_space<hbm>>
        %dma_start3A_246 = arith.constant 0 : i32
        %dma_start3A_247 = tpu.memref_slice %arg5[%mul3A_238, %dma_start3A_246] : memref<100000x128xf32, #tpu.memory_space<hbm>> -> memref<160x128xf32, #tpu.memory_space<hbm>>
        %dma_start3A_248 = arith.constant 0 : i32
        %dma_start3A_249 = arith.constant 0 : i32
        %dma_start3A_250 = tpu.memref_slice %arg6[%dma_start3A_239, %dma_start3A_248, %dma_start3A_249] : memref<4x160x128xf32, #tpu.memory_space<vmem>> -> memref<1x160x128xf32, #tpu.memory_space<vmem>>
        %dma_start3A_251 = tpu.memref_squeeze %dma_start3A_250 : memref<1x160x128xf32, #tpu.memory_space<vmem>> -> memref<160x128xf32, #tpu.memory_space<vmem>>
        tpu.enqueue_dma source(%dma_start3A_251 : memref<160x128xf32, #tpu.memory_space<vmem>>) target(%dma_start3A_247 : memref<160x128xf32, #tpu.memory_space<hbm>>) target_semaphore(%arg20 : memref<!tpu.dma_semaphore, #tpu.memory_space<semaphore_mem>>)
      } else {
      }
      %mul3A_165 = arith.constant 4 : i32
      %mul3A_166 = arith.muli %scan3A_153, %mul3A_165 : i32
      %add3A_167 = arith.constant 1 : i32
      %add3A_168 = arith.addi %mul3A_166, %add3A_167 : i32
      %mul3A_169 = arith.constant 32 : i32
      %mul3A_170 = arith.muli %add3A_168, %mul3A_169 : i32
      %add3A_171 = arith.addi %add3A, %mul3A_170 : i32
      %lt3A_172 = arith.constant 625 : i32
      %lt3A_173 = arith.cmpi slt, %add3A_171, %lt3A_172 : i32
      %convert_element_type3A_174 = arith.extui %lt3A_173 : i1 to i32
      %cond3A_175 = arith.constant 0 : i32
      %cond3A_176 = arith.cmpi ne, %convert_element_type3A_174, %cond3A_175 : i32
      scf.if %cond3A_176 {
        %ge3A_201 = arith.constant 2 : i32
        %ge3A_202 = arith.cmpi sge, %add3A_168, %ge3A_201 : i32
        %convert_element_type3A_203 = arith.extui %ge3A_202 : i1 to i32
        %cond3A_204 = arith.constant 0 : i32
        %cond3A_205 = arith.cmpi ne, %convert_element_type3A_203, %cond3A_204 : i32
        scf.if %cond3A_205 {
          %sub3A_252 = arith.constant 64 : i32
          %sub3A_253 = arith.subi %add3A_171, %sub3A_252 : i32
          %mul3A_254 = arith.constant 160 : i32
          %mul3A_255 = arith.muli %sub3A_253, %mul3A_254 : i32
          %dma_wait3A_256 = arith.constant 3 : i32
          %dma_wait3A_257 = arith.constant 0 : i32
          %dma_wait3A_258 = arith.constant 0 : i32
          %dma_wait3A_259 = tpu.memref_slice %arg6[%dma_wait3A_256, %dma_wait3A_257, %dma_wait3A_258] : memref<4x160x128xf32, #tpu.memory_space<vmem>> -> memref<1x160x128xf32, #tpu.memory_space<vmem>>
          %dma_wait3A_260 = tpu.memref_squeeze %dma_wait3A_259 : memref<1x160x128xf32, #tpu.memory_space<vmem>> -> memref<160x128xf32, #tpu.memory_space<vmem>>
          %dma_wait3A_261 = arith.constant 0 : i32
          %dma_wait3A_262 = tpu.memref_slice %arg5[%mul3A_255, %dma_wait3A_261] : memref<100000x128xf32, #tpu.memory_space<hbm>> -> memref<160x128xf32, #tpu.memory_space<hbm>>
          %dma_wait3A_263 = arith.constant 0 : i32
          %dma_wait3A_264 = tpu.memref_slice %arg5[%mul3A_255, %dma_wait3A_263] : memref<100000x128xf32, #tpu.memory_space<hbm>> -> memref<160x128xf32, #tpu.memory_space<hbm>>
          %dma_wait3A_265 = arith.constant 0 : i32
          %dma_wait3A_266 = arith.constant 0 : i32
          %dma_wait3A_267 = tpu.memref_slice %arg6[%dma_wait3A_256, %dma_wait3A_265, %dma_wait3A_266] : memref<4x160x128xf32, #tpu.memory_space<vmem>> -> memref<1x160x128xf32, #tpu.memory_space<vmem>>
          %dma_wait3A_268 = tpu.memref_squeeze %dma_wait3A_267 : memref<1x160x128xf32, #tpu.memory_space<vmem>> -> memref<160x128xf32, #tpu.memory_space<vmem>>
          tpu.wait_dma2 semaphore(%arg23 : memref<!tpu.dma_semaphore, #tpu.memory_space<semaphore_mem>>) src(%dma_wait3A_268 : memref<160x128xf32, #tpu.memory_space<vmem>>) dst(%dma_wait3A_264 : memref<160x128xf32, #tpu.memory_space<hbm>>)
        } else {
        }
        %add3A_206 = arith.constant 64 : i32
        %add3A_207 = arith.addi %add3A_171, %add3A_206 : i32
        %lt3A_208 = arith.constant 625 : i32
        %lt3A_209 = arith.cmpi slt, %add3A_207, %lt3A_208 : i32
        %convert_element_type3A_210 = arith.extui %lt3A_209 : i1 to i32
        %cond3A_211 = arith.constant 0 : i32
        %cond3A_212 = arith.cmpi ne, %convert_element_type3A_210, %cond3A_211 : i32
        scf.if %cond3A_212 {
          %add3A_252 = arith.constant 64 : i32
          %add3A_253 = arith.addi %add3A_171, %add3A_252 : i32
          %mul3A_254 = arith.constant 160 : i32
          %mul3A_255 = arith.muli %add3A_253, %mul3A_254 : i32
          %dma_start3A_256 = arith.constant 3 : i32
          %dma_start3A_257 = arith.constant 0 : i32
          %dma_start3A_258 = arith.constant 0 : i32
          %dma_start3A_259 = tpu.memref_slice %arg6[%dma_start3A_256, %dma_start3A_257, %dma_start3A_258] : memref<4x160x128xf32, #tpu.memory_space<vmem>> -> memref<1x160x128xf32, #tpu.memory_space<vmem>>
          %dma_start3A_260 = tpu.memref_squeeze %dma_start3A_259 : memref<1x160x128xf32, #tpu.memory_space<vmem>> -> memref<160x128xf32, #tpu.memory_space<vmem>>
          %dma_start3A_261 = arith.constant 0 : i32
          %dma_start3A_262 = tpu.memref_slice %arg2[%mul3A_255, %dma_start3A_261] : memref<100000x128xf32, #tpu.memory_space<hbm>> -> memref<160x128xf32, #tpu.memory_space<hbm>>
          %dma_start3A_263 = arith.constant 0 : i32
          %dma_start3A_264 = arith.constant 0 : i32
          %dma_start3A_265 = tpu.memref_slice %arg6[%dma_start3A_256, %dma_start3A_263, %dma_start3A_264] : memref<4x160x128xf32, #tpu.memory_space<vmem>> -> memref<1x160x128xf32, #tpu.memory_space<vmem>>
          %dma_start3A_266 = tpu.memref_squeeze %dma_start3A_265 : memref<1x160x128xf32, #tpu.memory_space<vmem>> -> memref<160x128xf32, #tpu.memory_space<vmem>>
          %dma_start3A_267 = arith.constant 0 : i32
          %dma_start3A_268 = tpu.memref_slice %arg2[%mul3A_255, %dma_start3A_267] : memref<100000x128xf32, #tpu.memory_space<hbm>> -> memref<160x128xf32, #tpu.memory_space<hbm>>
          tpu.enqueue_dma source(%dma_start3A_268 : memref<160x128xf32, #tpu.memory_space<hbm>>) target(%dma_start3A_266 : memref<160x128xf32, #tpu.memory_space<vmem>>) target_semaphore(%arg15 : memref<!tpu.dma_semaphore, #tpu.memory_space<semaphore_mem>>)
          %mul3A_269 = arith.constant 160 : i32
          %mul3A_270 = arith.muli %add3A_253, %mul3A_269 : i32
          %dma_start3A_271 = arith.constant 0 : i32
          %dma_start3A_272 = tpu.memref_slice %arg10[%dma_start3A_271] : memref<176xi32, #tpu.memory_space<vmem>> -> memref<160xi32, #tpu.memory_space<vmem>>
          %dma_start3A_273 = tpu.memref_slice %arg3[%mul3A_270] : memref<100000xi32, #tpu.memory_space<hbm>> -> memref<160xi32, #tpu.memory_space<hbm>>
          %dma_start3A_274 = arith.constant 0 : i32
          %dma_start3A_275 = tpu.memref_slice %arg10[%dma_start3A_274] : memref<176xi32, #tpu.memory_space<vmem>> -> memref<160xi32, #tpu.memory_space<vmem>>
          %dma_start3A_276 = tpu.memref_slice %arg3[%mul3A_270] : memref<100000xi32, #tpu.memory_space<hbm>> -> memref<160xi32, #tpu.memory_space<hbm>>
          tpu.enqueue_dma source(%dma_start3A_276 : memref<160xi32, #tpu.memory_space<hbm>>) target(%dma_start3A_275 : memref<160xi32, #tpu.memory_space<vmem>>) target_semaphore(%arg19 : memref<!tpu.dma_semaphore, #tpu.memory_space<semaphore_mem>>)
        } else {
        }
        %mul3A_213 = arith.constant 160 : i32
        %mul3A_214 = arith.muli %add3A_171, %mul3A_213 : i32
        %dma_wait3A = arith.constant 1 : i32
        %dma_wait3A_215 = arith.constant 0 : i32
        %dma_wait3A_216 = arith.constant 0 : i32
        %dma_wait3A_217 = tpu.memref_slice %arg6[%dma_wait3A, %dma_wait3A_215, %dma_wait3A_216] : memref<4x160x128xf32, #tpu.memory_space<vmem>> -> memref<1x160x128xf32, #tpu.memory_space<vmem>>
        %dma_wait3A_218 = tpu.memref_squeeze %dma_wait3A_217 : memref<1x160x128xf32, #tpu.memory_space<vmem>> -> memref<160x128xf32, #tpu.memory_space<vmem>>
        %dma_wait3A_219 = arith.constant 0 : i32
        %dma_wait3A_220 = tpu.memref_slice %arg2[%mul3A_214, %dma_wait3A_219] : memref<100000x128xf32, #tpu.memory_space<hbm>> -> memref<160x128xf32, #tpu.memory_space<hbm>>
        %dma_wait3A_221 = arith.constant 0 : i32
        %dma_wait3A_222 = arith.constant 0 : i32
        %dma_wait3A_223 = tpu.memref_slice %arg6[%dma_wait3A, %dma_wait3A_221, %dma_wait3A_222] : memref<4x160x128xf32, #tpu.memory_space<vmem>> -> memref<1x160x128xf32, #tpu.memory_space<vmem>>
        %dma_wait3A_224 = tpu.memref_squeeze %dma_wait3A_223 : memref<1x160x128xf32, #tpu.memory_space<vmem>> -> memref<160x128xf32, #tpu.memory_space<vmem>>
        %dma_wait3A_225 = arith.constant 0 : i32
        %dma_wait3A_226 = tpu.memref_slice %arg2[%mul3A_214, %dma_wait3A_225] : memref<100000x128xf32, #tpu.memory_space<hbm>> -> memref<160x128xf32, #tpu.memory_space<hbm>>
        tpu.wait_dma2 semaphore(%arg13 : memref<!tpu.dma_semaphore, #tpu.memory_space<semaphore_mem>>) src(%dma_wait3A_226 : memref<160x128xf32, #tpu.memory_space<hbm>>) dst(%dma_wait3A_224 : memref<160x128xf32, #tpu.memory_space<vmem>>)
        %mul3A_227 = arith.constant 160 : i32
        %mul3A_228 = arith.muli %add3A_171, %mul3A_227 : i32
        %dma_wait3A_229 = arith.constant 0 : i32
        %dma_wait3A_230 = tpu.memref_slice %arg8[%dma_wait3A_229] : memref<176xi32, #tpu.memory_space<vmem>> -> memref<160xi32, #tpu.memory_space<vmem>>
        %dma_wait3A_231 = tpu.memref_slice %arg3[%mul3A_228] : memref<100000xi32, #tpu.memory_space<hbm>> -> memref<160xi32, #tpu.memory_space<hbm>>
        %dma_wait3A_232 = arith.constant 0 : i32
        %dma_wait3A_233 = tpu.memref_slice %arg8[%dma_wait3A_232] : memref<176xi32, #tpu.memory_space<vmem>> -> memref<160xi32, #tpu.memory_space<vmem>>
        %dma_wait3A_234 = tpu.memref_slice %arg3[%mul3A_228] : memref<100000xi32, #tpu.memory_space<hbm>> -> memref<160xi32, #tpu.memory_space<hbm>>
        tpu.wait_dma2 semaphore(%arg17 : memref<!tpu.dma_semaphore, #tpu.memory_space<semaphore_mem>>) src(%dma_wait3A_234 : memref<160xi32, #tpu.memory_space<hbm>>) dst(%dma_wait3A_233 : memref<160xi32, #tpu.memory_space<vmem>>)
        %parallel_loop3A = arith.constant 0 : i32
        %parallel_loop3A_235 = arith.constant 160 : i32
        %parallel_loop3A_236 = arith.constant 1 : i32
        scf.for %parallel_loop3A_252 = %parallel_loop3A to %parallel_loop3A_235 step %parallel_loop3A_236  : i32 {
          %parallel_loop3A_253 = arith.index_cast %parallel_loop3A_252 : i32 to index
          %parallel_loop3A_254 = tpu.vector_load %arg8[%parallel_loop3A_253] {strides = array<i32>} : memref<176xi32, #tpu.memory_space<vmem>>, vector<16xi32>,
          %parallel_loop3A_255 = vector.shape_cast %parallel_loop3A_254 : vector<16xi32> to vector<16xi32>
          %parallel_loop3A_256 = vector.extract_strided_slice %parallel_loop3A_255 {offsets = [0], sizes = [1], strides = [1]} : vector<16xi32> to vector<1xi32>
          %parallel_loop3A_257 = vector.extract %parallel_loop3A_256[0] : i32 from vector<1xi32>
          %parallel_loop3A_258 = arith.index_cast %parallel_loop3A_257 : i32 to index
          %parallel_loop3A_259 = arith.constant 0 : index
          %parallel_loop3A_260 = tpu.vector_load %arg11[%parallel_loop3A_258, %parallel_loop3A_259] {strides = array<i32>} : memref<128x128xf32, #tpu.memory_space<vmem>>, vector<1x16xf32>,
          %parallel_loop3A_261 = vector.shape_cast %parallel_loop3A_260 : vector<1x16xf32> to vector<16xf32>
          %parallel_loop3A_262 = arith.constant 1 : i32
          %parallel_loop3A_263 = arith.index_cast %parallel_loop3A_262 : i32 to index
          %parallel_loop3A_264 = arith.index_cast %parallel_loop3A_252 : i32 to index
          %parallel_loop3A_265 = arith.constant 0 : index
          %parallel_loop3A_266 = tpu.vector_load %arg6[%parallel_loop3A_263, %parallel_loop3A_264, %parallel_loop3A_265] {strides = array<i32>} : memref<4x160x128xf32, #tpu.memory_space<vmem>>, vector<1x1x16xf32>,
          %parallel_loop3A_267 = vector.shape_cast %parallel_loop3A_266 : vector<1x1x16xf32> to vector<16xf32>
          %parallel_loop3A_268 = vector.shape_cast %parallel_loop3A_261 : vector<16xf32> to vector<1x1x16xf32>
          tpu.vector_store %arg6[%parallel_loop3A_263, %parallel_loop3A_264, %parallel_loop3A_265], %parallel_loop3A_268 {add = true, strides = array<i32>} : memref<4x160x128xf32, #tpu.memory_space<vmem>>, vector<1x1x16xf32>,
          %parallel_loop3A_269 = arith.index_cast %parallel_loop3A_257 : i32 to index
          %parallel_loop3A_270 = arith.constant 16 : index
          %parallel_loop3A_271 = tpu.vector_load %arg11[%parallel_loop3A_269, %parallel_loop3A_270] {strides = array<i32>} : memref<128x128xf32, #tpu.memory_space<vmem>>, vector<1x16xf32>,
          %parallel_loop3A_272 = vector.shape_cast %parallel_loop3A_271 : vector<1x16xf32> to vector<16xf32>
          %parallel_loop3A_273 = arith.constant 1 : i32
          %parallel_loop3A_274 = arith.index_cast %parallel_loop3A_273 : i32 to index
          %parallel_loop3A_275 = arith.index_cast %parallel_loop3A_252 : i32 to index
          %parallel_loop3A_276 = arith.constant 16 : index
          %parallel_loop3A_277 = tpu.vector_load %arg6[%parallel_loop3A_274, %parallel_loop3A_275, %parallel_loop3A_276] {strides = array<i32>} : memref<4x160x128xf32, #tpu.memory_space<vmem>>, vector<1x1x16xf32>,
          %parallel_loop3A_278 = vector.shape_cast %parallel_loop3A_277 : vector<1x1x16xf32> to vector<16xf32>
          %parallel_loop3A_279 = vector.shape_cast %parallel_loop3A_272 : vector<16xf32> to vector<1x1x16xf32>
          tpu.vector_store %arg6[%parallel_loop3A_274, %parallel_loop3A_275, %parallel_loop3A_276], %parallel_loop3A_279 {add = true, strides = array<i32>} : memref<4x160x128xf32, #tpu.memory_space<vmem>>, vector<1x1x16xf32>,
          %parallel_loop3A_280 = arith.index_cast %parallel_loop3A_257 : i32 to index
          %parallel_loop3A_281 = arith.constant 32 : index
          %parallel_loop3A_282 = tpu.vector_load %arg11[%parallel_loop3A_280, %parallel_loop3A_281] {strides = array<i32>} : memref<128x128xf32, #tpu.memory_space<vmem>>, vector<1x16xf32>,
          %parallel_loop3A_283 = vector.shape_cast %parallel_loop3A_282 : vector<1x16xf32> to vector<16xf32>
          %parallel_loop3A_284 = arith.constant 1 : i32
          %parallel_loop3A_285 = arith.index_cast %parallel_loop3A_284 : i32 to index
          %parallel_loop3A_286 = arith.index_cast %parallel_loop3A_252 : i32 to index
          %parallel_loop3A_287 = arith.constant 32 : index
          %parallel_loop3A_288 = tpu.vector_load %arg6[%parallel_loop3A_285, %parallel_loop3A_286, %parallel_loop3A_287] {strides = array<i32>} : memref<4x160x128xf32, #tpu.memory_space<vmem>>, vector<1x1x16xf32>,
          %parallel_loop3A_289 = vector.shape_cast %parallel_loop3A_288 : vector<1x1x16xf32> to vector<16xf32>
          %parallel_loop3A_290 = vector.shape_cast %parallel_loop3A_283 : vector<16xf32> to vector<1x1x16xf32>
          tpu.vector_store %arg6[%parallel_loop3A_285, %parallel_loop3A_286, %parallel_loop3A_287], %parallel_loop3A_290 {add = true, strides = array<i32>} : memref<4x160x128xf32, #tpu.memory_space<vmem>>, vector<1x1x16xf32>,
          %parallel_loop3A_291 = arith.index_cast %parallel_loop3A_257 : i32 to index
          %parallel_loop3A_292 = arith.constant 48 : index
          %parallel_loop3A_293 = tpu.vector_load %arg11[%parallel_loop3A_291, %parallel_loop3A_292] {strides = array<i32>} : memref<128x128xf32, #tpu.memory_space<vmem>>, vector<1x16xf32>,
          %parallel_loop3A_294 = vector.shape_cast %parallel_loop3A_293 : vector<1x16xf32> to vector<16xf32>
          %parallel_loop3A_295 = arith.constant 1 : i32
          %parallel_loop3A_296 = arith.index_cast %parallel_loop3A_295 : i32 to index
          %parallel_loop3A_297 = arith.index_cast %parallel_loop3A_252 : i32 to index
          %parallel_loop3A_298 = arith.constant 48 : index
          %parallel_loop3A_299 = tpu.vector_load %arg6[%parallel_loop3A_296, %parallel_loop3A_297, %parallel_loop3A_298] {strides = array<i32>} : memref<4x160x128xf32, #tpu.memory_space<vmem>>, vector<1x1x16xf32>,
          %parallel_loop3A_300 = vector.shape_cast %parallel_loop3A_299 : vector<1x1x16xf32> to vector<16xf32>
          %parallel_loop3A_301 = vector.shape_cast %parallel_loop3A_294 : vector<16xf32> to vector<1x1x16xf32>
          tpu.vector_store %arg6[%parallel_loop3A_296, %parallel_loop3A_297, %parallel_loop3A_298], %parallel_loop3A_301 {add = true, strides = array<i32>} : memref<4x160x128xf32, #tpu.memory_space<vmem>>, vector<1x1x16xf32>,
          %parallel_loop3A_302 = arith.index_cast %parallel_loop3A_257 : i32 to index
          %parallel_loop3A_303 = arith.constant 64 : index
          %parallel_loop3A_304 = tpu.vector_load %arg11[%parallel_loop3A_302, %parallel_loop3A_303] {strides = array<i32>} : memref<128x128xf32, #tpu.memory_space<vmem>>, vector<1x16xf32>,
          %parallel_loop3A_305 = vector.shape_cast %parallel_loop3A_304 : vector<1x16xf32> to vector<16xf32>
          %parallel_loop3A_306 = arith.constant 1 : i32
          %parallel_loop3A_307 = arith.index_cast %parallel_loop3A_306 : i32 to index
          %parallel_loop3A_308 = arith.index_cast %parallel_loop3A_252 : i32 to index
          %parallel_loop3A_309 = arith.constant 64 : index
          %parallel_loop3A_310 = tpu.vector_load %arg6[%parallel_loop3A_307, %parallel_loop3A_308, %parallel_loop3A_309] {strides = array<i32>} : memref<4x160x128xf32, #tpu.memory_space<vmem>>, vector<1x1x16xf32>,
          %parallel_loop3A_311 = vector.shape_cast %parallel_loop3A_310 : vector<1x1x16xf32> to vector<16xf32>
          %parallel_loop3A_312 = vector.shape_cast %parallel_loop3A_305 : vector<16xf32> to vector<1x1x16xf32>
          tpu.vector_store %arg6[%parallel_loop3A_307, %parallel_loop3A_308, %parallel_loop3A_309], %parallel_loop3A_312 {add = true, strides = array<i32>} : memref<4x160x128xf32, #tpu.memory_space<vmem>>, vector<1x1x16xf32>,
          %parallel_loop3A_313 = arith.index_cast %parallel_loop3A_257 : i32 to index
          %parallel_loop3A_314 = arith.constant 80 : index
          %parallel_loop3A_315 = tpu.vector_load %arg11[%parallel_loop3A_313, %parallel_loop3A_314] {strides = array<i32>} : memref<128x128xf32, #tpu.memory_space<vmem>>, vector<1x16xf32>,
          %parallel_loop3A_316 = vector.shape_cast %parallel_loop3A_315 : vector<1x16xf32> to vector<16xf32>
          %parallel_loop3A_317 = arith.constant 1 : i32
          %parallel_loop3A_318 = arith.index_cast %parallel_loop3A_317 : i32 to index
          %parallel_loop3A_319 = arith.index_cast %parallel_loop3A_252 : i32 to index
          %parallel_loop3A_320 = arith.constant 80 : index
          %parallel_loop3A_321 = tpu.vector_load %arg6[%parallel_loop3A_318, %parallel_loop3A_319, %parallel_loop3A_320] {strides = array<i32>} : memref<4x160x128xf32, #tpu.memory_space<vmem>>, vector<1x1x16xf32>,
          %parallel_loop3A_322 = vector.shape_cast %parallel_loop3A_321 : vector<1x1x16xf32> to vector<16xf32>
          %parallel_loop3A_323 = vector.shape_cast %parallel_loop3A_316 : vector<16xf32> to vector<1x1x16xf32>
          tpu.vector_store %arg6[%parallel_loop3A_318, %parallel_loop3A_319, %parallel_loop3A_320], %parallel_loop3A_323 {add = true, strides = array<i32>} : memref<4x160x128xf32, #tpu.memory_space<vmem>>, vector<1x1x16xf32>,
          %parallel_loop3A_324 = arith.index_cast %parallel_loop3A_257 : i32 to index
          %parallel_loop3A_325 = arith.constant 96 : index
          %parallel_loop3A_326 = tpu.vector_load %arg11[%parallel_loop3A_324, %parallel_loop3A_325] {strides = array<i32>} : memref<128x128xf32, #tpu.memory_space<vmem>>, vector<1x16xf32>,
          %parallel_loop3A_327 = vector.shape_cast %parallel_loop3A_326 : vector<1x16xf32> to vector<16xf32>
          %parallel_loop3A_328 = arith.constant 1 : i32
          %parallel_loop3A_329 = arith.index_cast %parallel_loop3A_328 : i32 to index
          %parallel_loop3A_330 = arith.index_cast %parallel_loop3A_252 : i32 to index
          %parallel_loop3A_331 = arith.constant 96 : index
          %parallel_loop3A_332 = tpu.vector_load %arg6[%parallel_loop3A_329, %parallel_loop3A_330, %parallel_loop3A_331] {strides = array<i32>} : memref<4x160x128xf32, #tpu.memory_space<vmem>>, vector<1x1x16xf32>,
          %parallel_loop3A_333 = vector.shape_cast %parallel_loop3A_332 : vector<1x1x16xf32> to vector<16xf32>
          %parallel_loop3A_334 = vector.shape_cast %parallel_loop3A_327 : vector<16xf32> to vector<1x1x16xf32>
          tpu.vector_store %arg6[%parallel_loop3A_329, %parallel_loop3A_330, %parallel_loop3A_331], %parallel_loop3A_334 {add = true, strides = array<i32>} : memref<4x160x128xf32, #tpu.memory_space<vmem>>, vector<1x1x16xf32>,
          %parallel_loop3A_335 = arith.index_cast %parallel_loop3A_257 : i32 to index
          %parallel_loop3A_336 = arith.constant 112 : index
          %parallel_loop3A_337 = tpu.vector_load %arg11[%parallel_loop3A_335, %parallel_loop3A_336] {strides = array<i32>} : memref<128x128xf32, #tpu.memory_space<vmem>>, vector<1x16xf32>,
          %parallel_loop3A_338 = vector.shape_cast %parallel_loop3A_337 : vector<1x16xf32> to vector<16xf32>
          %parallel_loop3A_339 = arith.constant 1 : i32
          %parallel_loop3A_340 = arith.index_cast %parallel_loop3A_339 : i32 to index
          %parallel_loop3A_341 = arith.index_cast %parallel_loop3A_252 : i32 to index
          %parallel_loop3A_342 = arith.constant 112 : index
          %parallel_loop3A_343 = tpu.vector_load %arg6[%parallel_loop3A_340, %parallel_loop3A_341, %parallel_loop3A_342] {strides = array<i32>} : memref<4x160x128xf32, #tpu.memory_space<vmem>>, vector<1x1x16xf32>,
          %parallel_loop3A_344 = vector.shape_cast %parallel_loop3A_343 : vector<1x1x16xf32> to vector<16xf32>
          %parallel_loop3A_345 = vector.shape_cast %parallel_loop3A_338 : vector<16xf32> to vector<1x1x16xf32>
          tpu.vector_store %arg6[%parallel_loop3A_340, %parallel_loop3A_341, %parallel_loop3A_342], %parallel_loop3A_345 {add = true, strides = array<i32>} : memref<4x160x128xf32, #tpu.memory_space<vmem>>, vector<1x1x16xf32>,
        } {sc.loop_unroll_factor = 4 : i64, sc.parallel_access}
        %mul3A_237 = arith.constant 160 : i32
        %mul3A_238 = arith.muli %add3A_171, %mul3A_237 : i32
        %dma_start3A_239 = arith.constant 1 : i32
        %dma_start3A_240 = arith.constant 0 : i32
        %dma_start3A_241 = arith.constant 0 : i32
        %dma_start3A_242 = tpu.memref_slice %arg6[%dma_start3A_239, %dma_start3A_240, %dma_start3A_241] : memref<4x160x128xf32, #tpu.memory_space<vmem>> -> memref<1x160x128xf32, #tpu.memory_space<vmem>>
        %dma_start3A_243 = tpu.memref_squeeze %dma_start3A_242 : memref<1x160x128xf32, #tpu.memory_space<vmem>> -> memref<160x128xf32, #tpu.memory_space<vmem>>
        %dma_start3A_244 = arith.constant 0 : i32
        %dma_start3A_245 = tpu.memref_slice %arg5[%mul3A_238, %dma_start3A_244] : memref<100000x128xf32, #tpu.memory_space<hbm>> -> memref<160x128xf32, #tpu.memory_space<hbm>>
        %dma_start3A_246 = arith.constant 0 : i32
        %dma_start3A_247 = tpu.memref_slice %arg5[%mul3A_238, %dma_start3A_246] : memref<100000x128xf32, #tpu.memory_space<hbm>> -> memref<160x128xf32, #tpu.memory_space<hbm>>
        %dma_start3A_248 = arith.constant 0 : i32
        %dma_start3A_249 = arith.constant 0 : i32
        %dma_start3A_250 = tpu.memref_slice %arg6[%dma_start3A_239, %dma_start3A_248, %dma_start3A_249] : memref<4x160x128xf32, #tpu.memory_space<vmem>> -> memref<1x160x128xf32, #tpu.memory_space<vmem>>
        %dma_start3A_251 = tpu.memref_squeeze %dma_start3A_250 : memref<1x160x128xf32, #tpu.memory_space<vmem>> -> memref<160x128xf32, #tpu.memory_space<vmem>>
        tpu.enqueue_dma source(%dma_start3A_251 : memref<160x128xf32, #tpu.memory_space<vmem>>) target(%dma_start3A_247 : memref<160x128xf32, #tpu.memory_space<hbm>>) target_semaphore(%arg21 : memref<!tpu.dma_semaphore, #tpu.memory_space<semaphore_mem>>)
      } else {
      }
      %mul3A_177 = arith.constant 4 : i32
      %mul3A_178 = arith.muli %scan3A_153, %mul3A_177 : i32
      %add3A_179 = arith.constant 2 : i32
      %add3A_180 = arith.addi %mul3A_178, %add3A_179 : i32
      %mul3A_181 = arith.constant 32 : i32
      %mul3A_182 = arith.muli %add3A_180, %mul3A_181 : i32
      %add3A_183 = arith.addi %add3A, %mul3A_182 : i32
      %lt3A_184 = arith.constant 625 : i32
      %lt3A_185 = arith.cmpi slt, %add3A_183, %lt3A_184 : i32
      %convert_element_type3A_186 = arith.extui %lt3A_185 : i1 to i32
      %cond3A_187 = arith.constant 0 : i32
      %cond3A_188 = arith.cmpi ne, %convert_element_type3A_186, %cond3A_187 : i32
      scf.if %cond3A_188 {
        %ge3A_201 = arith.constant 2 : i32
        %ge3A_202 = arith.cmpi sge, %add3A_180, %ge3A_201 : i32
        %convert_element_type3A_203 = arith.extui %ge3A_202 : i1 to i32
        %cond3A_204 = arith.constant 0 : i32
        %cond3A_205 = arith.cmpi ne, %convert_element_type3A_203, %cond3A_204 : i32
        scf.if %cond3A_205 {
          %sub3A_252 = arith.constant 64 : i32
          %sub3A_253 = arith.subi %add3A_183, %sub3A_252 : i32
          %mul3A_254 = arith.constant 160 : i32
          %mul3A_255 = arith.muli %sub3A_253, %mul3A_254 : i32
          %dma_wait3A_256 = arith.constant 0 : i32
          %dma_wait3A_257 = arith.constant 0 : i32
          %dma_wait3A_258 = arith.constant 0 : i32
          %dma_wait3A_259 = tpu.memref_slice %arg6[%dma_wait3A_256, %dma_wait3A_257, %dma_wait3A_258] : memref<4x160x128xf32, #tpu.memory_space<vmem>> -> memref<1x160x128xf32, #tpu.memory_space<vmem>>
          %dma_wait3A_260 = tpu.memref_squeeze %dma_wait3A_259 : memref<1x160x128xf32, #tpu.memory_space<vmem>> -> memref<160x128xf32, #tpu.memory_space<vmem>>
          %dma_wait3A_261 = arith.constant 0 : i32
          %dma_wait3A_262 = tpu.memref_slice %arg5[%mul3A_255, %dma_wait3A_261] : memref<100000x128xf32, #tpu.memory_space<hbm>> -> memref<160x128xf32, #tpu.memory_space<hbm>>
          %dma_wait3A_263 = arith.constant 0 : i32
          %dma_wait3A_264 = tpu.memref_slice %arg5[%mul3A_255, %dma_wait3A_263] : memref<100000x128xf32, #tpu.memory_space<hbm>> -> memref<160x128xf32, #tpu.memory_space<hbm>>
          %dma_wait3A_265 = arith.constant 0 : i32
          %dma_wait3A_266 = arith.constant 0 : i32
          %dma_wait3A_267 = tpu.memref_slice %arg6[%dma_wait3A_256, %dma_wait3A_265, %dma_wait3A_266] : memref<4x160x128xf32, #tpu.memory_space<vmem>> -> memref<1x160x128xf32, #tpu.memory_space<vmem>>
          %dma_wait3A_268 = tpu.memref_squeeze %dma_wait3A_267 : memref<1x160x128xf32, #tpu.memory_space<vmem>> -> memref<160x128xf32, #tpu.memory_space<vmem>>
          tpu.wait_dma2 semaphore(%arg20 : memref<!tpu.dma_semaphore, #tpu.memory_space<semaphore_mem>>) src(%dma_wait3A_268 : memref<160x128xf32, #tpu.memory_space<vmem>>) dst(%dma_wait3A_264 : memref<160x128xf32, #tpu.memory_space<hbm>>)
        } else {
        }
        %add3A_206 = arith.constant 64 : i32
        %add3A_207 = arith.addi %add3A_183, %add3A_206 : i32
        %lt3A_208 = arith.constant 625 : i32
        %lt3A_209 = arith.cmpi slt, %add3A_207, %lt3A_208 : i32
        %convert_element_type3A_210 = arith.extui %lt3A_209 : i1 to i32
        %cond3A_211 = arith.constant 0 : i32
        %cond3A_212 = arith.cmpi ne, %convert_element_type3A_210, %cond3A_211 : i32
        scf.if %cond3A_212 {
          %add3A_252 = arith.constant 64 : i32
          %add3A_253 = arith.addi %add3A_183, %add3A_252 : i32
          %mul3A_254 = arith.constant 160 : i32
          %mul3A_255 = arith.muli %add3A_253, %mul3A_254 : i32
          %dma_start3A_256 = arith.constant 0 : i32
          %dma_start3A_257 = arith.constant 0 : i32
          %dma_start3A_258 = arith.constant 0 : i32
          %dma_start3A_259 = tpu.memref_slice %arg6[%dma_start3A_256, %dma_start3A_257, %dma_start3A_258] : memref<4x160x128xf32, #tpu.memory_space<vmem>> -> memref<1x160x128xf32, #tpu.memory_space<vmem>>
          %dma_start3A_260 = tpu.memref_squeeze %dma_start3A_259 : memref<1x160x128xf32, #tpu.memory_space<vmem>> -> memref<160x128xf32, #tpu.memory_space<vmem>>
          %dma_start3A_261 = arith.constant 0 : i32
          %dma_start3A_262 = tpu.memref_slice %arg2[%mul3A_255, %dma_start3A_261] : memref<100000x128xf32, #tpu.memory_space<hbm>> -> memref<160x128xf32, #tpu.memory_space<hbm>>
          %dma_start3A_263 = arith.constant 0 : i32
          %dma_start3A_264 = arith.constant 0 : i32
          %dma_start3A_265 = tpu.memref_slice %arg6[%dma_start3A_256, %dma_start3A_263, %dma_start3A_264] : memref<4x160x128xf32, #tpu.memory_space<vmem>> -> memref<1x160x128xf32, #tpu.memory_space<vmem>>
          %dma_start3A_266 = tpu.memref_squeeze %dma_start3A_265 : memref<1x160x128xf32, #tpu.memory_space<vmem>> -> memref<160x128xf32, #tpu.memory_space<vmem>>
          %dma_start3A_267 = arith.constant 0 : i32
          %dma_start3A_268 = tpu.memref_slice %arg2[%mul3A_255, %dma_start3A_267] : memref<100000x128xf32, #tpu.memory_space<hbm>> -> memref<160x128xf32, #tpu.memory_space<hbm>>
          tpu.enqueue_dma source(%dma_start3A_268 : memref<160x128xf32, #tpu.memory_space<hbm>>) target(%dma_start3A_266 : memref<160x128xf32, #tpu.memory_space<vmem>>) target_semaphore(%arg12 : memref<!tpu.dma_semaphore, #tpu.memory_space<semaphore_mem>>)
          %mul3A_269 = arith.constant 160 : i32
          %mul3A_270 = arith.muli %add3A_253, %mul3A_269 : i32
          %dma_start3A_271 = arith.constant 0 : i32
          %dma_start3A_272 = tpu.memref_slice %arg7[%dma_start3A_271] : memref<176xi32, #tpu.memory_space<vmem>> -> memref<160xi32, #tpu.memory_space<vmem>>
          %dma_start3A_273 = tpu.memref_slice %arg3[%mul3A_270] : memref<100000xi32, #tpu.memory_space<hbm>> -> memref<160xi32, #tpu.memory_space<hbm>>
          %dma_start3A_274 = arith.constant 0 : i32
          %dma_start3A_275 = tpu.memref_slice %arg7[%dma_start3A_274] : memref<176xi32, #tpu.memory_space<vmem>> -> memref<160xi32, #tpu.memory_space<vmem>>
          %dma_start3A_276 = tpu.memref_slice %arg3[%mul3A_270] : memref<100000xi32, #tpu.memory_space<hbm>> -> memref<160xi32, #tpu.memory_space<hbm>>
          tpu.enqueue_dma source(%dma_start3A_276 : memref<160xi32, #tpu.memory_space<hbm>>) target(%dma_start3A_275 : memref<160xi32, #tpu.memory_space<vmem>>) target_semaphore(%arg16 : memref<!tpu.dma_semaphore, #tpu.memory_space<semaphore_mem>>)
        } else {
        }
        %mul3A_213 = arith.constant 160 : i32
        %mul3A_214 = arith.muli %add3A_183, %mul3A_213 : i32
        %dma_wait3A = arith.constant 2 : i32
        %dma_wait3A_215 = arith.constant 0 : i32
        %dma_wait3A_216 = arith.constant 0 : i32
        %dma_wait3A_217 = tpu.memref_slice %arg6[%dma_wait3A, %dma_wait3A_215, %dma_wait3A_216] : memref<4x160x128xf32, #tpu.memory_space<vmem>> -> memref<1x160x128xf32, #tpu.memory_space<vmem>>
        %dma_wait3A_218 = tpu.memref_squeeze %dma_wait3A_217 : memref<1x160x128xf32, #tpu.memory_space<vmem>> -> memref<160x128xf32, #tpu.memory_space<vmem>>
        %dma_wait3A_219 = arith.constant 0 : i32
        %dma_wait3A_220 = tpu.memref_slice %arg2[%mul3A_214, %dma_wait3A_219] : memref<100000x128xf32, #tpu.memory_space<hbm>> -> memref<160x128xf32, #tpu.memory_space<hbm>>
        %dma_wait3A_221 = arith.constant 0 : i32
        %dma_wait3A_222 = arith.constant 0 : i32
        %dma_wait3A_223 = tpu.memref_slice %arg6[%dma_wait3A, %dma_wait3A_221, %dma_wait3A_222] : memref<4x160x128xf32, #tpu.memory_space<vmem>> -> memref<1x160x128xf32, #tpu.memory_space<vmem>>
        %dma_wait3A_224 = tpu.memref_squeeze %dma_wait3A_223 : memref<1x160x128xf32, #tpu.memory_space<vmem>> -> memref<160x128xf32, #tpu.memory_space<vmem>>
        %dma_wait3A_225 = arith.constant 0 : i32
        %dma_wait3A_226 = tpu.memref_slice %arg2[%mul3A_214, %dma_wait3A_225] : memref<100000x128xf32, #tpu.memory_space<hbm>> -> memref<160x128xf32, #tpu.memory_space<hbm>>
        tpu.wait_dma2 semaphore(%arg14 : memref<!tpu.dma_semaphore, #tpu.memory_space<semaphore_mem>>) src(%dma_wait3A_226 : memref<160x128xf32, #tpu.memory_space<hbm>>) dst(%dma_wait3A_224 : memref<160x128xf32, #tpu.memory_space<vmem>>)
        %mul3A_227 = arith.constant 160 : i32
        %mul3A_228 = arith.muli %add3A_183, %mul3A_227 : i32
        %dma_wait3A_229 = arith.constant 0 : i32
        %dma_wait3A_230 = tpu.memref_slice %arg9[%dma_wait3A_229] : memref<176xi32, #tpu.memory_space<vmem>> -> memref<160xi32, #tpu.memory_space<vmem>>
        %dma_wait3A_231 = tpu.memref_slice %arg3[%mul3A_228] : memref<100000xi32, #tpu.memory_space<hbm>> -> memref<160xi32, #tpu.memory_space<hbm>>
        %dma_wait3A_232 = arith.constant 0 : i32
        %dma_wait3A_233 = tpu.memref_slice %arg9[%dma_wait3A_232] : memref<176xi32, #tpu.memory_space<vmem>> -> memref<160xi32, #tpu.memory_space<vmem>>
        %dma_wait3A_234 = tpu.memref_slice %arg3[%mul3A_228] : memref<100000xi32, #tpu.memory_space<hbm>> -> memref<160xi32, #tpu.memory_space<hbm>>
        tpu.wait_dma2 semaphore(%arg18 : memref<!tpu.dma_semaphore, #tpu.memory_space<semaphore_mem>>) src(%dma_wait3A_234 : memref<160xi32, #tpu.memory_space<hbm>>) dst(%dma_wait3A_233 : memref<160xi32, #tpu.memory_space<vmem>>)
        %parallel_loop3A = arith.constant 0 : i32
        %parallel_loop3A_235 = arith.constant 160 : i32
        %parallel_loop3A_236 = arith.constant 1 : i32
        scf.for %parallel_loop3A_252 = %parallel_loop3A to %parallel_loop3A_235 step %parallel_loop3A_236  : i32 {
          %parallel_loop3A_253 = arith.index_cast %parallel_loop3A_252 : i32 to index
          %parallel_loop3A_254 = tpu.vector_load %arg9[%parallel_loop3A_253] {strides = array<i32>} : memref<176xi32, #tpu.memory_space<vmem>>, vector<16xi32>,
          %parallel_loop3A_255 = vector.shape_cast %parallel_loop3A_254 : vector<16xi32> to vector<16xi32>
          %parallel_loop3A_256 = vector.extract_strided_slice %parallel_loop3A_255 {offsets = [0], sizes = [1], strides = [1]} : vector<16xi32> to vector<1xi32>
          %parallel_loop3A_257 = vector.extract %parallel_loop3A_256[0] : i32 from vector<1xi32>
          %parallel_loop3A_258 = arith.index_cast %parallel_loop3A_257 : i32 to index
          %parallel_loop3A_259 = arith.constant 0 : index
          %parallel_loop3A_260 = tpu.vector_load %arg11[%parallel_loop3A_258, %parallel_loop3A_259] {strides = array<i32>} : memref<128x128xf32, #tpu.memory_space<vmem>>, vector<1x16xf32>,
          %parallel_loop3A_261 = vector.shape_cast %parallel_loop3A_260 : vector<1x16xf32> to vector<16xf32>
          %parallel_loop3A_262 = arith.constant 2 : i32
          %parallel_loop3A_263 = arith.index_cast %parallel_loop3A_262 : i32 to index
          %parallel_loop3A_264 = arith.index_cast %parallel_loop3A_252 : i32 to index
          %parallel_loop3A_265 = arith.constant 0 : index
          %parallel_loop3A_266 = tpu.vector_load %arg6[%parallel_loop3A_263, %parallel_loop3A_264, %parallel_loop3A_265] {strides = array<i32>} : memref<4x160x128xf32, #tpu.memory_space<vmem>>, vector<1x1x16xf32>,
          %parallel_loop3A_267 = vector.shape_cast %parallel_loop3A_266 : vector<1x1x16xf32> to vector<16xf32>
          %parallel_loop3A_268 = vector.shape_cast %parallel_loop3A_261 : vector<16xf32> to vector<1x1x16xf32>
          tpu.vector_store %arg6[%parallel_loop3A_263, %parallel_loop3A_264, %parallel_loop3A_265], %parallel_loop3A_268 {add = true, strides = array<i32>} : memref<4x160x128xf32, #tpu.memory_space<vmem>>, vector<1x1x16xf32>,
          %parallel_loop3A_269 = arith.index_cast %parallel_loop3A_257 : i32 to index
          %parallel_loop3A_270 = arith.constant 16 : index
          %parallel_loop3A_271 = tpu.vector_load %arg11[%parallel_loop3A_269, %parallel_loop3A_270] {strides = array<i32>} : memref<128x128xf32, #tpu.memory_space<vmem>>, vector<1x16xf32>,
          %parallel_loop3A_272 = vector.shape_cast %parallel_loop3A_271 : vector<1x16xf32> to vector<16xf32>
          %parallel_loop3A_273 = arith.constant 2 : i32
          %parallel_loop3A_274 = arith.index_cast %parallel_loop3A_273 : i32 to index
          %parallel_loop3A_275 = arith.index_cast %parallel_loop3A_252 : i32 to index
          %parallel_loop3A_276 = arith.constant 16 : index
          %parallel_loop3A_277 = tpu.vector_load %arg6[%parallel_loop3A_274, %parallel_loop3A_275, %parallel_loop3A_276] {strides = array<i32>} : memref<4x160x128xf32, #tpu.memory_space<vmem>>, vector<1x1x16xf32>,
          %parallel_loop3A_278 = vector.shape_cast %parallel_loop3A_277 : vector<1x1x16xf32> to vector<16xf32>
          %parallel_loop3A_279 = vector.shape_cast %parallel_loop3A_272 : vector<16xf32> to vector<1x1x16xf32>
          tpu.vector_store %arg6[%parallel_loop3A_274, %parallel_loop3A_275, %parallel_loop3A_276], %parallel_loop3A_279 {add = true, strides = array<i32>} : memref<4x160x128xf32, #tpu.memory_space<vmem>>, vector<1x1x16xf32>,
          %parallel_loop3A_280 = arith.index_cast %parallel_loop3A_257 : i32 to index
          %parallel_loop3A_281 = arith.constant 32 : index
          %parallel_loop3A_282 = tpu.vector_load %arg11[%parallel_loop3A_280, %parallel_loop3A_281] {strides = array<i32>} : memref<128x128xf32, #tpu.memory_space<vmem>>, vector<1x16xf32>,
          %parallel_loop3A_283 = vector.shape_cast %parallel_loop3A_282 : vector<1x16xf32> to vector<16xf32>
          %parallel_loop3A_284 = arith.constant 2 : i32
          %parallel_loop3A_285 = arith.index_cast %parallel_loop3A_284 : i32 to index
          %parallel_loop3A_286 = arith.index_cast %parallel_loop3A_252 : i32 to index
          %parallel_loop3A_287 = arith.constant 32 : index
          %parallel_loop3A_288 = tpu.vector_load %arg6[%parallel_loop3A_285, %parallel_loop3A_286, %parallel_loop3A_287] {strides = array<i32>} : memref<4x160x128xf32, #tpu.memory_space<vmem>>, vector<1x1x16xf32>,
          %parallel_loop3A_289 = vector.shape_cast %parallel_loop3A_288 : vector<1x1x16xf32> to vector<16xf32>
          %parallel_loop3A_290 = vector.shape_cast %parallel_loop3A_283 : vector<16xf32> to vector<1x1x16xf32>
          tpu.vector_store %arg6[%parallel_loop3A_285, %parallel_loop3A_286, %parallel_loop3A_287], %parallel_loop3A_290 {add = true, strides = array<i32>} : memref<4x160x128xf32, #tpu.memory_space<vmem>>, vector<1x1x16xf32>,
          %parallel_loop3A_291 = arith.index_cast %parallel_loop3A_257 : i32 to index
          %parallel_loop3A_292 = arith.constant 48 : index
          %parallel_loop3A_293 = tpu.vector_load %arg11[%parallel_loop3A_291, %parallel_loop3A_292] {strides = array<i32>} : memref<128x128xf32, #tpu.memory_space<vmem>>, vector<1x16xf32>,
          %parallel_loop3A_294 = vector.shape_cast %parallel_loop3A_293 : vector<1x16xf32> to vector<16xf32>
          %parallel_loop3A_295 = arith.constant 2 : i32
          %parallel_loop3A_296 = arith.index_cast %parallel_loop3A_295 : i32 to index
          %parallel_loop3A_297 = arith.index_cast %parallel_loop3A_252 : i32 to index
          %parallel_loop3A_298 = arith.constant 48 : index
          %parallel_loop3A_299 = tpu.vector_load %arg6[%parallel_loop3A_296, %parallel_loop3A_297, %parallel_loop3A_298] {strides = array<i32>} : memref<4x160x128xf32, #tpu.memory_space<vmem>>, vector<1x1x16xf32>,
          %parallel_loop3A_300 = vector.shape_cast %parallel_loop3A_299 : vector<1x1x16xf32> to vector<16xf32>
          %parallel_loop3A_301 = vector.shape_cast %parallel_loop3A_294 : vector<16xf32> to vector<1x1x16xf32>
          tpu.vector_store %arg6[%parallel_loop3A_296, %parallel_loop3A_297, %parallel_loop3A_298], %parallel_loop3A_301 {add = true, strides = array<i32>} : memref<4x160x128xf32, #tpu.memory_space<vmem>>, vector<1x1x16xf32>,
          %parallel_loop3A_302 = arith.index_cast %parallel_loop3A_257 : i32 to index
          %parallel_loop3A_303 = arith.constant 64 : index
          %parallel_loop3A_304 = tpu.vector_load %arg11[%parallel_loop3A_302, %parallel_loop3A_303] {strides = array<i32>} : memref<128x128xf32, #tpu.memory_space<vmem>>, vector<1x16xf32>,
          %parallel_loop3A_305 = vector.shape_cast %parallel_loop3A_304 : vector<1x16xf32> to vector<16xf32>
          %parallel_loop3A_306 = arith.constant 2 : i32
          %parallel_loop3A_307 = arith.index_cast %parallel_loop3A_306 : i32 to index
          %parallel_loop3A_308 = arith.index_cast %parallel_loop3A_252 : i32 to index
          %parallel_loop3A_309 = arith.constant 64 : index
          %parallel_loop3A_310 = tpu.vector_load %arg6[%parallel_loop3A_307, %parallel_loop3A_308, %parallel_loop3A_309] {strides = array<i32>} : memref<4x160x128xf32, #tpu.memory_space<vmem>>, vector<1x1x16xf32>,
          %parallel_loop3A_311 = vector.shape_cast %parallel_loop3A_310 : vector<1x1x16xf32> to vector<16xf32>
          %parallel_loop3A_312 = vector.shape_cast %parallel_loop3A_305 : vector<16xf32> to vector<1x1x16xf32>
          tpu.vector_store %arg6[%parallel_loop3A_307, %parallel_loop3A_308, %parallel_loop3A_309], %parallel_loop3A_312 {add = true, strides = array<i32>} : memref<4x160x128xf32, #tpu.memory_space<vmem>>, vector<1x1x16xf32>,
          %parallel_loop3A_313 = arith.index_cast %parallel_loop3A_257 : i32 to index
          %parallel_loop3A_314 = arith.constant 80 : index
          %parallel_loop3A_315 = tpu.vector_load %arg11[%parallel_loop3A_313, %parallel_loop3A_314] {strides = array<i32>} : memref<128x128xf32, #tpu.memory_space<vmem>>, vector<1x16xf32>,
          %parallel_loop3A_316 = vector.shape_cast %parallel_loop3A_315 : vector<1x16xf32> to vector<16xf32>
          %parallel_loop3A_317 = arith.constant 2 : i32
          %parallel_loop3A_318 = arith.index_cast %parallel_loop3A_317 : i32 to index
          %parallel_loop3A_319 = arith.index_cast %parallel_loop3A_252 : i32 to index
          %parallel_loop3A_320 = arith.constant 80 : index
          %parallel_loop3A_321 = tpu.vector_load %arg6[%parallel_loop3A_318, %parallel_loop3A_319, %parallel_loop3A_320] {strides = array<i32>} : memref<4x160x128xf32, #tpu.memory_space<vmem>>, vector<1x1x16xf32>,
          %parallel_loop3A_322 = vector.shape_cast %parallel_loop3A_321 : vector<1x1x16xf32> to vector<16xf32>
          %parallel_loop3A_323 = vector.shape_cast %parallel_loop3A_316 : vector<16xf32> to vector<1x1x16xf32>
          tpu.vector_store %arg6[%parallel_loop3A_318, %parallel_loop3A_319, %parallel_loop3A_320], %parallel_loop3A_323 {add = true, strides = array<i32>} : memref<4x160x128xf32, #tpu.memory_space<vmem>>, vector<1x1x16xf32>,
          %parallel_loop3A_324 = arith.index_cast %parallel_loop3A_257 : i32 to index
          %parallel_loop3A_325 = arith.constant 96 : index
          %parallel_loop3A_326 = tpu.vector_load %arg11[%parallel_loop3A_324, %parallel_loop3A_325] {strides = array<i32>} : memref<128x128xf32, #tpu.memory_space<vmem>>, vector<1x16xf32>,
          %parallel_loop3A_327 = vector.shape_cast %parallel_loop3A_326 : vector<1x16xf32> to vector<16xf32>
          %parallel_loop3A_328 = arith.constant 2 : i32
          %parallel_loop3A_329 = arith.index_cast %parallel_loop3A_328 : i32 to index
          %parallel_loop3A_330 = arith.index_cast %parallel_loop3A_252 : i32 to index
          %parallel_loop3A_331 = arith.constant 96 : index
          %parallel_loop3A_332 = tpu.vector_load %arg6[%parallel_loop3A_329, %parallel_loop3A_330, %parallel_loop3A_331] {strides = array<i32>} : memref<4x160x128xf32, #tpu.memory_space<vmem>>, vector<1x1x16xf32>,
          %parallel_loop3A_333 = vector.shape_cast %parallel_loop3A_332 : vector<1x1x16xf32> to vector<16xf32>
          %parallel_loop3A_334 = vector.shape_cast %parallel_loop3A_327 : vector<16xf32> to vector<1x1x16xf32>
          tpu.vector_store %arg6[%parallel_loop3A_329, %parallel_loop3A_330, %parallel_loop3A_331], %parallel_loop3A_334 {add = true, strides = array<i32>} : memref<4x160x128xf32, #tpu.memory_space<vmem>>, vector<1x1x16xf32>,
          %parallel_loop3A_335 = arith.index_cast %parallel_loop3A_257 : i32 to index
          %parallel_loop3A_336 = arith.constant 112 : index
          %parallel_loop3A_337 = tpu.vector_load %arg11[%parallel_loop3A_335, %parallel_loop3A_336] {strides = array<i32>} : memref<128x128xf32, #tpu.memory_space<vmem>>, vector<1x16xf32>,
          %parallel_loop3A_338 = vector.shape_cast %parallel_loop3A_337 : vector<1x16xf32> to vector<16xf32>
          %parallel_loop3A_339 = arith.constant 2 : i32
          %parallel_loop3A_340 = arith.index_cast %parallel_loop3A_339 : i32 to index
          %parallel_loop3A_341 = arith.index_cast %parallel_loop3A_252 : i32 to index
          %parallel_loop3A_342 = arith.constant 112 : index
          %parallel_loop3A_343 = tpu.vector_load %arg6[%parallel_loop3A_340, %parallel_loop3A_341, %parallel_loop3A_342] {strides = array<i32>} : memref<4x160x128xf32, #tpu.memory_space<vmem>>, vector<1x1x16xf32>,
          %parallel_loop3A_344 = vector.shape_cast %parallel_loop3A_343 : vector<1x1x16xf32> to vector<16xf32>
          %parallel_loop3A_345 = vector.shape_cast %parallel_loop3A_338 : vector<16xf32> to vector<1x1x16xf32>
          tpu.vector_store %arg6[%parallel_loop3A_340, %parallel_loop3A_341, %parallel_loop3A_342], %parallel_loop3A_345 {add = true, strides = array<i32>} : memref<4x160x128xf32, #tpu.memory_space<vmem>>, vector<1x1x16xf32>,
        } {sc.loop_unroll_factor = 4 : i64, sc.parallel_access}
        %mul3A_237 = arith.constant 160 : i32
        %mul3A_238 = arith.muli %add3A_183, %mul3A_237 : i32
        %dma_start3A_239 = arith.constant 2 : i32
        %dma_start3A_240 = arith.constant 0 : i32
        %dma_start3A_241 = arith.constant 0 : i32
        %dma_start3A_242 = tpu.memref_slice %arg6[%dma_start3A_239, %dma_start3A_240, %dma_start3A_241] : memref<4x160x128xf32, #tpu.memory_space<vmem>> -> memref<1x160x128xf32, #tpu.memory_space<vmem>>
        %dma_start3A_243 = tpu.memref_squeeze %dma_start3A_242 : memref<1x160x128xf32, #tpu.memory_space<vmem>> -> memref<160x128xf32, #tpu.memory_space<vmem>>
        %dma_start3A_244 = arith.constant 0 : i32
        %dma_start3A_245 = tpu.memref_slice %arg5[%mul3A_238, %dma_start3A_244] : memref<100000x128xf32, #tpu.memory_space<hbm>> -> memref<160x128xf32, #tpu.memory_space<hbm>>
        %dma_start3A_246 = arith.constant 0 : i32
        %dma_start3A_247 = tpu.memref_slice %arg5[%mul3A_238, %dma_start3A_246] : memref<100000x128xf32, #tpu.memory_space<hbm>> -> memref<160x128xf32, #tpu.memory_space<hbm>>
        %dma_start3A_248 = arith.constant 0 : i32
        %dma_start3A_249 = arith.constant 0 : i32
        %dma_start3A_250 = tpu.memref_slice %arg6[%dma_start3A_239, %dma_start3A_248, %dma_start3A_249] : memref<4x160x128xf32, #tpu.memory_space<vmem>> -> memref<1x160x128xf32, #tpu.memory_space<vmem>>
        %dma_start3A_251 = tpu.memref_squeeze %dma_start3A_250 : memref<1x160x128xf32, #tpu.memory_space<vmem>> -> memref<160x128xf32, #tpu.memory_space<vmem>>
        tpu.enqueue_dma source(%dma_start3A_251 : memref<160x128xf32, #tpu.memory_space<vmem>>) target(%dma_start3A_247 : memref<160x128xf32, #tpu.memory_space<hbm>>) target_semaphore(%arg22 : memref<!tpu.dma_semaphore, #tpu.memory_space<semaphore_mem>>)
      } else {
      }
      %mul3A_189 = arith.constant 4 : i32
      %mul3A_190 = arith.muli %scan3A_153, %mul3A_189 : i32
      %add3A_191 = arith.constant 3 : i32
      %add3A_192 = arith.addi %mul3A_190, %add3A_191 : i32
      %mul3A_193 = arith.constant 32 : i32
      %mul3A_194 = arith.muli %add3A_192, %mul3A_193 : i32
      %add3A_195 = arith.addi %add3A, %mul3A_194 : i32
      %lt3A_196 = arith.constant 625 : i32
      %lt3A_197 = arith.cmpi slt, %add3A_195, %lt3A_196 : i32
      %convert_element_type3A_198 = arith.extui %lt3A_197 : i1 to i32
      %cond3A_199 = arith.constant 0 : i32
      %cond3A_200 = arith.cmpi ne, %convert_element_type3A_198, %cond3A_199 : i32
      scf.if %cond3A_200 {
        %ge3A_201 = arith.constant 2 : i32
        %ge3A_202 = arith.cmpi sge, %add3A_192, %ge3A_201 : i32
        %convert_element_type3A_203 = arith.extui %ge3A_202 : i1 to i32
        %cond3A_204 = arith.constant 0 : i32
        %cond3A_205 = arith.cmpi ne, %convert_element_type3A_203, %cond3A_204 : i32
        scf.if %cond3A_205 {
          %sub3A_252 = arith.constant 64 : i32
          %sub3A_253 = arith.subi %add3A_195, %sub3A_252 : i32
          %mul3A_254 = arith.constant 160 : i32
          %mul3A_255 = arith.muli %sub3A_253, %mul3A_254 : i32
          %dma_wait3A_256 = arith.constant 1 : i32
          %dma_wait3A_257 = arith.constant 0 : i32
          %dma_wait3A_258 = arith.constant 0 : i32
          %dma_wait3A_259 = tpu.memref_slice %arg6[%dma_wait3A_256, %dma_wait3A_257, %dma_wait3A_258] : memref<4x160x128xf32, #tpu.memory_space<vmem>> -> memref<1x160x128xf32, #tpu.memory_space<vmem>>
          %dma_wait3A_260 = tpu.memref_squeeze %dma_wait3A_259 : memref<1x160x128xf32, #tpu.memory_space<vmem>> -> memref<160x128xf32, #tpu.memory_space<vmem>>
          %dma_wait3A_261 = arith.constant 0 : i32
          %dma_wait3A_262 = tpu.memref_slice %arg5[%mul3A_255, %dma_wait3A_261] : memref<100000x128xf32, #tpu.memory_space<hbm>> -> memref<160x128xf32, #tpu.memory_space<hbm>>
          %dma_wait3A_263 = arith.constant 0 : i32
          %dma_wait3A_264 = tpu.memref_slice %arg5[%mul3A_255, %dma_wait3A_263] : memref<100000x128xf32, #tpu.memory_space<hbm>> -> memref<160x128xf32, #tpu.memory_space<hbm>>
          %dma_wait3A_265 = arith.constant 0 : i32
          %dma_wait3A_266 = arith.constant 0 : i32
          %dma_wait3A_267 = tpu.memref_slice %arg6[%dma_wait3A_256, %dma_wait3A_265, %dma_wait3A_266] : memref<4x160x128xf32, #tpu.memory_space<vmem>> -> memref<1x160x128xf32, #tpu.memory_space<vmem>>
          %dma_wait3A_268 = tpu.memref_squeeze %dma_wait3A_267 : memref<1x160x128xf32, #tpu.memory_space<vmem>> -> memref<160x128xf32, #tpu.memory_space<vmem>>
          tpu.wait_dma2 semaphore(%arg21 : memref<!tpu.dma_semaphore, #tpu.memory_space<semaphore_mem>>) src(%dma_wait3A_268 : memref<160x128xf32, #tpu.memory_space<vmem>>) dst(%dma_wait3A_264 : memref<160x128xf32, #tpu.memory_space<hbm>>)
        } else {
        }
        %add3A_206 = arith.constant 64 : i32
        %add3A_207 = arith.addi %add3A_195, %add3A_206 : i32
        %lt3A_208 = arith.constant 625 : i32
        %lt3A_209 = arith.cmpi slt, %add3A_207, %lt3A_208 : i32
        %convert_element_type3A_210 = arith.extui %lt3A_209 : i1 to i32
        %cond3A_211 = arith.constant 0 : i32
        %cond3A_212 = arith.cmpi ne, %convert_element_type3A_210, %cond3A_211 : i32
        scf.if %cond3A_212 {
          %add3A_252 = arith.constant 64 : i32
          %add3A_253 = arith.addi %add3A_195, %add3A_252 : i32
          %mul3A_254 = arith.constant 160 : i32
          %mul3A_255 = arith.muli %add3A_253, %mul3A_254 : i32
          %dma_start3A_256 = arith.constant 1 : i32
          %dma_start3A_257 = arith.constant 0 : i32
          %dma_start3A_258 = arith.constant 0 : i32
          %dma_start3A_259 = tpu.memref_slice %arg6[%dma_start3A_256, %dma_start3A_257, %dma_start3A_258] : memref<4x160x128xf32, #tpu.memory_space<vmem>> -> memref<1x160x128xf32, #tpu.memory_space<vmem>>
          %dma_start3A_260 = tpu.memref_squeeze %dma_start3A_259 : memref<1x160x128xf32, #tpu.memory_space<vmem>> -> memref<160x128xf32, #tpu.memory_space<vmem>>
          %dma_start3A_261 = arith.constant 0 : i32
          %dma_start3A_262 = tpu.memref_slice %arg2[%mul3A_255, %dma_start3A_261] : memref<100000x128xf32, #tpu.memory_space<hbm>> -> memref<160x128xf32, #tpu.memory_space<hbm>>
          %dma_start3A_263 = arith.constant 0 : i32
          %dma_start3A_264 = arith.constant 0 : i32
          %dma_start3A_265 = tpu.memref_slice %arg6[%dma_start3A_256, %dma_start3A_263, %dma_start3A_264] : memref<4x160x128xf32, #tpu.memory_space<vmem>> -> memref<1x160x128xf32, #tpu.memory_space<vmem>>
          %dma_start3A_266 = tpu.memref_squeeze %dma_start3A_265 : memref<1x160x128xf32, #tpu.memory_space<vmem>> -> memref<160x128xf32, #tpu.memory_space<vmem>>
          %dma_start3A_267 = arith.constant 0 : i32
          %dma_start3A_268 = tpu.memref_slice %arg2[%mul3A_255, %dma_start3A_267] : memref<100000x128xf32, #tpu.memory_space<hbm>> -> memref<160x128xf32, #tpu.memory_space<hbm>>
          tpu.enqueue_dma source(%dma_start3A_268 : memref<160x128xf32, #tpu.memory_space<hbm>>) target(%dma_start3A_266 : memref<160x128xf32, #tpu.memory_space<vmem>>) target_semaphore(%arg13 : memref<!tpu.dma_semaphore, #tpu.memory_space<semaphore_mem>>)
          %mul3A_269 = arith.constant 160 : i32
          %mul3A_270 = arith.muli %add3A_253, %mul3A_269 : i32
          %dma_start3A_271 = arith.constant 0 : i32
          %dma_start3A_272 = tpu.memref_slice %arg8[%dma_start3A_271] : memref<176xi32, #tpu.memory_space<vmem>> -> memref<160xi32, #tpu.memory_space<vmem>>
          %dma_start3A_273 = tpu.memref_slice %arg3[%mul3A_270] : memref<100000xi32, #tpu.memory_space<hbm>> -> memref<160xi32, #tpu.memory_space<hbm>>
          %dma_start3A_274 = arith.constant 0 : i32
          %dma_start3A_275 = tpu.memref_slice %arg8[%dma_start3A_274] : memref<176xi32, #tpu.memory_space<vmem>> -> memref<160xi32, #tpu.memory_space<vmem>>
          %dma_start3A_276 = tpu.memref_slice %arg3[%mul3A_270] : memref<100000xi32, #tpu.memory_space<hbm>> -> memref<160xi32, #tpu.memory_space<hbm>>
          tpu.enqueue_dma source(%dma_start3A_276 : memref<160xi32, #tpu.memory_space<hbm>>) target(%dma_start3A_275 : memref<160xi32, #tpu.memory_space<vmem>>) target_semaphore(%arg17 : memref<!tpu.dma_semaphore, #tpu.memory_space<semaphore_mem>>)
        } else {
        }
        %mul3A_213 = arith.constant 160 : i32
        %mul3A_214 = arith.muli %add3A_195, %mul3A_213 : i32
        %dma_wait3A = arith.constant 3 : i32
        %dma_wait3A_215 = arith.constant 0 : i32
        %dma_wait3A_216 = arith.constant 0 : i32
        %dma_wait3A_217 = tpu.memref_slice %arg6[%dma_wait3A, %dma_wait3A_215, %dma_wait3A_216] : memref<4x160x128xf32, #tpu.memory_space<vmem>> -> memref<1x160x128xf32, #tpu.memory_space<vmem>>
        %dma_wait3A_218 = tpu.memref_squeeze %dma_wait3A_217 : memref<1x160x128xf32, #tpu.memory_space<vmem>> -> memref<160x128xf32, #tpu.memory_space<vmem>>
        %dma_wait3A_219 = arith.constant 0 : i32
        %dma_wait3A_220 = tpu.memref_slice %arg2[%mul3A_214, %dma_wait3A_219] : memref<100000x128xf32, #tpu.memory_space<hbm>> -> memref<160x128xf32, #tpu.memory_space<hbm>>
        %dma_wait3A_221 = arith.constant 0 : i32
        %dma_wait3A_222 = arith.constant 0 : i32
        %dma_wait3A_223 = tpu.memref_slice %arg6[%dma_wait3A, %dma_wait3A_221, %dma_wait3A_222] : memref<4x160x128xf32, #tpu.memory_space<vmem>> -> memref<1x160x128xf32, #tpu.memory_space<vmem>>
        %dma_wait3A_224 = tpu.memref_squeeze %dma_wait3A_223 : memref<1x160x128xf32, #tpu.memory_space<vmem>> -> memref<160x128xf32, #tpu.memory_space<vmem>>
        %dma_wait3A_225 = arith.constant 0 : i32
        %dma_wait3A_226 = tpu.memref_slice %arg2[%mul3A_214, %dma_wait3A_225] : memref<100000x128xf32, #tpu.memory_space<hbm>> -> memref<160x128xf32, #tpu.memory_space<hbm>>
        tpu.wait_dma2 semaphore(%arg15 : memref<!tpu.dma_semaphore, #tpu.memory_space<semaphore_mem>>) src(%dma_wait3A_226 : memref<160x128xf32, #tpu.memory_space<hbm>>) dst(%dma_wait3A_224 : memref<160x128xf32, #tpu.memory_space<vmem>>)
        %mul3A_227 = arith.constant 160 : i32
        %mul3A_228 = arith.muli %add3A_195, %mul3A_227 : i32
        %dma_wait3A_229 = arith.constant 0 : i32
        %dma_wait3A_230 = tpu.memref_slice %arg10[%dma_wait3A_229] : memref<176xi32, #tpu.memory_space<vmem>> -> memref<160xi32, #tpu.memory_space<vmem>>
        %dma_wait3A_231 = tpu.memref_slice %arg3[%mul3A_228] : memref<100000xi32, #tpu.memory_space<hbm>> -> memref<160xi32, #tpu.memory_space<hbm>>
        %dma_wait3A_232 = arith.constant 0 : i32
        %dma_wait3A_233 = tpu.memref_slice %arg10[%dma_wait3A_232] : memref<176xi32, #tpu.memory_space<vmem>> -> memref<160xi32, #tpu.memory_space<vmem>>
        %dma_wait3A_234 = tpu.memref_slice %arg3[%mul3A_228] : memref<100000xi32, #tpu.memory_space<hbm>> -> memref<160xi32, #tpu.memory_space<hbm>>
        tpu.wait_dma2 semaphore(%arg19 : memref<!tpu.dma_semaphore, #tpu.memory_space<semaphore_mem>>) src(%dma_wait3A_234 : memref<160xi32, #tpu.memory_space<hbm>>) dst(%dma_wait3A_233 : memref<160xi32, #tpu.memory_space<vmem>>)
        %parallel_loop3A = arith.constant 0 : i32
        %parallel_loop3A_235 = arith.constant 160 : i32
        %parallel_loop3A_236 = arith.constant 1 : i32
        scf.for %parallel_loop3A_252 = %parallel_loop3A to %parallel_loop3A_235 step %parallel_loop3A_236  : i32 {
          %parallel_loop3A_253 = arith.index_cast %parallel_loop3A_252 : i32 to index
          %parallel_loop3A_254 = tpu.vector_load %arg10[%parallel_loop3A_253] {strides = array<i32>} : memref<176xi32, #tpu.memory_space<vmem>>, vector<16xi32>,
          %parallel_loop3A_255 = vector.shape_cast %parallel_loop3A_254 : vector<16xi32> to vector<16xi32>
          %parallel_loop3A_256 = vector.extract_strided_slice %parallel_loop3A_255 {offsets = [0], sizes = [1], strides = [1]} : vector<16xi32> to vector<1xi32>
          %parallel_loop3A_257 = vector.extract %parallel_loop3A_256[0] : i32 from vector<1xi32>
          %parallel_loop3A_258 = arith.index_cast %parallel_loop3A_257 : i32 to index
          %parallel_loop3A_259 = arith.constant 0 : index
          %parallel_loop3A_260 = tpu.vector_load %arg11[%parallel_loop3A_258, %parallel_loop3A_259] {strides = array<i32>} : memref<128x128xf32, #tpu.memory_space<vmem>>, vector<1x16xf32>,
          %parallel_loop3A_261 = vector.shape_cast %parallel_loop3A_260 : vector<1x16xf32> to vector<16xf32>
          %parallel_loop3A_262 = arith.constant 3 : i32
          %parallel_loop3A_263 = arith.index_cast %parallel_loop3A_262 : i32 to index
          %parallel_loop3A_264 = arith.index_cast %parallel_loop3A_252 : i32 to index
          %parallel_loop3A_265 = arith.constant 0 : index
          %parallel_loop3A_266 = tpu.vector_load %arg6[%parallel_loop3A_263, %parallel_loop3A_264, %parallel_loop3A_265] {strides = array<i32>} : memref<4x160x128xf32, #tpu.memory_space<vmem>>, vector<1x1x16xf32>,
          %parallel_loop3A_267 = vector.shape_cast %parallel_loop3A_266 : vector<1x1x16xf32> to vector<16xf32>
          %parallel_loop3A_268 = vector.shape_cast %parallel_loop3A_261 : vector<16xf32> to vector<1x1x16xf32>
          tpu.vector_store %arg6[%parallel_loop3A_263, %parallel_loop3A_264, %parallel_loop3A_265], %parallel_loop3A_268 {add = true, strides = array<i32>} : memref<4x160x128xf32, #tpu.memory_space<vmem>>, vector<1x1x16xf32>,
          %parallel_loop3A_269 = arith.index_cast %parallel_loop3A_257 : i32 to index
          %parallel_loop3A_270 = arith.constant 16 : index
          %parallel_loop3A_271 = tpu.vector_load %arg11[%parallel_loop3A_269, %parallel_loop3A_270] {strides = array<i32>} : memref<128x128xf32, #tpu.memory_space<vmem>>, vector<1x16xf32>,
          %parallel_loop3A_272 = vector.shape_cast %parallel_loop3A_271 : vector<1x16xf32> to vector<16xf32>
          %parallel_loop3A_273 = arith.constant 3 : i32
          %parallel_loop3A_274 = arith.index_cast %parallel_loop3A_273 : i32 to index
          %parallel_loop3A_275 = arith.index_cast %parallel_loop3A_252 : i32 to index
          %parallel_loop3A_276 = arith.constant 16 : index
          %parallel_loop3A_277 = tpu.vector_load %arg6[%parallel_loop3A_274, %parallel_loop3A_275, %parallel_loop3A_276] {strides = array<i32>} : memref<4x160x128xf32, #tpu.memory_space<vmem>>, vector<1x1x16xf32>,
          %parallel_loop3A_278 = vector.shape_cast %parallel_loop3A_277 : vector<1x1x16xf32> to vector<16xf32>
          %parallel_loop3A_279 = vector.shape_cast %parallel_loop3A_272 : vector<16xf32> to vector<1x1x16xf32>
          tpu.vector_store %arg6[%parallel_loop3A_274, %parallel_loop3A_275, %parallel_loop3A_276], %parallel_loop3A_279 {add = true, strides = array<i32>} : memref<4x160x128xf32, #tpu.memory_space<vmem>>, vector<1x1x16xf32>,
          %parallel_loop3A_280 = arith.index_cast %parallel_loop3A_257 : i32 to index
          %parallel_loop3A_281 = arith.constant 32 : index
          %parallel_loop3A_282 = tpu.vector_load %arg11[%parallel_loop3A_280, %parallel_loop3A_281] {strides = array<i32>} : memref<128x128xf32, #tpu.memory_space<vmem>>, vector<1x16xf32>,
          %parallel_loop3A_283 = vector.shape_cast %parallel_loop3A_282 : vector<1x16xf32> to vector<16xf32>
          %parallel_loop3A_284 = arith.constant 3 : i32
          %parallel_loop3A_285 = arith.index_cast %parallel_loop3A_284 : i32 to index
          %parallel_loop3A_286 = arith.index_cast %parallel_loop3A_252 : i32 to index
          %parallel_loop3A_287 = arith.constant 32 : index
          %parallel_loop3A_288 = tpu.vector_load %arg6[%parallel_loop3A_285, %parallel_loop3A_286, %parallel_loop3A_287] {strides = array<i32>} : memref<4x160x128xf32, #tpu.memory_space<vmem>>, vector<1x1x16xf32>,
          %parallel_loop3A_289 = vector.shape_cast %parallel_loop3A_288 : vector<1x1x16xf32> to vector<16xf32>
          %parallel_loop3A_290 = vector.shape_cast %parallel_loop3A_283 : vector<16xf32> to vector<1x1x16xf32>
          tpu.vector_store %arg6[%parallel_loop3A_285, %parallel_loop3A_286, %parallel_loop3A_287], %parallel_loop3A_290 {add = true, strides = array<i32>} : memref<4x160x128xf32, #tpu.memory_space<vmem>>, vector<1x1x16xf32>,
          %parallel_loop3A_291 = arith.index_cast %parallel_loop3A_257 : i32 to index
          %parallel_loop3A_292 = arith.constant 48 : index
          %parallel_loop3A_293 = tpu.vector_load %arg11[%parallel_loop3A_291, %parallel_loop3A_292] {strides = array<i32>} : memref<128x128xf32, #tpu.memory_space<vmem>>, vector<1x16xf32>,
          %parallel_loop3A_294 = vector.shape_cast %parallel_loop3A_293 : vector<1x16xf32> to vector<16xf32>
          %parallel_loop3A_295 = arith.constant 3 : i32
          %parallel_loop3A_296 = arith.index_cast %parallel_loop3A_295 : i32 to index
          %parallel_loop3A_297 = arith.index_cast %parallel_loop3A_252 : i32 to index
          %parallel_loop3A_298 = arith.constant 48 : index
          %parallel_loop3A_299 = tpu.vector_load %arg6[%parallel_loop3A_296, %parallel_loop3A_297, %parallel_loop3A_298] {strides = array<i32>} : memref<4x160x128xf32, #tpu.memory_space<vmem>>, vector<1x1x16xf32>,
          %parallel_loop3A_300 = vector.shape_cast %parallel_loop3A_299 : vector<1x1x16xf32> to vector<16xf32>
          %parallel_loop3A_301 = vector.shape_cast %parallel_loop3A_294 : vector<16xf32> to vector<1x1x16xf32>
          tpu.vector_store %arg6[%parallel_loop3A_296, %parallel_loop3A_297, %parallel_loop3A_298], %parallel_loop3A_301 {add = true, strides = array<i32>} : memref<4x160x128xf32, #tpu.memory_space<vmem>>, vector<1x1x16xf32>,
          %parallel_loop3A_302 = arith.index_cast %parallel_loop3A_257 : i32 to index
          %parallel_loop3A_303 = arith.constant 64 : index
          %parallel_loop3A_304 = tpu.vector_load %arg11[%parallel_loop3A_302, %parallel_loop3A_303] {strides = array<i32>} : memref<128x128xf32, #tpu.memory_space<vmem>>, vector<1x16xf32>,
          %parallel_loop3A_305 = vector.shape_cast %parallel_loop3A_304 : vector<1x16xf32> to vector<16xf32>
          %parallel_loop3A_306 = arith.constant 3 : i32
          %parallel_loop3A_307 = arith.index_cast %parallel_loop3A_306 : i32 to index
          %parallel_loop3A_308 = arith.index_cast %parallel_loop3A_252 : i32 to index
          %parallel_loop3A_309 = arith.constant 64 : index
          %parallel_loop3A_310 = tpu.vector_load %arg6[%parallel_loop3A_307, %parallel_loop3A_308, %parallel_loop3A_309] {strides = array<i32>} : memref<4x160x128xf32, #tpu.memory_space<vmem>>, vector<1x1x16xf32>,
          %parallel_loop3A_311 = vector.shape_cast %parallel_loop3A_310 : vector<1x1x16xf32> to vector<16xf32>
          %parallel_loop3A_312 = vector.shape_cast %parallel_loop3A_305 : vector<16xf32> to vector<1x1x16xf32>
          tpu.vector_store %arg6[%parallel_loop3A_307, %parallel_loop3A_308, %parallel_loop3A_309], %parallel_loop3A_312 {add = true, strides = array<i32>} : memref<4x160x128xf32, #tpu.memory_space<vmem>>, vector<1x1x16xf32>,
          %parallel_loop3A_313 = arith.index_cast %parallel_loop3A_257 : i32 to index
          %parallel_loop3A_314 = arith.constant 80 : index
          %parallel_loop3A_315 = tpu.vector_load %arg11[%parallel_loop3A_313, %parallel_loop3A_314] {strides = array<i32>} : memref<128x128xf32, #tpu.memory_space<vmem>>, vector<1x16xf32>,
          %parallel_loop3A_316 = vector.shape_cast %parallel_loop3A_315 : vector<1x16xf32> to vector<16xf32>
          %parallel_loop3A_317 = arith.constant 3 : i32
          %parallel_loop3A_318 = arith.index_cast %parallel_loop3A_317 : i32 to index
          %parallel_loop3A_319 = arith.index_cast %parallel_loop3A_252 : i32 to index
          %parallel_loop3A_320 = arith.constant 80 : index
          %parallel_loop3A_321 = tpu.vector_load %arg6[%parallel_loop3A_318, %parallel_loop3A_319, %parallel_loop3A_320] {strides = array<i32>} : memref<4x160x128xf32, #tpu.memory_space<vmem>>, vector<1x1x16xf32>,
          %parallel_loop3A_322 = vector.shape_cast %parallel_loop3A_321 : vector<1x1x16xf32> to vector<16xf32>
          %parallel_loop3A_323 = vector.shape_cast %parallel_loop3A_316 : vector<16xf32> to vector<1x1x16xf32>
          tpu.vector_store %arg6[%parallel_loop3A_318, %parallel_loop3A_319, %parallel_loop3A_320], %parallel_loop3A_323 {add = true, strides = array<i32>} : memref<4x160x128xf32, #tpu.memory_space<vmem>>, vector<1x1x16xf32>,
          %parallel_loop3A_324 = arith.index_cast %parallel_loop3A_257 : i32 to index
          %parallel_loop3A_325 = arith.constant 96 : index
          %parallel_loop3A_326 = tpu.vector_load %arg11[%parallel_loop3A_324, %parallel_loop3A_325] {strides = array<i32>} : memref<128x128xf32, #tpu.memory_space<vmem>>, vector<1x16xf32>,
          %parallel_loop3A_327 = vector.shape_cast %parallel_loop3A_326 : vector<1x16xf32> to vector<16xf32>
          %parallel_loop3A_328 = arith.constant 3 : i32
          %parallel_loop3A_329 = arith.index_cast %parallel_loop3A_328 : i32 to index
          %parallel_loop3A_330 = arith.index_cast %parallel_loop3A_252 : i32 to index
          %parallel_loop3A_331 = arith.constant 96 : index
          %parallel_loop3A_332 = tpu.vector_load %arg6[%parallel_loop3A_329, %parallel_loop3A_330, %parallel_loop3A_331] {strides = array<i32>} : memref<4x160x128xf32, #tpu.memory_space<vmem>>, vector<1x1x16xf32>,
          %parallel_loop3A_333 = vector.shape_cast %parallel_loop3A_332 : vector<1x1x16xf32> to vector<16xf32>
          %parallel_loop3A_334 = vector.shape_cast %parallel_loop3A_327 : vector<16xf32> to vector<1x1x16xf32>
          tpu.vector_store %arg6[%parallel_loop3A_329, %parallel_loop3A_330, %parallel_loop3A_331], %parallel_loop3A_334 {add = true, strides = array<i32>} : memref<4x160x128xf32, #tpu.memory_space<vmem>>, vector<1x1x16xf32>,
          %parallel_loop3A_335 = arith.index_cast %parallel_loop3A_257 : i32 to index
          %parallel_loop3A_336 = arith.constant 112 : index
          %parallel_loop3A_337 = tpu.vector_load %arg11[%parallel_loop3A_335, %parallel_loop3A_336] {strides = array<i32>} : memref<128x128xf32, #tpu.memory_space<vmem>>, vector<1x16xf32>,
          %parallel_loop3A_338 = vector.shape_cast %parallel_loop3A_337 : vector<1x16xf32> to vector<16xf32>
          %parallel_loop3A_339 = arith.constant 3 : i32
          %parallel_loop3A_340 = arith.index_cast %parallel_loop3A_339 : i32 to index
          %parallel_loop3A_341 = arith.index_cast %parallel_loop3A_252 : i32 to index
          %parallel_loop3A_342 = arith.constant 112 : index
          %parallel_loop3A_343 = tpu.vector_load %arg6[%parallel_loop3A_340, %parallel_loop3A_341, %parallel_loop3A_342] {strides = array<i32>} : memref<4x160x128xf32, #tpu.memory_space<vmem>>, vector<1x1x16xf32>,
          %parallel_loop3A_344 = vector.shape_cast %parallel_loop3A_343 : vector<1x1x16xf32> to vector<16xf32>
          %parallel_loop3A_345 = vector.shape_cast %parallel_loop3A_338 : vector<16xf32> to vector<1x1x16xf32>
          tpu.vector_store %arg6[%parallel_loop3A_340, %parallel_loop3A_341, %parallel_loop3A_342], %parallel_loop3A_345 {add = true, strides = array<i32>} : memref<4x160x128xf32, #tpu.memory_space<vmem>>, vector<1x1x16xf32>,
        } {sc.loop_unroll_factor = 4 : i64, sc.parallel_access}
        %mul3A_237 = arith.constant 160 : i32
        %mul3A_238 = arith.muli %add3A_195, %mul3A_237 : i32
        %dma_start3A_239 = arith.constant 3 : i32
        %dma_start3A_240 = arith.constant 0 : i32
        %dma_start3A_241 = arith.constant 0 : i32
        %dma_start3A_242 = tpu.memref_slice %arg6[%dma_start3A_239, %dma_start3A_240, %dma_start3A_241] : memref<4x160x128xf32, #tpu.memory_space<vmem>> -> memref<1x160x128xf32, #tpu.memory_space<vmem>>
        %dma_start3A_243 = tpu.memref_squeeze %dma_start3A_242 : memref<1x160x128xf32, #tpu.memory_space<vmem>> -> memref<160x128xf32, #tpu.memory_space<vmem>>
        %dma_start3A_244 = arith.constant 0 : i32
        %dma_start3A_245 = tpu.memref_slice %arg5[%mul3A_238, %dma_start3A_244] : memref<100000x128xf32, #tpu.memory_space<hbm>> -> memref<160x128xf32, #tpu.memory_space<hbm>>
        %dma_start3A_246 = arith.constant 0 : i32
        %dma_start3A_247 = tpu.memref_slice %arg5[%mul3A_238, %dma_start3A_246] : memref<100000x128xf32, #tpu.memory_space<hbm>> -> memref<160x128xf32, #tpu.memory_space<hbm>>
        %dma_start3A_248 = arith.constant 0 : i32
        %dma_start3A_249 = arith.constant 0 : i32
        %dma_start3A_250 = tpu.memref_slice %arg6[%dma_start3A_239, %dma_start3A_248, %dma_start3A_249] : memref<4x160x128xf32, #tpu.memory_space<vmem>> -> memref<1x160x128xf32, #tpu.memory_space<vmem>>
        %dma_start3A_251 = tpu.memref_squeeze %dma_start3A_250 : memref<1x160x128xf32, #tpu.memory_space<vmem>> -> memref<160x128xf32, #tpu.memory_space<vmem>>
        tpu.enqueue_dma source(%dma_start3A_251 : memref<160x128xf32, #tpu.memory_space<vmem>>) target(%dma_start3A_247 : memref<160x128xf32, #tpu.memory_space<hbm>>) target_semaphore(%arg23 : memref<!tpu.dma_semaphore, #tpu.memory_space<semaphore_mem>>)
      } else {
      }
    }
    %scan3A_52 = arith.constant 5 : i32
    %sub3A = arith.constant 624 : i32
    %sub3A_53 = arith.subi %sub3A, %add3A : i32
    %jit3A = arith.constant 32 : i32
    %div3A = arith.divsi %sub3A_53, %jit3A : i32
    %sign3A = arith.constant 0 : i32
    %sign3A_54 = arith.cmpi sgt, %sub3A_53, %sign3A : i32
    %sign3A_55 = arith.extui %sign3A_54 : i1 to i32
    %sign3A_56 = arith.constant 0 : i32
    %sign3A_57 = arith.cmpi slt, %sub3A_53, %sign3A_56 : i32
    %sign3A_58 = arith.extui %sign3A_57 : i1 to i32
    %sign3A_59 = arith.subi %sign3A_55, %sign3A_58 : i32
    %sign3A_60 = arith.constant 0 : i32
    %sign3A_61 = arith.cmpi sgt, %jit3A, %sign3A_60 : i32
    %sign3A_62 = arith.extui %sign3A_61 : i1 to i32
    %sign3A_63 = arith.constant 0 : i32
    %sign3A_64 = arith.cmpi slt, %jit3A, %sign3A_63 : i32
    %sign3A_65 = arith.extui %sign3A_64 : i1 to i32
    %sign3A_66 = arith.subi %sign3A_62, %sign3A_65 : i32
    %ne3A = arith.cmpi ne, %sign3A_59, %sign3A_66 : i32
    %rem3A = arith.remsi %sub3A_53, %jit3A : i32
    %ne3A_67 = arith.constant 0 : i32
    %ne3A_68 = arith.cmpi ne, %rem3A, %ne3A_67 : i32
    %and3A = arith.andi %ne3A, %ne3A_68 : i1
    %sub3A_69 = arith.constant 1 : i32
    %sub3A_70 = arith.subi %div3A, %sub3A_69 : i32
    %select_n3A = arith.select %and3A, %sub3A_70, %div3A : i32
    %add3A_71 = arith.constant 1 : i32
    %add3A_72 = arith.addi %select_n3A, %add3A_71 : i32
    %sub3A_73 = arith.constant 2 : i32
    %sub3A_74 = arith.subi %add3A_72, %sub3A_73 : i32
    %ge3A = arith.constant 0 : i32
    %ge3A_75 = arith.cmpi sge, %sub3A_74, %ge3A : i32
    %rem3A_76 = arith.constant 4 : i32
    %rem3A_77 = arith.remsi %sub3A_74, %rem3A_76 : i32
    %eq3A = arith.constant 0 : i32
    %eq3A_78 = arith.cmpi eq, %rem3A_77, %eq3A : i32
    %and3A_79 = arith.andi %ge3A_75, %eq3A_78 : i1
    %convert_element_type3A = arith.extui %and3A_79 : i1 to i32
    %cond3A = arith.constant 0 : i32
    %cond3A_80 = arith.cmpi ne, %convert_element_type3A, %cond3A : i32
    scf.if %cond3A_80 {
      %mul3A_153 = arith.constant 32 : i32
      %mul3A_154 = arith.muli %sub3A_74, %mul3A_153 : i32
      %add3A_155 = arith.addi %add3A, %mul3A_154 : i32
      %mul3A_156 = arith.constant 160 : i32
      %mul3A_157 = arith.muli %add3A_155, %mul3A_156 : i32
      %dma_wait3A = arith.constant 0 : i32
      %dma_wait3A_158 = arith.constant 0 : i32
      %dma_wait3A_159 = arith.constant 0 : i32
      %dma_wait3A_160 = tpu.memref_slice %arg6[%dma_wait3A, %dma_wait3A_158, %dma_wait3A_159] : memref<4x160x128xf32, #tpu.memory_space<vmem>> -> memref<1x160x128xf32, #tpu.memory_space<vmem>>
      %dma_wait3A_161 = tpu.memref_squeeze %dma_wait3A_160 : memref<1x160x128xf32, #tpu.memory_space<vmem>> -> memref<160x128xf32, #tpu.memory_space<vmem>>
      %dma_wait3A_162 = arith.constant 0 : i32
      %dma_wait3A_163 = tpu.memref_slice %arg5[%mul3A_157, %dma_wait3A_162] : memref<100000x128xf32, #tpu.memory_space<hbm>> -> memref<160x128xf32, #tpu.memory_space<hbm>>
      %dma_wait3A_164 = arith.constant 0 : i32
      %dma_wait3A_165 = tpu.memref_slice %arg5[%mul3A_157, %dma_wait3A_164] : memref<100000x128xf32, #tpu.memory_space<hbm>> -> memref<160x128xf32, #tpu.memory_space<hbm>>
      %dma_wait3A_166 = arith.constant 0 : i32
      %dma_wait3A_167 = arith.constant 0 : i32
      %dma_wait3A_168 = tpu.memref_slice %arg6[%dma_wait3A, %dma_wait3A_166, %dma_wait3A_167] : memref<4x160x128xf32, #tpu.memory_space<vmem>> -> memref<1x160x128xf32, #tpu.memory_space<vmem>>
      %dma_wait3A_169 = tpu.memref_squeeze %dma_wait3A_168 : memref<1x160x128xf32, #tpu.memory_space<vmem>> -> memref<160x128xf32, #tpu.memory_space<vmem>>
      tpu.wait_dma2 semaphore(%arg20 : memref<!tpu.dma_semaphore, #tpu.memory_space<semaphore_mem>>) src(%dma_wait3A_169 : memref<160x128xf32, #tpu.memory_space<vmem>>) dst(%dma_wait3A_165 : memref<160x128xf32, #tpu.memory_space<hbm>>)
    } else {
    }
    %ge3A_81 = arith.constant 0 : i32
    %ge3A_82 = arith.cmpi sge, %sub3A_74, %ge3A_81 : i32
    %rem3A_83 = arith.constant 4 : i32
    %rem3A_84 = arith.remsi %sub3A_74, %rem3A_83 : i32
    %eq3A_85 = arith.constant 1 : i32
    %eq3A_86 = arith.cmpi eq, %rem3A_84, %eq3A_85 : i32
    %and3A_87 = arith.andi %ge3A_82, %eq3A_86 : i1
    %convert_element_type3A_88 = arith.extui %and3A_87 : i1 to i32
    %cond3A_89 = arith.constant 0 : i32
    %cond3A_90 = arith.cmpi ne, %convert_element_type3A_88, %cond3A_89 : i32
    scf.if %cond3A_90 {
      %mul3A_153 = arith.constant 32 : i32
      %mul3A_154 = arith.muli %sub3A_74, %mul3A_153 : i32
      %add3A_155 = arith.addi %add3A, %mul3A_154 : i32
      %mul3A_156 = arith.constant 160 : i32
      %mul3A_157 = arith.muli %add3A_155, %mul3A_156 : i32
      %dma_wait3A = arith.constant 1 : i32
      %dma_wait3A_158 = arith.constant 0 : i32
      %dma_wait3A_159 = arith.constant 0 : i32
      %dma_wait3A_160 = tpu.memref_slice %arg6[%dma_wait3A, %dma_wait3A_158, %dma_wait3A_159] : memref<4x160x128xf32, #tpu.memory_space<vmem>> -> memref<1x160x128xf32, #tpu.memory_space<vmem>>
      %dma_wait3A_161 = tpu.memref_squeeze %dma_wait3A_160 : memref<1x160x128xf32, #tpu.memory_space<vmem>> -> memref<160x128xf32, #tpu.memory_space<vmem>>
      %dma_wait3A_162 = arith.constant 0 : i32
      %dma_wait3A_163 = tpu.memref_slice %arg5[%mul3A_157, %dma_wait3A_162] : memref<100000x128xf32, #tpu.memory_space<hbm>> -> memref<160x128xf32, #tpu.memory_space<hbm>>
      %dma_wait3A_164 = arith.constant 0 : i32
      %dma_wait3A_165 = tpu.memref_slice %arg5[%mul3A_157, %dma_wait3A_164] : memref<100000x128xf32, #tpu.memory_space<hbm>> -> memref<160x128xf32, #tpu.memory_space<hbm>>
      %dma_wait3A_166 = arith.constant 0 : i32
      %dma_wait3A_167 = arith.constant 0 : i32
      %dma_wait3A_168 = tpu.memref_slice %arg6[%dma_wait3A, %dma_wait3A_166, %dma_wait3A_167] : memref<4x160x128xf32, #tpu.memory_space<vmem>> -> memref<1x160x128xf32, #tpu.memory_space<vmem>>
      %dma_wait3A_169 = tpu.memref_squeeze %dma_wait3A_168 : memref<1x160x128xf32, #tpu.memory_space<vmem>> -> memref<160x128xf32, #tpu.memory_space<vmem>>
      tpu.wait_dma2 semaphore(%arg21 : memref<!tpu.dma_semaphore, #tpu.memory_space<semaphore_mem>>) src(%dma_wait3A_169 : memref<160x128xf32, #tpu.memory_space<vmem>>) dst(%dma_wait3A_165 : memref<160x128xf32, #tpu.memory_space<hbm>>)
    } else {
    }
    %ge3A_91 = arith.constant 0 : i32
    %ge3A_92 = arith.cmpi sge, %sub3A_74, %ge3A_91 : i32
    %rem3A_93 = arith.constant 4 : i32
    %rem3A_94 = arith.remsi %sub3A_74, %rem3A_93 : i32
    %eq3A_95 = arith.constant 2 : i32
    %eq3A_96 = arith.cmpi eq, %rem3A_94, %eq3A_95 : i32
    %and3A_97 = arith.andi %ge3A_92, %eq3A_96 : i1
    %convert_element_type3A_98 = arith.extui %and3A_97 : i1 to i32
    %cond3A_99 = arith.constant 0 : i32
    %cond3A_100 = arith.cmpi ne, %convert_element_type3A_98, %cond3A_99 : i32
    scf.if %cond3A_100 {
      %mul3A_153 = arith.constant 32 : i32
      %mul3A_154 = arith.muli %sub3A_74, %mul3A_153 : i32
      %add3A_155 = arith.addi %add3A, %mul3A_154 : i32
      %mul3A_156 = arith.constant 160 : i32
      %mul3A_157 = arith.muli %add3A_155, %mul3A_156 : i32
      %dma_wait3A = arith.constant 2 : i32
      %dma_wait3A_158 = arith.constant 0 : i32
      %dma_wait3A_159 = arith.constant 0 : i32
      %dma_wait3A_160 = tpu.memref_slice %arg6[%dma_wait3A, %dma_wait3A_158, %dma_wait3A_159] : memref<4x160x128xf32, #tpu.memory_space<vmem>> -> memref<1x160x128xf32, #tpu.memory_space<vmem>>
      %dma_wait3A_161 = tpu.memref_squeeze %dma_wait3A_160 : memref<1x160x128xf32, #tpu.memory_space<vmem>> -> memref<160x128xf32, #tpu.memory_space<vmem>>
      %dma_wait3A_162 = arith.constant 0 : i32
      %dma_wait3A_163 = tpu.memref_slice %arg5[%mul3A_157, %dma_wait3A_162] : memref<100000x128xf32, #tpu.memory_space<hbm>> -> memref<160x128xf32, #tpu.memory_space<hbm>>
      %dma_wait3A_164 = arith.constant 0 : i32
      %dma_wait3A_165 = tpu.memref_slice %arg5[%mul3A_157, %dma_wait3A_164] : memref<100000x128xf32, #tpu.memory_space<hbm>> -> memref<160x128xf32, #tpu.memory_space<hbm>>
      %dma_wait3A_166 = arith.constant 0 : i32
      %dma_wait3A_167 = arith.constant 0 : i32
      %dma_wait3A_168 = tpu.memref_slice %arg6[%dma_wait3A, %dma_wait3A_166, %dma_wait3A_167] : memref<4x160x128xf32, #tpu.memory_space<vmem>> -> memref<1x160x128xf32, #tpu.memory_space<vmem>>
      %dma_wait3A_169 = tpu.memref_squeeze %dma_wait3A_168 : memref<1x160x128xf32, #tpu.memory_space<vmem>> -> memref<160x128xf32, #tpu.memory_space<vmem>>
      tpu.wait_dma2 semaphore(%arg22 : memref<!tpu.dma_semaphore, #tpu.memory_space<semaphore_mem>>) src(%dma_wait3A_169 : memref<160x128xf32, #tpu.memory_space<vmem>>) dst(%dma_wait3A_165 : memref<160x128xf32, #tpu.memory_space<hbm>>)
    } else {
    }
    %ge3A_101 = arith.constant 0 : i32
    %ge3A_102 = arith.cmpi sge, %sub3A_74, %ge3A_101 : i32
    %rem3A_103 = arith.constant 4 : i32
    %rem3A_104 = arith.remsi %sub3A_74, %rem3A_103 : i32
    %eq3A_105 = arith.constant 3 : i32
    %eq3A_106 = arith.cmpi eq, %rem3A_104, %eq3A_105 : i32
    %and3A_107 = arith.andi %ge3A_102, %eq3A_106 : i1
    %convert_element_type3A_108 = arith.extui %and3A_107 : i1 to i32
    %cond3A_109 = arith.constant 0 : i32
    %cond3A_110 = arith.cmpi ne, %convert_element_type3A_108, %cond3A_109 : i32
    scf.if %cond3A_110 {
      %mul3A_153 = arith.constant 32 : i32
      %mul3A_154 = arith.muli %sub3A_74, %mul3A_153 : i32
      %add3A_155 = arith.addi %add3A, %mul3A_154 : i32
      %mul3A_156 = arith.constant 160 : i32
      %mul3A_157 = arith.muli %add3A_155, %mul3A_156 : i32
      %dma_wait3A = arith.constant 3 : i32
      %dma_wait3A_158 = arith.constant 0 : i32
      %dma_wait3A_159 = arith.constant 0 : i32
      %dma_wait3A_160 = tpu.memref_slice %arg6[%dma_wait3A, %dma_wait3A_158, %dma_wait3A_159] : memref<4x160x128xf32, #tpu.memory_space<vmem>> -> memref<1x160x128xf32, #tpu.memory_space<vmem>>
      %dma_wait3A_161 = tpu.memref_squeeze %dma_wait3A_160 : memref<1x160x128xf32, #tpu.memory_space<vmem>> -> memref<160x128xf32, #tpu.memory_space<vmem>>
      %dma_wait3A_162 = arith.constant 0 : i32
      %dma_wait3A_163 = tpu.memref_slice %arg5[%mul3A_157, %dma_wait3A_162] : memref<100000x128xf32, #tpu.memory_space<hbm>> -> memref<160x128xf32, #tpu.memory_space<hbm>>
      %dma_wait3A_164 = arith.constant 0 : i32
      %dma_wait3A_165 = tpu.memref_slice %arg5[%mul3A_157, %dma_wait3A_164] : memref<100000x128xf32, #tpu.memory_space<hbm>> -> memref<160x128xf32, #tpu.memory_space<hbm>>
      %dma_wait3A_166 = arith.constant 0 : i32
      %dma_wait3A_167 = arith.constant 0 : i32
      %dma_wait3A_168 = tpu.memref_slice %arg6[%dma_wait3A, %dma_wait3A_166, %dma_wait3A_167] : memref<4x160x128xf32, #tpu.memory_space<vmem>> -> memref<1x160x128xf32, #tpu.memory_space<vmem>>
      %dma_wait3A_169 = tpu.memref_squeeze %dma_wait3A_168 : memref<1x160x128xf32, #tpu.memory_space<vmem>> -> memref<160x128xf32, #tpu.memory_space<vmem>>
      tpu.wait_dma2 semaphore(%arg23 : memref<!tpu.dma_semaphore, #tpu.memory_space<semaphore_mem>>) src(%dma_wait3A_169 : memref<160x128xf32, #tpu.memory_space<vmem>>) dst(%dma_wait3A_165 : memref<160x128xf32, #tpu.memory_space<hbm>>)
    } else {
    }
    %sub3A_111 = arith.constant 1 : i32
    %sub3A_112 = arith.subi %add3A_72, %sub3A_111 : i32
    %ge3A_113 = arith.constant 0 : i32
    %ge3A_114 = arith.cmpi sge, %sub3A_112, %ge3A_113 : i32
    %rem3A_115 = arith.constant 4 : i32
    %rem3A_116 = arith.remsi %sub3A_112, %rem3A_115 : i32
    %eq3A_117 = arith.constant 0 : i32
    %eq3A_118 = arith.cmpi eq, %rem3A_116, %eq3A_117 : i32
    %and3A_119 = arith.andi %ge3A_114, %eq3A_118 : i1
    %convert_element_type3A_120 = arith.extui %and3A_119 : i1 to i32
    %cond3A_121 = arith.constant 0 : i32
    %cond3A_122 = arith.cmpi ne, %convert_element_type3A_120, %cond3A_121 : i32
    scf.if %cond3A_122 {
      %mul3A_153 = arith.constant 32 : i32
      %mul3A_154 = arith.muli %sub3A_112, %mul3A_153 : i32
      %add3A_155 = arith.addi %add3A, %mul3A_154 : i32
      %mul3A_156 = arith.constant 160 : i32
      %mul3A_157 = arith.muli %add3A_155, %mul3A_156 : i32
      %dma_wait3A = arith.constant 0 : i32
      %dma_wait3A_158 = arith.constant 0 : i32
      %dma_wait3A_159 = arith.constant 0 : i32
      %dma_wait3A_160 = tpu.memref_slice %arg6[%dma_wait3A, %dma_wait3A_158, %dma_wait3A_159] : memref<4x160x128xf32, #tpu.memory_space<vmem>> -> memref<1x160x128xf32, #tpu.memory_space<vmem>>
      %dma_wait3A_161 = tpu.memref_squeeze %dma_wait3A_160 : memref<1x160x128xf32, #tpu.memory_space<vmem>> -> memref<160x128xf32, #tpu.memory_space<vmem>>
      %dma_wait3A_162 = arith.constant 0 : i32
      %dma_wait3A_163 = tpu.memref_slice %arg5[%mul3A_157, %dma_wait3A_162] : memref<100000x128xf32, #tpu.memory_space<hbm>> -> memref<160x128xf32, #tpu.memory_space<hbm>>
      %dma_wait3A_164 = arith.constant 0 : i32
      %dma_wait3A_165 = tpu.memref_slice %arg5[%mul3A_157, %dma_wait3A_164] : memref<100000x128xf32, #tpu.memory_space<hbm>> -> memref<160x128xf32, #tpu.memory_space<hbm>>
      %dma_wait3A_166 = arith.constant 0 : i32
      %dma_wait3A_167 = arith.constant 0 : i32
      %dma_wait3A_168 = tpu.memref_slice %arg6[%dma_wait3A, %dma_wait3A_166, %dma_wait3A_167] : memref<4x160x128xf32, #tpu.memory_space<vmem>> -> memref<1x160x128xf32, #tpu.memory_space<vmem>>
      %dma_wait3A_169 = tpu.memref_squeeze %dma_wait3A_168 : memref<1x160x128xf32, #tpu.memory_space<vmem>> -> memref<160x128xf32, #tpu.memory_space<vmem>>
      tpu.wait_dma2 semaphore(%arg20 : memref<!tpu.dma_semaphore, #tpu.memory_space<semaphore_mem>>) src(%dma_wait3A_169 : memref<160x128xf32, #tpu.memory_space<vmem>>) dst(%dma_wait3A_165 : memref<160x128xf32, #tpu.memory_space<hbm>>)
    } else {
    }
    %ge3A_123 = arith.constant 0 : i32
    %ge3A_124 = arith.cmpi sge, %sub3A_112, %ge3A_123 : i32
    %rem3A_125 = arith.constant 4 : i32
    %rem3A_126 = arith.remsi %sub3A_112, %rem3A_125 : i32
    %eq3A_127 = arith.constant 1 : i32
    %eq3A_128 = arith.cmpi eq, %rem3A_126, %eq3A_127 : i32
    %and3A_129 = arith.andi %ge3A_124, %eq3A_128 : i1
    %convert_element_type3A_130 = arith.extui %and3A_129 : i1 to i32
    %cond3A_131 = arith.constant 0 : i32
    %cond3A_132 = arith.cmpi ne, %convert_element_type3A_130, %cond3A_131 : i32
    scf.if %cond3A_132 {
      %mul3A_153 = arith.constant 32 : i32
      %mul3A_154 = arith.muli %sub3A_112, %mul3A_153 : i32
      %add3A_155 = arith.addi %add3A, %mul3A_154 : i32
      %mul3A_156 = arith.constant 160 : i32
      %mul3A_157 = arith.muli %add3A_155, %mul3A_156 : i32
      %dma_wait3A = arith.constant 1 : i32
      %dma_wait3A_158 = arith.constant 0 : i32
      %dma_wait3A_159 = arith.constant 0 : i32
      %dma_wait3A_160 = tpu.memref_slice %arg6[%dma_wait3A, %dma_wait3A_158, %dma_wait3A_159] : memref<4x160x128xf32, #tpu.memory_space<vmem>> -> memref<1x160x128xf32, #tpu.memory_space<vmem>>
      %dma_wait3A_161 = tpu.memref_squeeze %dma_wait3A_160 : memref<1x160x128xf32, #tpu.memory_space<vmem>> -> memref<160x128xf32, #tpu.memory_space<vmem>>
      %dma_wait3A_162 = arith.constant 0 : i32
      %dma_wait3A_163 = tpu.memref_slice %arg5[%mul3A_157, %dma_wait3A_162] : memref<100000x128xf32, #tpu.memory_space<hbm>> -> memref<160x128xf32, #tpu.memory_space<hbm>>
      %dma_wait3A_164 = arith.constant 0 : i32
      %dma_wait3A_165 = tpu.memref_slice %arg5[%mul3A_157, %dma_wait3A_164] : memref<100000x128xf32, #tpu.memory_space<hbm>> -> memref<160x128xf32, #tpu.memory_space<hbm>>
      %dma_wait3A_166 = arith.constant 0 : i32
      %dma_wait3A_167 = arith.constant 0 : i32
      %dma_wait3A_168 = tpu.memref_slice %arg6[%dma_wait3A, %dma_wait3A_166, %dma_wait3A_167] : memref<4x160x128xf32, #tpu.memory_space<vmem>> -> memref<1x160x128xf32, #tpu.memory_space<vmem>>
      %dma_wait3A_169 = tpu.memref_squeeze %dma_wait3A_168 : memref<1x160x128xf32, #tpu.memory_space<vmem>> -> memref<160x128xf32, #tpu.memory_space<vmem>>
      tpu.wait_dma2 semaphore(%arg21 : memref<!tpu.dma_semaphore, #tpu.memory_space<semaphore_mem>>) src(%dma_wait3A_169 : memref<160x128xf32, #tpu.memory_space<vmem>>) dst(%dma_wait3A_165 : memref<160x128xf32, #tpu.memory_space<hbm>>)
    } else {
    }
    %ge3A_133 = arith.constant 0 : i32
    %ge3A_134 = arith.cmpi sge, %sub3A_112, %ge3A_133 : i32
    %rem3A_135 = arith.constant 4 : i32
    %rem3A_136 = arith.remsi %sub3A_112, %rem3A_135 : i32
    %eq3A_137 = arith.constant 2 : i32
    %eq3A_138 = arith.cmpi eq, %rem3A_136, %eq3A_137 : i32
    %and3A_139 = arith.andi %ge3A_134, %eq3A_138 : i1
    %convert_element_type3A_140 = arith.extui %and3A_139 : i1 to i32
    %cond3A_141 = arith.constant 0 : i32
    %cond3A_142 = arith.cmpi ne, %convert_element_type3A_140, %cond3A_141 : i32
    scf.if %cond3A_142 {
      %mul3A_153 = arith.constant 32 : i32
      %mul3A_154 = arith.muli %sub3A_112, %mul3A_153 : i32
      %add3A_155 = arith.addi %add3A, %mul3A_154 : i32
      %mul3A_156 = arith.constant 160 : i32
      %mul3A_157 = arith.muli %add3A_155, %mul3A_156 : i32
      %dma_wait3A = arith.constant 2 : i32
      %dma_wait3A_158 = arith.constant 0 : i32
      %dma_wait3A_159 = arith.constant 0 : i32
      %dma_wait3A_160 = tpu.memref_slice %arg6[%dma_wait3A, %dma_wait3A_158, %dma_wait3A_159] : memref<4x160x128xf32, #tpu.memory_space<vmem>> -> memref<1x160x128xf32, #tpu.memory_space<vmem>>
      %dma_wait3A_161 = tpu.memref_squeeze %dma_wait3A_160 : memref<1x160x128xf32, #tpu.memory_space<vmem>> -> memref<160x128xf32, #tpu.memory_space<vmem>>
      %dma_wait3A_162 = arith.constant 0 : i32
      %dma_wait3A_163 = tpu.memref_slice %arg5[%mul3A_157, %dma_wait3A_162] : memref<100000x128xf32, #tpu.memory_space<hbm>> -> memref<160x128xf32, #tpu.memory_space<hbm>>
      %dma_wait3A_164 = arith.constant 0 : i32
      %dma_wait3A_165 = tpu.memref_slice %arg5[%mul3A_157, %dma_wait3A_164] : memref<100000x128xf32, #tpu.memory_space<hbm>> -> memref<160x128xf32, #tpu.memory_space<hbm>>
      %dma_wait3A_166 = arith.constant 0 : i32
      %dma_wait3A_167 = arith.constant 0 : i32
      %dma_wait3A_168 = tpu.memref_slice %arg6[%dma_wait3A, %dma_wait3A_166, %dma_wait3A_167] : memref<4x160x128xf32, #tpu.memory_space<vmem>> -> memref<1x160x128xf32, #tpu.memory_space<vmem>>
      %dma_wait3A_169 = tpu.memref_squeeze %dma_wait3A_168 : memref<1x160x128xf32, #tpu.memory_space<vmem>> -> memref<160x128xf32, #tpu.memory_space<vmem>>
      tpu.wait_dma2 semaphore(%arg22 : memref<!tpu.dma_semaphore, #tpu.memory_space<semaphore_mem>>) src(%dma_wait3A_169 : memref<160x128xf32, #tpu.memory_space<vmem>>) dst(%dma_wait3A_165 : memref<160x128xf32, #tpu.memory_space<hbm>>)
    } else {
    }
    %ge3A_143 = arith.constant 0 : i32
    %ge3A_144 = arith.cmpi sge, %sub3A_112, %ge3A_143 : i32
    %rem3A_145 = arith.constant 4 : i32
    %rem3A_146 = arith.remsi %sub3A_112, %rem3A_145 : i32
    %eq3A_147 = arith.constant 3 : i32
    %eq3A_148 = arith.cmpi eq, %rem3A_146, %eq3A_147 : i32
    %and3A_149 = arith.andi %ge3A_144, %eq3A_148 : i1
    %convert_element_type3A_150 = arith.extui %and3A_149 : i1 to i32
    %cond3A_151 = arith.constant 0 : i32
    %cond3A_152 = arith.cmpi ne, %convert_element_type3A_150, %cond3A_151 : i32
    scf.if %cond3A_152 {
      %mul3A_153 = arith.constant 32 : i32
      %mul3A_154 = arith.muli %sub3A_112, %mul3A_153 : i32
      %add3A_155 = arith.addi %add3A, %mul3A_154 : i32
      %mul3A_156 = arith.constant 160 : i32
      %mul3A_157 = arith.muli %add3A_155, %mul3A_156 : i32
      %dma_wait3A = arith.constant 3 : i32
      %dma_wait3A_158 = arith.constant 0 : i32
      %dma_wait3A_159 = arith.constant 0 : i32
      %dma_wait3A_160 = tpu.memref_slice %arg6[%dma_wait3A, %dma_wait3A_158, %dma_wait3A_159] : memref<4x160x128xf32, #tpu.memory_space<vmem>> -> memref<1x160x128xf32, #tpu.memory_space<vmem>>
      %dma_wait3A_161 = tpu.memref_squeeze %dma_wait3A_160 : memref<1x160x128xf32, #tpu.memory_space<vmem>> -> memref<160x128xf32, #tpu.memory_space<vmem>>
      %dma_wait3A_162 = arith.constant 0 : i32
      %dma_wait3A_163 = tpu.memref_slice %arg5[%mul3A_157, %dma_wait3A_162] : memref<100000x128xf32, #tpu.memory_space<hbm>> -> memref<160x128xf32, #tpu.memory_space<hbm>>
      %dma_wait3A_164 = arith.constant 0 : i32
      %dma_wait3A_165 = tpu.memref_slice %arg5[%mul3A_157, %dma_wait3A_164] : memref<100000x128xf32, #tpu.memory_space<hbm>> -> memref<160x128xf32, #tpu.memory_space<hbm>>
      %dma_wait3A_166 = arith.constant 0 : i32
      %dma_wait3A_167 = arith.constant 0 : i32
      %dma_wait3A_168 = tpu.memref_slice %arg6[%dma_wait3A, %dma_wait3A_166, %dma_wait3A_167] : memref<4x160x128xf32, #tpu.memory_space<vmem>> -> memref<1x160x128xf32, #tpu.memory_space<vmem>>
      %dma_wait3A_169 = tpu.memref_squeeze %dma_wait3A_168 : memref<1x160x128xf32, #tpu.memory_space<vmem>> -> memref<160x128xf32, #tpu.memory_space<vmem>>
      tpu.wait_dma2 semaphore(%arg23 : memref<!tpu.dma_semaphore, #tpu.memory_space<semaphore_mem>>) src(%dma_wait3A_169 : memref<160x128xf32, #tpu.memory_space<vmem>>) dst(%dma_wait3A_165 : memref<160x128xf32, #tpu.memory_space<hbm>>)
    } else {
    }
    return
  }
}

#map = affine_map<(d0, d1) -> (0, 0)>
#map1 = affine_map<(d0, d1) -> (0)>
#map2 = affine_map<(d0, d1) -> (0, 0, 0)>
module attributes {stable_mosaic.version = 14 : i64} {
  func.func @_sc_pool(%arg0: i32, %arg1: i32, %arg2: memref<100000x128xf32, #tpu.memory_space<hbm>>, %arg3: memref<100000xi32, #tpu.memory_space<hbm>>, %arg4: memref<2x128x128xf32, #tpu.memory_space<hbm>>, %arg5: memref<4x128x128xf32, #tpu.memory_space<vmem>>, %arg6: memref<128xi32, #tpu.memory_space<vmem>>, %arg7: memref<128xi32, #tpu.memory_space<vmem>>, %arg8: memref<128xi32, #tpu.memory_space<vmem>>, %arg9: memref<128xi32, #tpu.memory_space<vmem>>, %arg10: memref<32xi32, #tpu.memory_space<vmem>>, %arg11: memref<8x128xf32, #tpu.memory_space<vmem>>, %arg12: memref<128x128xf32, #tpu.memory_space<vmem_shared>>, %arg13: memref<!tpu.dma_semaphore, #tpu.memory_space<semaphore_mem>>, %arg14: memref<!tpu.dma_semaphore, #tpu.memory_space<semaphore_mem>>, %arg15: memref<!tpu.dma_semaphore, #tpu.memory_space<semaphore_mem>>, %arg16: memref<!tpu.dma_semaphore, #tpu.memory_space<semaphore_mem>>, %arg17: memref<!tpu.dma_semaphore, #tpu.memory_space<semaphore_mem>>, %arg18: memref<!tpu.dma_semaphore, #tpu.memory_space<semaphore_mem>>, %arg19: memref<!tpu.dma_semaphore, #tpu.memory_space<semaphore_mem>>, %arg20: memref<!tpu.dma_semaphore, #tpu.memory_space<semaphore_mem>>) attributes {dimension_semantics = [#tpu.dimension_semantics<core_parallel>, #tpu.dimension_semantics<subcore_parallel>], iteration_bounds = array<i64: 2, 16>, scalar_prefetch = 0 : i64, scratch_operands = 16 : i64, tpu.core_type = #tpu.core_type<sc_vector_subcore>, window_params = [{transform_indices = #map}, {transform_indices = #map1}, {transform_indices = #map2}]} {
    %mul3A = arith.constant 2 : i32
    %mul3A_0 = arith.muli %arg1, %mul3A : i32
    %add3A = arith.addi %mul3A_0, %arg0 : i32
    %mul3A_1 = arith.constant 128 : i32
    %mul3A_2 = arith.muli %add3A, %mul3A_1 : i32
    %dma_start3A = arith.constant 0 : i32
    %dma_start3A_3 = arith.constant 0 : i32
    %dma_start3A_4 = arith.constant 0 : i32
    %dma_start3A_5 = tpu.memref_slice %arg5[%dma_start3A, %dma_start3A_3, %dma_start3A_4] : memref<4x128x128xf32, #tpu.memory_space<vmem>> -> memref<1x128x128xf32, #tpu.memory_space<vmem>>
    %dma_start3A_6 = tpu.memref_squeeze %dma_start3A_5 : memref<1x128x128xf32, #tpu.memory_space<vmem>> -> memref<128x128xf32, #tpu.memory_space<vmem>>
    %dma_start3A_7 = arith.constant 0 : i32
    %dma_start3A_8 = tpu.memref_slice %arg2[%mul3A_2, %dma_start3A_7] : memref<100000x128xf32, #tpu.memory_space<hbm>> -> memref<128x128xf32, #tpu.memory_space<hbm>>
    %dma_start3A_9 = arith.constant 0 : i32
    %dma_start3A_10 = arith.constant 0 : i32
    %dma_start3A_11 = tpu.memref_slice %arg5[%dma_start3A, %dma_start3A_9, %dma_start3A_10] : memref<4x128x128xf32, #tpu.memory_space<vmem>> -> memref<1x128x128xf32, #tpu.memory_space<vmem>>
    %dma_start3A_12 = tpu.memref_squeeze %dma_start3A_11 : memref<1x128x128xf32, #tpu.memory_space<vmem>> -> memref<128x128xf32, #tpu.memory_space<vmem>>
    %dma_start3A_13 = arith.constant 0 : i32
    %dma_start3A_14 = tpu.memref_slice %arg2[%mul3A_2, %dma_start3A_13] : memref<100000x128xf32, #tpu.memory_space<hbm>> -> memref<128x128xf32, #tpu.memory_space<hbm>>
    tpu.enqueue_dma source(%dma_start3A_14 : memref<128x128xf32, #tpu.memory_space<hbm>>) target(%dma_start3A_12 : memref<128x128xf32, #tpu.memory_space<vmem>>) target_semaphore(%arg13 : memref<!tpu.dma_semaphore, #tpu.memory_space<semaphore_mem>>)
    %mul3A_15 = arith.constant 128 : i32
    %mul3A_16 = arith.muli %add3A, %mul3A_15 : i32
    %dma_start3A_17 = tpu.memref_slice %arg3[%mul3A_16] : memref<100000xi32, #tpu.memory_space<hbm>> -> memref<128xi32, #tpu.memory_space<hbm>>
    %dma_start3A_18 = tpu.memref_slice %arg3[%mul3A_16] : memref<100000xi32, #tpu.memory_space<hbm>> -> memref<128xi32, #tpu.memory_space<hbm>>
    tpu.enqueue_dma source(%dma_start3A_18 : memref<128xi32, #tpu.memory_space<hbm>>) target(%arg6 : memref<128xi32, #tpu.memory_space<vmem>>) target_semaphore(%arg17 : memref<!tpu.dma_semaphore, #tpu.memory_space<semaphore_mem>>)
    %add3A_19 = arith.constant 32 : i32
    %add3A_20 = arith.addi %add3A, %add3A_19 : i32
    %lt3A = arith.constant 781 : i32
    %lt3A_21 = arith.cmpi slt, %add3A_20, %lt3A : i32
    %convert_element_type3A = arith.extui %lt3A_21 : i1 to i32
    %cond3A = arith.constant 0 : i32
    %cond3A_22 = arith.cmpi ne, %convert_element_type3A, %cond3A : i32
    scf.if %cond3A_22 {
      %add3A_426 = arith.constant 32 : i32
      %add3A_427 = arith.addi %add3A, %add3A_426 : i32
      %mul3A_428 = arith.constant 128 : i32
      %mul3A_429 = arith.muli %add3A_427, %mul3A_428 : i32
      %dma_start3A_430 = arith.constant 1 : i32
      %dma_start3A_431 = arith.constant 0 : i32
      %dma_start3A_432 = arith.constant 0 : i32
      %dma_start3A_433 = tpu.memref_slice %arg5[%dma_start3A_430, %dma_start3A_431, %dma_start3A_432] : memref<4x128x128xf32, #tpu.memory_space<vmem>> -> memref<1x128x128xf32, #tpu.memory_space<vmem>>
      %dma_start3A_434 = tpu.memref_squeeze %dma_start3A_433 : memref<1x128x128xf32, #tpu.memory_space<vmem>> -> memref<128x128xf32, #tpu.memory_space<vmem>>
      %dma_start3A_435 = arith.constant 0 : i32
      %dma_start3A_436 = tpu.memref_slice %arg2[%mul3A_429, %dma_start3A_435] : memref<100000x128xf32, #tpu.memory_space<hbm>> -> memref<128x128xf32, #tpu.memory_space<hbm>>
      %dma_start3A_437 = arith.constant 0 : i32
      %dma_start3A_438 = arith.constant 0 : i32
      %dma_start3A_439 = tpu.memref_slice %arg5[%dma_start3A_430, %dma_start3A_437, %dma_start3A_438] : memref<4x128x128xf32, #tpu.memory_space<vmem>> -> memref<1x128x128xf32, #tpu.memory_space<vmem>>
      %dma_start3A_440 = tpu.memref_squeeze %dma_start3A_439 : memref<1x128x128xf32, #tpu.memory_space<vmem>> -> memref<128x128xf32, #tpu.memory_space<vmem>>
      %dma_start3A_441 = arith.constant 0 : i32
      %dma_start3A_442 = tpu.memref_slice %arg2[%mul3A_429, %dma_start3A_441] : memref<100000x128xf32, #tpu.memory_space<hbm>> -> memref<128x128xf32, #tpu.memory_space<hbm>>
      tpu.enqueue_dma source(%dma_start3A_442 : memref<128x128xf32, #tpu.memory_space<hbm>>) target(%dma_start3A_440 : memref<128x128xf32, #tpu.memory_space<vmem>>) target_semaphore(%arg14 : memref<!tpu.dma_semaphore, #tpu.memory_space<semaphore_mem>>)
      %mul3A_443 = arith.constant 128 : i32
      %mul3A_444 = arith.muli %add3A_427, %mul3A_443 : i32
      %dma_start3A_445 = tpu.memref_slice %arg3[%mul3A_444] : memref<100000xi32, #tpu.memory_space<hbm>> -> memref<128xi32, #tpu.memory_space<hbm>>
      %dma_start3A_446 = tpu.memref_slice %arg3[%mul3A_444] : memref<100000xi32, #tpu.memory_space<hbm>> -> memref<128xi32, #tpu.memory_space<hbm>>
      tpu.enqueue_dma source(%dma_start3A_446 : memref<128xi32, #tpu.memory_space<hbm>>) target(%arg7 : memref<128xi32, #tpu.memory_space<vmem>>) target_semaphore(%arg18 : memref<!tpu.dma_semaphore, #tpu.memory_space<semaphore_mem>>)
    } else {
    }
    %broadcast_in_dim3A = arith.constant 0.000000e+00 : f32
    %broadcast_in_dim3A_23 = vector.broadcast %broadcast_in_dim3A : f32 to vector<16xf32>
    %swap3A = arith.constant 0 : i32
    %swap3A_24 = arith.index_cast %swap3A : i32 to index
    %swap3A_25 = arith.constant 0 : index
    %swap3A_26 = tpu.vector_load %arg11[%swap3A_24, %swap3A_25] {strides = array<i32>} : memref<8x128xf32, #tpu.memory_space<vmem>>, vector<1x16xf32>,
    %swap3A_27 = vector.shape_cast %swap3A_26 : vector<1x16xf32> to vector<16xf32>
    %swap3A_28 = vector.shape_cast %broadcast_in_dim3A_23 : vector<16xf32> to vector<1x16xf32>
    tpu.vector_store %arg11[%swap3A_24, %swap3A_25], %swap3A_28 {strides = array<i32>} : memref<8x128xf32, #tpu.memory_space<vmem>>, vector<1x16xf32>,
    %swap3A_29 = arith.constant 0 : i32
    %swap3A_30 = arith.index_cast %swap3A_29 : i32 to index
    %swap3A_31 = arith.constant 16 : index
    %swap3A_32 = tpu.vector_load %arg11[%swap3A_30, %swap3A_31] {strides = array<i32>} : memref<8x128xf32, #tpu.memory_space<vmem>>, vector<1x16xf32>,
    %swap3A_33 = vector.shape_cast %swap3A_32 : vector<1x16xf32> to vector<16xf32>
    %swap3A_34 = vector.shape_cast %broadcast_in_dim3A_23 : vector<16xf32> to vector<1x16xf32>
    tpu.vector_store %arg11[%swap3A_30, %swap3A_31], %swap3A_34 {strides = array<i32>} : memref<8x128xf32, #tpu.memory_space<vmem>>, vector<1x16xf32>,
    %swap3A_35 = arith.constant 0 : i32
    %swap3A_36 = arith.index_cast %swap3A_35 : i32 to index
    %swap3A_37 = arith.constant 32 : index
    %swap3A_38 = tpu.vector_load %arg11[%swap3A_36, %swap3A_37] {strides = array<i32>} : memref<8x128xf32, #tpu.memory_space<vmem>>, vector<1x16xf32>,
    %swap3A_39 = vector.shape_cast %swap3A_38 : vector<1x16xf32> to vector<16xf32>
    %swap3A_40 = vector.shape_cast %broadcast_in_dim3A_23 : vector<16xf32> to vector<1x16xf32>
    tpu.vector_store %arg11[%swap3A_36, %swap3A_37], %swap3A_40 {strides = array<i32>} : memref<8x128xf32, #tpu.memory_space<vmem>>, vector<1x16xf32>,
    %swap3A_41 = arith.constant 0 : i32
    %swap3A_42 = arith.index_cast %swap3A_41 : i32 to index
    %swap3A_43 = arith.constant 48 : index
    %swap3A_44 = tpu.vector_load %arg11[%swap3A_42, %swap3A_43] {strides = array<i32>} : memref<8x128xf32, #tpu.memory_space<vmem>>, vector<1x16xf32>,
    %swap3A_45 = vector.shape_cast %swap3A_44 : vector<1x16xf32> to vector<16xf32>
    %swap3A_46 = vector.shape_cast %broadcast_in_dim3A_23 : vector<16xf32> to vector<1x16xf32>
    tpu.vector_store %arg11[%swap3A_42, %swap3A_43], %swap3A_46 {strides = array<i32>} : memref<8x128xf32, #tpu.memory_space<vmem>>, vector<1x16xf32>,
    %swap3A_47 = arith.constant 0 : i32
    %swap3A_48 = arith.index_cast %swap3A_47 : i32 to index
    %swap3A_49 = arith.constant 64 : index
    %swap3A_50 = tpu.vector_load %arg11[%swap3A_48, %swap3A_49] {strides = array<i32>} : memref<8x128xf32, #tpu.memory_space<vmem>>, vector<1x16xf32>,
    %swap3A_51 = vector.shape_cast %swap3A_50 : vector<1x16xf32> to vector<16xf32>
    %swap3A_52 = vector.shape_cast %broadcast_in_dim3A_23 : vector<16xf32> to vector<1x16xf32>
    tpu.vector_store %arg11[%swap3A_48, %swap3A_49], %swap3A_52 {strides = array<i32>} : memref<8x128xf32, #tpu.memory_space<vmem>>, vector<1x16xf32>,
    %swap3A_53 = arith.constant 0 : i32
    %swap3A_54 = arith.index_cast %swap3A_53 : i32 to index
    %swap3A_55 = arith.constant 80 : index
    %swap3A_56 = tpu.vector_load %arg11[%swap3A_54, %swap3A_55] {strides = array<i32>} : memref<8x128xf32, #tpu.memory_space<vmem>>, vector<1x16xf32>,
    %swap3A_57 = vector.shape_cast %swap3A_56 : vector<1x16xf32> to vector<16xf32>
    %swap3A_58 = vector.shape_cast %broadcast_in_dim3A_23 : vector<16xf32> to vector<1x16xf32>
    tpu.vector_store %arg11[%swap3A_54, %swap3A_55], %swap3A_58 {strides = array<i32>} : memref<8x128xf32, #tpu.memory_space<vmem>>, vector<1x16xf32>,
    %swap3A_59 = arith.constant 0 : i32
    %swap3A_60 = arith.index_cast %swap3A_59 : i32 to index
    %swap3A_61 = arith.constant 96 : index
    %swap3A_62 = tpu.vector_load %arg11[%swap3A_60, %swap3A_61] {strides = array<i32>} : memref<8x128xf32, #tpu.memory_space<vmem>>, vector<1x16xf32>,
    %swap3A_63 = vector.shape_cast %swap3A_62 : vector<1x16xf32> to vector<16xf32>
    %swap3A_64 = vector.shape_cast %broadcast_in_dim3A_23 : vector<16xf32> to vector<1x16xf32>
    tpu.vector_store %arg11[%swap3A_60, %swap3A_61], %swap3A_64 {strides = array<i32>} : memref<8x128xf32, #tpu.memory_space<vmem>>, vector<1x16xf32>,
    %swap3A_65 = arith.constant 0 : i32
    %swap3A_66 = arith.index_cast %swap3A_65 : i32 to index
    %swap3A_67 = arith.constant 112 : index
    %swap3A_68 = tpu.vector_load %arg11[%swap3A_66, %swap3A_67] {strides = array<i32>} : memref<8x128xf32, #tpu.memory_space<vmem>>, vector<1x16xf32>,
    %swap3A_69 = vector.shape_cast %swap3A_68 : vector<1x16xf32> to vector<16xf32>
    %swap3A_70 = vector.shape_cast %broadcast_in_dim3A_23 : vector<16xf32> to vector<1x16xf32>
    tpu.vector_store %arg11[%swap3A_66, %swap3A_67], %swap3A_70 {strides = array<i32>} : memref<8x128xf32, #tpu.memory_space<vmem>>, vector<1x16xf32>,
    %swap3A_71 = arith.constant 1 : i32
    %swap3A_72 = arith.index_cast %swap3A_71 : i32 to index
    %swap3A_73 = arith.constant 0 : index
    %swap3A_74 = tpu.vector_load %arg11[%swap3A_72, %swap3A_73] {strides = array<i32>} : memref<8x128xf32, #tpu.memory_space<vmem>>, vector<1x16xf32>,
    %swap3A_75 = vector.shape_cast %swap3A_74 : vector<1x16xf32> to vector<16xf32>
    %swap3A_76 = vector.shape_cast %broadcast_in_dim3A_23 : vector<16xf32> to vector<1x16xf32>
    tpu.vector_store %arg11[%swap3A_72, %swap3A_73], %swap3A_76 {strides = array<i32>} : memref<8x128xf32, #tpu.memory_space<vmem>>, vector<1x16xf32>,
    %swap3A_77 = arith.constant 1 : i32
    %swap3A_78 = arith.index_cast %swap3A_77 : i32 to index
    %swap3A_79 = arith.constant 16 : index
    %swap3A_80 = tpu.vector_load %arg11[%swap3A_78, %swap3A_79] {strides = array<i32>} : memref<8x128xf32, #tpu.memory_space<vmem>>, vector<1x16xf32>,
    %swap3A_81 = vector.shape_cast %swap3A_80 : vector<1x16xf32> to vector<16xf32>
    %swap3A_82 = vector.shape_cast %broadcast_in_dim3A_23 : vector<16xf32> to vector<1x16xf32>
    tpu.vector_store %arg11[%swap3A_78, %swap3A_79], %swap3A_82 {strides = array<i32>} : memref<8x128xf32, #tpu.memory_space<vmem>>, vector<1x16xf32>,
    %swap3A_83 = arith.constant 1 : i32
    %swap3A_84 = arith.index_cast %swap3A_83 : i32 to index
    %swap3A_85 = arith.constant 32 : index
    %swap3A_86 = tpu.vector_load %arg11[%swap3A_84, %swap3A_85] {strides = array<i32>} : memref<8x128xf32, #tpu.memory_space<vmem>>, vector<1x16xf32>,
    %swap3A_87 = vector.shape_cast %swap3A_86 : vector<1x16xf32> to vector<16xf32>
    %swap3A_88 = vector.shape_cast %broadcast_in_dim3A_23 : vector<16xf32> to vector<1x16xf32>
    tpu.vector_store %arg11[%swap3A_84, %swap3A_85], %swap3A_88 {strides = array<i32>} : memref<8x128xf32, #tpu.memory_space<vmem>>, vector<1x16xf32>,
    %swap3A_89 = arith.constant 1 : i32
    %swap3A_90 = arith.index_cast %swap3A_89 : i32 to index
    %swap3A_91 = arith.constant 48 : index
    %swap3A_92 = tpu.vector_load %arg11[%swap3A_90, %swap3A_91] {strides = array<i32>} : memref<8x128xf32, #tpu.memory_space<vmem>>, vector<1x16xf32>,
    %swap3A_93 = vector.shape_cast %swap3A_92 : vector<1x16xf32> to vector<16xf32>
    %swap3A_94 = vector.shape_cast %broadcast_in_dim3A_23 : vector<16xf32> to vector<1x16xf32>
    tpu.vector_store %arg11[%swap3A_90, %swap3A_91], %swap3A_94 {strides = array<i32>} : memref<8x128xf32, #tpu.memory_space<vmem>>, vector<1x16xf32>,
    %swap3A_95 = arith.constant 1 : i32
    %swap3A_96 = arith.index_cast %swap3A_95 : i32 to index
    %swap3A_97 = arith.constant 64 : index
    %swap3A_98 = tpu.vector_load %arg11[%swap3A_96, %swap3A_97] {strides = array<i32>} : memref<8x128xf32, #tpu.memory_space<vmem>>, vector<1x16xf32>,
    %swap3A_99 = vector.shape_cast %swap3A_98 : vector<1x16xf32> to vector<16xf32>
    %swap3A_100 = vector.shape_cast %broadcast_in_dim3A_23 : vector<16xf32> to vector<1x16xf32>
    tpu.vector_store %arg11[%swap3A_96, %swap3A_97], %swap3A_100 {strides = array<i32>} : memref<8x128xf32, #tpu.memory_space<vmem>>, vector<1x16xf32>,
    %swap3A_101 = arith.constant 1 : i32
    %swap3A_102 = arith.index_cast %swap3A_101 : i32 to index
    %swap3A_103 = arith.constant 80 : index
    %swap3A_104 = tpu.vector_load %arg11[%swap3A_102, %swap3A_103] {strides = array<i32>} : memref<8x128xf32, #tpu.memory_space<vmem>>, vector<1x16xf32>,
    %swap3A_105 = vector.shape_cast %swap3A_104 : vector<1x16xf32> to vector<16xf32>
    %swap3A_106 = vector.shape_cast %broadcast_in_dim3A_23 : vector<16xf32> to vector<1x16xf32>
    tpu.vector_store %arg11[%swap3A_102, %swap3A_103], %swap3A_106 {strides = array<i32>} : memref<8x128xf32, #tpu.memory_space<vmem>>, vector<1x16xf32>,
    %swap3A_107 = arith.constant 1 : i32
    %swap3A_108 = arith.index_cast %swap3A_107 : i32 to index
    %swap3A_109 = arith.constant 96 : index
    %swap3A_110 = tpu.vector_load %arg11[%swap3A_108, %swap3A_109] {strides = array<i32>} : memref<8x128xf32, #tpu.memory_space<vmem>>, vector<1x16xf32>,
    %swap3A_111 = vector.shape_cast %swap3A_110 : vector<1x16xf32> to vector<16xf32>
    %swap3A_112 = vector.shape_cast %broadcast_in_dim3A_23 : vector<16xf32> to vector<1x16xf32>
    tpu.vector_store %arg11[%swap3A_108, %swap3A_109], %swap3A_112 {strides = array<i32>} : memref<8x128xf32, #tpu.memory_space<vmem>>, vector<1x16xf32>,
    %swap3A_113 = arith.constant 1 : i32
    %swap3A_114 = arith.index_cast %swap3A_113 : i32 to index
    %swap3A_115 = arith.constant 112 : index
    %swap3A_116 = tpu.vector_load %arg11[%swap3A_114, %swap3A_115] {strides = array<i32>} : memref<8x128xf32, #tpu.memory_space<vmem>>, vector<1x16xf32>,
    %swap3A_117 = vector.shape_cast %swap3A_116 : vector<1x16xf32> to vector<16xf32>
    %swap3A_118 = vector.shape_cast %broadcast_in_dim3A_23 : vector<16xf32> to vector<1x16xf32>
    tpu.vector_store %arg11[%swap3A_114, %swap3A_115], %swap3A_118 {strides = array<i32>} : memref<8x128xf32, #tpu.memory_space<vmem>>, vector<1x16xf32>,
    %swap3A_119 = arith.constant 2 : i32
    %swap3A_120 = arith.index_cast %swap3A_119 : i32 to index
    %swap3A_121 = arith.constant 0 : index
    %swap3A_122 = tpu.vector_load %arg11[%swap3A_120, %swap3A_121] {strides = array<i32>} : memref<8x128xf32, #tpu.memory_space<vmem>>, vector<1x16xf32>,
    %swap3A_123 = vector.shape_cast %swap3A_122 : vector<1x16xf32> to vector<16xf32>
    %swap3A_124 = vector.shape_cast %broadcast_in_dim3A_23 : vector<16xf32> to vector<1x16xf32>
    tpu.vector_store %arg11[%swap3A_120, %swap3A_121], %swap3A_124 {strides = array<i32>} : memref<8x128xf32, #tpu.memory_space<vmem>>, vector<1x16xf32>,
    %swap3A_125 = arith.constant 2 : i32
    %swap3A_126 = arith.index_cast %swap3A_125 : i32 to index
    %swap3A_127 = arith.constant 16 : index
    %swap3A_128 = tpu.vector_load %arg11[%swap3A_126, %swap3A_127] {strides = array<i32>} : memref<8x128xf32, #tpu.memory_space<vmem>>, vector<1x16xf32>,
    %swap3A_129 = vector.shape_cast %swap3A_128 : vector<1x16xf32> to vector<16xf32>
    %swap3A_130 = vector.shape_cast %broadcast_in_dim3A_23 : vector<16xf32> to vector<1x16xf32>
    tpu.vector_store %arg11[%swap3A_126, %swap3A_127], %swap3A_130 {strides = array<i32>} : memref<8x128xf32, #tpu.memory_space<vmem>>, vector<1x16xf32>,
    %swap3A_131 = arith.constant 2 : i32
    %swap3A_132 = arith.index_cast %swap3A_131 : i32 to index
    %swap3A_133 = arith.constant 32 : index
    %swap3A_134 = tpu.vector_load %arg11[%swap3A_132, %swap3A_133] {strides = array<i32>} : memref<8x128xf32, #tpu.memory_space<vmem>>, vector<1x16xf32>,
    %swap3A_135 = vector.shape_cast %swap3A_134 : vector<1x16xf32> to vector<16xf32>
    %swap3A_136 = vector.shape_cast %broadcast_in_dim3A_23 : vector<16xf32> to vector<1x16xf32>
    tpu.vector_store %arg11[%swap3A_132, %swap3A_133], %swap3A_136 {strides = array<i32>} : memref<8x128xf32, #tpu.memory_space<vmem>>, vector<1x16xf32>,
    %swap3A_137 = arith.constant 2 : i32
    %swap3A_138 = arith.index_cast %swap3A_137 : i32 to index
    %swap3A_139 = arith.constant 48 : index
    %swap3A_140 = tpu.vector_load %arg11[%swap3A_138, %swap3A_139] {strides = array<i32>} : memref<8x128xf32, #tpu.memory_space<vmem>>, vector<1x16xf32>,
    %swap3A_141 = vector.shape_cast %swap3A_140 : vector<1x16xf32> to vector<16xf32>
    %swap3A_142 = vector.shape_cast %broadcast_in_dim3A_23 : vector<16xf32> to vector<1x16xf32>
    tpu.vector_store %arg11[%swap3A_138, %swap3A_139], %swap3A_142 {strides = array<i32>} : memref<8x128xf32, #tpu.memory_space<vmem>>, vector<1x16xf32>,
    %swap3A_143 = arith.constant 2 : i32
    %swap3A_144 = arith.index_cast %swap3A_143 : i32 to index
    %swap3A_145 = arith.constant 64 : index
    %swap3A_146 = tpu.vector_load %arg11[%swap3A_144, %swap3A_145] {strides = array<i32>} : memref<8x128xf32, #tpu.memory_space<vmem>>, vector<1x16xf32>,
    %swap3A_147 = vector.shape_cast %swap3A_146 : vector<1x16xf32> to vector<16xf32>
    %swap3A_148 = vector.shape_cast %broadcast_in_dim3A_23 : vector<16xf32> to vector<1x16xf32>
    tpu.vector_store %arg11[%swap3A_144, %swap3A_145], %swap3A_148 {strides = array<i32>} : memref<8x128xf32, #tpu.memory_space<vmem>>, vector<1x16xf32>,
    %swap3A_149 = arith.constant 2 : i32
    %swap3A_150 = arith.index_cast %swap3A_149 : i32 to index
    %swap3A_151 = arith.constant 80 : index
    %swap3A_152 = tpu.vector_load %arg11[%swap3A_150, %swap3A_151] {strides = array<i32>} : memref<8x128xf32, #tpu.memory_space<vmem>>, vector<1x16xf32>,
    %swap3A_153 = vector.shape_cast %swap3A_152 : vector<1x16xf32> to vector<16xf32>
    %swap3A_154 = vector.shape_cast %broadcast_in_dim3A_23 : vector<16xf32> to vector<1x16xf32>
    tpu.vector_store %arg11[%swap3A_150, %swap3A_151], %swap3A_154 {strides = array<i32>} : memref<8x128xf32, #tpu.memory_space<vmem>>, vector<1x16xf32>,
    %swap3A_155 = arith.constant 2 : i32
    %swap3A_156 = arith.index_cast %swap3A_155 : i32 to index
    %swap3A_157 = arith.constant 96 : index
    %swap3A_158 = tpu.vector_load %arg11[%swap3A_156, %swap3A_157] {strides = array<i32>} : memref<8x128xf32, #tpu.memory_space<vmem>>, vector<1x16xf32>,
    %swap3A_159 = vector.shape_cast %swap3A_158 : vector<1x16xf32> to vector<16xf32>
    %swap3A_160 = vector.shape_cast %broadcast_in_dim3A_23 : vector<16xf32> to vector<1x16xf32>
    tpu.vector_store %arg11[%swap3A_156, %swap3A_157], %swap3A_160 {strides = array<i32>} : memref<8x128xf32, #tpu.memory_space<vmem>>, vector<1x16xf32>,
    %swap3A_161 = arith.constant 2 : i32
    %swap3A_162 = arith.index_cast %swap3A_161 : i32 to index
    %swap3A_163 = arith.constant 112 : index
    %swap3A_164 = tpu.vector_load %arg11[%swap3A_162, %swap3A_163] {strides = array<i32>} : memref<8x128xf32, #tpu.memory_space<vmem>>, vector<1x16xf32>,
    %swap3A_165 = vector.shape_cast %swap3A_164 : vector<1x16xf32> to vector<16xf32>
    %swap3A_166 = vector.shape_cast %broadcast_in_dim3A_23 : vector<16xf32> to vector<1x16xf32>
    tpu.vector_store %arg11[%swap3A_162, %swap3A_163], %swap3A_166 {strides = array<i32>} : memref<8x128xf32, #tpu.memory_space<vmem>>, vector<1x16xf32>,
    %swap3A_167 = arith.constant 3 : i32
    %swap3A_168 = arith.index_cast %swap3A_167 : i32 to index
    %swap3A_169 = arith.constant 0 : index
    %swap3A_170 = tpu.vector_load %arg11[%swap3A_168, %swap3A_169] {strides = array<i32>} : memref<8x128xf32, #tpu.memory_space<vmem>>, vector<1x16xf32>,
    %swap3A_171 = vector.shape_cast %swap3A_170 : vector<1x16xf32> to vector<16xf32>
    %swap3A_172 = vector.shape_cast %broadcast_in_dim3A_23 : vector<16xf32> to vector<1x16xf32>
    tpu.vector_store %arg11[%swap3A_168, %swap3A_169], %swap3A_172 {strides = array<i32>} : memref<8x128xf32, #tpu.memory_space<vmem>>, vector<1x16xf32>,
    %swap3A_173 = arith.constant 3 : i32
    %swap3A_174 = arith.index_cast %swap3A_173 : i32 to index
    %swap3A_175 = arith.constant 16 : index
    %swap3A_176 = tpu.vector_load %arg11[%swap3A_174, %swap3A_175] {strides = array<i32>} : memref<8x128xf32, #tpu.memory_space<vmem>>, vector<1x16xf32>,
    %swap3A_177 = vector.shape_cast %swap3A_176 : vector<1x16xf32> to vector<16xf32>
    %swap3A_178 = vector.shape_cast %broadcast_in_dim3A_23 : vector<16xf32> to vector<1x16xf32>
    tpu.vector_store %arg11[%swap3A_174, %swap3A_175], %swap3A_178 {strides = array<i32>} : memref<8x128xf32, #tpu.memory_space<vmem>>, vector<1x16xf32>,
    %swap3A_179 = arith.constant 3 : i32
    %swap3A_180 = arith.index_cast %swap3A_179 : i32 to index
    %swap3A_181 = arith.constant 32 : index
    %swap3A_182 = tpu.vector_load %arg11[%swap3A_180, %swap3A_181] {strides = array<i32>} : memref<8x128xf32, #tpu.memory_space<vmem>>, vector<1x16xf32>,
    %swap3A_183 = vector.shape_cast %swap3A_182 : vector<1x16xf32> to vector<16xf32>
    %swap3A_184 = vector.shape_cast %broadcast_in_dim3A_23 : vector<16xf32> to vector<1x16xf32>
    tpu.vector_store %arg11[%swap3A_180, %swap3A_181], %swap3A_184 {strides = array<i32>} : memref<8x128xf32, #tpu.memory_space<vmem>>, vector<1x16xf32>,
    %swap3A_185 = arith.constant 3 : i32
    %swap3A_186 = arith.index_cast %swap3A_185 : i32 to index
    %swap3A_187 = arith.constant 48 : index
    %swap3A_188 = tpu.vector_load %arg11[%swap3A_186, %swap3A_187] {strides = array<i32>} : memref<8x128xf32, #tpu.memory_space<vmem>>, vector<1x16xf32>,
    %swap3A_189 = vector.shape_cast %swap3A_188 : vector<1x16xf32> to vector<16xf32>
    %swap3A_190 = vector.shape_cast %broadcast_in_dim3A_23 : vector<16xf32> to vector<1x16xf32>
    tpu.vector_store %arg11[%swap3A_186, %swap3A_187], %swap3A_190 {strides = array<i32>} : memref<8x128xf32, #tpu.memory_space<vmem>>, vector<1x16xf32>,
    %swap3A_191 = arith.constant 3 : i32
    %swap3A_192 = arith.index_cast %swap3A_191 : i32 to index
    %swap3A_193 = arith.constant 64 : index
    %swap3A_194 = tpu.vector_load %arg11[%swap3A_192, %swap3A_193] {strides = array<i32>} : memref<8x128xf32, #tpu.memory_space<vmem>>, vector<1x16xf32>,
    %swap3A_195 = vector.shape_cast %swap3A_194 : vector<1x16xf32> to vector<16xf32>
    %swap3A_196 = vector.shape_cast %broadcast_in_dim3A_23 : vector<16xf32> to vector<1x16xf32>
    tpu.vector_store %arg11[%swap3A_192, %swap3A_193], %swap3A_196 {strides = array<i32>} : memref<8x128xf32, #tpu.memory_space<vmem>>, vector<1x16xf32>,
    %swap3A_197 = arith.constant 3 : i32
    %swap3A_198 = arith.index_cast %swap3A_197 : i32 to index
    %swap3A_199 = arith.constant 80 : index
    %swap3A_200 = tpu.vector_load %arg11[%swap3A_198, %swap3A_199] {strides = array<i32>} : memref<8x128xf32, #tpu.memory_space<vmem>>, vector<1x16xf32>,
    %swap3A_201 = vector.shape_cast %swap3A_200 : vector<1x16xf32> to vector<16xf32>
    %swap3A_202 = vector.shape_cast %broadcast_in_dim3A_23 : vector<16xf32> to vector<1x16xf32>
    tpu.vector_store %arg11[%swap3A_198, %swap3A_199], %swap3A_202 {strides = array<i32>} : memref<8x128xf32, #tpu.memory_space<vmem>>, vector<1x16xf32>,
    %swap3A_203 = arith.constant 3 : i32
    %swap3A_204 = arith.index_cast %swap3A_203 : i32 to index
    %swap3A_205 = arith.constant 96 : index
    %swap3A_206 = tpu.vector_load %arg11[%swap3A_204, %swap3A_205] {strides = array<i32>} : memref<8x128xf32, #tpu.memory_space<vmem>>, vector<1x16xf32>,
    %swap3A_207 = vector.shape_cast %swap3A_206 : vector<1x16xf32> to vector<16xf32>
    %swap3A_208 = vector.shape_cast %broadcast_in_dim3A_23 : vector<16xf32> to vector<1x16xf32>
    tpu.vector_store %arg11[%swap3A_204, %swap3A_205], %swap3A_208 {strides = array<i32>} : memref<8x128xf32, #tpu.memory_space<vmem>>, vector<1x16xf32>,
    %swap3A_209 = arith.constant 3 : i32
    %swap3A_210 = arith.index_cast %swap3A_209 : i32 to index
    %swap3A_211 = arith.constant 112 : index
    %swap3A_212 = tpu.vector_load %arg11[%swap3A_210, %swap3A_211] {strides = array<i32>} : memref<8x128xf32, #tpu.memory_space<vmem>>, vector<1x16xf32>,
    %swap3A_213 = vector.shape_cast %swap3A_212 : vector<1x16xf32> to vector<16xf32>
    %swap3A_214 = vector.shape_cast %broadcast_in_dim3A_23 : vector<16xf32> to vector<1x16xf32>
    tpu.vector_store %arg11[%swap3A_210, %swap3A_211], %swap3A_214 {strides = array<i32>} : memref<8x128xf32, #tpu.memory_space<vmem>>, vector<1x16xf32>,
    %swap3A_215 = arith.constant 4 : i32
    %swap3A_216 = arith.index_cast %swap3A_215 : i32 to index
    %swap3A_217 = arith.constant 0 : index
    %swap3A_218 = tpu.vector_load %arg11[%swap3A_216, %swap3A_217] {strides = array<i32>} : memref<8x128xf32, #tpu.memory_space<vmem>>, vector<1x16xf32>,
    %swap3A_219 = vector.shape_cast %swap3A_218 : vector<1x16xf32> to vector<16xf32>
    %swap3A_220 = vector.shape_cast %broadcast_in_dim3A_23 : vector<16xf32> to vector<1x16xf32>
    tpu.vector_store %arg11[%swap3A_216, %swap3A_217], %swap3A_220 {strides = array<i32>} : memref<8x128xf32, #tpu.memory_space<vmem>>, vector<1x16xf32>,
    %swap3A_221 = arith.constant 4 : i32
    %swap3A_222 = arith.index_cast %swap3A_221 : i32 to index
    %swap3A_223 = arith.constant 16 : index
    %swap3A_224 = tpu.vector_load %arg11[%swap3A_222, %swap3A_223] {strides = array<i32>} : memref<8x128xf32, #tpu.memory_space<vmem>>, vector<1x16xf32>,
    %swap3A_225 = vector.shape_cast %swap3A_224 : vector<1x16xf32> to vector<16xf32>
    %swap3A_226 = vector.shape_cast %broadcast_in_dim3A_23 : vector<16xf32> to vector<1x16xf32>
    tpu.vector_store %arg11[%swap3A_222, %swap3A_223], %swap3A_226 {strides = array<i32>} : memref<8x128xf32, #tpu.memory_space<vmem>>, vector<1x16xf32>,
    %swap3A_227 = arith.constant 4 : i32
    %swap3A_228 = arith.index_cast %swap3A_227 : i32 to index
    %swap3A_229 = arith.constant 32 : index
    %swap3A_230 = tpu.vector_load %arg11[%swap3A_228, %swap3A_229] {strides = array<i32>} : memref<8x128xf32, #tpu.memory_space<vmem>>, vector<1x16xf32>,
    %swap3A_231 = vector.shape_cast %swap3A_230 : vector<1x16xf32> to vector<16xf32>
    %swap3A_232 = vector.shape_cast %broadcast_in_dim3A_23 : vector<16xf32> to vector<1x16xf32>
    tpu.vector_store %arg11[%swap3A_228, %swap3A_229], %swap3A_232 {strides = array<i32>} : memref<8x128xf32, #tpu.memory_space<vmem>>, vector<1x16xf32>,
    %swap3A_233 = arith.constant 4 : i32
    %swap3A_234 = arith.index_cast %swap3A_233 : i32 to index
    %swap3A_235 = arith.constant 48 : index
    %swap3A_236 = tpu.vector_load %arg11[%swap3A_234, %swap3A_235] {strides = array<i32>} : memref<8x128xf32, #tpu.memory_space<vmem>>, vector<1x16xf32>,
    %swap3A_237 = vector.shape_cast %swap3A_236 : vector<1x16xf32> to vector<16xf32>
    %swap3A_238 = vector.shape_cast %broadcast_in_dim3A_23 : vector<16xf32> to vector<1x16xf32>
    tpu.vector_store %arg11[%swap3A_234, %swap3A_235], %swap3A_238 {strides = array<i32>} : memref<8x128xf32, #tpu.memory_space<vmem>>, vector<1x16xf32>,
    %swap3A_239 = arith.constant 4 : i32
    %swap3A_240 = arith.index_cast %swap3A_239 : i32 to index
    %swap3A_241 = arith.constant 64 : index
    %swap3A_242 = tpu.vector_load %arg11[%swap3A_240, %swap3A_241] {strides = array<i32>} : memref<8x128xf32, #tpu.memory_space<vmem>>, vector<1x16xf32>,
    %swap3A_243 = vector.shape_cast %swap3A_242 : vector<1x16xf32> to vector<16xf32>
    %swap3A_244 = vector.shape_cast %broadcast_in_dim3A_23 : vector<16xf32> to vector<1x16xf32>
    tpu.vector_store %arg11[%swap3A_240, %swap3A_241], %swap3A_244 {strides = array<i32>} : memref<8x128xf32, #tpu.memory_space<vmem>>, vector<1x16xf32>,
    %swap3A_245 = arith.constant 4 : i32
    %swap3A_246 = arith.index_cast %swap3A_245 : i32 to index
    %swap3A_247 = arith.constant 80 : index
    %swap3A_248 = tpu.vector_load %arg11[%swap3A_246, %swap3A_247] {strides = array<i32>} : memref<8x128xf32, #tpu.memory_space<vmem>>, vector<1x16xf32>,
    %swap3A_249 = vector.shape_cast %swap3A_248 : vector<1x16xf32> to vector<16xf32>
    %swap3A_250 = vector.shape_cast %broadcast_in_dim3A_23 : vector<16xf32> to vector<1x16xf32>
    tpu.vector_store %arg11[%swap3A_246, %swap3A_247], %swap3A_250 {strides = array<i32>} : memref<8x128xf32, #tpu.memory_space<vmem>>, vector<1x16xf32>,
    %swap3A_251 = arith.constant 4 : i32
    %swap3A_252 = arith.index_cast %swap3A_251 : i32 to index
    %swap3A_253 = arith.constant 96 : index
    %swap3A_254 = tpu.vector_load %arg11[%swap3A_252, %swap3A_253] {strides = array<i32>} : memref<8x128xf32, #tpu.memory_space<vmem>>, vector<1x16xf32>,
    %swap3A_255 = vector.shape_cast %swap3A_254 : vector<1x16xf32> to vector<16xf32>
    %swap3A_256 = vector.shape_cast %broadcast_in_dim3A_23 : vector<16xf32> to vector<1x16xf32>
    tpu.vector_store %arg11[%swap3A_252, %swap3A_253], %swap3A_256 {strides = array<i32>} : memref<8x128xf32, #tpu.memory_space<vmem>>, vector<1x16xf32>,
    %swap3A_257 = arith.constant 4 : i32
    %swap3A_258 = arith.index_cast %swap3A_257 : i32 to index
    %swap3A_259 = arith.constant 112 : index
    %swap3A_260 = tpu.vector_load %arg11[%swap3A_258, %swap3A_259] {strides = array<i32>} : memref<8x128xf32, #tpu.memory_space<vmem>>, vector<1x16xf32>,
    %swap3A_261 = vector.shape_cast %swap3A_260 : vector<1x16xf32> to vector<16xf32>
    %swap3A_262 = vector.shape_cast %broadcast_in_dim3A_23 : vector<16xf32> to vector<1x16xf32>
    tpu.vector_store %arg11[%swap3A_258, %swap3A_259], %swap3A_262 {strides = array<i32>} : memref<8x128xf32, #tpu.memory_space<vmem>>, vector<1x16xf32>,
    %swap3A_263 = arith.constant 5 : i32
    %swap3A_264 = arith.index_cast %swap3A_263 : i32 to index
    %swap3A_265 = arith.constant 0 : index
    %swap3A_266 = tpu.vector_load %arg11[%swap3A_264, %swap3A_265] {strides = array<i32>} : memref<8x128xf32, #tpu.memory_space<vmem>>, vector<1x16xf32>,
    %swap3A_267 = vector.shape_cast %swap3A_266 : vector<1x16xf32> to vector<16xf32>
    %swap3A_268 = vector.shape_cast %broadcast_in_dim3A_23 : vector<16xf32> to vector<1x16xf32>
    tpu.vector_store %arg11[%swap3A_264, %swap3A_265], %swap3A_268 {strides = array<i32>} : memref<8x128xf32, #tpu.memory_space<vmem>>, vector<1x16xf32>,
    %swap3A_269 = arith.constant 5 : i32
    %swap3A_270 = arith.index_cast %swap3A_269 : i32 to index
    %swap3A_271 = arith.constant 16 : index
    %swap3A_272 = tpu.vector_load %arg11[%swap3A_270, %swap3A_271] {strides = array<i32>} : memref<8x128xf32, #tpu.memory_space<vmem>>, vector<1x16xf32>,
    %swap3A_273 = vector.shape_cast %swap3A_272 : vector<1x16xf32> to vector<16xf32>
    %swap3A_274 = vector.shape_cast %broadcast_in_dim3A_23 : vector<16xf32> to vector<1x16xf32>
    tpu.vector_store %arg11[%swap3A_270, %swap3A_271], %swap3A_274 {strides = array<i32>} : memref<8x128xf32, #tpu.memory_space<vmem>>, vector<1x16xf32>,
    %swap3A_275 = arith.constant 5 : i32
    %swap3A_276 = arith.index_cast %swap3A_275 : i32 to index
    %swap3A_277 = arith.constant 32 : index
    %swap3A_278 = tpu.vector_load %arg11[%swap3A_276, %swap3A_277] {strides = array<i32>} : memref<8x128xf32, #tpu.memory_space<vmem>>, vector<1x16xf32>,
    %swap3A_279 = vector.shape_cast %swap3A_278 : vector<1x16xf32> to vector<16xf32>
    %swap3A_280 = vector.shape_cast %broadcast_in_dim3A_23 : vector<16xf32> to vector<1x16xf32>
    tpu.vector_store %arg11[%swap3A_276, %swap3A_277], %swap3A_280 {strides = array<i32>} : memref<8x128xf32, #tpu.memory_space<vmem>>, vector<1x16xf32>,
    %swap3A_281 = arith.constant 5 : i32
    %swap3A_282 = arith.index_cast %swap3A_281 : i32 to index
    %swap3A_283 = arith.constant 48 : index
    %swap3A_284 = tpu.vector_load %arg11[%swap3A_282, %swap3A_283] {strides = array<i32>} : memref<8x128xf32, #tpu.memory_space<vmem>>, vector<1x16xf32>,
    %swap3A_285 = vector.shape_cast %swap3A_284 : vector<1x16xf32> to vector<16xf32>
    %swap3A_286 = vector.shape_cast %broadcast_in_dim3A_23 : vector<16xf32> to vector<1x16xf32>
    tpu.vector_store %arg11[%swap3A_282, %swap3A_283], %swap3A_286 {strides = array<i32>} : memref<8x128xf32, #tpu.memory_space<vmem>>, vector<1x16xf32>,
    %swap3A_287 = arith.constant 5 : i32
    %swap3A_288 = arith.index_cast %swap3A_287 : i32 to index
    %swap3A_289 = arith.constant 64 : index
    %swap3A_290 = tpu.vector_load %arg11[%swap3A_288, %swap3A_289] {strides = array<i32>} : memref<8x128xf32, #tpu.memory_space<vmem>>, vector<1x16xf32>,
    %swap3A_291 = vector.shape_cast %swap3A_290 : vector<1x16xf32> to vector<16xf32>
    %swap3A_292 = vector.shape_cast %broadcast_in_dim3A_23 : vector<16xf32> to vector<1x16xf32>
    tpu.vector_store %arg11[%swap3A_288, %swap3A_289], %swap3A_292 {strides = array<i32>} : memref<8x128xf32, #tpu.memory_space<vmem>>, vector<1x16xf32>,
    %swap3A_293 = arith.constant 5 : i32
    %swap3A_294 = arith.index_cast %swap3A_293 : i32 to index
    %swap3A_295 = arith.constant 80 : index
    %swap3A_296 = tpu.vector_load %arg11[%swap3A_294, %swap3A_295] {strides = array<i32>} : memref<8x128xf32, #tpu.memory_space<vmem>>, vector<1x16xf32>,
    %swap3A_297 = vector.shape_cast %swap3A_296 : vector<1x16xf32> to vector<16xf32>
    %swap3A_298 = vector.shape_cast %broadcast_in_dim3A_23 : vector<16xf32> to vector<1x16xf32>
    tpu.vector_store %arg11[%swap3A_294, %swap3A_295], %swap3A_298 {strides = array<i32>} : memref<8x128xf32, #tpu.memory_space<vmem>>, vector<1x16xf32>,
    %swap3A_299 = arith.constant 5 : i32
    %swap3A_300 = arith.index_cast %swap3A_299 : i32 to index
    %swap3A_301 = arith.constant 96 : index
    %swap3A_302 = tpu.vector_load %arg11[%swap3A_300, %swap3A_301] {strides = array<i32>} : memref<8x128xf32, #tpu.memory_space<vmem>>, vector<1x16xf32>,
    %swap3A_303 = vector.shape_cast %swap3A_302 : vector<1x16xf32> to vector<16xf32>
    %swap3A_304 = vector.shape_cast %broadcast_in_dim3A_23 : vector<16xf32> to vector<1x16xf32>
    tpu.vector_store %arg11[%swap3A_300, %swap3A_301], %swap3A_304 {strides = array<i32>} : memref<8x128xf32, #tpu.memory_space<vmem>>, vector<1x16xf32>,
    %swap3A_305 = arith.constant 5 : i32
    %swap3A_306 = arith.index_cast %swap3A_305 : i32 to index
    %swap3A_307 = arith.constant 112 : index
    %swap3A_308 = tpu.vector_load %arg11[%swap3A_306, %swap3A_307] {strides = array<i32>} : memref<8x128xf32, #tpu.memory_space<vmem>>, vector<1x16xf32>,
    %swap3A_309 = vector.shape_cast %swap3A_308 : vector<1x16xf32> to vector<16xf32>
    %swap3A_310 = vector.shape_cast %broadcast_in_dim3A_23 : vector<16xf32> to vector<1x16xf32>
    tpu.vector_store %arg11[%swap3A_306, %swap3A_307], %swap3A_310 {strides = array<i32>} : memref<8x128xf32, #tpu.memory_space<vmem>>, vector<1x16xf32>,
    %swap3A_311 = arith.constant 6 : i32
    %swap3A_312 = arith.index_cast %swap3A_311 : i32 to index
    %swap3A_313 = arith.constant 0 : index
    %swap3A_314 = tpu.vector_load %arg11[%swap3A_312, %swap3A_313] {strides = array<i32>} : memref<8x128xf32, #tpu.memory_space<vmem>>, vector<1x16xf32>,
    %swap3A_315 = vector.shape_cast %swap3A_314 : vector<1x16xf32> to vector<16xf32>
    %swap3A_316 = vector.shape_cast %broadcast_in_dim3A_23 : vector<16xf32> to vector<1x16xf32>
    tpu.vector_store %arg11[%swap3A_312, %swap3A_313], %swap3A_316 {strides = array<i32>} : memref<8x128xf32, #tpu.memory_space<vmem>>, vector<1x16xf32>,
    %swap3A_317 = arith.constant 6 : i32
    %swap3A_318 = arith.index_cast %swap3A_317 : i32 to index
    %swap3A_319 = arith.constant 16 : index
    %swap3A_320 = tpu.vector_load %arg11[%swap3A_318, %swap3A_319] {strides = array<i32>} : memref<8x128xf32, #tpu.memory_space<vmem>>, vector<1x16xf32>,
    %swap3A_321 = vector.shape_cast %swap3A_320 : vector<1x16xf32> to vector<16xf32>
    %swap3A_322 = vector.shape_cast %broadcast_in_dim3A_23 : vector<16xf32> to vector<1x16xf32>
    tpu.vector_store %arg11[%swap3A_318, %swap3A_319], %swap3A_322 {strides = array<i32>} : memref<8x128xf32, #tpu.memory_space<vmem>>, vector<1x16xf32>,
    %swap3A_323 = arith.constant 6 : i32
    %swap3A_324 = arith.index_cast %swap3A_323 : i32 to index
    %swap3A_325 = arith.constant 32 : index
    %swap3A_326 = tpu.vector_load %arg11[%swap3A_324, %swap3A_325] {strides = array<i32>} : memref<8x128xf32, #tpu.memory_space<vmem>>, vector<1x16xf32>,
    %swap3A_327 = vector.shape_cast %swap3A_326 : vector<1x16xf32> to vector<16xf32>
    %swap3A_328 = vector.shape_cast %broadcast_in_dim3A_23 : vector<16xf32> to vector<1x16xf32>
    tpu.vector_store %arg11[%swap3A_324, %swap3A_325], %swap3A_328 {strides = array<i32>} : memref<8x128xf32, #tpu.memory_space<vmem>>, vector<1x16xf32>,
    %swap3A_329 = arith.constant 6 : i32
    %swap3A_330 = arith.index_cast %swap3A_329 : i32 to index
    %swap3A_331 = arith.constant 48 : index
    %swap3A_332 = tpu.vector_load %arg11[%swap3A_330, %swap3A_331] {strides = array<i32>} : memref<8x128xf32, #tpu.memory_space<vmem>>, vector<1x16xf32>,
    %swap3A_333 = vector.shape_cast %swap3A_332 : vector<1x16xf32> to vector<16xf32>
    %swap3A_334 = vector.shape_cast %broadcast_in_dim3A_23 : vector<16xf32> to vector<1x16xf32>
    tpu.vector_store %arg11[%swap3A_330, %swap3A_331], %swap3A_334 {strides = array<i32>} : memref<8x128xf32, #tpu.memory_space<vmem>>, vector<1x16xf32>,
    %swap3A_335 = arith.constant 6 : i32
    %swap3A_336 = arith.index_cast %swap3A_335 : i32 to index
    %swap3A_337 = arith.constant 64 : index
    %swap3A_338 = tpu.vector_load %arg11[%swap3A_336, %swap3A_337] {strides = array<i32>} : memref<8x128xf32, #tpu.memory_space<vmem>>, vector<1x16xf32>,
    %swap3A_339 = vector.shape_cast %swap3A_338 : vector<1x16xf32> to vector<16xf32>
    %swap3A_340 = vector.shape_cast %broadcast_in_dim3A_23 : vector<16xf32> to vector<1x16xf32>
    tpu.vector_store %arg11[%swap3A_336, %swap3A_337], %swap3A_340 {strides = array<i32>} : memref<8x128xf32, #tpu.memory_space<vmem>>, vector<1x16xf32>,
    %swap3A_341 = arith.constant 6 : i32
    %swap3A_342 = arith.index_cast %swap3A_341 : i32 to index
    %swap3A_343 = arith.constant 80 : index
    %swap3A_344 = tpu.vector_load %arg11[%swap3A_342, %swap3A_343] {strides = array<i32>} : memref<8x128xf32, #tpu.memory_space<vmem>>, vector<1x16xf32>,
    %swap3A_345 = vector.shape_cast %swap3A_344 : vector<1x16xf32> to vector<16xf32>
    %swap3A_346 = vector.shape_cast %broadcast_in_dim3A_23 : vector<16xf32> to vector<1x16xf32>
    tpu.vector_store %arg11[%swap3A_342, %swap3A_343], %swap3A_346 {strides = array<i32>} : memref<8x128xf32, #tpu.memory_space<vmem>>, vector<1x16xf32>,
    %swap3A_347 = arith.constant 6 : i32
    %swap3A_348 = arith.index_cast %swap3A_347 : i32 to index
    %swap3A_349 = arith.constant 96 : index
    %swap3A_350 = tpu.vector_load %arg11[%swap3A_348, %swap3A_349] {strides = array<i32>} : memref<8x128xf32, #tpu.memory_space<vmem>>, vector<1x16xf32>,
    %swap3A_351 = vector.shape_cast %swap3A_350 : vector<1x16xf32> to vector<16xf32>
    %swap3A_352 = vector.shape_cast %broadcast_in_dim3A_23 : vector<16xf32> to vector<1x16xf32>
    tpu.vector_store %arg11[%swap3A_348, %swap3A_349], %swap3A_352 {strides = array<i32>} : memref<8x128xf32, #tpu.memory_space<vmem>>, vector<1x16xf32>,
    %swap3A_353 = arith.constant 6 : i32
    %swap3A_354 = arith.index_cast %swap3A_353 : i32 to index
    %swap3A_355 = arith.constant 112 : index
    %swap3A_356 = tpu.vector_load %arg11[%swap3A_354, %swap3A_355] {strides = array<i32>} : memref<8x128xf32, #tpu.memory_space<vmem>>, vector<1x16xf32>,
    %swap3A_357 = vector.shape_cast %swap3A_356 : vector<1x16xf32> to vector<16xf32>
    %swap3A_358 = vector.shape_cast %broadcast_in_dim3A_23 : vector<16xf32> to vector<1x16xf32>
    tpu.vector_store %arg11[%swap3A_354, %swap3A_355], %swap3A_358 {strides = array<i32>} : memref<8x128xf32, #tpu.memory_space<vmem>>, vector<1x16xf32>,
    %swap3A_359 = arith.constant 7 : i32
    %swap3A_360 = arith.index_cast %swap3A_359 : i32 to index
    %swap3A_361 = arith.constant 0 : index
    %swap3A_362 = tpu.vector_load %arg11[%swap3A_360, %swap3A_361] {strides = array<i32>} : memref<8x128xf32, #tpu.memory_space<vmem>>, vector<1x16xf32>,
    %swap3A_363 = vector.shape_cast %swap3A_362 : vector<1x16xf32> to vector<16xf32>
    %swap3A_364 = vector.shape_cast %broadcast_in_dim3A_23 : vector<16xf32> to vector<1x16xf32>
    tpu.vector_store %arg11[%swap3A_360, %swap3A_361], %swap3A_364 {strides = array<i32>} : memref<8x128xf32, #tpu.memory_space<vmem>>, vector<1x16xf32>,
    %swap3A_365 = arith.constant 7 : i32
    %swap3A_366 = arith.index_cast %swap3A_365 : i32 to index
    %swap3A_367 = arith.constant 16 : index
    %swap3A_368 = tpu.vector_load %arg11[%swap3A_366, %swap3A_367] {strides = array<i32>} : memref<8x128xf32, #tpu.memory_space<vmem>>, vector<1x16xf32>,
    %swap3A_369 = vector.shape_cast %swap3A_368 : vector<1x16xf32> to vector<16xf32>
    %swap3A_370 = vector.shape_cast %broadcast_in_dim3A_23 : vector<16xf32> to vector<1x16xf32>
    tpu.vector_store %arg11[%swap3A_366, %swap3A_367], %swap3A_370 {strides = array<i32>} : memref<8x128xf32, #tpu.memory_space<vmem>>, vector<1x16xf32>,
    %swap3A_371 = arith.constant 7 : i32
    %swap3A_372 = arith.index_cast %swap3A_371 : i32 to index
    %swap3A_373 = arith.constant 32 : index
    %swap3A_374 = tpu.vector_load %arg11[%swap3A_372, %swap3A_373] {strides = array<i32>} : memref<8x128xf32, #tpu.memory_space<vmem>>, vector<1x16xf32>,
    %swap3A_375 = vector.shape_cast %swap3A_374 : vector<1x16xf32> to vector<16xf32>
    %swap3A_376 = vector.shape_cast %broadcast_in_dim3A_23 : vector<16xf32> to vector<1x16xf32>
    tpu.vector_store %arg11[%swap3A_372, %swap3A_373], %swap3A_376 {strides = array<i32>} : memref<8x128xf32, #tpu.memory_space<vmem>>, vector<1x16xf32>,
    %swap3A_377 = arith.constant 7 : i32
    %swap3A_378 = arith.index_cast %swap3A_377 : i32 to index
    %swap3A_379 = arith.constant 48 : index
    %swap3A_380 = tpu.vector_load %arg11[%swap3A_378, %swap3A_379] {strides = array<i32>} : memref<8x128xf32, #tpu.memory_space<vmem>>, vector<1x16xf32>,
    %swap3A_381 = vector.shape_cast %swap3A_380 : vector<1x16xf32> to vector<16xf32>
    %swap3A_382 = vector.shape_cast %broadcast_in_dim3A_23 : vector<16xf32> to vector<1x16xf32>
    tpu.vector_store %arg11[%swap3A_378, %swap3A_379], %swap3A_382 {strides = array<i32>} : memref<8x128xf32, #tpu.memory_space<vmem>>, vector<1x16xf32>,
    %swap3A_383 = arith.constant 7 : i32
    %swap3A_384 = arith.index_cast %swap3A_383 : i32 to index
    %swap3A_385 = arith.constant 64 : index
    %swap3A_386 = tpu.vector_load %arg11[%swap3A_384, %swap3A_385] {strides = array<i32>} : memref<8x128xf32, #tpu.memory_space<vmem>>, vector<1x16xf32>,
    %swap3A_387 = vector.shape_cast %swap3A_386 : vector<1x16xf32> to vector<16xf32>
    %swap3A_388 = vector.shape_cast %broadcast_in_dim3A_23 : vector<16xf32> to vector<1x16xf32>
    tpu.vector_store %arg11[%swap3A_384, %swap3A_385], %swap3A_388 {strides = array<i32>} : memref<8x128xf32, #tpu.memory_space<vmem>>, vector<1x16xf32>,
    %swap3A_389 = arith.constant 7 : i32
    %swap3A_390 = arith.index_cast %swap3A_389 : i32 to index
    %swap3A_391 = arith.constant 80 : index
    %swap3A_392 = tpu.vector_load %arg11[%swap3A_390, %swap3A_391] {strides = array<i32>} : memref<8x128xf32, #tpu.memory_space<vmem>>, vector<1x16xf32>,
    %swap3A_393 = vector.shape_cast %swap3A_392 : vector<1x16xf32> to vector<16xf32>
    %swap3A_394 = vector.shape_cast %broadcast_in_dim3A_23 : vector<16xf32> to vector<1x16xf32>
    tpu.vector_store %arg11[%swap3A_390, %swap3A_391], %swap3A_394 {strides = array<i32>} : memref<8x128xf32, #tpu.memory_space<vmem>>, vector<1x16xf32>,
    %swap3A_395 = arith.constant 7 : i32
    %swap3A_396 = arith.index_cast %swap3A_395 : i32 to index
    %swap3A_397 = arith.constant 96 : index
    %swap3A_398 = tpu.vector_load %arg11[%swap3A_396, %swap3A_397] {strides = array<i32>} : memref<8x128xf32, #tpu.memory_space<vmem>>, vector<1x16xf32>,
    %swap3A_399 = vector.shape_cast %swap3A_398 : vector<1x16xf32> to vector<16xf32>
    %swap3A_400 = vector.shape_cast %broadcast_in_dim3A_23 : vector<16xf32> to vector<1x16xf32>
    tpu.vector_store %arg11[%swap3A_396, %swap3A_397], %swap3A_400 {strides = array<i32>} : memref<8x128xf32, #tpu.memory_space<vmem>>, vector<1x16xf32>,
    %swap3A_401 = arith.constant 7 : i32
    %swap3A_402 = arith.index_cast %swap3A_401 : i32 to index
    %swap3A_403 = arith.constant 112 : index
    %swap3A_404 = tpu.vector_load %arg11[%swap3A_402, %swap3A_403] {strides = array<i32>} : memref<8x128xf32, #tpu.memory_space<vmem>>, vector<1x16xf32>,
    %swap3A_405 = vector.shape_cast %swap3A_404 : vector<1x16xf32> to vector<16xf32>
    %swap3A_406 = vector.shape_cast %broadcast_in_dim3A_23 : vector<16xf32> to vector<1x16xf32>
    tpu.vector_store %arg11[%swap3A_402, %swap3A_403], %swap3A_406 {strides = array<i32>} : memref<8x128xf32, #tpu.memory_space<vmem>>, vector<1x16xf32>,
    %mul3A_407 = arith.constant 8 : i32
    %mul3A_408 = arith.muli %arg1, %mul3A_407 : i32
    "tpu.region"() ({
      %run_scoped3A = tpu.sem_alloc : memref<!tpu.dma_semaphore, #tpu.memory_space<semaphore_mem>>
      %dma_start3A_426 = arith.constant 0 : i32
      %dma_start3A_427 = tpu.memref_slice %arg12[%mul3A_408, %dma_start3A_426] : memref<128x128xf32, #tpu.memory_space<vmem_shared>> -> memref<8x128xf32, #tpu.memory_space<vmem_shared>>
      %dma_start3A_428 = arith.constant 0 : i32
      %dma_start3A_429 = tpu.memref_slice %arg12[%mul3A_408, %dma_start3A_428] : memref<128x128xf32, #tpu.memory_space<vmem_shared>> -> memref<8x128xf32, #tpu.memory_space<vmem_shared>>
      tpu.enqueue_dma source(%arg11 : memref<8x128xf32, #tpu.memory_space<vmem>>) target(%dma_start3A_429 : memref<8x128xf32, #tpu.memory_space<vmem_shared>>) target_semaphore(%run_scoped3A : memref<!tpu.dma_semaphore, #tpu.memory_space<semaphore_mem>>)
      %dma_wait3A = arith.constant 0 : i32
      %dma_wait3A_430 = tpu.memref_slice %arg12[%mul3A_408, %dma_wait3A] : memref<128x128xf32, #tpu.memory_space<vmem_shared>> -> memref<8x128xf32, #tpu.memory_space<vmem_shared>>
      %dma_wait3A_431 = arith.constant 0 : i32
      %dma_wait3A_432 = tpu.memref_slice %arg12[%mul3A_408, %dma_wait3A_431] : memref<128x128xf32, #tpu.memory_space<vmem_shared>> -> memref<8x128xf32, #tpu.memory_space<vmem_shared>>
      tpu.wait_dma2 semaphore(%run_scoped3A : memref<!tpu.dma_semaphore, #tpu.memory_space<semaphore_mem>>) src(%arg11 : memref<8x128xf32, #tpu.memory_space<vmem>>) dst(%dma_wait3A_432 : memref<8x128xf32, #tpu.memory_space<vmem_shared>>)
      tpu.yield
    }) : () -> ()
    %barrier3A = arith.constant 0 : index
    tpu.barrier barrier_id(%barrier3A)
    %scan3A = arith.constant 0 : i32
    %scan3A_409 = arith.constant 0 : i32
    %scan3A_410 = arith.constant 7 : i32
    %scan3A_411 = arith.addi %scan3A_409, %scan3A_410 : i32
    %scan3A_412 = arith.constant 1 : i32
    scf.for %scan3A_426 = %scan3A_409 to %scan3A_411 step %scan3A_412  : i32 {
      %mul3A_427 = arith.constant 4 : i32
      %mul3A_428 = arith.muli %scan3A_426, %mul3A_427 : i32
      %add3A_429 = arith.constant 0 : i32
      %add3A_430 = arith.addi %mul3A_428, %add3A_429 : i32
      %mul3A_431 = arith.constant 32 : i32
      %mul3A_432 = arith.muli %add3A_430, %mul3A_431 : i32
      %add3A_433 = arith.addi %add3A, %mul3A_432 : i32
      %lt3A_434 = arith.constant 781 : i32
      %lt3A_435 = arith.cmpi slt, %add3A_433, %lt3A_434 : i32
      %convert_element_type3A_436 = arith.extui %lt3A_435 : i1 to i32
      %cond3A_437 = arith.constant 0 : i32
      %cond3A_438 = arith.cmpi ne, %convert_element_type3A_436, %cond3A_437 : i32
      scf.if %cond3A_438 {
        %mul3A_475 = arith.constant 128 : i32
        %mul3A_476 = arith.muli %add3A_433, %mul3A_475 : i32
        %dma_wait3A = arith.constant 0 : i32
        %dma_wait3A_477 = arith.constant 0 : i32
        %dma_wait3A_478 = arith.constant 0 : i32
        %dma_wait3A_479 = tpu.memref_slice %arg5[%dma_wait3A, %dma_wait3A_477, %dma_wait3A_478] : memref<4x128x128xf32, #tpu.memory_space<vmem>> -> memref<1x128x128xf32, #tpu.memory_space<vmem>>
        %dma_wait3A_480 = tpu.memref_squeeze %dma_wait3A_479 : memref<1x128x128xf32, #tpu.memory_space<vmem>> -> memref<128x128xf32, #tpu.memory_space<vmem>>
        %dma_wait3A_481 = arith.constant 0 : i32
        %dma_wait3A_482 = tpu.memref_slice %arg2[%mul3A_476, %dma_wait3A_481] : memref<100000x128xf32, #tpu.memory_space<hbm>> -> memref<128x128xf32, #tpu.memory_space<hbm>>
        %dma_wait3A_483 = arith.constant 0 : i32
        %dma_wait3A_484 = arith.constant 0 : i32
        %dma_wait3A_485 = tpu.memref_slice %arg5[%dma_wait3A, %dma_wait3A_483, %dma_wait3A_484] : memref<4x128x128xf32, #tpu.memory_space<vmem>> -> memref<1x128x128xf32, #tpu.memory_space<vmem>>
        %dma_wait3A_486 = tpu.memref_squeeze %dma_wait3A_485 : memref<1x128x128xf32, #tpu.memory_space<vmem>> -> memref<128x128xf32, #tpu.memory_space<vmem>>
        %dma_wait3A_487 = arith.constant 0 : i32
        %dma_wait3A_488 = tpu.memref_slice %arg2[%mul3A_476, %dma_wait3A_487] : memref<100000x128xf32, #tpu.memory_space<hbm>> -> memref<128x128xf32, #tpu.memory_space<hbm>>
        tpu.wait_dma2 semaphore(%arg13 : memref<!tpu.dma_semaphore, #tpu.memory_space<semaphore_mem>>) src(%dma_wait3A_488 : memref<128x128xf32, #tpu.memory_space<hbm>>) dst(%dma_wait3A_486 : memref<128x128xf32, #tpu.memory_space<vmem>>)
        %mul3A_489 = arith.constant 128 : i32
        %mul3A_490 = arith.muli %add3A_433, %mul3A_489 : i32
        %dma_wait3A_491 = tpu.memref_slice %arg3[%mul3A_490] : memref<100000xi32, #tpu.memory_space<hbm>> -> memref<128xi32, #tpu.memory_space<hbm>>
        %dma_wait3A_492 = tpu.memref_slice %arg3[%mul3A_490] : memref<100000xi32, #tpu.memory_space<hbm>> -> memref<128xi32, #tpu.memory_space<hbm>>
        tpu.wait_dma2 semaphore(%arg17 : memref<!tpu.dma_semaphore, #tpu.memory_space<semaphore_mem>>) src(%dma_wait3A_492 : memref<128xi32, #tpu.memory_space<hbm>>) dst(%arg6 : memref<128xi32, #tpu.memory_space<vmem>>)
        %add3A_493 = arith.constant 64 : i32
        %add3A_494 = arith.addi %add3A_433, %add3A_493 : i32
        %lt3A_495 = arith.constant 781 : i32
        %lt3A_496 = arith.cmpi slt, %add3A_494, %lt3A_495 : i32
        %convert_element_type3A_497 = arith.extui %lt3A_496 : i1 to i32
        %cond3A_498 = arith.constant 0 : i32
        %cond3A_499 = arith.cmpi ne, %convert_element_type3A_497, %cond3A_498 : i32
        scf.if %cond3A_499 {
          %add3A_500 = arith.constant 64 : i32
          %add3A_501 = arith.addi %add3A_433, %add3A_500 : i32
          %mul3A_502 = arith.constant 128 : i32
          %mul3A_503 = arith.muli %add3A_501, %mul3A_502 : i32
          %dma_start3A_504 = arith.constant 2 : i32
          %dma_start3A_505 = arith.constant 0 : i32
          %dma_start3A_506 = arith.constant 0 : i32
          %dma_start3A_507 = tpu.memref_slice %arg5[%dma_start3A_504, %dma_start3A_505, %dma_start3A_506] : memref<4x128x128xf32, #tpu.memory_space<vmem>> -> memref<1x128x128xf32, #tpu.memory_space<vmem>>
          %dma_start3A_508 = tpu.memref_squeeze %dma_start3A_507 : memref<1x128x128xf32, #tpu.memory_space<vmem>> -> memref<128x128xf32, #tpu.memory_space<vmem>>
          %dma_start3A_509 = arith.constant 0 : i32
          %dma_start3A_510 = tpu.memref_slice %arg2[%mul3A_503, %dma_start3A_509] : memref<100000x128xf32, #tpu.memory_space<hbm>> -> memref<128x128xf32, #tpu.memory_space<hbm>>
          %dma_start3A_511 = arith.constant 0 : i32
          %dma_start3A_512 = arith.constant 0 : i32
          %dma_start3A_513 = tpu.memref_slice %arg5[%dma_start3A_504, %dma_start3A_511, %dma_start3A_512] : memref<4x128x128xf32, #tpu.memory_space<vmem>> -> memref<1x128x128xf32, #tpu.memory_space<vmem>>
          %dma_start3A_514 = tpu.memref_squeeze %dma_start3A_513 : memref<1x128x128xf32, #tpu.memory_space<vmem>> -> memref<128x128xf32, #tpu.memory_space<vmem>>
          %dma_start3A_515 = arith.constant 0 : i32
          %dma_start3A_516 = tpu.memref_slice %arg2[%mul3A_503, %dma_start3A_515] : memref<100000x128xf32, #tpu.memory_space<hbm>> -> memref<128x128xf32, #tpu.memory_space<hbm>>
          tpu.enqueue_dma source(%dma_start3A_516 : memref<128x128xf32, #tpu.memory_space<hbm>>) target(%dma_start3A_514 : memref<128x128xf32, #tpu.memory_space<vmem>>) target_semaphore(%arg15 : memref<!tpu.dma_semaphore, #tpu.memory_space<semaphore_mem>>)
          %mul3A_517 = arith.constant 128 : i32
          %mul3A_518 = arith.muli %add3A_501, %mul3A_517 : i32
          %dma_start3A_519 = tpu.memref_slice %arg3[%mul3A_518] : memref<100000xi32, #tpu.memory_space<hbm>> -> memref<128xi32, #tpu.memory_space<hbm>>
          %dma_start3A_520 = tpu.memref_slice %arg3[%mul3A_518] : memref<100000xi32, #tpu.memory_space<hbm>> -> memref<128xi32, #tpu.memory_space<hbm>>
          tpu.enqueue_dma source(%dma_start3A_520 : memref<128xi32, #tpu.memory_space<hbm>>) target(%arg8 : memref<128xi32, #tpu.memory_space<vmem>>) target_semaphore(%arg19 : memref<!tpu.dma_semaphore, #tpu.memory_space<semaphore_mem>>)
        } else {
        }
        %run_scoped3A = arith.constant 0 : i32
        "tpu.region"() ({
          %run_scoped3A_500 = tpu.sem_alloc : memref<!tpu.dma_semaphore, #tpu.memory_space<semaphore_mem>>
          %dma_start3A_501 = arith.constant 0 : i32
          %dma_start3A_502 = arith.constant 0 : i32
          %dma_start3A_503 = tpu.memref_slice %arg5[%run_scoped3A, %dma_start3A_501, %dma_start3A_502] : memref<4x128x128xf32, #tpu.memory_space<vmem>> -> memref<1x128x128xf32, #tpu.memory_space<vmem>>
          %dma_start3A_504 = tpu.memref_squeeze %dma_start3A_503 : memref<1x128x128xf32, #tpu.memory_space<vmem>> -> memref<128x128xf32, #tpu.memory_space<vmem>>
          %dma_start3A_505 = arith.constant 0 : i32
          %dma_start3A_506 = arith.constant 0 : i32
          %dma_start3A_507 = tpu.memref_slice %arg12[%dma_start3A_505, %dma_start3A_506] : memref<128x128xf32, #tpu.memory_space<vmem_shared>> -> memref<128x128xf32, #tpu.memory_space<vmem_shared>>
          tpu.enqueue_indirect_dma source(%dma_start3A_504 : memref<128x128xf32, #tpu.memory_space<vmem>>) target(%dma_start3A_507 : memref<128x128xf32, #tpu.memory_space<vmem_shared>>) offsets(%arg6 : memref<128xi32, #tpu.memory_space<vmem>>) semaphore(%run_scoped3A_500 : memref<!tpu.dma_semaphore, #tpu.memory_space<semaphore_mem>>) {add = true}
          %dma_wait3A_508 = arith.constant 0 : i32
          %dma_wait3A_509 = arith.constant 0 : i32
          %dma_wait3A_510 = tpu.memref_slice %arg5[%run_scoped3A, %dma_wait3A_508, %dma_wait3A_509] : memref<4x128x128xf32, #tpu.memory_space<vmem>> -> memref<1x128x128xf32, #tpu.memory_space<vmem>>
          %dma_wait3A_511 = tpu.memref_squeeze %dma_wait3A_510 : memref<1x128x128xf32, #tpu.memory_space<vmem>> -> memref<128x128xf32, #tpu.memory_space<vmem>>
          %dma_wait3A_512 = arith.constant 0 : i32
          %dma_wait3A_513 = arith.constant 0 : i32
          %dma_wait3A_514 = tpu.memref_slice %arg12[%dma_wait3A_512, %dma_wait3A_513] : memref<128x128xf32, #tpu.memory_space<vmem_shared>> -> memref<128x128xf32, #tpu.memory_space<vmem_shared>>
          tpu.wait_indirect_dma semaphore(%run_scoped3A_500 : memref<!tpu.dma_semaphore, #tpu.memory_space<semaphore_mem>>) src(%dma_wait3A_511 : memref<128x128xf32, #tpu.memory_space<vmem>>) dst(%dma_wait3A_514 : memref<128x128xf32, #tpu.memory_space<vmem_shared>>)
          tpu.yield
        }) : () -> ()
      } else {
      }
      %mul3A_439 = arith.constant 4 : i32
      %mul3A_440 = arith.muli %scan3A_426, %mul3A_439 : i32
      %add3A_441 = arith.constant 1 : i32
      %add3A_442 = arith.addi %mul3A_440, %add3A_441 : i32
      %mul3A_443 = arith.constant 32 : i32
      %mul3A_444 = arith.muli %add3A_442, %mul3A_443 : i32
      %add3A_445 = arith.addi %add3A, %mul3A_444 : i32
      %lt3A_446 = arith.constant 781 : i32
      %lt3A_447 = arith.cmpi slt, %add3A_445, %lt3A_446 : i32
      %convert_element_type3A_448 = arith.extui %lt3A_447 : i1 to i32
      %cond3A_449 = arith.constant 0 : i32
      %cond3A_450 = arith.cmpi ne, %convert_element_type3A_448, %cond3A_449 : i32
      scf.if %cond3A_450 {
        %mul3A_475 = arith.constant 128 : i32
        %mul3A_476 = arith.muli %add3A_445, %mul3A_475 : i32
        %dma_wait3A = arith.constant 1 : i32
        %dma_wait3A_477 = arith.constant 0 : i32
        %dma_wait3A_478 = arith.constant 0 : i32
        %dma_wait3A_479 = tpu.memref_slice %arg5[%dma_wait3A, %dma_wait3A_477, %dma_wait3A_478] : memref<4x128x128xf32, #tpu.memory_space<vmem>> -> memref<1x128x128xf32, #tpu.memory_space<vmem>>
        %dma_wait3A_480 = tpu.memref_squeeze %dma_wait3A_479 : memref<1x128x128xf32, #tpu.memory_space<vmem>> -> memref<128x128xf32, #tpu.memory_space<vmem>>
        %dma_wait3A_481 = arith.constant 0 : i32
        %dma_wait3A_482 = tpu.memref_slice %arg2[%mul3A_476, %dma_wait3A_481] : memref<100000x128xf32, #tpu.memory_space<hbm>> -> memref<128x128xf32, #tpu.memory_space<hbm>>
        %dma_wait3A_483 = arith.constant 0 : i32
        %dma_wait3A_484 = arith.constant 0 : i32
        %dma_wait3A_485 = tpu.memref_slice %arg5[%dma_wait3A, %dma_wait3A_483, %dma_wait3A_484] : memref<4x128x128xf32, #tpu.memory_space<vmem>> -> memref<1x128x128xf32, #tpu.memory_space<vmem>>
        %dma_wait3A_486 = tpu.memref_squeeze %dma_wait3A_485 : memref<1x128x128xf32, #tpu.memory_space<vmem>> -> memref<128x128xf32, #tpu.memory_space<vmem>>
        %dma_wait3A_487 = arith.constant 0 : i32
        %dma_wait3A_488 = tpu.memref_slice %arg2[%mul3A_476, %dma_wait3A_487] : memref<100000x128xf32, #tpu.memory_space<hbm>> -> memref<128x128xf32, #tpu.memory_space<hbm>>
        tpu.wait_dma2 semaphore(%arg14 : memref<!tpu.dma_semaphore, #tpu.memory_space<semaphore_mem>>) src(%dma_wait3A_488 : memref<128x128xf32, #tpu.memory_space<hbm>>) dst(%dma_wait3A_486 : memref<128x128xf32, #tpu.memory_space<vmem>>)
        %mul3A_489 = arith.constant 128 : i32
        %mul3A_490 = arith.muli %add3A_445, %mul3A_489 : i32
        %dma_wait3A_491 = tpu.memref_slice %arg3[%mul3A_490] : memref<100000xi32, #tpu.memory_space<hbm>> -> memref<128xi32, #tpu.memory_space<hbm>>
        %dma_wait3A_492 = tpu.memref_slice %arg3[%mul3A_490] : memref<100000xi32, #tpu.memory_space<hbm>> -> memref<128xi32, #tpu.memory_space<hbm>>
        tpu.wait_dma2 semaphore(%arg18 : memref<!tpu.dma_semaphore, #tpu.memory_space<semaphore_mem>>) src(%dma_wait3A_492 : memref<128xi32, #tpu.memory_space<hbm>>) dst(%arg7 : memref<128xi32, #tpu.memory_space<vmem>>)
        %add3A_493 = arith.constant 64 : i32
        %add3A_494 = arith.addi %add3A_445, %add3A_493 : i32
        %lt3A_495 = arith.constant 781 : i32
        %lt3A_496 = arith.cmpi slt, %add3A_494, %lt3A_495 : i32
        %convert_element_type3A_497 = arith.extui %lt3A_496 : i1 to i32
        %cond3A_498 = arith.constant 0 : i32
        %cond3A_499 = arith.cmpi ne, %convert_element_type3A_497, %cond3A_498 : i32
        scf.if %cond3A_499 {
          %add3A_500 = arith.constant 64 : i32
          %add3A_501 = arith.addi %add3A_445, %add3A_500 : i32
          %mul3A_502 = arith.constant 128 : i32
          %mul3A_503 = arith.muli %add3A_501, %mul3A_502 : i32
          %dma_start3A_504 = arith.constant 3 : i32
          %dma_start3A_505 = arith.constant 0 : i32
          %dma_start3A_506 = arith.constant 0 : i32
          %dma_start3A_507 = tpu.memref_slice %arg5[%dma_start3A_504, %dma_start3A_505, %dma_start3A_506] : memref<4x128x128xf32, #tpu.memory_space<vmem>> -> memref<1x128x128xf32, #tpu.memory_space<vmem>>
          %dma_start3A_508 = tpu.memref_squeeze %dma_start3A_507 : memref<1x128x128xf32, #tpu.memory_space<vmem>> -> memref<128x128xf32, #tpu.memory_space<vmem>>
          %dma_start3A_509 = arith.constant 0 : i32
          %dma_start3A_510 = tpu.memref_slice %arg2[%mul3A_503, %dma_start3A_509] : memref<100000x128xf32, #tpu.memory_space<hbm>> -> memref<128x128xf32, #tpu.memory_space<hbm>>
          %dma_start3A_511 = arith.constant 0 : i32
          %dma_start3A_512 = arith.constant 0 : i32
          %dma_start3A_513 = tpu.memref_slice %arg5[%dma_start3A_504, %dma_start3A_511, %dma_start3A_512] : memref<4x128x128xf32, #tpu.memory_space<vmem>> -> memref<1x128x128xf32, #tpu.memory_space<vmem>>
          %dma_start3A_514 = tpu.memref_squeeze %dma_start3A_513 : memref<1x128x128xf32, #tpu.memory_space<vmem>> -> memref<128x128xf32, #tpu.memory_space<vmem>>
          %dma_start3A_515 = arith.constant 0 : i32
          %dma_start3A_516 = tpu.memref_slice %arg2[%mul3A_503, %dma_start3A_515] : memref<100000x128xf32, #tpu.memory_space<hbm>> -> memref<128x128xf32, #tpu.memory_space<hbm>>
          tpu.enqueue_dma source(%dma_start3A_516 : memref<128x128xf32, #tpu.memory_space<hbm>>) target(%dma_start3A_514 : memref<128x128xf32, #tpu.memory_space<vmem>>) target_semaphore(%arg16 : memref<!tpu.dma_semaphore, #tpu.memory_space<semaphore_mem>>)
          %mul3A_517 = arith.constant 128 : i32
          %mul3A_518 = arith.muli %add3A_501, %mul3A_517 : i32
          %dma_start3A_519 = tpu.memref_slice %arg3[%mul3A_518] : memref<100000xi32, #tpu.memory_space<hbm>> -> memref<128xi32, #tpu.memory_space<hbm>>
          %dma_start3A_520 = tpu.memref_slice %arg3[%mul3A_518] : memref<100000xi32, #tpu.memory_space<hbm>> -> memref<128xi32, #tpu.memory_space<hbm>>
          tpu.enqueue_dma source(%dma_start3A_520 : memref<128xi32, #tpu.memory_space<hbm>>) target(%arg9 : memref<128xi32, #tpu.memory_space<vmem>>) target_semaphore(%arg20 : memref<!tpu.dma_semaphore, #tpu.memory_space<semaphore_mem>>)
        } else {
        }
        %run_scoped3A = arith.constant 1 : i32
        "tpu.region"() ({
          %run_scoped3A_500 = tpu.sem_alloc : memref<!tpu.dma_semaphore, #tpu.memory_space<semaphore_mem>>
          %dma_start3A_501 = arith.constant 0 : i32
          %dma_start3A_502 = arith.constant 0 : i32
          %dma_start3A_503 = tpu.memref_slice %arg5[%run_scoped3A, %dma_start3A_501, %dma_start3A_502] : memref<4x128x128xf32, #tpu.memory_space<vmem>> -> memref<1x128x128xf32, #tpu.memory_space<vmem>>
          %dma_start3A_504 = tpu.memref_squeeze %dma_start3A_503 : memref<1x128x128xf32, #tpu.memory_space<vmem>> -> memref<128x128xf32, #tpu.memory_space<vmem>>
          %dma_start3A_505 = arith.constant 0 : i32
          %dma_start3A_506 = arith.constant 0 : i32
          %dma_start3A_507 = tpu.memref_slice %arg12[%dma_start3A_505, %dma_start3A_506] : memref<128x128xf32, #tpu.memory_space<vmem_shared>> -> memref<128x128xf32, #tpu.memory_space<vmem_shared>>
          tpu.enqueue_indirect_dma source(%dma_start3A_504 : memref<128x128xf32, #tpu.memory_space<vmem>>) target(%dma_start3A_507 : memref<128x128xf32, #tpu.memory_space<vmem_shared>>) offsets(%arg7 : memref<128xi32, #tpu.memory_space<vmem>>) semaphore(%run_scoped3A_500 : memref<!tpu.dma_semaphore, #tpu.memory_space<semaphore_mem>>) {add = true}
          %dma_wait3A_508 = arith.constant 0 : i32
          %dma_wait3A_509 = arith.constant 0 : i32
          %dma_wait3A_510 = tpu.memref_slice %arg5[%run_scoped3A, %dma_wait3A_508, %dma_wait3A_509] : memref<4x128x128xf32, #tpu.memory_space<vmem>> -> memref<1x128x128xf32, #tpu.memory_space<vmem>>
          %dma_wait3A_511 = tpu.memref_squeeze %dma_wait3A_510 : memref<1x128x128xf32, #tpu.memory_space<vmem>> -> memref<128x128xf32, #tpu.memory_space<vmem>>
          %dma_wait3A_512 = arith.constant 0 : i32
          %dma_wait3A_513 = arith.constant 0 : i32
          %dma_wait3A_514 = tpu.memref_slice %arg12[%dma_wait3A_512, %dma_wait3A_513] : memref<128x128xf32, #tpu.memory_space<vmem_shared>> -> memref<128x128xf32, #tpu.memory_space<vmem_shared>>
          tpu.wait_indirect_dma semaphore(%run_scoped3A_500 : memref<!tpu.dma_semaphore, #tpu.memory_space<semaphore_mem>>) src(%dma_wait3A_511 : memref<128x128xf32, #tpu.memory_space<vmem>>) dst(%dma_wait3A_514 : memref<128x128xf32, #tpu.memory_space<vmem_shared>>)
          tpu.yield
        }) : () -> ()
      } else {
      }
      %mul3A_451 = arith.constant 4 : i32
      %mul3A_452 = arith.muli %scan3A_426, %mul3A_451 : i32
      %add3A_453 = arith.constant 2 : i32
      %add3A_454 = arith.addi %mul3A_452, %add3A_453 : i32
      %mul3A_455 = arith.constant 32 : i32
      %mul3A_456 = arith.muli %add3A_454, %mul3A_455 : i32
      %add3A_457 = arith.addi %add3A, %mul3A_456 : i32
      %lt3A_458 = arith.constant 781 : i32
      %lt3A_459 = arith.cmpi slt, %add3A_457, %lt3A_458 : i32
      %convert_element_type3A_460 = arith.extui %lt3A_459 : i1 to i32
      %cond3A_461 = arith.constant 0 : i32
      %cond3A_462 = arith.cmpi ne, %convert_element_type3A_460, %cond3A_461 : i32
      scf.if %cond3A_462 {
        %mul3A_475 = arith.constant 128 : i32
        %mul3A_476 = arith.muli %add3A_457, %mul3A_475 : i32
        %dma_wait3A = arith.constant 2 : i32
        %dma_wait3A_477 = arith.constant 0 : i32
        %dma_wait3A_478 = arith.constant 0 : i32
        %dma_wait3A_479 = tpu.memref_slice %arg5[%dma_wait3A, %dma_wait3A_477, %dma_wait3A_478] : memref<4x128x128xf32, #tpu.memory_space<vmem>> -> memref<1x128x128xf32, #tpu.memory_space<vmem>>
        %dma_wait3A_480 = tpu.memref_squeeze %dma_wait3A_479 : memref<1x128x128xf32, #tpu.memory_space<vmem>> -> memref<128x128xf32, #tpu.memory_space<vmem>>
        %dma_wait3A_481 = arith.constant 0 : i32
        %dma_wait3A_482 = tpu.memref_slice %arg2[%mul3A_476, %dma_wait3A_481] : memref<100000x128xf32, #tpu.memory_space<hbm>> -> memref<128x128xf32, #tpu.memory_space<hbm>>
        %dma_wait3A_483 = arith.constant 0 : i32
        %dma_wait3A_484 = arith.constant 0 : i32
        %dma_wait3A_485 = tpu.memref_slice %arg5[%dma_wait3A, %dma_wait3A_483, %dma_wait3A_484] : memref<4x128x128xf32, #tpu.memory_space<vmem>> -> memref<1x128x128xf32, #tpu.memory_space<vmem>>
        %dma_wait3A_486 = tpu.memref_squeeze %dma_wait3A_485 : memref<1x128x128xf32, #tpu.memory_space<vmem>> -> memref<128x128xf32, #tpu.memory_space<vmem>>
        %dma_wait3A_487 = arith.constant 0 : i32
        %dma_wait3A_488 = tpu.memref_slice %arg2[%mul3A_476, %dma_wait3A_487] : memref<100000x128xf32, #tpu.memory_space<hbm>> -> memref<128x128xf32, #tpu.memory_space<hbm>>
        tpu.wait_dma2 semaphore(%arg15 : memref<!tpu.dma_semaphore, #tpu.memory_space<semaphore_mem>>) src(%dma_wait3A_488 : memref<128x128xf32, #tpu.memory_space<hbm>>) dst(%dma_wait3A_486 : memref<128x128xf32, #tpu.memory_space<vmem>>)
        %mul3A_489 = arith.constant 128 : i32
        %mul3A_490 = arith.muli %add3A_457, %mul3A_489 : i32
        %dma_wait3A_491 = tpu.memref_slice %arg3[%mul3A_490] : memref<100000xi32, #tpu.memory_space<hbm>> -> memref<128xi32, #tpu.memory_space<hbm>>
        %dma_wait3A_492 = tpu.memref_slice %arg3[%mul3A_490] : memref<100000xi32, #tpu.memory_space<hbm>> -> memref<128xi32, #tpu.memory_space<hbm>>
        tpu.wait_dma2 semaphore(%arg19 : memref<!tpu.dma_semaphore, #tpu.memory_space<semaphore_mem>>) src(%dma_wait3A_492 : memref<128xi32, #tpu.memory_space<hbm>>) dst(%arg8 : memref<128xi32, #tpu.memory_space<vmem>>)
        %add3A_493 = arith.constant 64 : i32
        %add3A_494 = arith.addi %add3A_457, %add3A_493 : i32
        %lt3A_495 = arith.constant 781 : i32
        %lt3A_496 = arith.cmpi slt, %add3A_494, %lt3A_495 : i32
        %convert_element_type3A_497 = arith.extui %lt3A_496 : i1 to i32
        %cond3A_498 = arith.constant 0 : i32
        %cond3A_499 = arith.cmpi ne, %convert_element_type3A_497, %cond3A_498 : i32
        scf.if %cond3A_499 {
          %add3A_500 = arith.constant 64 : i32
          %add3A_501 = arith.addi %add3A_457, %add3A_500 : i32
          %mul3A_502 = arith.constant 128 : i32
          %mul3A_503 = arith.muli %add3A_501, %mul3A_502 : i32
          %dma_start3A_504 = arith.constant 0 : i32
          %dma_start3A_505 = arith.constant 0 : i32
          %dma_start3A_506 = arith.constant 0 : i32
          %dma_start3A_507 = tpu.memref_slice %arg5[%dma_start3A_504, %dma_start3A_505, %dma_start3A_506] : memref<4x128x128xf32, #tpu.memory_space<vmem>> -> memref<1x128x128xf32, #tpu.memory_space<vmem>>
          %dma_start3A_508 = tpu.memref_squeeze %dma_start3A_507 : memref<1x128x128xf32, #tpu.memory_space<vmem>> -> memref<128x128xf32, #tpu.memory_space<vmem>>
          %dma_start3A_509 = arith.constant 0 : i32
          %dma_start3A_510 = tpu.memref_slice %arg2[%mul3A_503, %dma_start3A_509] : memref<100000x128xf32, #tpu.memory_space<hbm>> -> memref<128x128xf32, #tpu.memory_space<hbm>>
          %dma_start3A_511 = arith.constant 0 : i32
          %dma_start3A_512 = arith.constant 0 : i32
          %dma_start3A_513 = tpu.memref_slice %arg5[%dma_start3A_504, %dma_start3A_511, %dma_start3A_512] : memref<4x128x128xf32, #tpu.memory_space<vmem>> -> memref<1x128x128xf32, #tpu.memory_space<vmem>>
          %dma_start3A_514 = tpu.memref_squeeze %dma_start3A_513 : memref<1x128x128xf32, #tpu.memory_space<vmem>> -> memref<128x128xf32, #tpu.memory_space<vmem>>
          %dma_start3A_515 = arith.constant 0 : i32
          %dma_start3A_516 = tpu.memref_slice %arg2[%mul3A_503, %dma_start3A_515] : memref<100000x128xf32, #tpu.memory_space<hbm>> -> memref<128x128xf32, #tpu.memory_space<hbm>>
          tpu.enqueue_dma source(%dma_start3A_516 : memref<128x128xf32, #tpu.memory_space<hbm>>) target(%dma_start3A_514 : memref<128x128xf32, #tpu.memory_space<vmem>>) target_semaphore(%arg13 : memref<!tpu.dma_semaphore, #tpu.memory_space<semaphore_mem>>)
          %mul3A_517 = arith.constant 128 : i32
          %mul3A_518 = arith.muli %add3A_501, %mul3A_517 : i32
          %dma_start3A_519 = tpu.memref_slice %arg3[%mul3A_518] : memref<100000xi32, #tpu.memory_space<hbm>> -> memref<128xi32, #tpu.memory_space<hbm>>
          %dma_start3A_520 = tpu.memref_slice %arg3[%mul3A_518] : memref<100000xi32, #tpu.memory_space<hbm>> -> memref<128xi32, #tpu.memory_space<hbm>>
          tpu.enqueue_dma source(%dma_start3A_520 : memref<128xi32, #tpu.memory_space<hbm>>) target(%arg6 : memref<128xi32, #tpu.memory_space<vmem>>) target_semaphore(%arg17 : memref<!tpu.dma_semaphore, #tpu.memory_space<semaphore_mem>>)
        } else {
        }
        %run_scoped3A = arith.constant 2 : i32
        "tpu.region"() ({
          %run_scoped3A_500 = tpu.sem_alloc : memref<!tpu.dma_semaphore, #tpu.memory_space<semaphore_mem>>
          %dma_start3A_501 = arith.constant 0 : i32
          %dma_start3A_502 = arith.constant 0 : i32
          %dma_start3A_503 = tpu.memref_slice %arg5[%run_scoped3A, %dma_start3A_501, %dma_start3A_502] : memref<4x128x128xf32, #tpu.memory_space<vmem>> -> memref<1x128x128xf32, #tpu.memory_space<vmem>>
          %dma_start3A_504 = tpu.memref_squeeze %dma_start3A_503 : memref<1x128x128xf32, #tpu.memory_space<vmem>> -> memref<128x128xf32, #tpu.memory_space<vmem>>
          %dma_start3A_505 = arith.constant 0 : i32
          %dma_start3A_506 = arith.constant 0 : i32
          %dma_start3A_507 = tpu.memref_slice %arg12[%dma_start3A_505, %dma_start3A_506] : memref<128x128xf32, #tpu.memory_space<vmem_shared>> -> memref<128x128xf32, #tpu.memory_space<vmem_shared>>
          tpu.enqueue_indirect_dma source(%dma_start3A_504 : memref<128x128xf32, #tpu.memory_space<vmem>>) target(%dma_start3A_507 : memref<128x128xf32, #tpu.memory_space<vmem_shared>>) offsets(%arg8 : memref<128xi32, #tpu.memory_space<vmem>>) semaphore(%run_scoped3A_500 : memref<!tpu.dma_semaphore, #tpu.memory_space<semaphore_mem>>) {add = true}
          %dma_wait3A_508 = arith.constant 0 : i32
          %dma_wait3A_509 = arith.constant 0 : i32
          %dma_wait3A_510 = tpu.memref_slice %arg5[%run_scoped3A, %dma_wait3A_508, %dma_wait3A_509] : memref<4x128x128xf32, #tpu.memory_space<vmem>> -> memref<1x128x128xf32, #tpu.memory_space<vmem>>
          %dma_wait3A_511 = tpu.memref_squeeze %dma_wait3A_510 : memref<1x128x128xf32, #tpu.memory_space<vmem>> -> memref<128x128xf32, #tpu.memory_space<vmem>>
          %dma_wait3A_512 = arith.constant 0 : i32
          %dma_wait3A_513 = arith.constant 0 : i32
          %dma_wait3A_514 = tpu.memref_slice %arg12[%dma_wait3A_512, %dma_wait3A_513] : memref<128x128xf32, #tpu.memory_space<vmem_shared>> -> memref<128x128xf32, #tpu.memory_space<vmem_shared>>
          tpu.wait_indirect_dma semaphore(%run_scoped3A_500 : memref<!tpu.dma_semaphore, #tpu.memory_space<semaphore_mem>>) src(%dma_wait3A_511 : memref<128x128xf32, #tpu.memory_space<vmem>>) dst(%dma_wait3A_514 : memref<128x128xf32, #tpu.memory_space<vmem_shared>>)
          tpu.yield
        }) : () -> ()
      } else {
      }
      %mul3A_463 = arith.constant 4 : i32
      %mul3A_464 = arith.muli %scan3A_426, %mul3A_463 : i32
      %add3A_465 = arith.constant 3 : i32
      %add3A_466 = arith.addi %mul3A_464, %add3A_465 : i32
      %mul3A_467 = arith.constant 32 : i32
      %mul3A_468 = arith.muli %add3A_466, %mul3A_467 : i32
      %add3A_469 = arith.addi %add3A, %mul3A_468 : i32
      %lt3A_470 = arith.constant 781 : i32
      %lt3A_471 = arith.cmpi slt, %add3A_469, %lt3A_470 : i32
      %convert_element_type3A_472 = arith.extui %lt3A_471 : i1 to i32
      %cond3A_473 = arith.constant 0 : i32
      %cond3A_474 = arith.cmpi ne, %convert_element_type3A_472, %cond3A_473 : i32
      scf.if %cond3A_474 {
        %mul3A_475 = arith.constant 128 : i32
        %mul3A_476 = arith.muli %add3A_469, %mul3A_475 : i32
        %dma_wait3A = arith.constant 3 : i32
        %dma_wait3A_477 = arith.constant 0 : i32
        %dma_wait3A_478 = arith.constant 0 : i32
        %dma_wait3A_479 = tpu.memref_slice %arg5[%dma_wait3A, %dma_wait3A_477, %dma_wait3A_478] : memref<4x128x128xf32, #tpu.memory_space<vmem>> -> memref<1x128x128xf32, #tpu.memory_space<vmem>>
        %dma_wait3A_480 = tpu.memref_squeeze %dma_wait3A_479 : memref<1x128x128xf32, #tpu.memory_space<vmem>> -> memref<128x128xf32, #tpu.memory_space<vmem>>
        %dma_wait3A_481 = arith.constant 0 : i32
        %dma_wait3A_482 = tpu.memref_slice %arg2[%mul3A_476, %dma_wait3A_481] : memref<100000x128xf32, #tpu.memory_space<hbm>> -> memref<128x128xf32, #tpu.memory_space<hbm>>
        %dma_wait3A_483 = arith.constant 0 : i32
        %dma_wait3A_484 = arith.constant 0 : i32
        %dma_wait3A_485 = tpu.memref_slice %arg5[%dma_wait3A, %dma_wait3A_483, %dma_wait3A_484] : memref<4x128x128xf32, #tpu.memory_space<vmem>> -> memref<1x128x128xf32, #tpu.memory_space<vmem>>
        %dma_wait3A_486 = tpu.memref_squeeze %dma_wait3A_485 : memref<1x128x128xf32, #tpu.memory_space<vmem>> -> memref<128x128xf32, #tpu.memory_space<vmem>>
        %dma_wait3A_487 = arith.constant 0 : i32
        %dma_wait3A_488 = tpu.memref_slice %arg2[%mul3A_476, %dma_wait3A_487] : memref<100000x128xf32, #tpu.memory_space<hbm>> -> memref<128x128xf32, #tpu.memory_space<hbm>>
        tpu.wait_dma2 semaphore(%arg16 : memref<!tpu.dma_semaphore, #tpu.memory_space<semaphore_mem>>) src(%dma_wait3A_488 : memref<128x128xf32, #tpu.memory_space<hbm>>) dst(%dma_wait3A_486 : memref<128x128xf32, #tpu.memory_space<vmem>>)
        %mul3A_489 = arith.constant 128 : i32
        %mul3A_490 = arith.muli %add3A_469, %mul3A_489 : i32
        %dma_wait3A_491 = tpu.memref_slice %arg3[%mul3A_490] : memref<100000xi32, #tpu.memory_space<hbm>> -> memref<128xi32, #tpu.memory_space<hbm>>
        %dma_wait3A_492 = tpu.memref_slice %arg3[%mul3A_490] : memref<100000xi32, #tpu.memory_space<hbm>> -> memref<128xi32, #tpu.memory_space<hbm>>
        tpu.wait_dma2 semaphore(%arg20 : memref<!tpu.dma_semaphore, #tpu.memory_space<semaphore_mem>>) src(%dma_wait3A_492 : memref<128xi32, #tpu.memory_space<hbm>>) dst(%arg9 : memref<128xi32, #tpu.memory_space<vmem>>)
        %add3A_493 = arith.constant 64 : i32
        %add3A_494 = arith.addi %add3A_469, %add3A_493 : i32
        %lt3A_495 = arith.constant 781 : i32
        %lt3A_496 = arith.cmpi slt, %add3A_494, %lt3A_495 : i32
        %convert_element_type3A_497 = arith.extui %lt3A_496 : i1 to i32
        %cond3A_498 = arith.constant 0 : i32
        %cond3A_499 = arith.cmpi ne, %convert_element_type3A_497, %cond3A_498 : i32
        scf.if %cond3A_499 {
          %add3A_500 = arith.constant 64 : i32
          %add3A_501 = arith.addi %add3A_469, %add3A_500 : i32
          %mul3A_502 = arith.constant 128 : i32
          %mul3A_503 = arith.muli %add3A_501, %mul3A_502 : i32
          %dma_start3A_504 = arith.constant 1 : i32
          %dma_start3A_505 = arith.constant 0 : i32
          %dma_start3A_506 = arith.constant 0 : i32
          %dma_start3A_507 = tpu.memref_slice %arg5[%dma_start3A_504, %dma_start3A_505, %dma_start3A_506] : memref<4x128x128xf32, #tpu.memory_space<vmem>> -> memref<1x128x128xf32, #tpu.memory_space<vmem>>
          %dma_start3A_508 = tpu.memref_squeeze %dma_start3A_507 : memref<1x128x128xf32, #tpu.memory_space<vmem>> -> memref<128x128xf32, #tpu.memory_space<vmem>>
          %dma_start3A_509 = arith.constant 0 : i32
          %dma_start3A_510 = tpu.memref_slice %arg2[%mul3A_503, %dma_start3A_509] : memref<100000x128xf32, #tpu.memory_space<hbm>> -> memref<128x128xf32, #tpu.memory_space<hbm>>
          %dma_start3A_511 = arith.constant 0 : i32
          %dma_start3A_512 = arith.constant 0 : i32
          %dma_start3A_513 = tpu.memref_slice %arg5[%dma_start3A_504, %dma_start3A_511, %dma_start3A_512] : memref<4x128x128xf32, #tpu.memory_space<vmem>> -> memref<1x128x128xf32, #tpu.memory_space<vmem>>
          %dma_start3A_514 = tpu.memref_squeeze %dma_start3A_513 : memref<1x128x128xf32, #tpu.memory_space<vmem>> -> memref<128x128xf32, #tpu.memory_space<vmem>>
          %dma_start3A_515 = arith.constant 0 : i32
          %dma_start3A_516 = tpu.memref_slice %arg2[%mul3A_503, %dma_start3A_515] : memref<100000x128xf32, #tpu.memory_space<hbm>> -> memref<128x128xf32, #tpu.memory_space<hbm>>
          tpu.enqueue_dma source(%dma_start3A_516 : memref<128x128xf32, #tpu.memory_space<hbm>>) target(%dma_start3A_514 : memref<128x128xf32, #tpu.memory_space<vmem>>) target_semaphore(%arg14 : memref<!tpu.dma_semaphore, #tpu.memory_space<semaphore_mem>>)
          %mul3A_517 = arith.constant 128 : i32
          %mul3A_518 = arith.muli %add3A_501, %mul3A_517 : i32
          %dma_start3A_519 = tpu.memref_slice %arg3[%mul3A_518] : memref<100000xi32, #tpu.memory_space<hbm>> -> memref<128xi32, #tpu.memory_space<hbm>>
          %dma_start3A_520 = tpu.memref_slice %arg3[%mul3A_518] : memref<100000xi32, #tpu.memory_space<hbm>> -> memref<128xi32, #tpu.memory_space<hbm>>
          tpu.enqueue_dma source(%dma_start3A_520 : memref<128xi32, #tpu.memory_space<hbm>>) target(%arg7 : memref<128xi32, #tpu.memory_space<vmem>>) target_semaphore(%arg18 : memref<!tpu.dma_semaphore, #tpu.memory_space<semaphore_mem>>)
        } else {
        }
        %run_scoped3A = arith.constant 3 : i32
        "tpu.region"() ({
          %run_scoped3A_500 = tpu.sem_alloc : memref<!tpu.dma_semaphore, #tpu.memory_space<semaphore_mem>>
          %dma_start3A_501 = arith.constant 0 : i32
          %dma_start3A_502 = arith.constant 0 : i32
          %dma_start3A_503 = tpu.memref_slice %arg5[%run_scoped3A, %dma_start3A_501, %dma_start3A_502] : memref<4x128x128xf32, #tpu.memory_space<vmem>> -> memref<1x128x128xf32, #tpu.memory_space<vmem>>
          %dma_start3A_504 = tpu.memref_squeeze %dma_start3A_503 : memref<1x128x128xf32, #tpu.memory_space<vmem>> -> memref<128x128xf32, #tpu.memory_space<vmem>>
          %dma_start3A_505 = arith.constant 0 : i32
          %dma_start3A_506 = arith.constant 0 : i32
          %dma_start3A_507 = tpu.memref_slice %arg12[%dma_start3A_505, %dma_start3A_506] : memref<128x128xf32, #tpu.memory_space<vmem_shared>> -> memref<128x128xf32, #tpu.memory_space<vmem_shared>>
          tpu.enqueue_indirect_dma source(%dma_start3A_504 : memref<128x128xf32, #tpu.memory_space<vmem>>) target(%dma_start3A_507 : memref<128x128xf32, #tpu.memory_space<vmem_shared>>) offsets(%arg9 : memref<128xi32, #tpu.memory_space<vmem>>) semaphore(%run_scoped3A_500 : memref<!tpu.dma_semaphore, #tpu.memory_space<semaphore_mem>>) {add = true}
          %dma_wait3A_508 = arith.constant 0 : i32
          %dma_wait3A_509 = arith.constant 0 : i32
          %dma_wait3A_510 = tpu.memref_slice %arg5[%run_scoped3A, %dma_wait3A_508, %dma_wait3A_509] : memref<4x128x128xf32, #tpu.memory_space<vmem>> -> memref<1x128x128xf32, #tpu.memory_space<vmem>>
          %dma_wait3A_511 = tpu.memref_squeeze %dma_wait3A_510 : memref<1x128x128xf32, #tpu.memory_space<vmem>> -> memref<128x128xf32, #tpu.memory_space<vmem>>
          %dma_wait3A_512 = arith.constant 0 : i32
          %dma_wait3A_513 = arith.constant 0 : i32
          %dma_wait3A_514 = tpu.memref_slice %arg12[%dma_wait3A_512, %dma_wait3A_513] : memref<128x128xf32, #tpu.memory_space<vmem_shared>> -> memref<128x128xf32, #tpu.memory_space<vmem_shared>>
          tpu.wait_indirect_dma semaphore(%run_scoped3A_500 : memref<!tpu.dma_semaphore, #tpu.memory_space<semaphore_mem>>) src(%dma_wait3A_511 : memref<128x128xf32, #tpu.memory_space<vmem>>) dst(%dma_wait3A_514 : memref<128x128xf32, #tpu.memory_space<vmem_shared>>)
          tpu.yield
        }) : () -> ()
      } else {
      }
    }
    %scan3A_413 = arith.constant 7 : i32
    %eq3A = arith.constant 0 : i32
    %eq3A_414 = arith.cmpi eq, %arg1, %eq3A : i32
    %eq3A_415 = arith.constant 0 : i32
    %eq3A_416 = arith.cmpi eq, %arg0, %eq3A_415 : i32
    %and3A = arith.andi %eq3A_414, %eq3A_416 : i1
    %convert_element_type3A_417 = arith.extui %and3A : i1 to i32
    %cond3A_418 = arith.constant 0 : i32
    %cond3A_419 = arith.cmpi ne, %convert_element_type3A_417, %cond3A_418 : i32
    scf.if %cond3A_419 {
      %run_scoped3A = arith.constant 0 : i32
      "tpu.region"() ({
        %run_scoped3A_427 = tpu.sem_alloc : memref<!tpu.dma_semaphore, #tpu.memory_space<semaphore_mem>>
        %dma_start3A_428 = arith.constant 0 : i32
        %dma_start3A_429 = arith.constant 0 : i32
        %dma_start3A_430 = tpu.memref_slice %arg5[%run_scoped3A, %dma_start3A_428, %dma_start3A_429] : memref<4x128x128xf32, #tpu.memory_space<vmem>> -> memref<1x32x128xf32, #tpu.memory_space<vmem>>
        %dma_start3A_431 = tpu.memref_squeeze %dma_start3A_430 : memref<1x32x128xf32, #tpu.memory_space<vmem>> -> memref<32x128xf32, #tpu.memory_space<vmem>>
        %dma_start3A_432 = arith.constant 99968 : i32
        %dma_start3A_433 = arith.constant 0 : i32
        %dma_start3A_434 = tpu.memref_slice %arg2[%dma_start3A_432, %dma_start3A_433] : memref<100000x128xf32, #tpu.memory_space<hbm>> -> memref<32x128xf32, #tpu.memory_space<hbm>>
        %dma_start3A_435 = arith.constant 0 : i32
        %dma_start3A_436 = arith.constant 0 : i32
        %dma_start3A_437 = tpu.memref_slice %arg5[%run_scoped3A, %dma_start3A_435, %dma_start3A_436] : memref<4x128x128xf32, #tpu.memory_space<vmem>> -> memref<1x32x128xf32, #tpu.memory_space<vmem>>
        %dma_start3A_438 = tpu.memref_squeeze %dma_start3A_437 : memref<1x32x128xf32, #tpu.memory_space<vmem>> -> memref<32x128xf32, #tpu.memory_space<vmem>>
        %dma_start3A_439 = arith.constant 99968 : i32
        %dma_start3A_440 = arith.constant 0 : i32
        %dma_start3A_441 = tpu.memref_slice %arg2[%dma_start3A_439, %dma_start3A_440] : memref<100000x128xf32, #tpu.memory_space<hbm>> -> memref<32x128xf32, #tpu.memory_space<hbm>>
        tpu.enqueue_dma source(%dma_start3A_441 : memref<32x128xf32, #tpu.memory_space<hbm>>) target(%dma_start3A_438 : memref<32x128xf32, #tpu.memory_space<vmem>>) target_semaphore(%run_scoped3A_427 : memref<!tpu.dma_semaphore, #tpu.memory_space<semaphore_mem>>)
        %dma_wait3A = arith.constant 0 : i32
        %dma_wait3A_442 = arith.constant 0 : i32
        %dma_wait3A_443 = tpu.memref_slice %arg5[%run_scoped3A, %dma_wait3A, %dma_wait3A_442] : memref<4x128x128xf32, #tpu.memory_space<vmem>> -> memref<1x32x128xf32, #tpu.memory_space<vmem>>
        %dma_wait3A_444 = tpu.memref_squeeze %dma_wait3A_443 : memref<1x32x128xf32, #tpu.memory_space<vmem>> -> memref<32x128xf32, #tpu.memory_space<vmem>>
        %dma_wait3A_445 = arith.constant 99968 : i32
        %dma_wait3A_446 = arith.constant 0 : i32
        %dma_wait3A_447 = tpu.memref_slice %arg2[%dma_wait3A_445, %dma_wait3A_446] : memref<100000x128xf32, #tpu.memory_space<hbm>> -> memref<32x128xf32, #tpu.memory_space<hbm>>
        %dma_wait3A_448 = arith.constant 0 : i32
        %dma_wait3A_449 = arith.constant 0 : i32
        %dma_wait3A_450 = tpu.memref_slice %arg5[%run_scoped3A, %dma_wait3A_448, %dma_wait3A_449] : memref<4x128x128xf32, #tpu.memory_space<vmem>> -> memref<1x32x128xf32, #tpu.memory_space<vmem>>
        %dma_wait3A_451 = tpu.memref_squeeze %dma_wait3A_450 : memref<1x32x128xf32, #tpu.memory_space<vmem>> -> memref<32x128xf32, #tpu.memory_space<vmem>>
        %dma_wait3A_452 = arith.constant 99968 : i32
        %dma_wait3A_453 = arith.constant 0 : i32
        %dma_wait3A_454 = tpu.memref_slice %arg2[%dma_wait3A_452, %dma_wait3A_453] : memref<100000x128xf32, #tpu.memory_space<hbm>> -> memref<32x128xf32, #tpu.memory_space<hbm>>
        tpu.wait_dma2 semaphore(%run_scoped3A_427 : memref<!tpu.dma_semaphore, #tpu.memory_space<semaphore_mem>>) src(%dma_wait3A_454 : memref<32x128xf32, #tpu.memory_space<hbm>>) dst(%dma_wait3A_451 : memref<32x128xf32, #tpu.memory_space<vmem>>)
        tpu.yield
      }) : () -> ()
      "tpu.region"() ({
        %run_scoped3A_427 = tpu.sem_alloc : memref<!tpu.dma_semaphore, #tpu.memory_space<semaphore_mem>>
        %dma_start3A_428 = arith.constant 99968 : i32
        %dma_start3A_429 = tpu.memref_slice %arg3[%dma_start3A_428] : memref<100000xi32, #tpu.memory_space<hbm>> -> memref<32xi32, #tpu.memory_space<hbm>>
        %dma_start3A_430 = arith.constant 99968 : i32
        %dma_start3A_431 = tpu.memref_slice %arg3[%dma_start3A_430] : memref<100000xi32, #tpu.memory_space<hbm>> -> memref<32xi32, #tpu.memory_space<hbm>>
        tpu.enqueue_dma source(%dma_start3A_431 : memref<32xi32, #tpu.memory_space<hbm>>) target(%arg10 : memref<32xi32, #tpu.memory_space<vmem>>) target_semaphore(%run_scoped3A_427 : memref<!tpu.dma_semaphore, #tpu.memory_space<semaphore_mem>>)
        %dma_wait3A = arith.constant 99968 : i32
        %dma_wait3A_432 = tpu.memref_slice %arg3[%dma_wait3A] : memref<100000xi32, #tpu.memory_space<hbm>> -> memref<32xi32, #tpu.memory_space<hbm>>
        %dma_wait3A_433 = arith.constant 99968 : i32
        %dma_wait3A_434 = tpu.memref_slice %arg3[%dma_wait3A_433] : memref<100000xi32, #tpu.memory_space<hbm>> -> memref<32xi32, #tpu.memory_space<hbm>>
        tpu.wait_dma2 semaphore(%run_scoped3A_427 : memref<!tpu.dma_semaphore, #tpu.memory_space<semaphore_mem>>) src(%dma_wait3A_434 : memref<32xi32, #tpu.memory_space<hbm>>) dst(%arg10 : memref<32xi32, #tpu.memory_space<vmem>>)
        tpu.yield
      }) : () -> ()
      %run_scoped3A_426 = arith.constant 0 : i32
      "tpu.region"() ({
        %run_scoped3A_427 = tpu.sem_alloc : memref<!tpu.dma_semaphore, #tpu.memory_space<semaphore_mem>>
        %dma_start3A_428 = arith.constant 0 : i32
        %dma_start3A_429 = arith.constant 0 : i32
        %dma_start3A_430 = tpu.memref_slice %arg5[%run_scoped3A_426, %dma_start3A_428, %dma_start3A_429] : memref<4x128x128xf32, #tpu.memory_space<vmem>> -> memref<1x32x128xf32, #tpu.memory_space<vmem>>
        %dma_start3A_431 = tpu.memref_squeeze %dma_start3A_430 : memref<1x32x128xf32, #tpu.memory_space<vmem>> -> memref<32x128xf32, #tpu.memory_space<vmem>>
        %dma_start3A_432 = arith.constant 0 : i32
        %dma_start3A_433 = arith.constant 0 : i32
        %dma_start3A_434 = tpu.memref_slice %arg12[%dma_start3A_432, %dma_start3A_433] : memref<128x128xf32, #tpu.memory_space<vmem_shared>> -> memref<128x128xf32, #tpu.memory_space<vmem_shared>>
        tpu.enqueue_indirect_dma source(%dma_start3A_431 : memref<32x128xf32, #tpu.memory_space<vmem>>) target(%dma_start3A_434 : memref<128x128xf32, #tpu.memory_space<vmem_shared>>) offsets(%arg10 : memref<32xi32, #tpu.memory_space<vmem>>) semaphore(%run_scoped3A_427 : memref<!tpu.dma_semaphore, #tpu.memory_space<semaphore_mem>>) {add = true}
        %dma_wait3A = arith.constant 0 : i32
        %dma_wait3A_435 = arith.constant 0 : i32
        %dma_wait3A_436 = tpu.memref_slice %arg5[%run_scoped3A_426, %dma_wait3A, %dma_wait3A_435] : memref<4x128x128xf32, #tpu.memory_space<vmem>> -> memref<1x32x128xf32, #tpu.memory_space<vmem>>
        %dma_wait3A_437 = tpu.memref_squeeze %dma_wait3A_436 : memref<1x32x128xf32, #tpu.memory_space<vmem>> -> memref<32x128xf32, #tpu.memory_space<vmem>>
        %dma_wait3A_438 = arith.constant 0 : i32
        %dma_wait3A_439 = arith.constant 0 : i32
        %dma_wait3A_440 = tpu.memref_slice %arg12[%dma_wait3A_438, %dma_wait3A_439] : memref<128x128xf32, #tpu.memory_space<vmem_shared>> -> memref<128x128xf32, #tpu.memory_space<vmem_shared>>
        tpu.wait_indirect_dma semaphore(%run_scoped3A_427 : memref<!tpu.dma_semaphore, #tpu.memory_space<semaphore_mem>>) src(%dma_wait3A_437 : memref<32x128xf32, #tpu.memory_space<vmem>>) dst(%dma_wait3A_440 : memref<128x128xf32, #tpu.memory_space<vmem_shared>>)
        tpu.yield
      }) : () -> ()
    } else {
    }
    %barrier3A_420 = arith.constant 0 : index
    tpu.barrier barrier_id(%barrier3A_420)
    %eq3A_421 = arith.constant 0 : i32
    %eq3A_422 = arith.cmpi eq, %arg1, %eq3A_421 : i32
    %convert_element_type3A_423 = arith.extui %eq3A_422 : i1 to i32
    %cond3A_424 = arith.constant 0 : i32
    %cond3A_425 = arith.cmpi ne, %convert_element_type3A_423, %cond3A_424 : i32
    scf.if %cond3A_425 {
      "tpu.region"() ({
        %run_scoped3A = tpu.sem_alloc : memref<!tpu.dma_semaphore, #tpu.memory_space<semaphore_mem>>
        %dma_start3A_426 = arith.constant 0 : i32
        %dma_start3A_427 = arith.constant 0 : i32
        %dma_start3A_428 = tpu.memref_slice %arg4[%arg0, %dma_start3A_426, %dma_start3A_427] : memref<2x128x128xf32, #tpu.memory_space<hbm>> -> memref<1x128x128xf32, #tpu.memory_space<hbm>>
        %dma_start3A_429 = tpu.memref_squeeze %dma_start3A_428 : memref<1x128x128xf32, #tpu.memory_space<hbm>> -> memref<128x128xf32, #tpu.memory_space<hbm>>
        tpu.enqueue_dma source(%arg12 : memref<128x128xf32, #tpu.memory_space<vmem_shared>>) target(%dma_start3A_429 : memref<128x128xf32, #tpu.memory_space<hbm>>) target_semaphore(%run_scoped3A : memref<!tpu.dma_semaphore, #tpu.memory_space<semaphore_mem>>)
        %dma_wait3A = arith.constant 0 : i32
        %dma_wait3A_430 = arith.constant 0 : i32
        %dma_wait3A_431 = tpu.memref_slice %arg4[%arg0, %dma_wait3A, %dma_wait3A_430] : memref<2x128x128xf32, #tpu.memory_space<hbm>> -> memref<1x128x128xf32, #tpu.memory_space<hbm>>
        %dma_wait3A_432 = tpu.memref_squeeze %dma_wait3A_431 : memref<1x128x128xf32, #tpu.memory_space<hbm>> -> memref<128x128xf32, #tpu.memory_space<hbm>>
        tpu.wait_dma2 semaphore(%run_scoped3A : memref<!tpu.dma_semaphore, #tpu.memory_space<semaphore_mem>>) src(%arg12 : memref<128x128xf32, #tpu.memory_space<vmem_shared>>) dst(%dma_wait3A_432 : memref<128x128xf32, #tpu.memory_space<hbm>>)
        tpu.yield
      }) : () -> ()
    } else {
    }
    return
  }
}

module attributes {stable_mosaic.version = 14 : i64} {
  func.func @_mlp_kernel(%arg0: memref<2x128x128xf32, #tpu.memory_space<vmem>>, %arg1: memref<128x128xf32, #tpu.memory_space<vmem>>, %arg2: memref<128x128xf32, #tpu.memory_space<vmem>>, %arg3: memref<1x128xf32, #tpu.memory_space<vmem>>, %arg4: memref<128x128xf32, #tpu.memory_space<vmem>>) attributes {dimension_semantics = [], scalar_prefetch = 0 : i64, scratch_operands = 0 : i64, tpu.core_type = #tpu.core_type<tc>} {
    %get3A = arith.constant 0 : index
    %get3A_0 = arith.constant 0 : index
    %get3A_1 = arith.constant 0 : index
    %get3A_2 = vector.load %arg0[%get3A, %get3A_0, %get3A_1] : memref<2x128x128xf32, #tpu.memory_space<vmem>>, vector<2x128x128xf32>
    %reduce_sum3A = arith.constant dense<0.000000e+00> : vector<128x128xf32>
    %reduce_sum3A_3 = vector.multi_reduction <add>, %get3A_2, %reduce_sum3A [0] : vector<2x128x128xf32> to vector<128x128xf32>
    %get3A_4 = arith.constant 0 : index
    %get3A_5 = arith.constant 0 : index
    %get3A_6 = vector.load %arg1[%get3A_4, %get3A_5] : memref<128x128xf32, #tpu.memory_space<vmem>>, vector<128x128xf32>
    %add3A = arith.addf %get3A_6, %reduce_sum3A_3 : vector<128x128xf32>
    %get3A_7 = arith.constant 0 : index
    %get3A_8 = arith.constant 0 : index
    %get3A_9 = vector.load %arg2[%get3A_7, %get3A_8] : memref<128x128xf32, #tpu.memory_space<vmem>>, vector<128x128xf32>
    %dot_general3A = arith.constant dense<0.000000e+00> : vector<128x128xf32>
    %dot_general3A_10 = tpu.matmul %add3A, %get3A_9, %dot_general3A {dimension_numbers = #tpu.dot_dimension_numbers<[1], [0], [0], [1], [0, 0, 1, 1], [], []>, transpose_lhs_hint = false} : vector<128x128xf32>, vector<128x128xf32>, vector<128x128xf32> -> vector<128x128xf32>
    %get3A_11 = arith.constant 0 : index
    %get3A_12 = arith.constant 0 : index
    %get3A_13 = vector.load %arg1[%get3A_11, %get3A_12] : memref<128x128xf32, #tpu.memory_space<vmem>>, vector<128x128xf32>
    %get3A_14 = arith.constant 0 : index
    %get3A_15 = arith.constant 0 : index
    %get3A_16 = vector.load %arg3[%get3A_14, %get3A_15] : memref<1x128xf32, #tpu.memory_space<vmem>>, vector<1x128xf32>
    %add3A_17 = vector.broadcast %get3A_16 : vector<1x128xf32> to vector<128x128xf32>
    %add3A_18 = arith.addf %dot_general3A_10, %add3A_17 : vector<128x128xf32>
    %max3A = arith.constant 0.000000e+00 : f32
    %max3A_19 = vector.broadcast %max3A : f32 to vector<128x128xf32>
    %max3A_20 = arith.maximumf %add3A_18, %max3A_19 : vector<128x128xf32>
    %add3A_21 = arith.addf %get3A_13, %max3A_20 : vector<128x128xf32>
    %swap3A = arith.constant 0 : index
    %swap3A_22 = arith.constant 0 : index
    %swap3A_23 = vector.load %arg4[%swap3A, %swap3A_22] : memref<128x128xf32, #tpu.memory_space<vmem>>, vector<128x128xf32>
    tpu.vector_store %arg4[%swap3A, %swap3A_22], %add3A_21 {strides = array<i32>} : memref<128x128xf32, #tpu.memory_space<vmem>>, vector<128x128xf32>,
    return
  }
}

</mosaic_0001>

<sc_bundles>
// kernel: kernel.5.cloned.1.call-start
scs
__scs_entry_jumppad:
0x0: {  	(pc) =	sbr.rel $0x88, $3  }
0x1: {  	(tag) =	ssettag $0x0;
	lr =	simm.s32 $0x1  }
0x2: {  	[smem:$0x3F9C] =	sst lr;
	_ =	strace $0xD0000000  }
0x3: {  	_ = 	snop  }
0x4: {  	_ = 	snop  }
0x5: {  	_ = 	snop  }
0x6: {  	_ = 	snop  }
0x7: {  	_ = 	snop  }
__scs_overlays_trampoline_lowered:
0x8: {  	[smem:$0x3FAB] =	sst s0  }
0x9: {  	[smem:$0x3FAC] =	sst s1  }
0xa: {  	[smem:$0x3FAD] =	sst s2  }
0xb: {  	[smem:$0x3FAE] =	sst s3  }
0xc: {  	[smem:$0x3FAF] =	sst s4  }
0xd: {  	[smem:$0x3FB0] =	sst s5  }
0xe: {  	[smem:$0x3FB1] =	sst s6  }
0xf: {  	[smem:$0x3FB2] =	sst s7  }
0x10: {  	[smem:$0x3FB3] =	sst s8  }
0x11: {  	[smem:$0x3FB4] =	sst s9;
	s0 =	simm.s32 @!p0 $0x0  }
0x12: {  	s1 =	sld [smem:$0x3F9A];
	s0 =	simm.s32 @p0 $0x1  }
0x13: {  	[smem:$0x3FB5] =	sst s0;
	s0 =	simm.s32 @!p1 $0x0  }
0x14: {  	s2 =	sld [smem:$0x3F99];
	s0 =	simm.s32 @p1 $0x1  }
0x15: {  	[smem:$0x3FB6] =	sst s0;
	s0 =	simm.s32 @!p2 $0x0  }
0x16: {  	s3 =	sld [smem:$0x3FDB];
	s0 =	simm.s32 @p2 $0x1  }
0x17: {  	s4 =	simm.s32 $0x1BF5;
	[smem:$0x3FB8] =	sst s0  }
0x18: {  	s0 =	sld [smem:$0x3F9B];
	_ =	swait.ge [sflag:s4], $0x0  }
0x19: {  	s7 =	sld [smem:$0x3F9C]  }
0x1a: {  	s8 =	sadd.s32 $0xFFFFE003, lr  }
0x1b: {  	s9 =	sadd.s32 $0xFFFFFEF7, lr;
	s5 =	simm.s32 $0xFFFFFFFF;
	p2 =	slt.u32 s8, $0xFFFFF086  }
0x1c: {  	p1 =	slt.u32 s9, $0xF7A;
	s5 =	simm.s32 @!p2 $0x0  }
0x1d: {  	s5 =	simm.s32 @p1 $0x1;
	p0 =	seq.s32 s7, s2  }
0x1e: {  	s7 =	smul.u32 @!p0 $0xF7A, s2;
	p2 =	seq.s32 @!p0 s5, $0x0  }
0x1f: {  	s9 =	smul.u32 $0xF7A, s1;
	s8 =	simm.s32 @!p0 $0x1BF5;
	p2 =	por !p2, p0  }
0x20: {  	[sflag:s8] =	ssyncset.s32 @!p0 $0xFFFFF086;
	s6 =	sadd.s32 @!p0 s3, s7;
	s7 =	simm.s32 @!p0 $0x108  }
0x21: {  	s3 =	sadd.s32 s3, s9;
	s6 =	sadd.s32 @!p0 $0x88, s6;
	s7 =	simm.s32 @p2 $0x1082  }
0x22: {  	[simem:s7], [sflag:s8] =	dma.local @!p0 [hbm:s6], $0xF7A  }
0x23: {  	s9 =	sor.u32 $0xD0000000, s2;
	s6 =	simm.s32 $0x108;
	_ =	swait.ge @!p0 [sflag:s8], $0x0  }
0x24: {  	s3 =	sadd.s32 $0x88, s3;
	s6 =	simm.s32 @!p1 $0x1082;
	[sflag:s4] =	ssyncset.s32 $0xFFFFF086  }
0x25: {  	[simem:s6], [sflag:s4] =	dma.local [hbm:s3], $0xF7A  }
0x26: {  	[smem:$0x3F9C] =	sst s1;
	(tag) =	ssettag s2;
	_ =	strace s9  }
0x27: {  	s1 =	sld [smem:$0x3FAC]  }
0x28: {  	s2 =	sld [smem:$0x3FAD]  }
0x29: {  	s4 =	sld [smem:$0x3FAF]  }
0x2a: {  	p0 =	seq.s32 s5, $0x0;
	s5 =	sld [smem:$0x3FB0]  }
0x2b: {  	s6 =	sld [smem:$0x3FB1]  }
0x2c: {  	s7 =	sld [smem:$0x3FB2]  }
0x2d: {  	s3 =	simm.s32 $0x108;
	s8 =	sld [smem:$0x3FB3]  }
0x2e: {  	s3 =	simm.s32 @!p0 $0x1082;
	s9 =	sld [smem:$0x3FB4]  }
0x2f: {  	lr =	sadd.s32 s0, s3;
	s0 =	sld [smem:$0x3FAB]  }
0x30: {  	s3 =	sld [smem:$0x3FAE]  }
0x31: {  	[smem:$0x3FB7] =	sst s10  }
0x32: {  	s10 =	sld [smem:$0x3FB5];
	_ =	sdelay $0x3  }
0x33: {  	p0 =	seq.s32 s10, $0x1;
	s10 =	sld [smem:$0x3FB7];
	_ =	sdelay $0x3  }
0x34: {  	[smem:$0x3FB7] =	sst s10  }
0x35: {  	s10 =	sld [smem:$0x3FB6];
	_ =	sdelay $0x3  }
0x36: {  	p1 =	seq.s32 s10, $0x1;
	s10 =	sld [smem:$0x3FB7];
	_ =	sdelay $0x3  }
0x37: {  	[smem:$0x3FB7] =	sst s10  }
0x38: {  	s10 =	sld [smem:$0x3FB8]  }
0x39: {  	_ = 	snop;
	(pc) =	sbr.ind lr, $3  }
0x3a: {  	_ = 	snop  }
0x3b: {  	_ = 	snop  }
0x3c: {  	p2 =	seq.s32 s10, $0x1;
	s10 =	sld [smem:$0x3FB7]  }
0x3d: {  	_ =	shalt  }
0x3e: {  	_ =	shalt  }
0x3f: {  	_ =	shalt  }
0x40: {  	_ =	shalt  }
0x41: {  	_ =	shalt  }
0x42: {  	_ =	shalt  }
0x43: {  	_ =	shalt  }
0x44: {  	_ =	shalt  }
0x45: {  	_ =	shalt  }
0x46: {  	_ =	shalt  }
0x47: {  	_ =	shalt  }
0x48: {  	_ =	shalt  }
0x49: {  	_ =	shalt  }
0x4a: {  	_ =	shalt  }
0x4b: {  	_ =	shalt  }
0x4c: {  	_ =	shalt  }
0x4d: {  	_ =	shalt  }
0x4e: {  	_ =	shalt  }
0x4f: {  	_ =	shalt  }
0x50: {  	_ =	shalt  }
0x51: {  	_ =	shalt  }
0x52: {  	_ =	shalt  }
0x53: {  	_ =	shalt  }
0x54: {  	_ =	shalt  }
0x55: {  	_ =	shalt  }
0x56: {  	_ =	shalt  }
0x57: {  	_ =	shalt  }
0x58: {  	_ =	shalt  }
0x59: {  	_ =	shalt  }
0x5a: {  	_ =	shalt  }
0x5b: {  	_ =	shalt  }
0x5c: {  	_ =	shalt  }
0x5d: {  	_ =	shalt  }
0x5e: {  	_ =	shalt  }
0x5f: {  	_ =	shalt  }
0x60: {  	_ =	shalt  }
0x61: {  	_ =	shalt  }
0x62: {  	_ =	shalt  }
0x63: {  	_ =	shalt  }
0x64: {  	_ =	shalt  }
0x65: {  	_ =	shalt  }
0x66: {  	_ =	shalt  }
0x67: {  	_ =	shalt  }
0x68: {  	_ =	shalt  }
0x69: {  	_ =	shalt  }
0x6a: {  	_ =	shalt  }
0x6b: {  	_ =	shalt  }
0x6c: {  	_ =	shalt  }
0x6d: {  	_ =	shalt  }
0x6e: {  	_ =	shalt  }
0x6f: {  	_ =	shalt  }
0x70: {  	_ =	shalt  }
0x71: {  	_ =	shalt  }
0x72: {  	_ =	shalt  }
0x73: {  	_ =	shalt  }
0x74: {  	_ =	shalt  }
0x75: {  	_ =	shalt  }
0x76: {  	_ =	shalt  }
0x77: {  	_ =	shalt  }
0x78: {  	_ =	shalt  }
0x79: {  	_ =	shalt  }
0x7a: {  	_ =	shalt  }
0x7b: {  	_ =	shalt  }
0x7c: {  	_ =	shalt  }
0x7d: {  	_ =	shalt  }
0x7e: {  	_ =	shalt  }
0x7f: {  	_ =	shalt  }
0x80: {  	_ =	shalt  }
0x81: {  	_ =	shalt  }
0x82: {  	_ =	shalt  }
0x83: {  	_ =	shalt  }
0x84: {  	_ =	shalt  }
0x85: {  	_ =	shalt  }
0x86: {  	_ =	shalt  }
0x87: {  	_ =	shalt  }
.Lfunc_end0:
.L_simem_size_0:
called_computation_lowered:
.L_overlay_start_0:
0x88: {  	s2 =	sld [smem:$0x3FD9]  }
0x89: {  	s3 =	sld [smem:$0x3FFE];
	_ =	sdelay $0x1  }
0x8a: {  	s1 =	srdreg.scid  }
0x8b: {  	s0 =	sand.u32 $0x1, s1  }
0x8c: {  	s15 =	sshll.u32 s0, $0xA;
	s2 =	sadd.s32 s3, s2  }
0x8d: {  	s2 =	sadd.s32 s2, s15  }
0x8e: {  	[smem:$0x3FC3] =	sst s2  }
0x8f: {  	_ = 	snop  }
0x90: {  	s2 =	sld [smem:$0x3FD0];
	_ =	sdelay $0x1  }
0x91: {  	s16 =	sld [smem:$0x3FC9]  }
0x92: {  	s5 =	simm.s32 $0xA;
	s6 =	simm.s32 $0x10;
	s4 =	sld [smem:$0x3FC8]  }
0x93: {  	[smem:s6], [sflag:s5] =	dma.local [hbm:s2], $0x1  }
0x94: {  	_ =	swait.eq [sflag:s5], $0x1  }
0x95: {  	[sflag:s5] =	ssyncset.done $0x0  }
0x96: {  	[sflag:s5] =	ssyncadd.s32 $0xFFFFFFFF  }
0x97: {  	s17 =	sld [smem:$0x10];
	(tm) =	ssettm $0x1  }
0x98: {  	s18 =	sld [smem:$0x3FFB];
	_ =	sdelay $0x3  }
0x99: {  	_ =	strace s18  }
0x9a: {  	s5 =	sld [smem:$0x3FFC];
	_ =	sdelay $0x3  }
0x9b: {  	_ =	strace s5  }
0x9c: {  	s5 =	sld [smem:$0x3FFD];
	_ =	sdelay $0x3  }
0x9d: {  	_ =	strace s5  }
0x9e: {  	_ =	strace $0x8FFFFFFF  }
0x9f: {  	s19 =	sld [smem:$0x3FDB];
	_ =	sdelay $0x1  }
0xa0: {  	s20 =	simm.s32 $_scs_section_size  }
0xa1: {  	s7 =	simm.s32 $_size__tile_overlayer_lowered;
	s8 =	simm.s32 $_tile_overlayer_lowered  }
0xa2: {  	s23 =	simm.s32 $0x1BFF;
	s22 =	sshll.u32 s8, $0x1;
	s5 =	sadd.s32 s20, s19  }
0xa3: {  	s9 =	simm.s32 $0x0;
	s21 =	sshll.u32 s7, $0x1;
	s7 =	sadd.s32 s22, s5  }
0xa4: {  	[timem:s9], [sflag:s23] =	dma.local [hbm:s7], s21  }
0xa5: {  	_ =	swait.ge [sflag:s23], s21  }
0xa6: {  	s6 =	ssub.s32 $0x0, s21;
	[sflag:s23] =	ssyncset.done $0x0  }
0xa7: {  	[sflag:s23] =	ssyncadd.s32 s6;
	_ =	sdelay $0x1  }
0xa8: {  	s24 =	simm.s32 $0x1B8B  }
0xa9: {  	_ =	swait.ge [sflag:s24], $0x1  }
0xaa: {  	[sflag:s24] =	ssyncset.done $0x0  }
0xab: {  	s25 =	simm.s32 $0x1B8E;
	[sflag:s24] =	ssyncadd.s32 $0xFFFFFFFF  }
0xac: {  	s26 =	simm.s32 $execute0_lowered;
	[smem:$0x3FD2] =	sst s25  }
0xad: {  	s6 =	sshll.u32 s26, $0x1;
	_ =	strace $0x80000046;
	[dreg:$0x1] =	wrdreg $0xFFFFFFFF  }
0xae: {  	s28 =	simm.s32 $_size_execute0_lowered;
	s5 =	sadd.s32 s5, s6;
	[dreg:$0x0] =	wrdreg $0x0  }
0xaf: {  	s6 =	sshll.u32 s28, $0x1;
	[dreg:$0x2] =	wrdreg s5  }
0xb0: {  	[dreg:$0x3] =	wrdreg s6  }
0xb1: {  	[dreg:$0x4] =	wrdreg $0xC0  }
0xb2: {  	_ =	task [dreg:s9], $0x5FFFF  }
0xb3: {  	[dreg:$0x1] =	wrdreg $0xFFFFFFFF  }
0xb4: {  	[dreg:$0x0] =	wrdreg $0x60  }
0xb5: {  	[dreg:$0x2] =	wrdreg s16  }
0xb6: {  	[dreg:$0x3] =	wrdreg s4  }
0xb7: {  	[dreg:$0x4] =	wrdreg s17  }
0xb8: {  	[dreg:$0x5] =	wrdreg $0x106800  }
0xb9: {  	[dreg:$0x6] =	wrdreg $0x9  }
0xba: {  	_ =	task.clear_ibuf [dreg:s9], $0x7FFFF;
	_ =	strace $0x90000046  }
0xbb: {  	s29 =	simm.s32 $0x9;
	_ =	strace $0x80000048  }
0xbc: {  	_ =	swait.ge [sflag:s29], $0x1  }
0xbd: {  	[sflag:s29] =	ssyncadd.s32 $0xFFFFFFFF  }
0xbe: {  	_ =	strace $0x90000048  }
0xbf: {  	_ =	sfence  }
0xc0: {  	s30 =	sld [smem:$0x0];
	_ =	sdelay $0x2  }
0xc1: {  	s31 =	sshll.u32 s1, $0xD;
	s1 =	sshrl.u32 s1, $0x2  }
0xc2: {  	s3 =	sand.u32 $0x4000, s31;
	s1 =	sadd.s32 s1, s30  }
0xc3: {  	s0 =	sor.u32 s3, s0;
	s1 =	sshll.u32 s1, $0x11  }
0xc4: {  	s0 =	sor.u32 s1, s0  }
0xc5: {  	s0 =	sadd.s32 $0x8F2B, s0  }
0xc6: {  	[sflag:s0] =	ssyncadd.remote.s32 $0x1  }
0xc7: {  	_ =	sfence.sel $0xFFFF  }
0xc8: {  	[dreg:$0x0] =	wrdreg $0xFFFFFFFF;
	(pc) =	sbr.abs _section_cstart, $3  }
0xc9: {  	[dreg:$0x1] =	wrdreg $0xFFFFFFFF  }
0xca: {  	_ =	task.clear_ibuf [dreg:s9], $0x2FFFF;
	_ =	strace $0x9FFFFFFF  }
0xcb: {  	(tm) =	ssettm $0x7FFFFFFF  }
tec
execute0_lowered:
.L_overlay_start_1:
0x0: {  	(tag) =	ssettag $0x1  }
0x1: {  	s11 =	rddreg [dreg:$0x0]  }
0x2: {  	s10 =	rddreg [dreg:$0x1]  }
0x3: {  	s12 =	rddreg [dreg:$0x2]  }
0x4: {  	s1 =	rddreg [dreg:$0x3];
	s2 =	srdreg.scid  }
0x5: {  	s0 =	rddreg [dreg:$0x4];
	s20 =	stileid.u32;
	s19 =	simm.s32 $0x9  }
0x6: {  	s13 =	sand.u32 $0x1, s2;
	s2 =	simm.s32 $0x0;
	s4 =	sshll.u32 s20, $0x1  }
0x7: {  	s16 =	sshll.u32 s20, $0xC;
	s8 =	sadd.s32 $0x186800, s11;
	s9 =	sadd.s32 $0x30D0, s10  }
0x8: {  	s17 =	sshll.u32 s20, $0x5;
	p0 =	sne.s32 s20, $0x0;
	s3 =	ssub.s32 $0x2, s13  }
0x9: {  	[smem:$0x7FF] =	sst s2;
	s14 =	sor.u32 s13, s4;
	s7 =	sshrl.u32 s16, $0x2  }
0xa: {  	s21 =	sor.u32 s13, s20;
	s18 =	sshll.u32 s13, $0xB;
	s17 =	sadd.s32 s17, s10  }
0xb: {  	s13 =	sshll.u32 s13, $0x4;
	s31 =	sadd.s32 s16, s11;
	s16 =	simm.s32 $0x4000  }
0xc: {  	s20 =	simm.s32 $0x0;
	s5 =	sshrl.u32 s3, $0x1;
	_ =	strace $0x80000047  }
0xd: {  	s29 =	sshll.u32 s14, $0xB;
	s4 =	sshll.u32 s14, $0x4;
	s6 =	sor.u32 $0x20, s14  }
0xe: {  	s7 =	sadd.s32 s7, s1;
	s13 =	sadd.s32 s13, s17;
	s14 =	sor.u32 $0x40, s14  }
0xf: {  	s17 =	simm.s32 $0x10080;
	p1 =	sne.s32 s21, $0x0;
	s15 =	ssub.s32 s3, s5  }
0x10: {  	s3 =	sadd.s32 s11, s29;
	s4 =	sadd.s32 s10, s4;
	s30 =	sshll.u32 s6, $0xB  }
0x11: {  	s6 =	sshll.u32 s6, $0x4;
	s13 =	sadd.s32 $0xA00, s13;
	s5 =	sadd.s32 s11, s30  }
0x12: {  	s6 =	sadd.s32 s10, s6;
	s10 =	sadd.s32 s12, s18;
	s11 =	smax.u32 s15, $0x1  }
0x13: {  	v0 =	vimm.f32 $0.0e+00;
	s12 =	sadd.s32 s18, s31;
	s15 =	simm.s32 $0x10000;
	s18 =	simm.s32 $0x10280  }
.LBB2_1:
0x14: {  	[tilespmem:s2], [sflag:$0x1] =	stream.linear.gather [hbm4b:s3+s2], $0x4000, $0x38;
	[tilespmem:$0x10A80] =	vst v63  }
0x15: {  	_ = 	snop  }
0x16: {  	[tilespmem:s15], [sflag:$0x5] =	stream.linear.gather [hbm4b:s4+s2], $0x80, $0x38;
	[tilespmem:$0x10A80] =	vst v63  }
0x17: {  	_ = 	snop  }
0x18: {  	[tilespmem:s16], [sflag:$0x2] =	stream.linear.gather [hbm4b:s5+s2], $0x4000, $0x38;
	[tilespmem:$0x10A80] =	vst v63  }
0x19: {  	_ = 	snop  }
0x1a: {  	[tilespmem:s17], [sflag:$0x6] =	stream.linear.gather [hbm4b:s6+s2], $0x80, $0x38;
	[tilespmem:$0x10A80] =	vst v63  }
0x1b: {  	[tilespmem:$0x10280] =	vst v0  }
0x1c: {  	[tilespmem:$0x10290] =	vst v0  }
0x1d: {  	[tilespmem:$0x102A0] =	vst v0  }
0x1e: {  	[tilespmem:$0x102B0] =	vst v0  }
0x1f: {  	[tilespmem:$0x102C0] =	vst v0  }
0x20: {  	[tilespmem:$0x102D0] =	vst v0  }
0x21: {  	[tilespmem:$0x102E0] =	vst v0  }
0x22: {  	[tilespmem:$0x102F0] =	vst v0  }
0x23: {  	[tilespmem:$0x10300] =	vst v0  }
0x24: {  	[tilespmem:$0x10310] =	vst v0  }
0x25: {  	[tilespmem:$0x10320] =	vst v0  }
0x26: {  	[tilespmem:$0x10330] =	vst v0  }
0x27: {  	[tilespmem:$0x10340] =	vst v0  }
0x28: {  	[tilespmem:$0x10350] =	vst v0  }
0x29: {  	[tilespmem:$0x10360] =	vst v0  }
0x2a: {  	[tilespmem:$0x10370] =	vst v0  }
0x2b: {  	[tilespmem:$0x10380] =	vst v0  }
0x2c: {  	[tilespmem:$0x10390] =	vst v0  }
0x2d: {  	[tilespmem:$0x103A0] =	vst v0  }
0x2e: {  	[tilespmem:$0x103B0] =	vst v0  }
0x2f: {  	[tilespmem:$0x103C0] =	vst v0  }
0x30: {  	[tilespmem:$0x103D0] =	vst v0  }
0x31: {  	[tilespmem:$0x103E0] =	vst v0  }
0x32: {  	[tilespmem:$0x103F0] =	vst v0  }
0x33: {  	[tilespmem:$0x10400] =	vst v0  }
0x34: {  	[tilespmem:$0x10410] =	vst v0  }
0x35: {  	[tilespmem:$0x10420] =	vst v0  }
0x36: {  	[tilespmem:$0x10430] =	vst v0  }
0x37: {  	[tilespmem:$0x10440] =	vst v0  }
0x38: {  	[tilespmem:$0x10450] =	vst v0  }
0x39: {  	[tilespmem:$0x10460] =	vst v0  }
0x3a: {  	[tilespmem:$0x10470] =	vst v0  }
0x3b: {  	[tilespmem:$0x10480] =	vst v0  }
0x3c: {  	[tilespmem:$0x10490] =	vst v0  }
0x3d: {  	[tilespmem:$0x104A0] =	vst v0  }
0x3e: {  	[tilespmem:$0x104B0] =	vst v0  }
0x3f: {  	[tilespmem:$0x104C0] =	vst v0  }
0x40: {  	[tilespmem:$0x104D0] =	vst v0  }
0x41: {  	[tilespmem:$0x104E0] =	vst v0  }
0x42: {  	[tilespmem:$0x104F0] =	vst v0  }
0x43: {  	[tilespmem:$0x10500] =	vst v0  }
0x44: {  	[tilespmem:$0x10510] =	vst v0  }
0x45: {  	[tilespmem:$0x10520] =	vst v0  }
0x46: {  	[tilespmem:$0x10530] =	vst v0  }
0x47: {  	[tilespmem:$0x10540] =	vst v0  }
0x48: {  	[tilespmem:$0x10550] =	vst v0  }
0x49: {  	[tilespmem:$0x10560] =	vst v0  }
0x4a: {  	[tilespmem:$0x10570] =	vst v0  }
0x4b: {  	[tilespmem:$0x10580] =	vst v0  }
0x4c: {  	[tilespmem:$0x10590] =	vst v0  }
0x4d: {  	[tilespmem:$0x105A0] =	vst v0  }
0x4e: {  	[tilespmem:$0x105B0] =	vst v0  }
0x4f: {  	[tilespmem:$0x105C0] =	vst v0  }
0x50: {  	[tilespmem:$0x105D0] =	vst v0  }
0x51: {  	[tilespmem:$0x105E0] =	vst v0  }
0x52: {  	[tilespmem:$0x105F0] =	vst v0  }
0x53: {  	[tilespmem:$0x10600] =	vst v0  }
0x54: {  	[tilespmem:$0x10610] =	vst v0  }
0x55: {  	[tilespmem:$0x10620] =	vst v0  }
0x56: {  	[tilespmem:$0x10630] =	vst v0  }
0x57: {  	[tilespmem:$0x10640] =	vst v0  }
0x58: {  	[tilespmem:$0x10650] =	vst v0  }
0x59: {  	[tilespmem:$0x10660] =	vst v0  }
0x5a: {  	[tilespmem:$0x10670] =	vst v0  }
0x5b: {  	[spmem:s7] =	stream.linear.scatter [tilespmem:s18], [sflag:$0x9], $0x400, $0x38;
	[tilespmem:$0x10A80] =	vst v63  }
0x5c: {  	_ =	swait.ge [sflag:s19], $0x400  }
0x5d: {  	s21 =	sadd.s32 $0xFFFFFFC0, s14;
	[sflag:s19] =	ssyncset.done $0x0  }
0x5e: {  	p2 =	sgt.u32 s21, $0x30C;
	[sflag:s19] =	ssyncadd.s32 $0xFFFFFC00  }
0x5f: {  	s22 =	simm.s32 @!p2 $0x1;
	[bflag:$0x0] =	sbarrier.arrive $0xFFFF  }
0x60: {  	_ =	swait.ge @!p2 [sflag:s22], $0x4000  }
0x61: {  	[sflag:s22] =	ssyncset.done @!p2 $0x0  }
0x62: {  	p3 =	sgt.u32 @!p2 s14, $0x30C;
	[sflag:s22] =	ssyncadd.s32 @!p2 $0xFFFFC000;
	s22 =	simm.s32 @!p2 $0x5  }
0x63: {  	p3 =	por p3, p2;
	_ =	swait.ge @!p2 [sflag:s22], $0x80  }
0x64: {  	s23 =	sadd.s32 @!p3 $0x0, s12;
	s24 =	simm.s32 @!p3 $0x8000;
	[sflag:s22] =	ssyncset.done @!p2 $0x0  }
0x65: {  	[sflag:s22] =	ssyncadd.s32 @!p2 $0xFFFFFF80;
	s22 =	sadd.s32 @!p3 $0x20000, s23;
	s23 =	simm.s32 @!p3 $0x0  }
0x66: {  	[tilespmem:s24], [sflag:$0x3] =	stream.linear.gather @!p3 [hbm4b:s22+s23], $0x4000, $0x38;
	[tilespmem:$0x10A80] =	vst v63  }
0x67: {  	s25 =	simm.s32 @!p2 $0xA;
	s22 =	sadd.s32 @!p3 $0xFFFFFA00, s13;
	s24 =	simm.s32 @!p3 $0x10100  }
0x68: {  	[tilespmem:s24], [sflag:$0x7] =	stream.linear.gather @!p3 [hbm4b:s22+s23], $0x80, $0x38;
	[tilespmem:$0x10A80] =	vst v63  }
0x69: {  	s22 =	simm.s32 @!p2 $0x80;
	s23 =	simm.s32 @!p2 $0x10000;
	s24 =	simm.s32 @!p2 $0x0  }
0x6a: {  	[spmem:s1] =	stream.indirect.scatter.add.f32 @!p2 [tilespmem:s24], [sflag:$0xA], $0x80, s23, s22, $0xb8;
	[tilespmem:$0x10A80] =	vst v63  }
0x6b: {  	p3 =	sgt.u32 @!p2 s21, $0x2EC;
	_ =	swait.ge @!p2 [sflag:s25], $0x4000  }
0x6c: {  	p3 =	por p3, p2;
	[sflag:s25] =	ssyncset.done @!p2 $0x0  }
0x6d: {  	s21 =	simm.s32 @!p3 $0x2;
	[sflag:s25] =	ssyncadd.s32 @!p2 $0xFFFFC000  }
0x6e: {  	_ =	swait.ge @!p3 [sflag:s21], $0x4000  }
0x6f: {  	[sflag:s21] =	ssyncset.done @!p3 $0x0  }
0x70: {  	[sflag:s21] =	ssyncadd.s32 @!p3 $0xFFFFC000;
	s21 =	simm.s32 @!p3 $0x6  }
0x71: {  	_ =	swait.ge @!p3 [sflag:s21], $0x80  }
0x72: {  	s22 =	sadd.s32 @!p3 $0x0, s12;
	s23 =	simm.s32 @!p3 $0xC000;
	[sflag:s21] =	ssyncset.done @!p3 $0x0  }
0x73: {  	s22 =	sadd.s32 @!p3 $0x30000, s22;
	[sflag:s21] =	ssyncadd.s32 @!p3 $0xFFFFFF80;
	s21 =	simm.s32 @!p3 $0x0  }
0x74: {  	[tilespmem:s23], [sflag:$0x4] =	stream.linear.gather @!p3 [hbm4b:s22+s21], $0x4000, $0x38;
	[tilespmem:$0x10A80] =	vst v63  }
0x75: {  	s24 =	simm.s32 @!p3 $0xA;
	s22 =	sadd.s32 @!p3 $0xFFFFFC00, s13;
	s23 =	simm.s32 @!p3 $0x10180  }
0x76: {  	[tilespmem:s23], [sflag:$0x8] =	stream.linear.gather @!p3 [hbm4b:s22+s21], $0x80, $0x38;
	[tilespmem:$0x10A80] =	vst v63  }
0x77: {  	s21 =	simm.s32 @!p3 $0x80;
	s22 =	simm.s32 @!p3 $0x10080;
	s23 =	simm.s32 @!p3 $0x4000  }
0x78: {  	[spmem:s1] =	stream.indirect.scatter.add.f32 @!p3 [tilespmem:s23], [sflag:$0xA], $0x80, s22, s21, $0xb8;
	[tilespmem:$0x10A80] =	vst v63  }
0x79: {  	_ =	swait.ge @!p3 [sflag:s24], $0x4000  }
0x7a: {  	p2 =	sgt.u32 s14, $0x30C;
	[sflag:s24] =	ssyncset.done @!p3 $0x0  }
0x7b: {  	s21 =	simm.s32 @!p2 $0x3;
	[sflag:s24] =	ssyncadd.s32 @!p3 $0xFFFFC000  }
0x7c: {  	_ =	swait.ge @!p2 [sflag:s21], $0x4000  }
0x7d: {  	[sflag:s21] =	ssyncset.done @!p2 $0x0  }
0x7e: {  	p3 =	sgt.u32 @!p2 s14, $0x2CC;
	[sflag:s21] =	ssyncadd.s32 @!p2 $0xFFFFC000;
	s21 =	simm.s32 @!p2 $0x7  }
0x7f: {  	p3 =	por p3, p2;
	_ =	swait.ge @!p2 [sflag:s21], $0x80  }
0x80: {  	s22 =	sadd.s32 @!p3 $0x0, s12;
	[sflag:s21] =	ssyncset.done @!p2 $0x0  }
0x81: {  	[sflag:s21] =	ssyncadd.s32 @!p2 $0xFFFFFF80;
	s21 =	sadd.s32 @!p3 $0x40000, s22;
	s22 =	simm.s32 @!p3 $0x0  }
0x82: {  	[tilespmem:s22], [sflag:$0x1] =	stream.linear.gather @!p3 [hbm4b:s21+s22], $0x4000, $0x38;
	[tilespmem:$0x10A80] =	vst v63  }
0x83: {  	s24 =	simm.s32 @!p2 $0xA;
	s23 =	simm.s32 @!p3 $0x10000;
	s21 =	sadd.s32 @!p3 $0xFFFFFE00, s13  }
0x84: {  	[tilespmem:s23], [sflag:$0x5] =	stream.linear.gather @!p3 [hbm4b:s21+s22], $0x80, $0x38;
	[tilespmem:$0x10A80] =	vst v63  }
0x85: {  	s21 =	simm.s32 @!p2 $0x80;
	s22 =	simm.s32 @!p2 $0x10100;
	s23 =	simm.s32 @!p2 $0x8000  }
0x86: {  	[spmem:s1] =	stream.indirect.scatter.add.f32 @!p2 [tilespmem:s23], [sflag:$0xA], $0x80, s22, s21, $0xb8;
	[tilespmem:$0x10A80] =	vst v63  }
0x87: {  	s21 =	sadd.s32 $0x20, s14;
	_ =	swait.ge @!p2 [sflag:s24], $0x4000  }
0x88: {  	p3 =	sgt.u32 s21, $0x30C;
	[sflag:s24] =	ssyncset.done @!p2 $0x0  }
0x89: {  	s22 =	simm.s32 @!p3 $0x4;
	[sflag:s24] =	ssyncadd.s32 @!p2 $0xFFFFC000  }
0x8a: {  	_ =	swait.ge @!p3 [sflag:s22], $0x4000  }
0x8b: {  	[sflag:s22] =	ssyncset.done @!p3 $0x0  }
0x8c: {  	p2 =	sgt.u32 @!p3 s21, $0x2CC;
	s21 =	simm.s32 @!p3 $0x8;
	[sflag:s22] =	ssyncadd.s32 @!p3 $0xFFFFC000  }
0x8d: {  	p2 =	por p2, p3;
	_ =	swait.ge @!p3 [sflag:s21], $0x80  }
0x8e: {  	s23 =	simm.s32 @!p2 $0x4000;
	s22 =	sadd.s32 @!p2 $0x0, s12;
	[sflag:s21] =	ssyncset.done @!p3 $0x0  }
0x8f: {  	s24 =	simm.s32 @!p2 $0x0;
	[sflag:s21] =	ssyncadd.s32 @!p3 $0xFFFFFF80;
	s21 =	sadd.s32 @!p2 $0x50000, s22  }
0x90: {  	[tilespmem:s23], [sflag:$0x2] =	stream.linear.gather @!p2 [hbm4b:s21+s24], $0x4000, $0x38;
	[tilespmem:$0x10A80] =	vst v63  }
0x91: {  	s28 =	simm.s32 @!p3 $0x9;
	s22 =	simm.s32 $0x40000;
	s21 =	simm.s32 @!p2 $0x10080  }
0x92: {  	[tilespmem:s21], [sflag:$0x6] =	stream.linear.gather @!p2 [hbm4b:s13+s24], $0x80, $0x38;
	[tilespmem:$0x10A80] =	vst v63  }
0x93: {  	s23 =	simm.s32 @!p3 $0x10180;
	s21 =	simm.s32 @!p3 $0x80;
	s24 =	simm.s32 @!p3 $0xC000  }
0x94: {  	[spmem:s1] =	stream.indirect.scatter.add.f32 @!p3 [tilespmem:s24], [sflag:$0x9], $0x80, s23, s21, $0xb8;
	[tilespmem:$0x10A80] =	vst v63  }
0x95: {  	s24 =	simm.s32 $0x80000;
	s23 =	sadd.s32 $0x80, s14;
	_ =	swait.ge @!p3 [sflag:s28], $0x4000  }
0x96: {  	s21 =	sadd.s32 $0x800, s13;
	s26 =	sadd.s32 $0xFFFFFFC0, s23;
	[sflag:s28] =	ssyncset.done @!p3 $0x0  }
.LBB2_2:
0x97: {  	p4 =	sgt.u32 s26, $0x30C  }
0x98: {  	[sflag:s28] =	ssyncadd.s32 @!p3 $0xFFFFC000;
	s25 =	smov.u32 s24;
	s24 =	sadd.s32 $0x40000, s24  }
0x99: {  	s28 =	simm.s32 @!p4 $0x1;
	p5 =	sgt.u32 @!p4 s23, $0x30C;
	p3 =	sgt.u32 @!p4 s26, $0x2EC  }
0x9a: {  	p2 =	sne.s32 s24, $0x1C0000;
	_ =	swait.ge @!p4 [sflag:s28], $0x4000  }
0x9b: {  	[sflag:s28] =	ssyncset.done @!p4 $0x0  }
0x9c: {  	s26 =	simm.s32 @!p4 $0x5;
	[sflag:s28] =	ssyncadd.s32 @!p4 $0xFFFFC000  }
0x9d: {  	p5 =	por p5, p4;
	_ =	swait.ge @!p4 [sflag:s26], $0x80  }
0x9e: {  	s29 =	simm.s32 @!p5 $0x8000;
	s28 =	sadd.s32 @!p5 s22, s12;
	[sflag:s26] =	ssyncset.done @!p4 $0x0  }
0x9f: {  	[sflag:s26] =	ssyncadd.s32 @!p4 $0xFFFFFF80;
	s26 =	sadd.s32 @!p5 $0x20000, s28;
	s28 =	simm.s32 @!p5 $0x0  }
0xa0: {  	[tilespmem:s29], [sflag:$0x3] =	stream.linear.gather @!p5 [hbm4b:s26+s28], $0x4000, $0x38;
	[tilespmem:$0x10A80] =	vst v63  }
0xa1: {  	s30 =	simm.s32 @!p4 $0xA;
	s26 =	sadd.s32 @!p5 $0xFFFFFA00, s21;
	s29 =	simm.s32 @!p5 $0x10100  }
0xa2: {  	[tilespmem:s29], [sflag:$0x7] =	stream.linear.gather @!p5 [hbm4b:s26+s28], $0x80, $0x38;
	[tilespmem:$0x10A80] =	vst v63  }
0xa3: {  	s26 =	simm.s32 @!p4 $0x80;
	s28 =	simm.s32 @!p4 $0x10000;
	s29 =	simm.s32 @!p4 $0x0  }
0xa4: {  	[spmem:s1] =	stream.indirect.scatter.add.f32 @!p4 [tilespmem:s29], [sflag:$0xA], $0x80, s28, s26, $0xb8;
	[tilespmem:$0x10A80] =	vst v63  }
0xa5: {  	_ =	swait.ge @!p4 [sflag:s30], $0x4000  }
0xa6: {  	p3 =	por p3, p4;
	[sflag:s30] =	ssyncset.done @!p4 $0x0  }
0xa7: {  	s26 =	simm.s32 @!p3 $0x2;
	s28 =	sadd.s32 @!p3 s22, s12;
	[sflag:s30] =	ssyncadd.s32 @!p4 $0xFFFFC000  }
0xa8: {  	s28 =	sadd.s32 @!p3 $0x30000, s28;
	_ =	swait.ge @!p3 [sflag:s26], $0x4000  }
0xa9: {  	[sflag:s26] =	ssyncset.done @!p3 $0x0  }
0xaa: {  	[sflag:s26] =	ssyncadd.s32 @!p3 $0xFFFFC000;
	s26 =	simm.s32 @!p3 $0x6  }
0xab: {  	_ =	swait.ge @!p3 [sflag:s26], $0x80  }
0xac: {  	[sflag:s26] =	ssyncset.done @!p3 $0x0  }
0xad: {  	s29 =	simm.s32 @!p3 $0xC000;
	[sflag:s26] =	ssyncadd.s32 @!p3 $0xFFFFFF80;
	s26 =	simm.s32 @!p3 $0x0  }
0xae: {  	[tilespmem:s29], [sflag:$0x4] =	stream.linear.gather @!p3 [hbm4b:s28+s26], $0x4000, $0x38;
	[tilespmem:$0x10A80] =	vst v63  }
0xaf: {  	s30 =	simm.s32 @!p3 $0xA;
	s28 =	sadd.s32 @!p3 $0xFFFFFC00, s21;
	s29 =	simm.s32 @!p3 $0x10180  }
0xb0: {  	[tilespmem:s29], [sflag:$0x8] =	stream.linear.gather @!p3 [hbm4b:s28+s26], $0x80, $0x38;
	[tilespmem:$0x10A80] =	vst v63  }
0xb1: {  	s26 =	simm.s32 @!p3 $0x80;
	s28 =	simm.s32 @!p3 $0x10080;
	s29 =	simm.s32 @!p3 $0x4000  }
0xb2: {  	[spmem:s1] =	stream.indirect.scatter.add.f32 @!p3 [tilespmem:s29], [sflag:$0xA], $0x80, s28, s26, $0xb8;
	[tilespmem:$0x10A80] =	vst v63  }
0xb3: {  	_ =	swait.ge @!p3 [sflag:s30], $0x4000  }
0xb4: {  	p4 =	sgt.u32 s23, $0x30C;
	[sflag:s30] =	ssyncset.done @!p3 $0x0  }
0xb5: {  	s26 =	simm.s32 @!p4 $0x3;
	[sflag:s30] =	ssyncadd.s32 @!p3 $0xFFFFC000;
	p3 =	sgt.u32 @!p4 s23, $0x2CC  }
0xb6: {  	_ =	swait.ge @!p4 [sflag:s26], $0x4000  }
0xb7: {  	[sflag:s26] =	ssyncset.done @!p4 $0x0  }
0xb8: {  	[sflag:s26] =	ssyncadd.s32 @!p4 $0xFFFFC000;
	s26 =	simm.s32 @!p4 $0x7  }
0xb9: {  	p3 =	por p3, p4;
	_ =	swait.ge @!p4 [sflag:s26], $0x80  }
0xba: {  	s28 =	sadd.s32 @!p3 s22, s12;
	[sflag:s26] =	ssyncset.done @!p4 $0x0  }
0xbb: {  	[sflag:s26] =	ssyncadd.s32 @!p4 $0xFFFFFF80;
	s26 =	sadd.s32 @!p3 $0x40000, s28;
	s28 =	simm.s32 @!p3 $0x0  }
0xbc: {  	[tilespmem:s28], [sflag:$0x1] =	stream.linear.gather @!p3 [hbm4b:s26+s28], $0x4000, $0x38;
	[tilespmem:$0x10A80] =	vst v63  }
0xbd: {  	s30 =	simm.s32 @!p4 $0xA;
	s29 =	simm.s32 @!p3 $0x10000;
	s26 =	sadd.s32 @!p3 $0xFFFFFE00, s21  }
0xbe: {  	[tilespmem:s29], [sflag:$0x5] =	stream.linear.gather @!p3 [hbm4b:s26+s28], $0x80, $0x38;
	[tilespmem:$0x10A80] =	vst v63  }
0xbf: {  	s26 =	simm.s32 @!p4 $0x80;
	s28 =	simm.s32 @!p4 $0x10100;
	s29 =	simm.s32 @!p4 $0x8000  }
0xc0: {  	[spmem:s1] =	stream.indirect.scatter.add.f32 @!p4 [tilespmem:s29], [sflag:$0xA], $0x80, s28, s26, $0xb8;
	[tilespmem:$0x10A80] =	vst v63  }
0xc1: {  	s26 =	sadd.s32 $0x20, s23;
	_ =	swait.ge @!p4 [sflag:s30], $0x4000  }
0xc2: {  	p3 =	sgt.u32 s26, $0x30C;
	[sflag:s30] =	ssyncset.done @!p4 $0x0  }
0xc3: {  	s28 =	simm.s32 @!p3 $0x4;
	[sflag:s30] =	ssyncadd.s32 @!p4 $0xFFFFC000;
	p4 =	sgt.u32 @!p3 s26, $0x2CC  }
0xc4: {  	_ =	swait.ge @!p3 [sflag:s28], $0x4000  }
0xc5: {  	[sflag:s28] =	ssyncset.done @!p3 $0x0  }
0xc6: {  	s26 =	simm.s32 @!p3 $0x8;
	[sflag:s28] =	ssyncadd.s32 @!p3 $0xFFFFC000  }
0xc7: {  	p4 =	por p4, p3;
	_ =	swait.ge @!p3 [sflag:s26], $0x80  }
0xc8: {  	s22 =	sadd.s32 @!p4 s22, s12;
	s28 =	simm.s32 @!p4 $0x4000;
	[sflag:s26] =	ssyncset.done @!p3 $0x0  }
0xc9: {  	s22 =	sadd.s32 @!p4 $0x50000, s22;
	[sflag:s26] =	ssyncadd.s32 @!p3 $0xFFFFFF80;
	s26 =	simm.s32 @!p4 $0x0  }
0xca: {  	[tilespmem:s28], [sflag:$0x2] =	stream.linear.gather @!p4 [hbm4b:s22+s26], $0x4000, $0x38;
	[tilespmem:$0x10A80] =	vst v63  }
0xcb: {  	s29 =	simm.s32 @!p4 $0x10080;
	s28 =	simm.s32 @!p3 $0x9;
	s22 =	smov.u32 s25  }
0xcc: {  	[tilespmem:s29], [sflag:$0x6] =	stream.linear.gather @!p4 [hbm4b:s21+s26], $0x80, $0x38;
	[tilespmem:$0x10A80] =	vst v63  }
.Ltmp0:
0xcd: {  	_ = 	snop;
	(pc) =	sbr.rel @p2 .LBB2_2-.Ltmp0, $4  }
0xce: {  	s25 =	simm.s32 @!p3 $0x80;
	s26 =	simm.s32 @!p3 $0x10180;
	s29 =	simm.s32 @!p3 $0xC000  }
0xcf: {  	[spmem:s1] =	stream.indirect.scatter.add.f32 @!p3 [tilespmem:s29], [sflag:$0x9], $0x80, s26, s25, $0xb8;
	[tilespmem:$0x10A80] =	vst v63  }
0xd0: {  	s23 =	sadd.s32 $0x80, s23;
	_ =	swait.ge @!p3 [sflag:s28], $0x4000  }
0xd1: {  	s21 =	sadd.s32 $0x800, s21;
	s26 =	sadd.s32 $0xFFFFFFC0, s23;
	[sflag:s28] =	ssyncset.done @!p3 $0x0  }
0xd2: {  	p2 =	sgt.u32 s26, $0x30C  }
0xd3: {  	[sflag:s28] =	ssyncadd.s32 @!p3 $0xFFFFC000;
	s24 =	simm.s32 @!p2 $0x1  }
0xd4: {  	_ =	swait.ge @!p2 [sflag:s24], $0x4000  }
0xd5: {  	[sflag:s24] =	ssyncset.done @!p2 $0x0  }
0xd6: {  	p3 =	sgt.u32 @!p2 s23, $0x30C;
	[sflag:s24] =	ssyncadd.s32 @!p2 $0xFFFFC000;
	s24 =	simm.s32 @!p2 $0x5  }
0xd7: {  	p3 =	por p3, p2;
	_ =	swait.ge @!p2 [sflag:s24], $0x80  }
0xd8: {  	s25 =	sadd.s32 @!p3 s22, s12;
	s28 =	simm.s32 @!p3 $0x8000;
	[sflag:s24] =	ssyncset.done @!p2 $0x0  }
0xd9: {  	[sflag:s24] =	ssyncadd.s32 @!p2 $0xFFFFFF80;
	s24 =	sadd.s32 @!p3 $0x20000, s25;
	s25 =	simm.s32 @!p3 $0x0  }
0xda: {  	[tilespmem:s28], [sflag:$0x3] =	stream.linear.gather @!p3 [hbm4b:s24+s25], $0x4000, $0x38;
	[tilespmem:$0x10A80] =	vst v63  }
0xdb: {  	s24 =	sadd.s32 @!p3 $0xFFFFFA00, s21;
	s28 =	simm.s32 @!p3 $0x10100  }
0xdc: {  	[tilespmem:s28], [sflag:$0x7] =	stream.linear.gather @!p3 [hbm4b:s24+s25], $0x80, $0x38;
	[tilespmem:$0x10A80] =	vst v63  }
0xdd: {  	s24 =	simm.s32 @!p2 $0x80;
	s25 =	simm.s32 @!p2 $0x10000;
	s28 =	simm.s32 @!p2 $0x0  }
0xde: {  	[spmem:s1] =	stream.indirect.scatter.add.f32 @!p2 [tilespmem:s28], [sflag:$0xA], $0x80, s25, s24, $0xb8;
	[tilespmem:$0x10A80] =	vst v63  }
0xdf: {  	s24 =	simm.s32 @!p2 $0xA  }
0xe0: {  	p3 =	sgt.u32 @!p2 s26, $0x2EC;
	_ =	swait.ge @!p2 [sflag:s24], $0x4000  }
0xe1: {  	p3 =	por p3, p2;
	[sflag:s24] =	ssyncset.done @!p2 $0x0  }
0xe2: {  	[sflag:s24] =	ssyncadd.s32 @!p2 $0xFFFFC000;
	s24 =	simm.s32 @!p3 $0x2  }
0xe3: {  	_ =	swait.ge @!p3 [sflag:s24], $0x4000  }
0xe4: {  	[sflag:s24] =	ssyncset.done @!p3 $0x0  }
0xe5: {  	[sflag:s24] =	ssyncadd.s32 @!p3 $0xFFFFC000;
	s24 =	simm.s32 @!p3 $0x6  }
0xe6: {  	_ =	swait.ge @!p3 [sflag:s24], $0x80  }
0xe7: {  	s25 =	sadd.s32 @!p3 s22, s12;
	s26 =	simm.s32 @!p3 $0xC000;
	[sflag:s24] =	ssyncset.done @!p3 $0x0  }
0xe8: {  	s25 =	sadd.s32 @!p3 $0x30000, s25;
	[sflag:s24] =	ssyncadd.s32 @!p3 $0xFFFFFF80;
	s24 =	simm.s32 @!p3 $0x0  }
0xe9: {  	[tilespmem:s26], [sflag:$0x4] =	stream.linear.gather @!p3 [hbm4b:s25+s24], $0x4000, $0x38;
	[tilespmem:$0x10A80] =	vst v63  }
0xea: {  	s28 =	simm.s32 @!p3 $0xA;
	s25 =	sadd.s32 @!p3 $0xFFFFFC00, s21;
	s26 =	simm.s32 @!p3 $0x10180  }
0xeb: {  	[tilespmem:s26], [sflag:$0x8] =	stream.linear.gather @!p3 [hbm4b:s25+s24], $0x80, $0x38;
	[tilespmem:$0x10A80] =	vst v63  }
0xec: {  	s24 =	simm.s32 @!p3 $0x80;
	s25 =	simm.s32 @!p3 $0x10080;
	s26 =	simm.s32 @!p3 $0x4000  }
0xed: {  	[spmem:s1] =	stream.indirect.scatter.add.f32 @!p3 [tilespmem:s26], [sflag:$0xA], $0x80, s25, s24, $0xb8;
	[tilespmem:$0x10A80] =	vst v63  }
0xee: {  	_ =	swait.ge @!p3 [sflag:s28], $0x4000  }
0xef: {  	p2 =	sgt.u32 s23, $0x30C;
	[sflag:s28] =	ssyncset.done @!p3 $0x0  }
0xf0: {  	s24 =	simm.s32 @!p2 $0x3;
	[sflag:s28] =	ssyncadd.s32 @!p3 $0xFFFFC000  }
0xf1: {  	_ =	swait.ge @!p2 [sflag:s24], $0x4000  }
0xf2: {  	[sflag:s24] =	ssyncset.done @!p2 $0x0  }
0xf3: {  	p3 =	sgt.u32 @!p2 s23, $0x2CC;
	[sflag:s24] =	ssyncadd.s32 @!p2 $0xFFFFC000;
	s24 =	simm.s32 @!p2 $0x7  }
0xf4: {  	p3 =	por p3, p2;
	_ =	swait.ge @!p2 [sflag:s24], $0x80  }
0xf5: {  	s25 =	sadd.s32 @!p3 s22, s12;
	[sflag:s24] =	ssyncset.done @!p2 $0x0  }
0xf6: {  	[sflag:s24] =	ssyncadd.s32 @!p2 $0xFFFFFF80;
	s24 =	sadd.s32 @!p3 $0x40000, s25;
	s25 =	simm.s32 @!p3 $0x0  }
0xf7: {  	[tilespmem:s25], [sflag:$0x1] =	stream.linear.gather @!p3 [hbm4b:s24+s25], $0x4000, $0x38;
	[tilespmem:$0x10A80] =	vst v63  }
0xf8: {  	s28 =	simm.s32 @!p2 $0xA;
	s26 =	simm.s32 @!p3 $0x10000;
	s24 =	sadd.s32 @!p3 $0xFFFFFE00, s21  }
0xf9: {  	[tilespmem:s26], [sflag:$0x5] =	stream.linear.gather @!p3 [hbm4b:s24+s25], $0x80, $0x38;
	[tilespmem:$0x10A80] =	vst v63  }
0xfa: {  	s24 =	simm.s32 @!p2 $0x80;
	s25 =	simm.s32 @!p2 $0x10100;
	s26 =	simm.s32 @!p2 $0x8000  }
0xfb: {  	[spmem:s1] =	stream.indirect.scatter.add.f32 @!p2 [tilespmem:s26], [sflag:$0xA], $0x80, s25, s24, $0xb8;
	[tilespmem:$0x10A80] =	vst v63  }
0xfc: {  	s23 =	sadd.s32 $0x20, s23;
	_ =	swait.ge @!p2 [sflag:s28], $0x4000  }
0xfd: {  	p3 =	sgt.u32 s23, $0x30C;
	[sflag:s28] =	ssyncset.done @!p2 $0x0  }
0xfe: {  	s24 =	simm.s32 @!p3 $0x4;
	[sflag:s28] =	ssyncadd.s32 @!p2 $0xFFFFC000  }
0xff: {  	_ =	swait.ge @!p3 [sflag:s24], $0x4000  }
0x100: {  	[sflag:s24] =	ssyncset.done @!p3 $0x0  }
0x101: {  	p2 =	sgt.u32 @!p3 s23, $0x2CC;
	s23 =	simm.s32 @!p3 $0x8;
	[sflag:s24] =	ssyncadd.s32 @!p3 $0xFFFFC000  }
0x102: {  	p2 =	por p2, p3;
	_ =	swait.ge @!p3 [sflag:s23], $0x80  }
0x103: {  	s22 =	sadd.s32 @!p2 s22, s12;
	s24 =	simm.s32 @!p2 $0x4000;
	[sflag:s23] =	ssyncset.done @!p3 $0x0  }
0x104: {  	s22 =	sadd.s32 @!p2 $0x50000, s22;
	[sflag:s23] =	ssyncadd.s32 @!p3 $0xFFFFFF80;
	s23 =	simm.s32 @!p2 $0x0  }
0x105: {  	[tilespmem:s24], [sflag:$0x2] =	stream.linear.gather @!p2 [hbm4b:s22+s23], $0x4000, $0x38;
	[tilespmem:$0x10A80] =	vst v63  }
0x106: {  	s22 =	simm.s32 @!p2 $0x10080;
	s24 =	simm.s32 @!p3 $0x9  }
0x107: {  	[tilespmem:s22], [sflag:$0x6] =	stream.linear.gather @!p2 [hbm4b:s21+s23], $0x80, $0x38;
	[tilespmem:$0x10A80] =	vst v63  }
0x108: {  	s21 =	simm.s32 @!p3 $0x80;
	s22 =	simm.s32 @!p3 $0x10180;
	s23 =	simm.s32 @!p3 $0xC000  }
0x109: {  	[spmem:s1] =	stream.indirect.scatter.add.f32 @!p3 [tilespmem:s23], [sflag:$0x9], $0x80, s22, s21, $0xb8;
	[tilespmem:$0x10A80] =	vst v63  }
0x10a: {  	_ =	swait.ge @!p3 [sflag:s24], $0x4000  }
0x10b: {  	[sflag:s24] =	ssyncset.done @!p3 $0x0  }
0x10c: {  	s21 =	simm.s32 @!p1 $0x0;
	s22 =	simm.s32 @!p1 $0x9;
	[sflag:s24] =	ssyncadd.s32 @!p3 $0xFFFFC000  }
0x10d: {  	[tilespmem:s21], [sflag:$0x9] =	stream.linear.gather @!p1 [hbm4b:s8+s21], $0x1000, $0x38;
	[tilespmem:$0x10A80] =	vst v63  }
0x10e: {  	_ =	swait.ge @!p1 [sflag:s22], $0x1000  }
0x10f: {  	[sflag:s22] =	ssyncset.done @!p1 $0x0  }
0x110: {  	s23 =	simm.s32 @!p1 $0x10200;
	[sflag:s22] =	ssyncadd.s32 @!p1 $0xFFFFF000  }
0x111: {  	[tilespmem:s23], [sflag:$0x9] =	stream.linear.gather @!p1 [hbm4b:s9+s21], $0x20, $0x38;
	[tilespmem:$0x10A80] =	vst v63  }
0x112: {  	_ =	swait.ge @!p1 [sflag:s22], $0x20  }
0x113: {  	[sflag:s22] =	ssyncset.done @!p1 $0x0  }
0x114: {  	s24 =	simm.s32 @!p1 $0x20;
	[sflag:s22] =	ssyncadd.s32 @!p1 $0xFFFFFFE0  }
0x115: {  	[spmem:s1] =	stream.indirect.scatter.add.f32 @!p1 [tilespmem:s21], [sflag:$0x9], $0x80, s23, s24, $0xb8;
	[tilespmem:$0x10A80] =	vst v63  }
0x116: {  	_ =	swait.ge @!p1 [sflag:s22], $0x1000  }
0x117: {  	s20 =	sadd.s32 $0x1, s20;
	[sflag:s22] =	ssyncset.done @!p1 $0x0  }
0x118: {  	p2 =	sne.s32 s20, s11;
	[sflag:s22] =	ssyncadd.s32 @!p1 $0xFFFFF000  }
0x119: {  	s21 =	sshrl.u32 @!p0 s1, $0x3;
	s22 =	simm.s32 @!p0 $0x1C09;
	[bflag:$0x0] =	sbarrier.arrive $0xFFFF  }
0x11a: {  	[hbm:s10], [sflag:s22] =	dma.local @!p0 [spmem:s21], $0x800  }
.Ltmp1:
0x11b: {  	_ = 	snop;
	(pc) =	sbr.rel @p2 .LBB2_1-.Ltmp1, $4  }
0x11c: {  	s21 =	simm.s32 @!p0 $0x9  }
0x11d: {  	_ =	swait.ge @!p0 [sflag:s21], $0x800  }
0x11e: {  	[sflag:s21] =	ssyncset.done @!p0 $0x0  }
0x11f: {  	[sflag:s21] =	ssyncadd.s32 @!p0 $0xFFFFF800  }
0x120: {  	_ =	sfence.sel $0x180000  }
0x121: {  	[bflag:$0x0] =	sbarrier.arrive $0xFFFF  }
0x122: {  	_ =	strace $0x90000047  }
0x123: {  	s0 =	sadd.s32 @!p0 $0x100000, s0;
	[bflag:$0x2] =	sbarrier.arrive $0xFFFF  }
0x124: {  	[sflag:s0] =	ssyncadd.tile.s32 @!p0 $0x1;
	_ =	shalt  }
.Lfunc_end2:
_tile_overlayer_lowered:
.L_overlay_start_2:
0x125: {  	(tag) =	ssettag $0x2  }
0x126: {  	s0 =	rddreg [dreg:$0x0];
	s2 =	stileid.u32  }
0x127: {  	s1 =	rddreg [dreg:$0x1];
	p0 =	sne.s32 s2, $0x0  }
0x128: {  	s3 =	rddreg [dreg:$0x2];
	[bflag:$0x3] =	sbarrier.arrive $0xFFFF;
	s2 =	simm.s32 @!p0 $0x1C09  }
0x129: {  	[timem:s3], [sflag:s2] =	dma.local @!p0 [hbm:s0], s1  }
0x12a: {  	s0 =	simm.s32 @!p0 $0x9  }
0x12b: {  	_ =	swait.ge @!p0 [sflag:s0], s1  }
0x12c: {  	s1 =	ssub.s32 @!p0 $0x0, s1;
	[sflag:s0] =	ssyncset.done @!p0 $0x0  }
0x12d: {  	[sflag:s0] =	ssyncadd.s32 @!p0 s1  }
0x12e: {  	[bflag:$0x3] =	sbarrier.arrive $0xFFFF  }
0x12f: {  	_ =	shalt  }

// kernel: kernel.8.cloned.1.call-start
scs
__scs_entry_jumppad:
0x0: {  	(pc) =	sbr.rel $0x88, $3  }
0x1: {  	(tag) =	ssettag $0x0;
	lr =	simm.s32 $0x1  }
0x2: {  	[smem:$0x3F9C] =	sst lr;
	_ =	strace $0xD0000000  }
0x3: {  	_ = 	snop  }
0x4: {  	_ = 	snop  }
0x5: {  	_ = 	snop  }
0x6: {  	_ = 	snop  }
0x7: {  	_ = 	snop  }
__scs_overlays_trampoline_lowered:
0x8: {  	[smem:$0x3FAB] =	sst s0  }
0x9: {  	[smem:$0x3FAC] =	sst s1  }
0xa: {  	[smem:$0x3FAD] =	sst s2  }
0xb: {  	[smem:$0x3FAE] =	sst s3  }
0xc: {  	[smem:$0x3FAF] =	sst s4  }
0xd: {  	[smem:$0x3FB0] =	sst s5  }
0xe: {  	[smem:$0x3FB1] =	sst s6  }
0xf: {  	[smem:$0x3FB2] =	sst s7  }
0x10: {  	[smem:$0x3FB3] =	sst s8  }
0x11: {  	[smem:$0x3FB4] =	sst s9;
	s0 =	simm.s32 @!p0 $0x0  }
0x12: {  	s1 =	sld [smem:$0x3F9A];
	s0 =	simm.s32 @p0 $0x1  }
0x13: {  	[smem:$0x3FB5] =	sst s0;
	s0 =	simm.s32 @!p1 $0x0  }
0x14: {  	s2 =	sld [smem:$0x3F99];
	s0 =	simm.s32 @p1 $0x1  }
0x15: {  	[smem:$0x3FB6] =	sst s0;
	s0 =	simm.s32 @!p2 $0x0  }
0x16: {  	s3 =	sld [smem:$0x3FDB];
	s0 =	simm.s32 @p2 $0x1  }
0x17: {  	s4 =	simm.s32 $0x1BF5;
	[smem:$0x3FB8] =	sst s0  }
0x18: {  	s0 =	sld [smem:$0x3F9B];
	_ =	swait.ge [sflag:s4], $0x0  }
0x19: {  	s7 =	sld [smem:$0x3F9C]  }
0x1a: {  	s8 =	sadd.s32 $0xFFFFE003, lr  }
0x1b: {  	s9 =	sadd.s32 $0xFFFFFEF7, lr;
	s5 =	simm.s32 $0xFFFFFFFF;
	p2 =	slt.u32 s8, $0xFFFFF086  }
0x1c: {  	p1 =	slt.u32 s9, $0xF7A;
	s5 =	simm.s32 @!p2 $0x0  }
0x1d: {  	s5 =	simm.s32 @p1 $0x1;
	p0 =	seq.s32 s7, s2  }
0x1e: {  	s7 =	smul.u32 @!p0 $0xF7A, s2;
	p2 =	seq.s32 @!p0 s5, $0x0  }
0x1f: {  	s9 =	smul.u32 $0xF7A, s1;
	s8 =	simm.s32 @!p0 $0x1BF5;
	p2 =	por !p2, p0  }
0x20: {  	[sflag:s8] =	ssyncset.s32 @!p0 $0xFFFFF086;
	s6 =	sadd.s32 @!p0 s3, s7;
	s7 =	simm.s32 @!p0 $0x108  }
0x21: {  	s3 =	sadd.s32 s3, s9;
	s6 =	sadd.s32 @!p0 $0x88, s6;
	s7 =	simm.s32 @p2 $0x1082  }
0x22: {  	[simem:s7], [sflag:s8] =	dma.local @!p0 [hbm:s6], $0xF7A  }
0x23: {  	s9 =	sor.u32 $0xD0000000, s2;
	s6 =	simm.s32 $0x108;
	_ =	swait.ge @!p0 [sflag:s8], $0x0  }
0x24: {  	s3 =	sadd.s32 $0x88, s3;
	s6 =	simm.s32 @!p1 $0x1082;
	[sflag:s4] =	ssyncset.s32 $0xFFFFF086  }
0x25: {  	[simem:s6], [sflag:s4] =	dma.local [hbm:s3], $0xF7A  }
0x26: {  	[smem:$0x3F9C] =	sst s1;
	(tag) =	ssettag s2;
	_ =	strace s9  }
0x27: {  	s1 =	sld [smem:$0x3FAC]  }
0x28: {  	s2 =	sld [smem:$0x3FAD]  }
0x29: {  	s4 =	sld [smem:$0x3FAF]  }
0x2a: {  	p0 =	seq.s32 s5, $0x0;
	s5 =	sld [smem:$0x3FB0]  }
0x2b: {  	s6 =	sld [smem:$0x3FB1]  }
0x2c: {  	s7 =	sld [smem:$0x3FB2]  }
0x2d: {  	s3 =	simm.s32 $0x108;
	s8 =	sld [smem:$0x3FB3]  }
0x2e: {  	s3 =	simm.s32 @!p0 $0x1082;
	s9 =	sld [smem:$0x3FB4]  }
0x2f: {  	lr =	sadd.s32 s0, s3;
	s0 =	sld [smem:$0x3FAB]  }
0x30: {  	s3 =	sld [smem:$0x3FAE]  }
0x31: {  	[smem:$0x3FB7] =	sst s10  }
0x32: {  	s10 =	sld [smem:$0x3FB5];
	_ =	sdelay $0x3  }
0x33: {  	p0 =	seq.s32 s10, $0x1;
	s10 =	sld [smem:$0x3FB7];
	_ =	sdelay $0x3  }
0x34: {  	[smem:$0x3FB7] =	sst s10  }
0x35: {  	s10 =	sld [smem:$0x3FB6];
	_ =	sdelay $0x3  }
0x36: {  	p1 =	seq.s32 s10, $0x1;
	s10 =	sld [smem:$0x3FB7];
	_ =	sdelay $0x3  }
0x37: {  	[smem:$0x3FB7] =	sst s10  }
0x38: {  	s10 =	sld [smem:$0x3FB8]  }
0x39: {  	_ = 	snop;
	(pc) =	sbr.ind lr, $3  }
0x3a: {  	_ = 	snop  }
0x3b: {  	_ = 	snop  }
0x3c: {  	p2 =	seq.s32 s10, $0x1;
	s10 =	sld [smem:$0x3FB7]  }
0x3d: {  	_ =	shalt  }
0x3e: {  	_ =	shalt  }
0x3f: {  	_ =	shalt  }
0x40: {  	_ =	shalt  }
0x41: {  	_ =	shalt  }
0x42: {  	_ =	shalt  }
0x43: {  	_ =	shalt  }
0x44: {  	_ =	shalt  }
0x45: {  	_ =	shalt  }
0x46: {  	_ =	shalt  }
0x47: {  	_ =	shalt  }
0x48: {  	_ =	shalt  }
0x49: {  	_ =	shalt  }
0x4a: {  	_ =	shalt  }
0x4b: {  	_ =	shalt  }
0x4c: {  	_ =	shalt  }
0x4d: {  	_ =	shalt  }
0x4e: {  	_ =	shalt  }
0x4f: {  	_ =	shalt  }
0x50: {  	_ =	shalt  }
0x51: {  	_ =	shalt  }
0x52: {  	_ =	shalt  }
0x53: {  	_ =	shalt  }
0x54: {  	_ =	shalt  }
0x55: {  	_ =	shalt  }
0x56: {  	_ =	shalt  }
0x57: {  	_ =	shalt  }
0x58: {  	_ =	shalt  }
0x59: {  	_ =	shalt  }
0x5a: {  	_ =	shalt  }
0x5b: {  	_ =	shalt  }
0x5c: {  	_ =	shalt  }
0x5d: {  	_ =	shalt  }
0x5e: {  	_ =	shalt  }
0x5f: {  	_ =	shalt  }
0x60: {  	_ =	shalt  }
0x61: {  	_ =	shalt  }
0x62: {  	_ =	shalt  }
0x63: {  	_ =	shalt  }
0x64: {  	_ =	shalt  }
0x65: {  	_ =	shalt  }
0x66: {  	_ =	shalt  }
0x67: {  	_ =	shalt  }
0x68: {  	_ =	shalt  }
0x69: {  	_ =	shalt  }
0x6a: {  	_ =	shalt  }
0x6b: {  	_ =	shalt  }
0x6c: {  	_ =	shalt  }
0x6d: {  	_ =	shalt  }
0x6e: {  	_ =	shalt  }
0x6f: {  	_ =	shalt  }
0x70: {  	_ =	shalt  }
0x71: {  	_ =	shalt  }
0x72: {  	_ =	shalt  }
0x73: {  	_ =	shalt  }
0x74: {  	_ =	shalt  }
0x75: {  	_ =	shalt  }
0x76: {  	_ =	shalt  }
0x77: {  	_ =	shalt  }
0x78: {  	_ =	shalt  }
0x79: {  	_ =	shalt  }
0x7a: {  	_ =	shalt  }
0x7b: {  	_ =	shalt  }
0x7c: {  	_ =	shalt  }
0x7d: {  	_ =	shalt  }
0x7e: {  	_ =	shalt  }
0x7f: {  	_ =	shalt  }
0x80: {  	_ =	shalt  }
0x81: {  	_ =	shalt  }
0x82: {  	_ =	shalt  }
0x83: {  	_ =	shalt  }
0x84: {  	_ =	shalt  }
0x85: {  	_ =	shalt  }
0x86: {  	_ =	shalt  }
0x87: {  	_ =	shalt  }
.Lfunc_end0:
.L_simem_size_0:
called_computation.1_lowered:
.L_overlay_start_0:
0x88: {  	s2 =	sld [smem:$0x3FD9]  }
0x89: {  	s3 =	sld [smem:$0x3FFE];
	_ =	sdelay $0x1  }
0x8a: {  	s1 =	srdreg.scid  }
0x8b: {  	s0 =	sand.u32 $0x1, s1  }
0x8c: {  	s15 =	sshll.u32 s0, $0xA;
	s2 =	sadd.s32 s3, s2  }
0x8d: {  	s2 =	sadd.s32 s2, s15  }
0x8e: {  	[smem:$0x3FC3] =	sst s2  }
0x8f: {  	_ = 	snop  }
0x90: {  	s2 =	sld [smem:$0x3FD0];
	_ =	sdelay $0x1  }
0x91: {  	s16 =	sld [smem:$0x3FC9]  }
0x92: {  	s5 =	simm.s32 $0xA;
	s6 =	simm.s32 $0x10;
	s4 =	sld [smem:$0x3FC8]  }
0x93: {  	[smem:s6], [sflag:s5] =	dma.local [hbm:s2], $0x1  }
0x94: {  	_ =	swait.eq [sflag:s5], $0x1  }
0x95: {  	[sflag:s5] =	ssyncset.done $0x0  }
0x96: {  	s17 =	sld [smem:$0x10];
	[sflag:s5] =	ssyncadd.s32 $0xFFFFFFFF  }
0x97: {  	s18 =	sld [smem:$0x11];
	(tm) =	ssettm $0x1  }
0x98: {  	s19 =	sld [smem:$0x3FFB];
	_ =	sdelay $0x3  }
0x99: {  	_ =	strace s19  }
0x9a: {  	s6 =	sld [smem:$0x3FFC];
	_ =	sdelay $0x3  }
0x9b: {  	_ =	strace s6  }
0x9c: {  	s6 =	sld [smem:$0x3FFD];
	_ =	sdelay $0x3  }
0x9d: {  	_ =	strace s6  }
0x9e: {  	_ =	strace $0x8FFFFFFF  }
0x9f: {  	s20 =	sld [smem:$0x3FDB];
	_ =	sdelay $0x1  }
0xa0: {  	s7 =	simm.s32 $_scs_section_size  }
0xa1: {  	s8 =	simm.s32 $_size__tile_overlayer_lowered;
	s9 =	simm.s32 $_tile_overlayer_lowered  }
0xa2: {  	s23 =	simm.s32 $0x1BFF;
	s22 =	sshll.u32 s9, $0x1;
	s6 =	sadd.s32 s7, s20  }
0xa3: {  	s10 =	simm.s32 $0x0;
	s21 =	sshll.u32 s8, $0x1;
	s8 =	sadd.s32 s22, s6  }
0xa4: {  	[timem:s10], [sflag:s23] =	dma.local [hbm:s8], s21  }
0xa5: {  	_ =	swait.ge [sflag:s23], s21  }
0xa6: {  	s7 =	ssub.s32 $0x0, s21;
	[sflag:s23] =	ssyncset.done $0x0  }
0xa7: {  	[sflag:s23] =	ssyncadd.s32 s7;
	_ =	sdelay $0x1  }
0xa8: {  	s24 =	simm.s32 $0x1B8B  }
0xa9: {  	_ =	swait.ge [sflag:s24], $0x1  }
0xaa: {  	[sflag:s24] =	ssyncset.done $0x0  }
0xab: {  	s25 =	simm.s32 $0x1B8E;
	[sflag:s24] =	ssyncadd.s32 $0xFFFFFFFF  }
0xac: {  	s26 =	simm.s32 $execute0_lowered;
	[smem:$0x3FD2] =	sst s25  }
0xad: {  	s7 =	sshll.u32 s26, $0x1;
	_ =	strace $0x80000049;
	[dreg:$0x1] =	wrdreg $0xFFFFFFFF  }
0xae: {  	s28 =	simm.s32 $_size_execute0_lowered;
	s6 =	sadd.s32 s6, s7;
	[dreg:$0x0] =	wrdreg $0x0  }
0xaf: {  	s7 =	sshll.u32 s28, $0x1;
	[dreg:$0x2] =	wrdreg s6  }
0xb0: {  	[dreg:$0x3] =	wrdreg s7  }
0xb1: {  	[dreg:$0x4] =	wrdreg $0xC0  }
0xb2: {  	_ =	task [dreg:s10], $0x5FFFF  }
0xb3: {  	[dreg:$0x1] =	wrdreg $0xFFFFFFFF  }
0xb4: {  	[dreg:$0x0] =	wrdreg $0x60  }
0xb5: {  	[dreg:$0x2] =	wrdreg s16  }
0xb6: {  	[dreg:$0x3] =	wrdreg s4  }
0xb7: {  	[dreg:$0x4] =	wrdreg s18  }
0xb8: {  	[dreg:$0x5] =	wrdreg s17  }
0xb9: {  	[dreg:$0x6] =	wrdreg $0x9  }
0xba: {  	_ =	task.clear_ibuf [dreg:s10], $0x7FFFF;
	_ =	strace $0x90000049  }
0xbb: {  	s29 =	simm.s32 $0x9;
	_ =	strace $0x8000004B  }
0xbc: {  	_ =	swait.ge [sflag:s29], $0x1  }
0xbd: {  	[sflag:s29] =	ssyncadd.s32 $0xFFFFFFFF  }
0xbe: {  	_ =	strace $0x9000004B  }
0xbf: {  	_ =	sfence  }
0xc0: {  	s30 =	sld [smem:$0x0];
	_ =	sdelay $0x2  }
0xc1: {  	s31 =	sshll.u32 s1, $0xD;
	s1 =	sshrl.u32 s1, $0x2  }
0xc2: {  	s3 =	sand.u32 $0x4000, s31;
	s1 =	sadd.s32 s1, s30  }
0xc3: {  	s0 =	sor.u32 s3, s0;
	s1 =	sshll.u32 s1, $0x11  }
0xc4: {  	s0 =	sor.u32 s1, s0  }
0xc5: {  	s0 =	sadd.s32 $0x8F2B, s0  }
0xc6: {  	[sflag:s0] =	ssyncadd.remote.s32 $0x1  }
0xc7: {  	_ =	sfence.sel $0xFFFF  }
0xc8: {  	[dreg:$0x0] =	wrdreg $0xFFFFFFFF;
	(pc) =	sbr.abs _section_cstart, $3  }
0xc9: {  	[dreg:$0x1] =	wrdreg $0xFFFFFFFF  }
0xca: {  	_ =	task.clear_ibuf [dreg:s10], $0x2FFFF;
	_ =	strace $0x9FFFFFFF  }
0xcb: {  	(tm) =	ssettm $0x7FFFFFFF  }
tec
execute0_lowered:
.L_overlay_start_1:
0x0: {  	(tag) =	ssettag $0x1  }
0x1: {  	s1 =	rddreg [dreg:$0x0]  }
0x2: {  	s2 =	rddreg [dreg:$0x1];
	s0 =	srdreg.scid  }
0x3: {  	s3 =	stileid.u32;
	s5 =	rddreg [dreg:$0x3]  }
0x4: {  	s7 =	simm.s32 $0x0;
	s20 =	simm.s32 $0xA000;
	s28 =	simm.s32 $0x3  }
0x5: {  	s29 =	simm.s32 $0x7;
	s0 =	sand.u32 $0x1, s0;
	s3 =	sshll.u32 s3, $0x1  }
0x6: {  	[smem:$0x7FF] =	sst s7;
	s14 =	sadd.s32 $0x14000, s5;
	s6 =	sor.u32 s0, s3  }
0x7: {  	s0 =	ssub.s32 $0x2, s0;
	_ =	strace $0x8000004A;
	s3 =	smul.u32 $0xA00, s6  }
0x8: {  	s4 =	smul.u32 $0xA0, s6;
	s8 =	sshrl.u32 s0, $0x1;
	s25 =	ssub.s32 $0x270, s6  }
0x9: {  	s9 =	smul.u32 $0x14, s6;
	s0 =	ssub.s32 s0, s8;
	s26 =	sshrl.u32 s25, $0x5  }
0xa: {  	s31 =	sand.u32 $0x60, s25;
	s25 =	simm.s32 $0x6;
	s8 =	simm.s32 $0x0  }
0xb: {  	s3 =	sadd.s32 s1, s3;
	s22 =	sadd.s32 $0x1400, s4;
	s23 =	sadd.s32 s2, s9  }
0xc: {  	s30 =	sadd.s32 $0xFFFFFFFF, s26;
	p0 =	seq.s32 s31, $0x60;
	[dreg:$0x5] =	wrdreg s3  }
0xd: {  	s0 =	smax.u32 s0, $0x1;
	s26 =	simm.s32 $0x9;
	[dreg:$0x6] =	wrdreg s23  }
0xe: {  	s24 =	sshll.u32 s22, $0x4;
	s3 =	sshrl.u32 s22, $0x3;
	[dreg:$0xa] =	wrdreg s0  }
0xf: {  	s22 =	simm.s32 $0x1;
	s23 =	simm.s32 $0x5;
	s4 =	sadd.s32 s1, s24  }
.Ltmp0:
0x10: {  	s3 =	sadd.s32 s2, s3;
	[dreg:$0x7] =	wrdreg s4;
	(pc) =	sbr.rel .LBB2_1-.Ltmp0, $4  }
0x11: {  	[dreg:$0x8] =	wrdreg s3;
	s3 =	sand.u32 $0x3, s30;
	s4 =	simm.s32 $0xC  }
0x12: {  	s24 =	simm.s32 $0x2;
	s4 =	simm.s32 @!p0 $0xB;
	p0 =	sgt.s32 s3, $0x1  }
0x13: {  	[dreg:$0x9] =	wrdreg s4;
	p1 =	seq.s32 @p0 s3, $0x2;
	p2 =	seq.s32 @!p0 s3, $0x0  }
0x14: {  	s3 =	simm.s32 $0x8;
	p1 =	por !p1, !p0;
	p2 =	por !p2, p0  }
.LBB2_13:
0x15: {  	s4 =	simm.s32 @!p1 $0xB;
	s0 =	simm.s32 $0x9  }
0x16: {  	s4 =	simm.s32 @p1 $0xC;
	s0 =	simm.s32 @p2 $0xA  }
0x17: {  	s0 =	smov.u32 @p0 s4  }
0x18: {  	s8 =	rddreg [dreg:$0xb];
	_ =	swait.ge [sflag:s0], $0x5000  }
0x19: {  	[sflag:s0] =	ssyncset.done $0x0  }
0x1a: {  	s30 =	rddreg [dreg:$0x9];
	[sflag:s0] =	ssyncadd.s32 $0xFFFFB000  }
0x1b: {  	_ =	swait.ge [sflag:s30], $0x5000  }
0x1c: {  	s8 =	sadd.s32 $0x1, s8;
	s31 =	rddreg [dreg:$0xa]  }
0x1d: {  	p3 =	sne.s32 s8, s31  }
.Ltmp1:
0x1e: {  	_ = 	snop;
	(pc) =	sbr.rel @!p3 .LBB2_14-.Ltmp1, $3  }
0x1f: {  	_ =	sdelay $0x1  }
0x20: {  	[sflag:s30] =	ssyncset.done $0x0  }
0x21: {  	[sflag:s30] =	ssyncadd.s32 $0xFFFFB000  }
.LBB2_1:
0x22: {  	[dreg:$0xb] =	wrdreg s8  }
0x23: {  	s0 =	rddreg [dreg:$0x5]  }
0x24: {  	s15 =	rddreg [dreg:$0x6]  }
0x25: {  	[tilespmem:s7], [sflag:$0x1] =	stream.linear.gather [hbm4b:s0+s7], $0x5000, $0x38;
	[tilespmem:$0x18400] =	vst v63  }
0x26: {  	s4 =	simm.s32 $0x14000;
	s16 =	rddreg [dreg:$0x7]  }
0x27: {  	[tilespmem:s4], [sflag:$0x5] =	stream.linear.gather [hbm4b:s15+s7], $0xA0, $0x38;
	[tilespmem:$0x18400] =	vst v63  }
0x28: {  	s17 =	simm.s32 $0x5000;
	s18 =	rddreg [dreg:$0x8]  }
0x29: {  	[tilespmem:s17], [sflag:$0x2] =	stream.linear.gather [hbm4b:s16+s7], $0x5000, $0x38;
	[tilespmem:$0x18400] =	vst v63  }
0x2a: {  	s19 =	simm.s32 $0x14100;
	s21 =	rddreg [dreg:$0x2]  }
0x2b: {  	[tilespmem:s19], [sflag:$0x6] =	stream.linear.gather [hbm4b:s18+s7], $0xA0, $0x38;
	[tilespmem:$0x18400] =	vst v63  }
.Ltmp2:
0x2c: {  	s30 =	simm.s32 $0x14400;
	s31 =	simm.s32 $0xD;
	(pc) =	sbr.rel .LBB2_2-.Ltmp2, $4  }
0x2d: {  	[tilespmem:s30], [sflag:$0xD] =	stream.linear.gather [hbm4b:s21+s7], $0x4000, $0x38;
	[tilespmem:$0x18400] =	vst v63  }
0x2e: {  	_ =	swait.ge [sflag:s31], $0x4000  }
0x2f: {  	[sflag:s31] =	ssyncset.done $0x0  }
0x30: {  	s15 =	simm.s32 $0x0;
	[sflag:s31] =	ssyncadd.s32 $0xFFFFC000  }
.LBB2_12:
0x31: {  	s15 =	sadd.s32 $0x1, s15  }
0x32: {  	p3 =	sne.s32 s15, $0x5  }
.Ltmp3:
0x33: {  	_ = 	snop;
	(pc) =	sbr.rel @!p3 .LBB2_13-.Ltmp3, $1  }
0x34: {  	_ =	sdelay $0x3  }
.LBB2_2:
0x35: {  	s0 =	sshll.u32 s15, $0x7  }
0x36: {  	p4 =	seq.s32 s15, $0x0;
	s17 =	sor.u32 s6, s0  }
0x37: {  	s0 =	simm.s32 @!p4 $0xB;
	s9 =	sor.u32 $0x40, s17  }
0x38: {  	_ =	swait.ge @!p4 [sflag:s0], $0x5000;
	s8 =	smul.u32 $0xA00, s9  }
0x39: {  	[sflag:s0] =	ssyncset.done @!p4 $0x0  }
0x3a: {  	s4 =	smul.u32 $0x14, s9;
	[sflag:s0] =	ssyncadd.s32 @!p4 $0xFFFFB000;
	s21 =	sadd.s32 s1, s8  }
0x3b: {  	[tilespmem:s20], [sflag:$0x3] =	stream.linear.gather [hbm4b:s21+s7], $0x5000, $0x38;
	[tilespmem:$0x18400] =	vst v63  }
0x3c: {  	s31 =	simm.s32 $0x14200;
	s30 =	sadd.s32 s2, s4  }
0x3d: {  	[tilespmem:s31], [sflag:$0x7] =	stream.linear.gather [hbm4b:s30+s7], $0xA0, $0x38;
	[tilespmem:$0x18400] =	vst v63  }
0x3e: {  	_ =	swait.ge [sflag:s22], $0x5000  }
0x3f: {  	[sflag:s22] =	ssyncset.done $0x0  }
0x40: {  	[sflag:s22] =	ssyncadd.s32 $0xFFFFB000  }
0x41: {  	_ =	swait.ge [sflag:s23], $0xA0  }
0x42: {  	[sflag:s23] =	ssyncset.done $0x0  }
0x43: {  	s4 =	simm.s32 $0x14002;
	[sflag:s23] =	ssyncadd.s32 $0xFFFFFF60  }
0x44: {  	v0 =	vld [tilespmem:s4+$0x1]  }
0x45: {  	v1 =	vld [tilespmem:s4+$0xFFFFFFFF];
	_ =	sdelay $0x2  }
0x46: {  	v2 =	vld [tilespmem:s4+$0x0]  }
0x47: {  	v3 =	vld [tilespmem:s4+$0xFFFFFFFE];
	(v2sf) =	vpush v0, $0x0  }
0x48: {  	(v2sf) =	vpush v1, $0x0;
	_ =	sdelay $0x2  }
0x49: {  	(v2sf) =	vpush v2, $0x0  }
0x4a: {  	(v2sf) =	vpush v3, $0x0;
	_ =	sdelay $0x9  }
0x4b: {  	s10 =	spop (v2sf)  }
0x4c: {  	s0 =	sshll.u32 s10, $0x9;
	s11 =	spop (v2sf)  }
0x4d: {  	s12 =	sshra.s32 s0, $0x2;
	s13 =	sshll.u32 s11, $0x9  }
0x4e: {  	v0 =	vld [tilespmem:s12+$0x14400];
	s0 =	sshra.s32 s13, $0x2  }
0x4f: {  	s16 =	spop (v2sf);
	s13 =	simm.s32 $0x14006;
	v1 =	vld [tilespmem:s0+$0x14400]  }
0x50: {  	s4 =	sshll.u32 s16, $0x9;
	s10 =	spop (v2sf);
	v4 =	vld [tilespmem:s13+$0xFFFFFFFF]  }
0x51: {  	s10 =	sshll.u32 s10, $0x9;
	s11 =	sshra.s32 s4, $0x2;
	v5 =	vld [tilespmem:s13+$0xFFFFFFFE]  }
0x52: {  	s18 =	sshra.s32 s10, $0x2;
	v2 =	vld [tilespmem:s11+$0x14400]  }
0x53: {  	s10 =	simm.s32 $0x100;
	v3 =	vld [tilespmem:s18+$0x14400]  }
0x54: {  	[tilespmem:s10+$0x80] =	vst.add.f32.msk $0xffff, v0  }
0x55: {  	v0 =	vld [tilespmem:s12+$0x14410]  }
0x56: {  	[tilespmem:s10+$0xFFFFFF80] =	vst.add.f32.msk $0xffff, v1  }
0x57: {  	[tilespmem:s10+$0x0] =	vst.add.f32.msk $0xffff, v2  }
0x58: {  	v2 =	vld [tilespmem:s0+$0x14410]  }
0x59: {  	[tilespmem:s10+$0xFFFFFF00] =	vst.add.f32.msk $0xffff, v3  }
0x5a: {  	v3 =	vld [tilespmem:s11+$0x14410]  }
0x5b: {  	v1 =	vld [tilespmem:s18+$0x14410]  }
0x5c: {  	[tilespmem:s10+$0x90] =	vst.add.f32.msk $0xffff, v0  }
0x5d: {  	v0 =	vld [tilespmem:s12+$0x14420]  }
0x5e: {  	[tilespmem:s10+$0xFFFFFF90] =	vst.add.f32.msk $0xffff, v2  }
0x5f: {  	[tilespmem:s10+$0x10] =	vst.add.f32.msk $0xffff, v3  }
0x60: {  	v2 =	vld [tilespmem:s0+$0x14420]  }
0x61: {  	[tilespmem:s10+$0xFFFFFF10] =	vst.add.f32.msk $0xffff, v1  }
0x62: {  	v3 =	vld [tilespmem:s11+$0x14420]  }
0x63: {  	v1 =	vld [tilespmem:s18+$0x14420]  }
0x64: {  	[tilespmem:s10+$0xA0] =	vst.add.f32.msk $0xffff, v0  }
0x65: {  	v0 =	vld [tilespmem:s12+$0x14430]  }
0x66: {  	[tilespmem:s10+$0xFFFFFFA0] =	vst.add.f32.msk $0xffff, v2  }
0x67: {  	[tilespmem:s10+$0x20] =	vst.add.f32.msk $0xffff, v3  }
0x68: {  	v2 =	vld [tilespmem:s0+$0x14430]  }
0x69: {  	[tilespmem:s10+$0xFFFFFF20] =	vst.add.f32.msk $0xffff, v1  }
0x6a: {  	v3 =	vld [tilespmem:s11+$0x14430]  }
0x6b: {  	v1 =	vld [tilespmem:s18+$0x14430]  }
0x6c: {  	[tilespmem:s10+$0xB0] =	vst.add.f32.msk $0xffff, v0  }
0x6d: {  	v0 =	vld [tilespmem:s12+$0x14440]  }
0x6e: {  	[tilespmem:s10+$0xFFFFFFB0] =	vst.add.f32.msk $0xffff, v2  }
0x6f: {  	[tilespmem:s10+$0x30] =	vst.add.f32.msk $0xffff, v3  }
0x70: {  	[tilespmem:s10+$0xFFFFFF30] =	vst.add.f32.msk $0xffff, v1  }
0x71: {  	v1 =	vld [tilespmem:s18+$0x14440]  }
0x72: {  	v2 =	vld [tilespmem:s0+$0x14440]  }
0x73: {  	v3 =	vld [tilespmem:s11+$0x14440]  }
0x74: {  	[tilespmem:s10+$0xC0] =	vst.add.f32.msk $0xffff, v0  }
0x75: {  	v0 =	vld [tilespmem:s12+$0x14450]  }
0x76: {  	[tilespmem:s10+$0xFFFFFF40] =	vst.add.f32.msk $0xffff, v1  }
0x77: {  	v1 =	vld [tilespmem:s13+$0x1]  }
0x78: {  	[tilespmem:s10+$0xFFFFFFC0] =	vst.add.f32.msk $0xffff, v2  }
0x79: {  	v2 =	vld [tilespmem:s13+$0x0]  }
0x7a: {  	[tilespmem:s10+$0x40] =	vst.add.f32.msk $0xffff, v3  }
0x7b: {  	v3 =	vld [tilespmem:s0+$0x14450]  }
0x7c: {  	[tilespmem:s10+$0xD0] =	vst.add.f32.msk $0xffff, v0;
	(v2sf) =	vpush v1, $0x0  }
0x7d: {  	v0 =	vld [tilespmem:s12+$0x14460]  }
0x7e: {  	(v2sf) =	vpush v4, $0x0  }
0x7f: {  	v1 =	vld [tilespmem:s18+$0x14450];
	(v2sf) =	vpush v2, $0x0  }
0x80: {  	[tilespmem:s10+$0xFFFFFFD0] =	vst.add.f32.msk $0xffff, v3;
	(v2sf) =	vpush v5, $0x0  }
0x81: {  	v2 =	vld [tilespmem:s11+$0x14450]  }
0x82: {  	[tilespmem:s10+$0xE0] =	vst.add.f32.msk $0xffff, v0  }
0x83: {  	v0 =	vld [tilespmem:s12+$0x14470]  }
0x84: {  	[tilespmem:s10+$0xFFFFFF50] =	vst.add.f32.msk $0xffff, v1  }
0x85: {  	v1 =	vld [tilespmem:s18+$0x14460]  }
0x86: {  	[tilespmem:s10+$0x50] =	vst.add.f32.msk $0xffff, v2  }
0x87: {  	v2 =	vld [tilespmem:s0+$0x14460];
	_ =	sdelay $0x1  }
0x88: {  	v3 =	vld [tilespmem:s11+$0x14460]  }
0x89: {  	[tilespmem:s10+$0xF0] =	vst.add.f32.msk $0xffff, v0  }
0x8a: {  	[tilespmem:s10+$0xFFFFFF60] =	vst.add.f32.msk $0xffff, v1;
	s19 =	spop (v2sf)  }
0x8b: {  	[tilespmem:s10+$0xFFFFFFE0] =	vst.add.f32.msk $0xffff, v2;
	s12 =	sshll.u32 s19, $0x9  }
0x8c: {  	v0 =	vld [tilespmem:s18+$0x14470];
	s21 =	spop (v2sf);
	s16 =	sshra.s32 s12, $0x2  }
0x8d: {  	s13 =	sshll.u32 s21, $0x9;
	s30 =	spop (v2sf);
	v2 =	vld [tilespmem:s16+$0x14400]  }
0x8e: {  	[tilespmem:s10+$0x60] =	vst.add.f32.msk $0xffff, v3;
	s13 =	sshra.s32 s13, $0x2;
	s4 =	sshll.u32 s30, $0x9;
	s31 =	spop (v2sf)  }
0x8f: {  	v3 =	vld [tilespmem:s13+$0x14400];
	s12 =	sshll.u32 s31, $0x9;
	s4 =	sshra.s32 s4, $0x2  }
0x90: {  	s12 =	sshra.s32 s12, $0x2;
	v4 =	vld [tilespmem:s4+$0x14400]  }
0x91: {  	s18 =	simm.s32 $0x300;
	v5 =	vld [tilespmem:s12+$0x14400]  }
0x92: {  	[tilespmem:s18+$0x80] =	vst.add.f32.msk $0xffff, v2  }
0x93: {  	v2 =	vld [tilespmem:s16+$0x14410]  }
0x94: {  	[tilespmem:s18+$0xFFFFFF80] =	vst.add.f32.msk $0xffff, v3  }
0x95: {  	[tilespmem:s18+$0x0] =	vst.add.f32.msk $0xffff, v4  }
0x96: {  	v4 =	vld [tilespmem:s13+$0x14410]  }
0x97: {  	[tilespmem:s18+$0xFFFFFF00] =	vst.add.f32.msk $0xffff, v5  }
0x98: {  	v5 =	vld [tilespmem:s4+$0x14410]  }
0x99: {  	[tilespmem:s18+$0x90] =	vst.add.f32.msk $0xffff, v2  }
0x9a: {  	v2 =	vld [tilespmem:s16+$0x14420]  }
0x9b: {  	v3 =	vld [tilespmem:s12+$0x14410]  }
0x9c: {  	[tilespmem:s18+$0xFFFFFF90] =	vst.add.f32.msk $0xffff, v4  }
0x9d: {  	[tilespmem:s18+$0x10] =	vst.add.f32.msk $0xffff, v5  }
0x9e: {  	v4 =	vld [tilespmem:s13+$0x14420]  }
0x9f: {  	[tilespmem:s18+$0xA0] =	vst.add.f32.msk $0xffff, v2  }
0xa0: {  	v2 =	vld [tilespmem:s16+$0x14430]  }
0xa1: {  	[tilespmem:s18+$0xFFFFFF10] =	vst.add.f32.msk $0xffff, v3  }
0xa2: {  	v5 =	vld [tilespmem:s4+$0x14420]  }
0xa3: {  	v3 =	vld [tilespmem:s12+$0x14420]  }
0xa4: {  	[tilespmem:s18+$0xFFFFFFA0] =	vst.add.f32.msk $0xffff, v4  }
0xa5: {  	[tilespmem:s18+$0xB0] =	vst.add.f32.msk $0xffff, v2  }
0xa6: {  	v2 =	vld [tilespmem:s16+$0x14440]  }
0xa7: {  	[tilespmem:s18+$0x20] =	vst.add.f32.msk $0xffff, v5  }
0xa8: {  	v4 =	vld [tilespmem:s13+$0x14430]  }
0xa9: {  	[tilespmem:s18+$0xFFFFFF20] =	vst.add.f32.msk $0xffff, v3  }
0xaa: {  	v3 =	vld [tilespmem:s12+$0x14430]  }
0xab: {  	[tilespmem:s18+$0xC0] =	vst.add.f32.msk $0xffff, v2  }
0xac: {  	v2 =	vld [tilespmem:s16+$0x14450]  }
0xad: {  	v5 =	vld [tilespmem:s4+$0x14430]  }
0xae: {  	[tilespmem:s18+$0xFFFFFFB0] =	vst.add.f32.msk $0xffff, v4  }
0xaf: {  	v4 =	vld [tilespmem:s13+$0x14440]  }
0xb0: {  	[tilespmem:s18+$0xFFFFFF30] =	vst.add.f32.msk $0xffff, v3  }
0xb1: {  	[tilespmem:s18+$0xD0] =	vst.add.f32.msk $0xffff, v2  }
0xb2: {  	v3 =	vld [tilespmem:s16+$0x14460]  }
0xb3: {  	v1 =	vld [tilespmem:s0+$0x14470]  }
0xb4: {  	v6 =	vld [tilespmem:s12+$0x14440]  }
0xb5: {  	[tilespmem:s18+$0x30] =	vst.add.f32.msk $0xffff, v5  }
0xb6: {  	[tilespmem:s18+$0xFFFFFFC0] =	vst.add.f32.msk $0xffff, v4  }
0xb7: {  	[tilespmem:s18+$0xE0] =	vst.add.f32.msk $0xffff, v3  }
0xb8: {  	v3 =	vld [tilespmem:s16+$0x14470]  }
0xb9: {  	[tilespmem:s18+$0xFFFFFF40] =	vst.add.f32.msk $0xffff, v6  }
0xba: {  	s0 =	simm.s32 $0x4;
	s19 =	simm.s32 $0x1400A;
	v2 =	vld [tilespmem:s4+$0x14440]  }
.LBB2_3:
0xbb: {  	v4 =	vld [tilespmem:s19+$0x1];
	s0 =	sadd.s32 $0x4, s0  }
0xbc: {  	v5 =	vld [tilespmem:s19+$0xFFFFFFFF];
	p3 =	slt.u32 s0, $0x9C  }
0xbd: {  	[tilespmem:s18+$0xF0] =	vst.add.f32.msk $0xffff, v3  }
0xbe: {  	v3 =	vld [tilespmem:s19+$0x0]  }
0xbf: {  	v6 =	vld [tilespmem:s19+$0xFFFFFFFE]  }
0xc0: {  	(v2sf) =	vpush v4, $0x0;
	[tilespmem:s18+$0x40] =	vst.add.f32.msk $0xffff, v2  }
0xc1: {  	(v2sf) =	vpush v5, $0x0;
	v2 =	vld [tilespmem:s12+$0x14450]  }
0xc2: {  	v4 =	vld [tilespmem:s13+$0x14450]  }
0xc3: {  	(v2sf) =	vpush v3, $0x0;
	v3 =	vld [tilespmem:s4+$0x14450]  }
0xc4: {  	(v2sf) =	vpush v6, $0x0;
	v5 =	vld [tilespmem:s11+$0x14470];
	s11 =	smov.u32 s4  }
0xc5: {  	[tilespmem:s10+$0xFFFFFF70] =	vst.add.f32.msk $0xffff, v0  }
0xc6: {  	[tilespmem:s18+$0xFFFFFF50] =	vst.add.f32.msk $0xffff, v2  }
0xc7: {  	[tilespmem:s18+$0xFFFFFFD0] =	vst.add.f32.msk $0xffff, v4  }
0xc8: {  	[tilespmem:s18+$0x50] =	vst.add.f32.msk $0xffff, v3  }
0xc9: {  	v0 =	vld [tilespmem:s12+$0x14460]  }
0xca: {  	v2 =	vld [tilespmem:s13+$0x14460]  }
0xcb: {  	v3 =	vld [tilespmem:s11+$0x14460]  }
0xcc: {  	[tilespmem:s10+$0xFFFFFFF0] =	vst.add.f32.msk $0xffff, v1  }
0xcd: {  	[tilespmem:s10+$0x70] =	vst.add.f32.msk $0xffff, v5;
	s10 =	smov.u32 s18  }
0xce: {  	[tilespmem:s18+$0xFFFFFF60] =	vst.add.f32.msk $0xffff, v0  }
0xcf: {  	s4 =	spop (v2sf);
	[tilespmem:s18+$0xFFFFFFE0] =	vst.add.f32.msk $0xffff, v2  }
0xd0: {  	s4 =	sshll.u32 s4, $0x9;
	s16 =	spop (v2sf);
	[tilespmem:s18+$0x60] =	vst.add.f32.msk $0xffff, v3  }
0xd1: {  	s21 =	sshll.u32 s16, $0x9;
	s16 =	sshra.s32 s4, $0x2;
	v0 =	vld [tilespmem:s12+$0x14470]  }
0xd2: {  	s12 =	sshra.s32 s21, $0x2;
	v2 =	vld [tilespmem:s16+$0x14400];
	s4 =	spop (v2sf)  }
0xd3: {  	v3 =	vld [tilespmem:s12+$0x14400];
	s4 =	sshll.u32 s4, $0x9;
	s21 =	spop (v2sf)  }
0xd4: {  	s21 =	sshll.u32 s21, $0x9;
	s4 =	sshra.s32 s4, $0x2;
	v1 =	vld [tilespmem:s13+$0x14470];
	s13 =	smov.u32 s12  }
0xd5: {  	s12 =	sshra.s32 s21, $0x2;
	v4 =	vld [tilespmem:s4+$0x14400]  }
0xd6: {  	s18 =	sadd.s32 $0x200, s18;
	v5 =	vld [tilespmem:s12+$0x14400]  }
0xd7: {  	[tilespmem:s18+$0x80] =	vst.add.f32.msk $0xffff, v2  }
0xd8: {  	v2 =	vld [tilespmem:s16+$0x14410]  }
0xd9: {  	[tilespmem:s18+$0xFFFFFF80] =	vst.add.f32.msk $0xffff, v3  }
0xda: {  	[tilespmem:s18+$0x0] =	vst.add.f32.msk $0xffff, v4  }
0xdb: {  	[tilespmem:s18+$0xFFFFFF00] =	vst.add.f32.msk $0xffff, v5  }
0xdc: {  	v3 =	vld [tilespmem:s12+$0x14410]  }
0xdd: {  	[tilespmem:s18+$0x90] =	vst.add.f32.msk $0xffff, v2  }
0xde: {  	v2 =	vld [tilespmem:s16+$0x14420]  }
0xdf: {  	v4 =	vld [tilespmem:s13+$0x14410]  }
0xe0: {  	v5 =	vld [tilespmem:s4+$0x14410]  }
0xe1: {  	[tilespmem:s18+$0xFFFFFF10] =	vst.add.f32.msk $0xffff, v3  }
0xe2: {  	v3 =	vld [tilespmem:s12+$0x14420]  }
0xe3: {  	[tilespmem:s18+$0xA0] =	vst.add.f32.msk $0xffff, v2  }
0xe4: {  	v2 =	vld [tilespmem:s16+$0x14430]  }
0xe5: {  	[tilespmem:s18+$0xFFFFFF90] =	vst.add.f32.msk $0xffff, v4  }
0xe6: {  	[tilespmem:s18+$0x10] =	vst.add.f32.msk $0xffff, v5  }
0xe7: {  	v4 =	vld [tilespmem:s13+$0x14420]  }
0xe8: {  	v5 =	vld [tilespmem:s4+$0x14420]  }
0xe9: {  	[tilespmem:s18+$0xB0] =	vst.add.f32.msk $0xffff, v2  }
0xea: {  	v2 =	vld [tilespmem:s16+$0x14440]  }
0xeb: {  	[tilespmem:s18+$0xFFFFFF20] =	vst.add.f32.msk $0xffff, v3  }
0xec: {  	[tilespmem:s18+$0xFFFFFFA0] =	vst.add.f32.msk $0xffff, v4  }
0xed: {  	[tilespmem:s18+$0x20] =	vst.add.f32.msk $0xffff, v5  }
0xee: {  	v3 =	vld [tilespmem:s12+$0x14430]  }
0xef: {  	[tilespmem:s18+$0xC0] =	vst.add.f32.msk $0xffff, v2  }
0xf0: {  	v2 =	vld [tilespmem:s16+$0x14450]  }
0xf1: {  	v4 =	vld [tilespmem:s13+$0x14430]  }
0xf2: {  	v5 =	vld [tilespmem:s4+$0x14430]  }
0xf3: {  	[tilespmem:s18+$0xFFFFFF30] =	vst.add.f32.msk $0xffff, v3  }
0xf4: {  	v6 =	vld [tilespmem:s12+$0x14440]  }
0xf5: {  	[tilespmem:s18+$0xD0] =	vst.add.f32.msk $0xffff, v2  }
0xf6: {  	v3 =	vld [tilespmem:s16+$0x14460]  }
0xf7: {  	[tilespmem:s18+$0xFFFFFFB0] =	vst.add.f32.msk $0xffff, v4  }
0xf8: {  	[tilespmem:s18+$0x30] =	vst.add.f32.msk $0xffff, v5  }
0xf9: {  	v4 =	vld [tilespmem:s13+$0x14440]  }
.Ltmp4:
0xfa: {  	v2 =	vld [tilespmem:s4+$0x14440];
	(pc) =	sbr.rel @p3 .LBB2_3-.Ltmp4, $4  }
0xfb: {  	[tilespmem:s18+$0xE0] =	vst.add.f32.msk $0xffff, v3  }
0xfc: {  	v3 =	vld [tilespmem:s16+$0x14470]  }
0xfd: {  	[tilespmem:s18+$0xFFFFFF40] =	vst.add.f32.msk $0xffff, v6  }
0xfe: {  	s19 =	sadd.s32 $0x4, s19;
	[tilespmem:s18+$0xFFFFFFC0] =	vst.add.f32.msk $0xffff, v4  }
0xff: {  	[tilespmem:s18+$0x40] =	vst.add.f32.msk $0xffff, v2  }
0x100: {  	v2 =	vld [tilespmem:s12+$0x14450]  }
0x101: {  	v4 =	vld [tilespmem:s13+$0x14450]  }
0x102: {  	v5 =	vld [tilespmem:s4+$0x14450];
	_ =	sdelay $0x1  }
0x103: {  	[tilespmem:s18+$0xF0] =	vst.add.f32.msk $0xffff, v3  }
0x104: {  	[tilespmem:s18+$0xFFFFFF50] =	vst.add.f32.msk $0xffff, v2  }
0x105: {  	[tilespmem:s18+$0xFFFFFFD0] =	vst.add.f32.msk $0xffff, v4  }
0x106: {  	[tilespmem:s18+$0x50] =	vst.add.f32.msk $0xffff, v5  }
0x107: {  	v2 =	vld [tilespmem:s12+$0x14460]  }
0x108: {  	v3 =	vld [tilespmem:s13+$0x14460]  }
0x109: {  	v4 =	vld [tilespmem:s4+$0x14460]  }
0x10a: {  	[tilespmem:s10+$0xFFFFFF70] =	vst.add.f32.msk $0xffff, v0  }
0x10b: {  	v5 =	vld [tilespmem:s11+$0x14470]  }
0x10c: {  	[tilespmem:s18+$0xFFFFFF60] =	vst.add.f32.msk $0xffff, v2  }
0x10d: {  	[tilespmem:s18+$0xFFFFFFE0] =	vst.add.f32.msk $0xffff, v3  }
0x10e: {  	[tilespmem:s18+$0x60] =	vst.add.f32.msk $0xffff, v4  }
0x10f: {  	v0 =	vld [tilespmem:s12+$0x14470]  }
0x110: {  	v2 =	vld [tilespmem:s13+$0x14470]  }
0x111: {  	v3 =	vld [tilespmem:s4+$0x14470]  }
0x112: {  	[tilespmem:s10+$0xFFFFFFF0] =	vst.add.f32.msk $0xffff, v1  }
0x113: {  	[tilespmem:s10+$0x70] =	vst.add.f32.msk $0xffff, v5  }
0x114: {  	s10 =	smul.u32 $0xA00, s17;
	[tilespmem:s18+$0xFFFFFF70] =	vst.add.f32.msk $0xffff, v0  }
0x115: {  	[tilespmem:s18+$0xFFFFFFF0] =	vst.add.f32.msk $0xffff, v2  }
0x116: {  	s0 =	sadd.s32 s5, s10;
	[tilespmem:s18+$0x70] =	vst.add.f32.msk $0xffff, v3;
	s18 =	sor.u32 $0x60, s17  }
0x117: {  	[hbm4b:s0+s7] =	stream.linear.scatter [tilespmem:s7], [sflag:$0x9], $0x5000, $0x38;
	[tilespmem:$0x18400] =	vst v63  }
0x118: {  	s0 =	simm.s32 @!p4 $0xC;
	p3 =	sgt.u32 s18, $0x270  }
0x119: {  	_ =	swait.ge @!p4 [sflag:s0], $0x5000;
	s4 =	smul.u32 @!p3 $0xA00, s18  }
0x11a: {  	s11 =	simm.s32 @!p3 $0xF000;
	s12 =	smul.u32 @!p3 $0x14, s18;
	[sflag:s0] =	ssyncset.done @!p4 $0x0  }
0x11b: {  	[sflag:s0] =	ssyncadd.s32 @!p4 $0xFFFFB000;
	s0 =	sadd.s32 @!p3 s1, s4;
	s4 =	simm.s32 @!p3 $0x0  }
0x11c: {  	[tilespmem:s11], [sflag:$0x4] =	stream.linear.gather @!p3 [hbm4b:s0+s4], $0x5000, $0x38;
	[tilespmem:$0x18400] =	vst v63  }
0x11d: {  	s0 =	sadd.s32 @!p3 s2, s12;
	s11 =	simm.s32 @!p3 $0x14300  }
0x11e: {  	[tilespmem:s11], [sflag:$0x8] =	stream.linear.gather @!p3 [hbm4b:s0+s4], $0xA0, $0x38;
	[tilespmem:$0x18400] =	vst v63  }
0x11f: {  	_ =	swait.ge [sflag:s24], $0x5000  }
0x120: {  	[sflag:s24] =	ssyncset.done $0x0  }
0x121: {  	[sflag:s24] =	ssyncadd.s32 $0xFFFFB000  }
0x122: {  	_ =	swait.ge [sflag:s25], $0xA0  }
0x123: {  	[sflag:s25] =	ssyncset.done $0x0  }
0x124: {  	s11 =	simm.s32 $0x14102;
	[sflag:s25] =	ssyncadd.s32 $0xFFFFFF60  }
0x125: {  	v0 =	vld [tilespmem:s11+$0x1]  }
0x126: {  	v1 =	vld [tilespmem:s11+$0xFFFFFFFF];
	_ =	sdelay $0x2  }
0x127: {  	v2 =	vld [tilespmem:s11+$0x0]  }
0x128: {  	v3 =	vld [tilespmem:s11+$0xFFFFFFFE];
	(v2sf) =	vpush v0, $0x0  }
0x129: {  	(v2sf) =	vpush v1, $0x0;
	_ =	sdelay $0x2  }
0x12a: {  	(v2sf) =	vpush v2, $0x0  }
0x12b: {  	(v2sf) =	vpush v3, $0x0;
	_ =	sdelay $0x9  }
0x12c: {  	s12 =	spop (v2sf)  }
0x12d: {  	s0 =	sshll.u32 s12, $0x9;
	s13 =	spop (v2sf)  }
0x12e: {  	s12 =	sshra.s32 s0, $0x2;
	s16 =	sshll.u32 s13, $0x9  }
0x12f: {  	v0 =	vld [tilespmem:s12+$0x14400];
	s4 =	sshra.s32 s16, $0x2  }
0x130: {  	s19 =	spop (v2sf);
	s16 =	simm.s32 $0x14106;
	v1 =	vld [tilespmem:s4+$0x14400]  }
0x131: {  	s21 =	sshll.u32 s19, $0x9;
	s30 =	spop (v2sf);
	v4 =	vld [tilespmem:s16+$0xFFFFFFFF]  }
0x132: {  	s11 =	sshll.u32 s30, $0x9;
	s13 =	sshra.s32 s21, $0x2;
	v5 =	vld [tilespmem:s16+$0xFFFFFFFE]  }
0x133: {  	s31 =	sshra.s32 s11, $0x2;
	v2 =	vld [tilespmem:s13+$0x14400]  }
0x134: {  	s11 =	simm.s32 $0x5000;
	v3 =	vld [tilespmem:s31+$0x14400]  }
0x135: {  	[tilespmem:s11+$0x180] =	vst.add.f32.msk $0xffff, v0  }
0x136: {  	v0 =	vld [tilespmem:s12+$0x14410]  }
0x137: {  	[tilespmem:s11+$0x80] =	vst.add.f32.msk $0xffff, v1  }
0x138: {  	[tilespmem:s11+$0x100] =	vst.add.f32.msk $0xffff, v2  }
0x139: {  	v2 =	vld [tilespmem:s4+$0x14410]  }
0x13a: {  	[tilespmem:s11+$0x0] =	vst.add.f32.msk $0xffff, v3  }
0x13b: {  	v3 =	vld [tilespmem:s13+$0x14410]  }
0x13c: {  	v1 =	vld [tilespmem:s31+$0x14410]  }
0x13d: {  	[tilespmem:s11+$0x190] =	vst.add.f32.msk $0xffff, v0  }
0x13e: {  	v0 =	vld [tilespmem:s12+$0x14420]  }
0x13f: {  	[tilespmem:s11+$0x90] =	vst.add.f32.msk $0xffff, v2  }
0x140: {  	[tilespmem:s11+$0x110] =	vst.add.f32.msk $0xffff, v3  }
0x141: {  	v2 =	vld [tilespmem:s4+$0x14420]  }
0x142: {  	[tilespmem:s11+$0x10] =	vst.add.f32.msk $0xffff, v1  }
0x143: {  	v3 =	vld [tilespmem:s13+$0x14420]  }
0x144: {  	v1 =	vld [tilespmem:s31+$0x14420]  }
0x145: {  	[tilespmem:s11+$0x1A0] =	vst.add.f32.msk $0xffff, v0  }
0x146: {  	v0 =	vld [tilespmem:s12+$0x14430]  }
0x147: {  	[tilespmem:s11+$0xA0] =	vst.add.f32.msk $0xffff, v2  }
0x148: {  	[tilespmem:s11+$0x120] =	vst.add.f32.msk $0xffff, v3  }
0x149: {  	v2 =	vld [tilespmem:s4+$0x14430]  }
0x14a: {  	[tilespmem:s11+$0x20] =	vst.add.f32.msk $0xffff, v1  }
0x14b: {  	v3 =	vld [tilespmem:s13+$0x14430]  }
0x14c: {  	v1 =	vld [tilespmem:s31+$0x14430]  }
0x14d: {  	[tilespmem:s11+$0x1B0] =	vst.add.f32.msk $0xffff, v0  }
0x14e: {  	v0 =	vld [tilespmem:s12+$0x14440]  }
0x14f: {  	[tilespmem:s11+$0xB0] =	vst.add.f32.msk $0xffff, v2  }
0x150: {  	[tilespmem:s11+$0x130] =	vst.add.f32.msk $0xffff, v3  }
0x151: {  	v2 =	vld [tilespmem:s4+$0x14440]  }
0x152: {  	[tilespmem:s11+$0x30] =	vst.add.f32.msk $0xffff, v1  }
0x153: {  	v1 =	vld [tilespmem:s31+$0x14440]  }
0x154: {  	v3 =	vld [tilespmem:s13+$0x14440]  }
0x155: {  	[tilespmem:s11+$0x1C0] =	vst.add.f32.msk $0xffff, v0  }
0x156: {  	v0 =	vld [tilespmem:s12+$0x14450]  }
0x157: {  	[tilespmem:s11+$0xC0] =	vst.add.f32.msk $0xffff, v2  }
0x158: {  	[tilespmem:s11+$0x40] =	vst.add.f32.msk $0xffff, v1  }
0x159: {  	v1 =	vld [tilespmem:s16+$0x1]  }
0x15a: {  	v2 =	vld [tilespmem:s16+$0x0]  }
0x15b: {  	[tilespmem:s11+$0x140] =	vst.add.f32.msk $0xffff, v3  }
0x15c: {  	v3 =	vld [tilespmem:s4+$0x14450]  }
0x15d: {  	[tilespmem:s11+$0x1D0] =	vst.add.f32.msk $0xffff, v0  }
0x15e: {  	v0 =	vld [tilespmem:s12+$0x14460];
	(v2sf) =	vpush v1, $0x0  }
0x15f: {  	(v2sf) =	vpush v4, $0x0  }
0x160: {  	v1 =	vld [tilespmem:s31+$0x14450]  }
0x161: {  	[tilespmem:s11+$0xD0] =	vst.add.f32.msk $0xffff, v3;
	(v2sf) =	vpush v2, $0x0  }
0x162: {  	v2 =	vld [tilespmem:s13+$0x14450];
	(v2sf) =	vpush v5, $0x0  }
0x163: {  	[tilespmem:s11+$0x1E0] =	vst.add.f32.msk $0xffff, v0  }
0x164: {  	v0 =	vld [tilespmem:s12+$0x14470]  }
0x165: {  	[tilespmem:s11+$0x50] =	vst.add.f32.msk $0xffff, v1  }
0x166: {  	v1 =	vld [tilespmem:s31+$0x14460]  }
0x167: {  	[tilespmem:s11+$0x150] =	vst.add.f32.msk $0xffff, v2  }
0x168: {  	v2 =	vld [tilespmem:s4+$0x14460];
	_ =	sdelay $0x1  }
0x169: {  	v3 =	vld [tilespmem:s13+$0x14460]  }
0x16a: {  	[tilespmem:s11+$0x1F0] =	vst.add.f32.msk $0xffff, v0  }
0x16b: {  	[tilespmem:s11+$0x60] =	vst.add.f32.msk $0xffff, v1  }
0x16c: {  	[tilespmem:s11+$0xE0] =	vst.add.f32.msk $0xffff, v2;
	s19 =	spop (v2sf)  }
0x16d: {  	v0 =	vld [tilespmem:s31+$0x14470];
	s12 =	sshll.u32 s19, $0x9;
	s21 =	spop (v2sf)  }
0x16e: {  	[tilespmem:s11+$0x160] =	vst.add.f32.msk $0xffff, v3;
	s16 =	sshll.u32 s21, $0x9;
	s21 =	sshra.s32 s12, $0x2  }
0x16f: {  	s30 =	spop (v2sf);
	v2 =	vld [tilespmem:s21+$0x14400]  }
0x170: {  	v1 =	vld [tilespmem:s4+$0x14470];
	s19 =	sshra.s32 s16, $0x2;
	s0 =	sshll.u32 s30, $0x9;
	s31 =	spop (v2sf)  }
0x171: {  	v3 =	vld [tilespmem:s19+$0x14400];
	s12 =	sshll.u32 s31, $0x9;
	s0 =	sshra.s32 s0, $0x2  }
0x172: {  	s4 =	sshra.s32 s12, $0x2;
	v4 =	vld [tilespmem:s0+$0x14400]  }
0x173: {  	s12 =	simm.s32 $0x5200;
	v5 =	vld [tilespmem:s4+$0x14400]  }
0x174: {  	[tilespmem:s12+$0x180] =	vst.add.f32.msk $0xffff, v2  }
0x175: {  	v2 =	vld [tilespmem:s21+$0x14410]  }
0x176: {  	[tilespmem:s12+$0x80] =	vst.add.f32.msk $0xffff, v3  }
0x177: {  	[tilespmem:s12+$0x100] =	vst.add.f32.msk $0xffff, v4  }
0x178: {  	v4 =	vld [tilespmem:s19+$0x14410]  }
0x179: {  	[tilespmem:s12+$0x0] =	vst.add.f32.msk $0xffff, v5  }
0x17a: {  	v5 =	vld [tilespmem:s0+$0x14410]  }
0x17b: {  	[tilespmem:s12+$0x190] =	vst.add.f32.msk $0xffff, v2  }
0x17c: {  	v2 =	vld [tilespmem:s21+$0x14420]  }
0x17d: {  	v3 =	vld [tilespmem:s4+$0x14410]  }
0x17e: {  	[tilespmem:s12+$0x90] =	vst.add.f32.msk $0xffff, v4  }
0x17f: {  	[tilespmem:s12+$0x110] =	vst.add.f32.msk $0xffff, v5  }
0x180: {  	v4 =	vld [tilespmem:s19+$0x14420]  }
0x181: {  	[tilespmem:s12+$0x1A0] =	vst.add.f32.msk $0xffff, v2  }
0x182: {  	v2 =	vld [tilespmem:s21+$0x14430]  }
0x183: {  	[tilespmem:s12+$0x10] =	vst.add.f32.msk $0xffff, v3  }
0x184: {  	v5 =	vld [tilespmem:s0+$0x14420]  }
0x185: {  	v3 =	vld [tilespmem:s4+$0x14420]  }
0x186: {  	[tilespmem:s12+$0xA0] =	vst.add.f32.msk $0xffff, v4  }
0x187: {  	[tilespmem:s12+$0x1B0] =	vst.add.f32.msk $0xffff, v2  }
0x188: {  	v2 =	vld [tilespmem:s21+$0x14440]  }
0x189: {  	[tilespmem:s12+$0x120] =	vst.add.f32.msk $0xffff, v5  }
0x18a: {  	v4 =	vld [tilespmem:s19+$0x14430]  }
0x18b: {  	[tilespmem:s12+$0x20] =	vst.add.f32.msk $0xffff, v3  }
0x18c: {  	v3 =	vld [tilespmem:s4+$0x14430]  }
0x18d: {  	[tilespmem:s12+$0x1C0] =	vst.add.f32.msk $0xffff, v2  }
0x18e: {  	v2 =	vld [tilespmem:s21+$0x14450]  }
0x18f: {  	v5 =	vld [tilespmem:s0+$0x14430]  }
0x190: {  	[tilespmem:s12+$0xB0] =	vst.add.f32.msk $0xffff, v4  }
0x191: {  	v4 =	vld [tilespmem:s19+$0x14440]  }
0x192: {  	[tilespmem:s12+$0x30] =	vst.add.f32.msk $0xffff, v3  }
0x193: {  	[tilespmem:s12+$0x1D0] =	vst.add.f32.msk $0xffff, v2  }
0x194: {  	v3 =	vld [tilespmem:s21+$0x14460];
	_ =	sdelay $0x1  }
0x195: {  	v6 =	vld [tilespmem:s4+$0x14440]  }
0x196: {  	[tilespmem:s12+$0x130] =	vst.add.f32.msk $0xffff, v5  }
0x197: {  	[tilespmem:s12+$0xC0] =	vst.add.f32.msk $0xffff, v4  }
0x198: {  	[tilespmem:s12+$0x1E0] =	vst.add.f32.msk $0xffff, v3  }
0x199: {  	v3 =	vld [tilespmem:s21+$0x14470]  }
0x19a: {  	[tilespmem:s12+$0x40] =	vst.add.f32.msk $0xffff, v6  }
0x19b: {  	s16 =	simm.s32 $0x1410A;
	v2 =	vld [tilespmem:s0+$0x14440];
	s21 =	simm.s32 $0x4  }
.LBB2_5:
0x19c: {  	v4 =	vld [tilespmem:s16+$0x1];
	s21 =	sadd.s32 $0x4, s21  }
0x19d: {  	v5 =	vld [tilespmem:s16+$0xFFFFFFFF];
	p4 =	slt.u32 s21, $0x9C  }
0x19e: {  	[tilespmem:s12+$0x1F0] =	vst.add.f32.msk $0xffff, v3  }
0x19f: {  	v3 =	vld [tilespmem:s16+$0x0]  }
0x1a0: {  	v6 =	vld [tilespmem:s16+$0xFFFFFFFE]  }
0x1a1: {  	(v2sf) =	vpush v4, $0x0;
	[tilespmem:s12+$0x140] =	vst.add.f32.msk $0xffff, v2  }
0x1a2: {  	(v2sf) =	vpush v5, $0x0;
	v2 =	vld [tilespmem:s4+$0x14450]  }
0x1a3: {  	v4 =	vld [tilespmem:s19+$0x14450]  }
0x1a4: {  	(v2sf) =	vpush v3, $0x0;
	v3 =	vld [tilespmem:s0+$0x14450]  }
0x1a5: {  	(v2sf) =	vpush v6, $0x0;
	v5 =	vld [tilespmem:s13+$0x14470];
	s13 =	smov.u32 s0  }
0x1a6: {  	[tilespmem:s11+$0x70] =	vst.add.f32.msk $0xffff, v0  }
0x1a7: {  	[tilespmem:s12+$0x50] =	vst.add.f32.msk $0xffff, v2  }
0x1a8: {  	[tilespmem:s12+$0xD0] =	vst.add.f32.msk $0xffff, v4  }
0x1a9: {  	[tilespmem:s12+$0x150] =	vst.add.f32.msk $0xffff, v3  }
0x1aa: {  	v0 =	vld [tilespmem:s4+$0x14460]  }
0x1ab: {  	v2 =	vld [tilespmem:s19+$0x14460]  }
0x1ac: {  	v3 =	vld [tilespmem:s13+$0x14460]  }
0x1ad: {  	[tilespmem:s11+$0xF0] =	vst.add.f32.msk $0xffff, v1  }
0x1ae: {  	[tilespmem:s11+$0x170] =	vst.add.f32.msk $0xffff, v5;
	s11 =	smov.u32 s12  }
0x1af: {  	[tilespmem:s12+$0x60] =	vst.add.f32.msk $0xffff, v0  }
0x1b0: {  	s0 =	spop (v2sf);
	[tilespmem:s12+$0xE0] =	vst.add.f32.msk $0xffff, v2  }
0x1b1: {  	s0 =	sshll.u32 s0, $0x9;
	s30 =	spop (v2sf);
	[tilespmem:s12+$0x160] =	vst.add.f32.msk $0xffff, v3  }
0x1b2: {  	s31 =	sshll.u32 s30, $0x9;
	s30 =	sshra.s32 s0, $0x2;
	v0 =	vld [tilespmem:s4+$0x14470]  }
0x1b3: {  	s4 =	sshra.s32 s31, $0x2;
	v2 =	vld [tilespmem:s30+$0x14400];
	s0 =	spop (v2sf)  }
0x1b4: {  	v3 =	vld [tilespmem:s4+$0x14400];
	s0 =	sshll.u32 s0, $0x9;
	s31 =	spop (v2sf)  }
0x1b5: {  	s31 =	sshll.u32 s31, $0x9;
	s0 =	sshra.s32 s0, $0x2;
	v1 =	vld [tilespmem:s19+$0x14470];
	s19 =	smov.u32 s4  }
0x1b6: {  	s4 =	sshra.s32 s31, $0x2;
	v4 =	vld [tilespmem:s0+$0x14400]  }
0x1b7: {  	s12 =	sadd.s32 $0x200, s12;
	v5 =	vld [tilespmem:s4+$0x14400]  }
0x1b8: {  	[tilespmem:s12+$0x180] =	vst.add.f32.msk $0xffff, v2  }
0x1b9: {  	v2 =	vld [tilespmem:s30+$0x14410]  }
0x1ba: {  	[tilespmem:s12+$0x80] =	vst.add.f32.msk $0xffff, v3  }
0x1bb: {  	[tilespmem:s12+$0x100] =	vst.add.f32.msk $0xffff, v4  }
0x1bc: {  	[tilespmem:s12+$0x0] =	vst.add.f32.msk $0xffff, v5  }
0x1bd: {  	v3 =	vld [tilespmem:s4+$0x14410]  }
0x1be: {  	[tilespmem:s12+$0x190] =	vst.add.f32.msk $0xffff, v2  }
0x1bf: {  	v2 =	vld [tilespmem:s30+$0x14420]  }
0x1c0: {  	v4 =	vld [tilespmem:s19+$0x14410]  }
0x1c1: {  	v5 =	vld [tilespmem:s0+$0x14410]  }
0x1c2: {  	[tilespmem:s12+$0x10] =	vst.add.f32.msk $0xffff, v3  }
0x1c3: {  	v3 =	vld [tilespmem:s4+$0x14420]  }
0x1c4: {  	[tilespmem:s12+$0x1A0] =	vst.add.f32.msk $0xffff, v2  }
0x1c5: {  	v2 =	vld [tilespmem:s30+$0x14430]  }
0x1c6: {  	[tilespmem:s12+$0x90] =	vst.add.f32.msk $0xffff, v4  }
0x1c7: {  	[tilespmem:s12+$0x110] =	vst.add.f32.msk $0xffff, v5  }
0x1c8: {  	v4 =	vld [tilespmem:s19+$0x14420]  }
0x1c9: {  	v5 =	vld [tilespmem:s0+$0x14420]  }
0x1ca: {  	[tilespmem:s12+$0x1B0] =	vst.add.f32.msk $0xffff, v2  }
0x1cb: {  	v2 =	vld [tilespmem:s30+$0x14440]  }
0x1cc: {  	[tilespmem:s12+$0x20] =	vst.add.f32.msk $0xffff, v3  }
0x1cd: {  	[tilespmem:s12+$0xA0] =	vst.add.f32.msk $0xffff, v4  }
0x1ce: {  	[tilespmem:s12+$0x120] =	vst.add.f32.msk $0xffff, v5  }
0x1cf: {  	v3 =	vld [tilespmem:s4+$0x14430]  }
0x1d0: {  	[tilespmem:s12+$0x1C0] =	vst.add.f32.msk $0xffff, v2  }
0x1d1: {  	v2 =	vld [tilespmem:s30+$0x14450]  }
0x1d2: {  	v4 =	vld [tilespmem:s19+$0x14430]  }
0x1d3: {  	v5 =	vld [tilespmem:s0+$0x14430]  }
0x1d4: {  	[tilespmem:s12+$0x30] =	vst.add.f32.msk $0xffff, v3  }
0x1d5: {  	v6 =	vld [tilespmem:s4+$0x14440]  }
0x1d6: {  	[tilespmem:s12+$0x1D0] =	vst.add.f32.msk $0xffff, v2  }
0x1d7: {  	v3 =	vld [tilespmem:s30+$0x14460]  }
0x1d8: {  	[tilespmem:s12+$0xB0] =	vst.add.f32.msk $0xffff, v4  }
0x1d9: {  	[tilespmem:s12+$0x130] =	vst.add.f32.msk $0xffff, v5  }
0x1da: {  	v4 =	vld [tilespmem:s19+$0x14440]  }
.Ltmp5:
0x1db: {  	v2 =	vld [tilespmem:s0+$0x14440];
	(pc) =	sbr.rel @p4 .LBB2_5-.Ltmp5, $4  }
0x1dc: {  	[tilespmem:s12+$0x1E0] =	vst.add.f32.msk $0xffff, v3  }
0x1dd: {  	v3 =	vld [tilespmem:s30+$0x14470]  }
0x1de: {  	[tilespmem:s12+$0x40] =	vst.add.f32.msk $0xffff, v6  }
0x1df: {  	s16 =	sadd.s32 $0x4, s16;
	[tilespmem:s12+$0xC0] =	vst.add.f32.msk $0xffff, v4  }
0x1e0: {  	[tilespmem:s12+$0x140] =	vst.add.f32.msk $0xffff, v2  }
0x1e1: {  	v2 =	vld [tilespmem:s4+$0x14450]  }
0x1e2: {  	v4 =	vld [tilespmem:s19+$0x14450]  }
0x1e3: {  	v5 =	vld [tilespmem:s0+$0x14450];
	_ =	sdelay $0x1  }
0x1e4: {  	[tilespmem:s12+$0x1F0] =	vst.add.f32.msk $0xffff, v3  }
0x1e5: {  	[tilespmem:s12+$0x50] =	vst.add.f32.msk $0xffff, v2  }
0x1e6: {  	[tilespmem:s12+$0xD0] =	vst.add.f32.msk $0xffff, v4  }
0x1e7: {  	[tilespmem:s12+$0x150] =	vst.add.f32.msk $0xffff, v5  }
0x1e8: {  	v2 =	vld [tilespmem:s4+$0x14460]  }
0x1e9: {  	v3 =	vld [tilespmem:s19+$0x14460]  }
0x1ea: {  	v4 =	vld [tilespmem:s0+$0x14460]  }
0x1eb: {  	[tilespmem:s11+$0x70] =	vst.add.f32.msk $0xffff, v0  }
0x1ec: {  	v5 =	vld [tilespmem:s13+$0x14470]  }
0x1ed: {  	[tilespmem:s12+$0x60] =	vst.add.f32.msk $0xffff, v2  }
0x1ee: {  	[tilespmem:s12+$0xE0] =	vst.add.f32.msk $0xffff, v3  }
0x1ef: {  	[tilespmem:s12+$0x160] =	vst.add.f32.msk $0xffff, v4  }
0x1f0: {  	v0 =	vld [tilespmem:s4+$0x14470]  }
0x1f1: {  	v2 =	vld [tilespmem:s19+$0x14470]  }
0x1f2: {  	v3 =	vld [tilespmem:s0+$0x14470]  }
0x1f3: {  	[tilespmem:s11+$0xF0] =	vst.add.f32.msk $0xffff, v1  }
0x1f4: {  	[tilespmem:s11+$0x170] =	vst.add.f32.msk $0xffff, v5  }
0x1f5: {  	[tilespmem:s12+$0x70] =	vst.add.f32.msk $0xffff, v0  }
0x1f6: {  	p4 =	sgt.u32 s9, $0x230;
	[tilespmem:s12+$0xF0] =	vst.add.f32.msk $0xffff, v2  }
0x1f7: {  	s4 =	sadd.s32 s14, s10;
	s10 =	simm.s32 $0x5000;
	s0 =	sadd.s32 @!p4 $0x80, s17;
	[tilespmem:s12+$0x170] =	vst.add.f32.msk $0xffff, v3  }
0x1f8: {  	[hbm4b:s4+s7] =	stream.linear.scatter [tilespmem:s10], [sflag:$0xA], $0x5000, $0x38;
	[tilespmem:$0x18400] =	vst v63  }
0x1f9: {  	s4 =	smul.u32 @!p4 $0xA00, s0;
	_ =	swait.ge [sflag:s26], $0x5000  }
0x1fa: {  	s9 =	simm.s32 @!p4 $0x0;
	[sflag:s26] =	ssyncset.done $0x0  }
0x1fb: {  	s0 =	smul.u32 @!p4 $0x14, s0;
	s4 =	sadd.s32 @!p4 s1, s4;
	[sflag:s26] =	ssyncadd.s32 $0xFFFFB000  }
0x1fc: {  	[tilespmem:s9], [sflag:$0x1] =	stream.linear.gather @!p4 [hbm4b:s4+s9], $0x5000, $0x38;
	[tilespmem:$0x18400] =	vst v63  }
0x1fd: {  	s0 =	sadd.s32 @!p4 s2, s0;
	s4 =	simm.s32 @!p4 $0x14000  }
0x1fe: {  	[tilespmem:s4], [sflag:$0x5] =	stream.linear.gather @!p4 [hbm4b:s0+s9], $0xA0, $0x38;
	[tilespmem:$0x18400] =	vst v63  }
0x1ff: {  	_ =	swait.ge [sflag:s28], $0x5000  }
0x200: {  	[sflag:s28] =	ssyncset.done $0x0  }
0x201: {  	[sflag:s28] =	ssyncadd.s32 $0xFFFFB000  }
0x202: {  	_ =	swait.ge [sflag:s29], $0xA0  }
0x203: {  	[sflag:s29] =	ssyncset.done $0x0  }
0x204: {  	s11 =	simm.s32 $0x14202;
	[sflag:s29] =	ssyncadd.s32 $0xFFFFFF60  }
0x205: {  	v0 =	vld [tilespmem:s11+$0x1];
	_ =	sdelay $0x1  }
0x206: {  	v1 =	vld [tilespmem:s11+$0xFFFFFFFF];
	_ =	sdelay $0x1  }
0x207: {  	v2 =	vld [tilespmem:s11+$0x0]  }
0x208: {  	v3 =	vld [tilespmem:s11+$0xFFFFFFFE];
	(v2sf) =	vpush v0, $0x0;
	_ =	sdelay $0x1  }
0x209: {  	(v2sf) =	vpush v1, $0x0;
	_ =	sdelay $0x1  }
0x20a: {  	(v2sf) =	vpush v2, $0x0  }
0x20b: {  	(v2sf) =	vpush v3, $0x0;
	_ =	sdelay $0x9  }
0x20c: {  	s12 =	spop (v2sf)  }
0x20d: {  	s0 =	sshll.u32 s12, $0x9  }
0x20e: {  	s13 =	spop (v2sf);
	s11 =	sshra.s32 s0, $0x2  }
0x20f: {  	s16 =	sshll.u32 s13, $0x9;
	s13 =	simm.s32 $0x14206;
	v0 =	vld [tilespmem:s11+$0x14400]  }
0x210: {  	s19 =	spop (v2sf);
	v4 =	vld [tilespmem:s13+$0xFFFFFFFF]  }
0x211: {  	s4 =	sshra.s32 s16, $0x2;
	s21 =	sshll.u32 s19, $0x9;
	s30 =	spop (v2sf);
	v5 =	vld [tilespmem:s13+$0xFFFFFFFE]  }
0x212: {  	v1 =	vld [tilespmem:s4+$0x14400];
	s9 =	sshll.u32 s30, $0x9;
	s10 =	sshra.s32 s21, $0x2  }
0x213: {  	s31 =	sshra.s32 s9, $0x2;
	v2 =	vld [tilespmem:s10+$0x14400]  }
0x214: {  	s9 =	simm.s32 $0xA000;
	v3 =	vld [tilespmem:s31+$0x14400]  }
0x215: {  	[tilespmem:s9+$0x180] =	vst.add.f32.msk $0xffff, v0  }
0x216: {  	v0 =	vld [tilespmem:s11+$0x14410]  }
0x217: {  	[tilespmem:s9+$0x80] =	vst.add.f32.msk $0xffff, v1  }
0x218: {  	[tilespmem:s9+$0x100] =	vst.add.f32.msk $0xffff, v2  }
0x219: {  	v2 =	vld [tilespmem:s4+$0x14410]  }
0x21a: {  	[tilespmem:s9+$0x0] =	vst.add.f32.msk $0xffff, v3  }
0x21b: {  	v3 =	vld [tilespmem:s10+$0x14410]  }
0x21c: {  	v1 =	vld [tilespmem:s31+$0x14410]  }
0x21d: {  	[tilespmem:s9+$0x190] =	vst.add.f32.msk $0xffff, v0  }
0x21e: {  	v0 =	vld [tilespmem:s11+$0x14420]  }
0x21f: {  	[tilespmem:s9+$0x90] =	vst.add.f32.msk $0xffff, v2  }
0x220: {  	[tilespmem:s9+$0x110] =	vst.add.f32.msk $0xffff, v3  }
0x221: {  	v2 =	vld [tilespmem:s4+$0x14420]  }
0x222: {  	[tilespmem:s9+$0x10] =	vst.add.f32.msk $0xffff, v1  }
0x223: {  	v3 =	vld [tilespmem:s10+$0x14420]  }
0x224: {  	v1 =	vld [tilespmem:s31+$0x14420]  }
0x225: {  	[tilespmem:s9+$0x1A0] =	vst.add.f32.msk $0xffff, v0  }
0x226: {  	v0 =	vld [tilespmem:s11+$0x14430]  }
0x227: {  	[tilespmem:s9+$0xA0] =	vst.add.f32.msk $0xffff, v2  }
0x228: {  	[tilespmem:s9+$0x120] =	vst.add.f32.msk $0xffff, v3  }
0x229: {  	v2 =	vld [tilespmem:s4+$0x14430]  }
0x22a: {  	[tilespmem:s9+$0x20] =	vst.add.f32.msk $0xffff, v1  }
0x22b: {  	v3 =	vld [tilespmem:s10+$0x14430]  }
0x22c: {  	v1 =	vld [tilespmem:s31+$0x14430]  }
0x22d: {  	[tilespmem:s9+$0x1B0] =	vst.add.f32.msk $0xffff, v0  }
0x22e: {  	v0 =	vld [tilespmem:s11+$0x14440]  }
0x22f: {  	[tilespmem:s9+$0xB0] =	vst.add.f32.msk $0xffff, v2  }
0x230: {  	[tilespmem:s9+$0x130] =	vst.add.f32.msk $0xffff, v3  }
0x231: {  	v2 =	vld [tilespmem:s4+$0x14440]  }
0x232: {  	[tilespmem:s9+$0x30] =	vst.add.f32.msk $0xffff, v1  }
0x233: {  	v1 =	vld [tilespmem:s31+$0x14440]  }
0x234: {  	v3 =	vld [tilespmem:s10+$0x14440]  }
0x235: {  	[tilespmem:s9+$0x1C0] =	vst.add.f32.msk $0xffff, v0  }
0x236: {  	v0 =	vld [tilespmem:s11+$0x14450]  }
0x237: {  	[tilespmem:s9+$0xC0] =	vst.add.f32.msk $0xffff, v2  }
0x238: {  	[tilespmem:s9+$0x40] =	vst.add.f32.msk $0xffff, v1  }
0x239: {  	v1 =	vld [tilespmem:s13+$0x1]  }
0x23a: {  	v2 =	vld [tilespmem:s13+$0x0]  }
0x23b: {  	[tilespmem:s9+$0x140] =	vst.add.f32.msk $0xffff, v3  }
0x23c: {  	v3 =	vld [tilespmem:s4+$0x14450]  }
0x23d: {  	[tilespmem:s9+$0x1D0] =	vst.add.f32.msk $0xffff, v0  }
0x23e: {  	v0 =	vld [tilespmem:s11+$0x14460];
	(v2sf) =	vpush v1, $0x0;
	_ =	sdelay $0x1  }
0x23f: {  	v1 =	vld [tilespmem:s31+$0x14450];
	(v2sf) =	vpush v4, $0x0  }
0x240: {  	[tilespmem:s9+$0xD0] =	vst.add.f32.msk $0xffff, v3;
	(v2sf) =	vpush v2, $0x0  }
0x241: {  	v2 =	vld [tilespmem:s10+$0x14450];
	(v2sf) =	vpush v5, $0x0  }
0x242: {  	[tilespmem:s9+$0x1E0] =	vst.add.f32.msk $0xffff, v0  }
0x243: {  	v0 =	vld [tilespmem:s11+$0x14470]  }
0x244: {  	[tilespmem:s9+$0x50] =	vst.add.f32.msk $0xffff, v1  }
0x245: {  	v1 =	vld [tilespmem:s31+$0x14460]  }
0x246: {  	[tilespmem:s9+$0x150] =	vst.add.f32.msk $0xffff, v2  }
0x247: {  	v2 =	vld [tilespmem:s4+$0x14460];
	_ =	sdelay $0x1  }
0x248: {  	v3 =	vld [tilespmem:s10+$0x14460]  }
0x249: {  	[tilespmem:s9+$0x1F0] =	vst.add.f32.msk $0xffff, v0  }
0x24a: {  	[tilespmem:s9+$0x60] =	vst.add.f32.msk $0xffff, v1  }
0x24b: {  	[tilespmem:s9+$0xE0] =	vst.add.f32.msk $0xffff, v2;
	s16 =	spop (v2sf)  }
0x24c: {  	v0 =	vld [tilespmem:s31+$0x14470];
	s11 =	sshll.u32 s16, $0x9  }
0x24d: {  	[tilespmem:s9+$0x160] =	vst.add.f32.msk $0xffff, v3;
	s19 =	spop (v2sf);
	s21 =	sshra.s32 s11, $0x2  }
0x24e: {  	s12 =	sshll.u32 s19, $0x9;
	s30 =	spop (v2sf);
	v2 =	vld [tilespmem:s21+$0x14400]  }
0x24f: {  	v1 =	vld [tilespmem:s4+$0x14470];
	s11 =	sshra.s32 s12, $0x2;
	s0 =	sshll.u32 s30, $0x9;
	s31 =	spop (v2sf)  }
0x250: {  	v3 =	vld [tilespmem:s11+$0x14400];
	s12 =	sshll.u32 s31, $0x9;
	s0 =	sshra.s32 s0, $0x2  }
0x251: {  	s4 =	sshra.s32 s12, $0x2;
	v4 =	vld [tilespmem:s0+$0x14400]  }
0x252: {  	s12 =	simm.s32 $0xA200;
	v5 =	vld [tilespmem:s4+$0x14400]  }
0x253: {  	[tilespmem:s12+$0x180] =	vst.add.f32.msk $0xffff, v2  }
0x254: {  	v2 =	vld [tilespmem:s21+$0x14410]  }
0x255: {  	[tilespmem:s12+$0x80] =	vst.add.f32.msk $0xffff, v3  }
0x256: {  	[tilespmem:s12+$0x100] =	vst.add.f32.msk $0xffff, v4  }
0x257: {  	v4 =	vld [tilespmem:s11+$0x14410]  }
0x258: {  	[tilespmem:s12+$0x0] =	vst.add.f32.msk $0xffff, v5  }
0x259: {  	v5 =	vld [tilespmem:s0+$0x14410]  }
0x25a: {  	[tilespmem:s12+$0x190] =	vst.add.f32.msk $0xffff, v2  }
0x25b: {  	v2 =	vld [tilespmem:s21+$0x14420]  }
0x25c: {  	v3 =	vld [tilespmem:s4+$0x14410]  }
0x25d: {  	[tilespmem:s12+$0x90] =	vst.add.f32.msk $0xffff, v4  }
0x25e: {  	[tilespmem:s12+$0x110] =	vst.add.f32.msk $0xffff, v5  }
0x25f: {  	v4 =	vld [tilespmem:s11+$0x14420]  }
0x260: {  	[tilespmem:s12+$0x1A0] =	vst.add.f32.msk $0xffff, v2  }
0x261: {  	v2 =	vld [tilespmem:s21+$0x14430]  }
0x262: {  	[tilespmem:s12+$0x10] =	vst.add.f32.msk $0xffff, v3  }
0x263: {  	v5 =	vld [tilespmem:s0+$0x14420]  }
0x264: {  	v3 =	vld [tilespmem:s4+$0x14420]  }
0x265: {  	[tilespmem:s12+$0xA0] =	vst.add.f32.msk $0xffff, v4  }
0x266: {  	[tilespmem:s12+$0x1B0] =	vst.add.f32.msk $0xffff, v2  }
0x267: {  	v2 =	vld [tilespmem:s21+$0x14440]  }
0x268: {  	[tilespmem:s12+$0x120] =	vst.add.f32.msk $0xffff, v5  }
0x269: {  	v4 =	vld [tilespmem:s11+$0x14430]  }
0x26a: {  	[tilespmem:s12+$0x20] =	vst.add.f32.msk $0xffff, v3  }
0x26b: {  	v3 =	vld [tilespmem:s4+$0x14430]  }
0x26c: {  	[tilespmem:s12+$0x1C0] =	vst.add.f32.msk $0xffff, v2  }
0x26d: {  	v2 =	vld [tilespmem:s21+$0x14450]  }
0x26e: {  	v5 =	vld [tilespmem:s0+$0x14430]  }
0x26f: {  	[tilespmem:s12+$0xB0] =	vst.add.f32.msk $0xffff, v4  }
0x270: {  	v4 =	vld [tilespmem:s11+$0x14440]  }
0x271: {  	[tilespmem:s12+$0x30] =	vst.add.f32.msk $0xffff, v3  }
0x272: {  	[tilespmem:s12+$0x1D0] =	vst.add.f32.msk $0xffff, v2  }
0x273: {  	v3 =	vld [tilespmem:s21+$0x14460];
	_ =	sdelay $0x1  }
0x274: {  	v6 =	vld [tilespmem:s4+$0x14440]  }
0x275: {  	[tilespmem:s12+$0x130] =	vst.add.f32.msk $0xffff, v5  }
0x276: {  	[tilespmem:s12+$0xC0] =	vst.add.f32.msk $0xffff, v4  }
0x277: {  	[tilespmem:s12+$0x1E0] =	vst.add.f32.msk $0xffff, v3  }
0x278: {  	v3 =	vld [tilespmem:s21+$0x14470]  }
0x279: {  	[tilespmem:s12+$0x40] =	vst.add.f32.msk $0xffff, v6  }
0x27a: {  	s13 =	simm.s32 $0x4;
	s16 =	simm.s32 $0x1420A;
	v2 =	vld [tilespmem:s0+$0x14440]  }
.LBB2_7:
0x27b: {  	v4 =	vld [tilespmem:s16+$0x1];
	s13 =	sadd.s32 $0x4, s13  }
0x27c: {  	v5 =	vld [tilespmem:s16+$0xFFFFFFFF];
	p4 =	slt.u32 s13, $0x9C  }
0x27d: {  	[tilespmem:s12+$0x1F0] =	vst.add.f32.msk $0xffff, v3  }
0x27e: {  	v3 =	vld [tilespmem:s16+$0x0]  }
0x27f: {  	v6 =	vld [tilespmem:s16+$0xFFFFFFFE]  }
0x280: {  	(v2sf) =	vpush v4, $0x0;
	[tilespmem:s12+$0x140] =	vst.add.f32.msk $0xffff, v2  }
0x281: {  	(v2sf) =	vpush v5, $0x0;
	v2 =	vld [tilespmem:s4+$0x14450]  }
0x282: {  	v4 =	vld [tilespmem:s11+$0x14450]  }
0x283: {  	(v2sf) =	vpush v3, $0x0;
	v3 =	vld [tilespmem:s0+$0x14450]  }
0x284: {  	(v2sf) =	vpush v6, $0x0;
	v5 =	vld [tilespmem:s10+$0x14470];
	s10 =	smov.u32 s0  }
0x285: {  	[tilespmem:s9+$0x70] =	vst.add.f32.msk $0xffff, v0  }
0x286: {  	[tilespmem:s12+$0x50] =	vst.add.f32.msk $0xffff, v2  }
0x287: {  	[tilespmem:s12+$0xD0] =	vst.add.f32.msk $0xffff, v4  }
0x288: {  	[tilespmem:s12+$0x150] =	vst.add.f32.msk $0xffff, v3  }
0x289: {  	v0 =	vld [tilespmem:s4+$0x14460]  }
0x28a: {  	v2 =	vld [tilespmem:s11+$0x14460]  }
0x28b: {  	v3 =	vld [tilespmem:s10+$0x14460]  }
0x28c: {  	[tilespmem:s9+$0xF0] =	vst.add.f32.msk $0xffff, v1  }
0x28d: {  	[tilespmem:s9+$0x170] =	vst.add.f32.msk $0xffff, v5;
	s9 =	smov.u32 s12  }
0x28e: {  	[tilespmem:s12+$0x60] =	vst.add.f32.msk $0xffff, v0  }
0x28f: {  	s0 =	spop (v2sf);
	[tilespmem:s12+$0xE0] =	vst.add.f32.msk $0xffff, v2  }
0x290: {  	s0 =	sshll.u32 s0, $0x9;
	s19 =	spop (v2sf);
	[tilespmem:s12+$0x160] =	vst.add.f32.msk $0xffff, v3  }
0x291: {  	s21 =	sshll.u32 s19, $0x9;
	s19 =	sshra.s32 s0, $0x2;
	v0 =	vld [tilespmem:s4+$0x14470]  }
0x292: {  	s4 =	sshra.s32 s21, $0x2;
	v2 =	vld [tilespmem:s19+$0x14400];
	s0 =	spop (v2sf)  }
0x293: {  	v3 =	vld [tilespmem:s4+$0x14400];
	s0 =	sshll.u32 s0, $0x9;
	s21 =	spop (v2sf)  }
0x294: {  	s21 =	sshll.u32 s21, $0x9;
	s0 =	sshra.s32 s0, $0x2;
	v1 =	vld [tilespmem:s11+$0x14470];
	s11 =	smov.u32 s4  }
0x295: {  	s4 =	sshra.s32 s21, $0x2;
	v4 =	vld [tilespmem:s0+$0x14400]  }
0x296: {  	s12 =	sadd.s32 $0x200, s12;
	v5 =	vld [tilespmem:s4+$0x14400]  }
0x297: {  	[tilespmem:s12+$0x180] =	vst.add.f32.msk $0xffff, v2  }
0x298: {  	v2 =	vld [tilespmem:s19+$0x14410]  }
0x299: {  	[tilespmem:s12+$0x80] =	vst.add.f32.msk $0xffff, v3  }
0x29a: {  	[tilespmem:s12+$0x100] =	vst.add.f32.msk $0xffff, v4  }
0x29b: {  	[tilespmem:s12+$0x0] =	vst.add.f32.msk $0xffff, v5  }
0x29c: {  	v3 =	vld [tilespmem:s4+$0x14410]  }
0x29d: {  	[tilespmem:s12+$0x190] =	vst.add.f32.msk $0xffff, v2  }
0x29e: {  	v2 =	vld [tilespmem:s19+$0x14420]  }
0x29f: {  	v4 =	vld [tilespmem:s11+$0x14410]  }
0x2a0: {  	v5 =	vld [tilespmem:s0+$0x14410]  }
0x2a1: {  	[tilespmem:s12+$0x10] =	vst.add.f32.msk $0xffff, v3  }
0x2a2: {  	v3 =	vld [tilespmem:s4+$0x14420]  }
0x2a3: {  	[tilespmem:s12+$0x1A0] =	vst.add.f32.msk $0xffff, v2  }
0x2a4: {  	v2 =	vld [tilespmem:s19+$0x14430]  }
0x2a5: {  	[tilespmem:s12+$0x90] =	vst.add.f32.msk $0xffff, v4  }
0x2a6: {  	[tilespmem:s12+$0x110] =	vst.add.f32.msk $0xffff, v5  }
0x2a7: {  	v4 =	vld [tilespmem:s11+$0x14420]  }
0x2a8: {  	v5 =	vld [tilespmem:s0+$0x14420]  }
0x2a9: {  	[tilespmem:s12+$0x1B0] =	vst.add.f32.msk $0xffff, v2  }
0x2aa: {  	v2 =	vld [tilespmem:s19+$0x14440]  }
0x2ab: {  	[tilespmem:s12+$0x20] =	vst.add.f32.msk $0xffff, v3  }
0x2ac: {  	[tilespmem:s12+$0xA0] =	vst.add.f32.msk $0xffff, v4  }
0x2ad: {  	[tilespmem:s12+$0x120] =	vst.add.f32.msk $0xffff, v5  }
0x2ae: {  	v3 =	vld [tilespmem:s4+$0x14430]  }
0x2af: {  	[tilespmem:s12+$0x1C0] =	vst.add.f32.msk $0xffff, v2  }
0x2b0: {  	v2 =	vld [tilespmem:s19+$0x14450]  }
0x2b1: {  	v4 =	vld [tilespmem:s11+$0x14430]  }
0x2b2: {  	v5 =	vld [tilespmem:s0+$0x14430]  }
0x2b3: {  	[tilespmem:s12+$0x30] =	vst.add.f32.msk $0xffff, v3  }
0x2b4: {  	v6 =	vld [tilespmem:s4+$0x14440]  }
0x2b5: {  	[tilespmem:s12+$0x1D0] =	vst.add.f32.msk $0xffff, v2  }
0x2b6: {  	v3 =	vld [tilespmem:s19+$0x14460]  }
0x2b7: {  	[tilespmem:s12+$0xB0] =	vst.add.f32.msk $0xffff, v4  }
0x2b8: {  	[tilespmem:s12+$0x130] =	vst.add.f32.msk $0xffff, v5  }
0x2b9: {  	v4 =	vld [tilespmem:s11+$0x14440]  }
.Ltmp6:
0x2ba: {  	v2 =	vld [tilespmem:s0+$0x14440];
	(pc) =	sbr.rel @p4 .LBB2_7-.Ltmp6, $4  }
0x2bb: {  	[tilespmem:s12+$0x1E0] =	vst.add.f32.msk $0xffff, v3  }
0x2bc: {  	v3 =	vld [tilespmem:s19+$0x14470]  }
0x2bd: {  	[tilespmem:s12+$0x40] =	vst.add.f32.msk $0xffff, v6  }
0x2be: {  	s16 =	sadd.s32 $0x4, s16;
	[tilespmem:s12+$0xC0] =	vst.add.f32.msk $0xffff, v4  }
0x2bf: {  	[tilespmem:s12+$0x140] =	vst.add.f32.msk $0xffff, v2  }
0x2c0: {  	v57 =	vld [tilespmem:s4+$0x14450]  }
0x2c1: {  	v4 =	vld [tilespmem:s11+$0x14450]  }
0x2c2: {  	v5 =	vld [tilespmem:s0+$0x14450];
	_ =	sdelay $0x1  }
0x2c3: {  	v60 =	vld [tilespmem:s10+$0x14470]  }
0x2c4: {  	[tilespmem:s12+$0x50] =	vst.add.f32.msk $0xffff, v57  }
0x2c5: {  	[tilespmem:s12+$0xD0] =	vst.add.f32.msk $0xffff, v4  }
0x2c6: {  	[tilespmem:s12+$0x150] =	vst.add.f32.msk $0xffff, v5  }
0x2c7: {  	v2 =	vld [tilespmem:s4+$0x14460]  }
0x2c8: {  	v58 =	vld [tilespmem:s11+$0x14460]  }
0x2c9: {  	v59 =	vld [tilespmem:s0+$0x14460]  }
0x2ca: {  	[tilespmem:s9+$0x70] =	vst.add.f32.msk $0xffff, v0  }
0x2cb: {  	[tilespmem:s9+$0xF0] =	vst.add.f32.msk $0xffff, v1  }
0x2cc: {  	[tilespmem:s12+$0x60] =	vst.add.f32.msk $0xffff, v2  }
0x2cd: {  	[tilespmem:s12+$0xE0] =	vst.add.f32.msk $0xffff, v58  }
0x2ce: {  	[tilespmem:s12+$0x160] =	vst.add.f32.msk $0xffff, v59  }
0x2cf: {  	v61 =	vld [tilespmem:s4+$0x14470]  }
0x2d0: {  	v62 =	vld [tilespmem:s11+$0x14470]  }
0x2d1: {  	v63 =	vld [tilespmem:s0+$0x14470]  }
0x2d2: {  	[tilespmem:s12+$0x1F0] =	vst.add.f32.msk $0xffff, v3  }
.Ltmp7:
0x2d3: {  	[tilespmem:s9+$0x170] =	vst.add.f32.msk $0xffff, v60;
	(pc) =	sbr.rel @p3 .LBB2_12-.Ltmp7, $4  }
0x2d4: {  	[tilespmem:s12+$0x70] =	vst.add.f32.msk $0xffff, v61  }
0x2d5: {  	[tilespmem:s12+$0xF0] =	vst.add.f32.msk $0xffff, v62  }
0x2d6: {  	s31 =	sadd.s32 s5, s8;
	[tilespmem:s12+$0x170] =	vst.add.f32.msk $0xffff, v63  }
0x2d7: {  	[hbm4b:s31+s7] =	stream.linear.scatter [tilespmem:s20], [sflag:$0xB], $0x5000, $0x38;
	[tilespmem:$0x18400] =	vst v63  }
0x2d8: {  	p3 =	sgt.u32 s18, $0x230  }
0x2d9: {  	s8 =	simm.s32 $0xA;
	s0 =	sadd.s32 @!p3 $0xA0, s17  }
0x2da: {  	_ =	swait.ge [sflag:s8], $0x5000;
	s4 =	smul.u32 @!p3 $0xA00, s0  }
0x2db: {  	s9 =	simm.s32 @!p3 $0x5000;
	[sflag:s8] =	ssyncset.done $0x0;
	s0 =	smul.u32 @!p3 $0x14, s0  }
0x2dc: {  	[sflag:s8] =	ssyncadd.s32 $0xFFFFB000;
	s8 =	simm.s32 @!p3 $0x0;
	s4 =	sadd.s32 @!p3 s1, s4  }
0x2dd: {  	[tilespmem:s9], [sflag:$0x2] =	stream.linear.gather @!p3 [hbm4b:s4+s8], $0x5000, $0x38;
	[tilespmem:$0x18400] =	vst v63  }
0x2de: {  	s31 =	simm.s32 $0x4;
	s0 =	sadd.s32 @!p3 s2, s0;
	s4 =	simm.s32 @!p3 $0x14100  }
0x2df: {  	[tilespmem:s4], [sflag:$0x6] =	stream.linear.gather @!p3 [hbm4b:s0+s8], $0xA0, $0x38;
	[tilespmem:$0x18400] =	vst v63  }
0x2e0: {  	_ =	swait.ge [sflag:s31], $0x5000  }
0x2e1: {  	[sflag:s31] =	ssyncset.done $0x0  }
0x2e2: {  	[sflag:s31] =	ssyncadd.s32 $0xFFFFB000  }
0x2e3: {  	_ =	swait.ge [sflag:s3], $0xA0  }
0x2e4: {  	[sflag:s3] =	ssyncset.done $0x0  }
0x2e5: {  	s4 =	simm.s32 $0x14302;
	[sflag:s3] =	ssyncadd.s32 $0xFFFFFF60  }
0x2e6: {  	v0 =	vld [tilespmem:s4+$0x1]  }
0x2e7: {  	v1 =	vld [tilespmem:s4+$0xFFFFFFFF];
	_ =	sdelay $0x2  }
0x2e8: {  	v2 =	vld [tilespmem:s4+$0x0]  }
0x2e9: {  	v3 =	vld [tilespmem:s4+$0xFFFFFFFE];
	(v2sf) =	vpush v0, $0x0  }
0x2ea: {  	(v2sf) =	vpush v1, $0x0;
	_ =	sdelay $0x2  }
0x2eb: {  	(v2sf) =	vpush v2, $0x0  }
0x2ec: {  	(v2sf) =	vpush v3, $0x0;
	_ =	sdelay $0x9  }
0x2ed: {  	s8 =	spop (v2sf)  }
0x2ee: {  	s0 =	sshll.u32 s8, $0x9;
	s9 =	spop (v2sf)  }
0x2ef: {  	s10 =	sshra.s32 s0, $0x2;
	s11 =	sshll.u32 s9, $0x9  }
0x2f0: {  	v0 =	vld [tilespmem:s10+$0x14400];
	s4 =	sshra.s32 s11, $0x2  }
0x2f1: {  	s12 =	spop (v2sf);
	s11 =	simm.s32 $0x14306;
	v1 =	vld [tilespmem:s4+$0x14400]  }
0x2f2: {  	s13 =	sshll.u32 s12, $0x9;
	s16 =	spop (v2sf);
	v4 =	vld [tilespmem:s11+$0xFFFFFFFF]  }
0x2f3: {  	s8 =	sshll.u32 s16, $0x9;
	s9 =	sshra.s32 s13, $0x2;
	v5 =	vld [tilespmem:s11+$0xFFFFFFFE]  }
0x2f4: {  	s17 =	sshra.s32 s8, $0x2;
	v2 =	vld [tilespmem:s9+$0x14400]  }
0x2f5: {  	s8 =	simm.s32 $0xF000;
	v3 =	vld [tilespmem:s17+$0x14400]  }
0x2f6: {  	[tilespmem:s8+$0x180] =	vst.add.f32.msk $0xffff, v0  }
0x2f7: {  	v0 =	vld [tilespmem:s10+$0x14410]  }
0x2f8: {  	[tilespmem:s8+$0x80] =	vst.add.f32.msk $0xffff, v1  }
0x2f9: {  	[tilespmem:s8+$0x100] =	vst.add.f32.msk $0xffff, v2  }
0x2fa: {  	v2 =	vld [tilespmem:s4+$0x14410]  }
0x2fb: {  	[tilespmem:s8+$0x0] =	vst.add.f32.msk $0xffff, v3  }
0x2fc: {  	v3 =	vld [tilespmem:s9+$0x14410]  }
0x2fd: {  	v1 =	vld [tilespmem:s17+$0x14410]  }
0x2fe: {  	[tilespmem:s8+$0x190] =	vst.add.f32.msk $0xffff, v0  }
0x2ff: {  	v0 =	vld [tilespmem:s10+$0x14420]  }
0x300: {  	[tilespmem:s8+$0x90] =	vst.add.f32.msk $0xffff, v2  }
0x301: {  	[tilespmem:s8+$0x110] =	vst.add.f32.msk $0xffff, v3  }
0x302: {  	v2 =	vld [tilespmem:s4+$0x14420]  }
0x303: {  	[tilespmem:s8+$0x10] =	vst.add.f32.msk $0xffff, v1  }
0x304: {  	v3 =	vld [tilespmem:s9+$0x14420]  }
0x305: {  	v1 =	vld [tilespmem:s17+$0x14420]  }
0x306: {  	[tilespmem:s8+$0x1A0] =	vst.add.f32.msk $0xffff, v0  }
0x307: {  	v0 =	vld [tilespmem:s10+$0x14430]  }
0x308: {  	[tilespmem:s8+$0xA0] =	vst.add.f32.msk $0xffff, v2  }
0x309: {  	[tilespmem:s8+$0x120] =	vst.add.f32.msk $0xffff, v3  }
0x30a: {  	v2 =	vld [tilespmem:s4+$0x14430]  }
0x30b: {  	[tilespmem:s8+$0x20] =	vst.add.f32.msk $0xffff, v1  }
0x30c: {  	v3 =	vld [tilespmem:s9+$0x14430]  }
0x30d: {  	v1 =	vld [tilespmem:s17+$0x14430]  }
0x30e: {  	[tilespmem:s8+$0x1B0] =	vst.add.f32.msk $0xffff, v0  }
0x30f: {  	v0 =	vld [tilespmem:s10+$0x14440]  }
0x310: {  	[tilespmem:s8+$0xB0] =	vst.add.f32.msk $0xffff, v2  }
0x311: {  	[tilespmem:s8+$0x130] =	vst.add.f32.msk $0xffff, v3  }
0x312: {  	[tilespmem:s8+$0x30] =	vst.add.f32.msk $0xffff, v1  }
0x313: {  	v1 =	vld [tilespmem:s17+$0x14440]  }
0x314: {  	v2 =	vld [tilespmem:s4+$0x14440]  }
0x315: {  	v3 =	vld [tilespmem:s9+$0x14440]  }
0x316: {  	[tilespmem:s8+$0x1C0] =	vst.add.f32.msk $0xffff, v0  }
0x317: {  	v0 =	vld [tilespmem:s10+$0x14450]  }
0x318: {  	[tilespmem:s8+$0x40] =	vst.add.f32.msk $0xffff, v1  }
0x319: {  	v1 =	vld [tilespmem:s11+$0x1]  }
0x31a: {  	[tilespmem:s8+$0xC0] =	vst.add.f32.msk $0xffff, v2  }
0x31b: {  	v2 =	vld [tilespmem:s11+$0x0]  }
0x31c: {  	[tilespmem:s8+$0x140] =	vst.add.f32.msk $0xffff, v3  }
0x31d: {  	v3 =	vld [tilespmem:s4+$0x14450]  }
0x31e: {  	[tilespmem:s8+$0x1D0] =	vst.add.f32.msk $0xffff, v0;
	(v2sf) =	vpush v1, $0x0  }
0x31f: {  	v0 =	vld [tilespmem:s10+$0x14460]  }
0x320: {  	(v2sf) =	vpush v4, $0x0  }
0x321: {  	v1 =	vld [tilespmem:s17+$0x14450];
	(v2sf) =	vpush v2, $0x0  }
0x322: {  	[tilespmem:s8+$0xD0] =	vst.add.f32.msk $0xffff, v3;
	(v2sf) =	vpush v5, $0x0  }
0x323: {  	v2 =	vld [tilespmem:s9+$0x14450]  }
0x324: {  	[tilespmem:s8+$0x1E0] =	vst.add.f32.msk $0xffff, v0  }
0x325: {  	v0 =	vld [tilespmem:s10+$0x14470]  }
0x326: {  	[tilespmem:s8+$0x50] =	vst.add.f32.msk $0xffff, v1  }
0x327: {  	v1 =	vld [tilespmem:s17+$0x14460]  }
0x328: {  	[tilespmem:s8+$0x150] =	vst.add.f32.msk $0xffff, v2  }
0x329: {  	v2 =	vld [tilespmem:s4+$0x14460]  }
0x32a: {  	v3 =	vld [tilespmem:s9+$0x14460];
	_ =	sdelay $0x1  }
0x32b: {  	[tilespmem:s8+$0x1F0] =	vst.add.f32.msk $0xffff, v0  }
0x32c: {  	[tilespmem:s8+$0x60] =	vst.add.f32.msk $0xffff, v1;
	s19 =	spop (v2sf)  }
0x32d: {  	[tilespmem:s8+$0xE0] =	vst.add.f32.msk $0xffff, v2;
	s10 =	sshll.u32 s19, $0x9  }
0x32e: {  	[tilespmem:s8+$0x160] =	vst.add.f32.msk $0xffff, v3;
	s21 =	spop (v2sf);
	s12 =	sshra.s32 s10, $0x2  }
0x32f: {  	s11 =	sshll.u32 s21, $0x9;
	s30 =	spop (v2sf);
	v2 =	vld [tilespmem:s12+$0x14400]  }
0x330: {  	v1 =	vld [tilespmem:s4+$0x14470];
	s10 =	sshra.s32 s11, $0x2;
	s0 =	sshll.u32 s30, $0x9;
	s31 =	spop (v2sf)  }
0x331: {  	v3 =	vld [tilespmem:s10+$0x14400];
	s11 =	sshll.u32 s31, $0x9;
	s0 =	sshra.s32 s0, $0x2  }
0x332: {  	s4 =	sshra.s32 s11, $0x2;
	v4 =	vld [tilespmem:s0+$0x14400]  }
0x333: {  	s11 =	simm.s32 $0xF200;
	v5 =	vld [tilespmem:s4+$0x14400]  }
0x334: {  	[tilespmem:s11+$0x180] =	vst.add.f32.msk $0xffff, v2  }
0x335: {  	v2 =	vld [tilespmem:s12+$0x14410]  }
0x336: {  	[tilespmem:s11+$0x80] =	vst.add.f32.msk $0xffff, v3  }
0x337: {  	[tilespmem:s11+$0x100] =	vst.add.f32.msk $0xffff, v4  }
0x338: {  	v4 =	vld [tilespmem:s10+$0x14410]  }
0x339: {  	[tilespmem:s11+$0x0] =	vst.add.f32.msk $0xffff, v5  }
0x33a: {  	v5 =	vld [tilespmem:s0+$0x14410]  }
0x33b: {  	[tilespmem:s11+$0x190] =	vst.add.f32.msk $0xffff, v2  }
0x33c: {  	v2 =	vld [tilespmem:s12+$0x14420]  }
0x33d: {  	v3 =	vld [tilespmem:s4+$0x14410]  }
0x33e: {  	[tilespmem:s11+$0x90] =	vst.add.f32.msk $0xffff, v4  }
0x33f: {  	[tilespmem:s11+$0x110] =	vst.add.f32.msk $0xffff, v5  }
0x340: {  	v4 =	vld [tilespmem:s10+$0x14420]  }
0x341: {  	[tilespmem:s11+$0x1A0] =	vst.add.f32.msk $0xffff, v2  }
0x342: {  	v2 =	vld [tilespmem:s12+$0x14430]  }
0x343: {  	[tilespmem:s11+$0x10] =	vst.add.f32.msk $0xffff, v3  }
0x344: {  	v5 =	vld [tilespmem:s0+$0x14420]  }
0x345: {  	v3 =	vld [tilespmem:s4+$0x14420]  }
0x346: {  	[tilespmem:s11+$0xA0] =	vst.add.f32.msk $0xffff, v4  }
0x347: {  	[tilespmem:s11+$0x1B0] =	vst.add.f32.msk $0xffff, v2  }
0x348: {  	v2 =	vld [tilespmem:s12+$0x14440]  }
0x349: {  	[tilespmem:s11+$0x120] =	vst.add.f32.msk $0xffff, v5  }
0x34a: {  	v4 =	vld [tilespmem:s10+$0x14430]  }
0x34b: {  	[tilespmem:s11+$0x20] =	vst.add.f32.msk $0xffff, v3  }
0x34c: {  	v3 =	vld [tilespmem:s4+$0x14430]  }
0x34d: {  	[tilespmem:s11+$0x1C0] =	vst.add.f32.msk $0xffff, v2  }
0x34e: {  	v2 =	vld [tilespmem:s12+$0x14450]  }
0x34f: {  	v5 =	vld [tilespmem:s0+$0x14430]  }
0x350: {  	[tilespmem:s11+$0xB0] =	vst.add.f32.msk $0xffff, v4  }
0x351: {  	v4 =	vld [tilespmem:s10+$0x14440]  }
0x352: {  	[tilespmem:s11+$0x30] =	vst.add.f32.msk $0xffff, v3  }
0x353: {  	[tilespmem:s11+$0x1D0] =	vst.add.f32.msk $0xffff, v2  }
0x354: {  	v3 =	vld [tilespmem:s12+$0x14460]  }
0x355: {  	v0 =	vld [tilespmem:s17+$0x14470]  }
0x356: {  	v6 =	vld [tilespmem:s4+$0x14440]  }
0x357: {  	[tilespmem:s11+$0x130] =	vst.add.f32.msk $0xffff, v5  }
0x358: {  	[tilespmem:s11+$0xC0] =	vst.add.f32.msk $0xffff, v4  }
0x359: {  	[tilespmem:s11+$0x1E0] =	vst.add.f32.msk $0xffff, v3  }
0x35a: {  	v3 =	vld [tilespmem:s12+$0x14470]  }
0x35b: {  	[tilespmem:s11+$0x40] =	vst.add.f32.msk $0xffff, v6  }
0x35c: {  	s13 =	simm.s32 $0x1430A;
	v2 =	vld [tilespmem:s0+$0x14440];
	s12 =	simm.s32 $0x4  }
.LBB2_10:
0x35d: {  	v4 =	vld [tilespmem:s13+$0x1];
	s12 =	sadd.s32 $0x4, s12  }
0x35e: {  	v5 =	vld [tilespmem:s13+$0xFFFFFFFF];
	p3 =	slt.u32 s12, $0x9C  }
0x35f: {  	[tilespmem:s11+$0x1F0] =	vst.add.f32.msk $0xffff, v3  }
0x360: {  	v3 =	vld [tilespmem:s13+$0x0]  }
0x361: {  	v6 =	vld [tilespmem:s13+$0xFFFFFFFE]  }
0x362: {  	(v2sf) =	vpush v4, $0x0;
	[tilespmem:s11+$0x140] =	vst.add.f32.msk $0xffff, v2  }
0x363: {  	(v2sf) =	vpush v5, $0x0;
	v2 =	vld [tilespmem:s4+$0x14450]  }
0x364: {  	v4 =	vld [tilespmem:s10+$0x14450]  }
0x365: {  	(v2sf) =	vpush v3, $0x0;
	v3 =	vld [tilespmem:s0+$0x14450]  }
0x366: {  	(v2sf) =	vpush v6, $0x0;
	v5 =	vld [tilespmem:s9+$0x14470];
	s9 =	smov.u32 s0  }
0x367: {  	[tilespmem:s8+$0x70] =	vst.add.f32.msk $0xffff, v0  }
0x368: {  	[tilespmem:s11+$0x50] =	vst.add.f32.msk $0xffff, v2  }
0x369: {  	[tilespmem:s11+$0xD0] =	vst.add.f32.msk $0xffff, v4  }
0x36a: {  	[tilespmem:s11+$0x150] =	vst.add.f32.msk $0xffff, v3  }
0x36b: {  	v0 =	vld [tilespmem:s4+$0x14460]  }
0x36c: {  	v2 =	vld [tilespmem:s10+$0x14460]  }
0x36d: {  	v3 =	vld [tilespmem:s9+$0x14460]  }
0x36e: {  	[tilespmem:s8+$0xF0] =	vst.add.f32.msk $0xffff, v1  }
0x36f: {  	[tilespmem:s8+$0x170] =	vst.add.f32.msk $0xffff, v5;
	s8 =	smov.u32 s11  }
0x370: {  	[tilespmem:s11+$0x60] =	vst.add.f32.msk $0xffff, v0  }
0x371: {  	s0 =	spop (v2sf);
	[tilespmem:s11+$0xE0] =	vst.add.f32.msk $0xffff, v2  }
0x372: {  	s0 =	sshll.u32 s0, $0x9;
	s16 =	spop (v2sf);
	[tilespmem:s11+$0x160] =	vst.add.f32.msk $0xffff, v3  }
0x373: {  	s17 =	sshll.u32 s16, $0x9;
	s16 =	sshra.s32 s0, $0x2;
	v0 =	vld [tilespmem:s4+$0x14470]  }
0x374: {  	s4 =	sshra.s32 s17, $0x2;
	v2 =	vld [tilespmem:s16+$0x14400];
	s0 =	spop (v2sf)  }
0x375: {  	v3 =	vld [tilespmem:s4+$0x14400];
	s0 =	sshll.u32 s0, $0x9;
	s17 =	spop (v2sf)  }
0x376: {  	s17 =	sshll.u32 s17, $0x9;
	s0 =	sshra.s32 s0, $0x2;
	v1 =	vld [tilespmem:s10+$0x14470];
	s10 =	smov.u32 s4  }
0x377: {  	s4 =	sshra.s32 s17, $0x2;
	v4 =	vld [tilespmem:s0+$0x14400]  }
0x378: {  	s11 =	sadd.s32 $0x200, s11;
	v5 =	vld [tilespmem:s4+$0x14400]  }
0x379: {  	[tilespmem:s11+$0x180] =	vst.add.f32.msk $0xffff, v2  }
0x37a: {  	v2 =	vld [tilespmem:s16+$0x14410]  }
0x37b: {  	[tilespmem:s11+$0x80] =	vst.add.f32.msk $0xffff, v3  }
0x37c: {  	[tilespmem:s11+$0x100] =	vst.add.f32.msk $0xffff, v4  }
0x37d: {  	[tilespmem:s11+$0x0] =	vst.add.f32.msk $0xffff, v5  }
0x37e: {  	v3 =	vld [tilespmem:s4+$0x14410]  }
0x37f: {  	[tilespmem:s11+$0x190] =	vst.add.f32.msk $0xffff, v2  }
0x380: {  	v2 =	vld [tilespmem:s16+$0x14420]  }
0x381: {  	v4 =	vld [tilespmem:s10+$0x14410]  }
0x382: {  	v5 =	vld [tilespmem:s0+$0x14410]  }
0x383: {  	[tilespmem:s11+$0x10] =	vst.add.f32.msk $0xffff, v3  }
0x384: {  	v3 =	vld [tilespmem:s4+$0x14420]  }
0x385: {  	[tilespmem:s11+$0x1A0] =	vst.add.f32.msk $0xffff, v2  }
0x386: {  	v2 =	vld [tilespmem:s16+$0x14430]  }
0x387: {  	[tilespmem:s11+$0x90] =	vst.add.f32.msk $0xffff, v4  }
0x388: {  	[tilespmem:s11+$0x110] =	vst.add.f32.msk $0xffff, v5  }
0x389: {  	v4 =	vld [tilespmem:s10+$0x14420]  }
0x38a: {  	v5 =	vld [tilespmem:s0+$0x14420]  }
0x38b: {  	[tilespmem:s11+$0x1B0] =	vst.add.f32.msk $0xffff, v2  }
0x38c: {  	v2 =	vld [tilespmem:s16+$0x14440]  }
0x38d: {  	[tilespmem:s11+$0x20] =	vst.add.f32.msk $0xffff, v3  }
0x38e: {  	[tilespmem:s11+$0xA0] =	vst.add.f32.msk $0xffff, v4  }
0x38f: {  	[tilespmem:s11+$0x120] =	vst.add.f32.msk $0xffff, v5  }
0x390: {  	v3 =	vld [tilespmem:s4+$0x14430]  }
0x391: {  	[tilespmem:s11+$0x1C0] =	vst.add.f32.msk $0xffff, v2  }
0x392: {  	v2 =	vld [tilespmem:s16+$0x14450]  }
0x393: {  	v4 =	vld [tilespmem:s10+$0x14430]  }
0x394: {  	v5 =	vld [tilespmem:s0+$0x14430]  }
0x395: {  	[tilespmem:s11+$0x30] =	vst.add.f32.msk $0xffff, v3  }
0x396: {  	v6 =	vld [tilespmem:s4+$0x14440]  }
0x397: {  	[tilespmem:s11+$0x1D0] =	vst.add.f32.msk $0xffff, v2  }
0x398: {  	v3 =	vld [tilespmem:s16+$0x14460]  }
0x399: {  	[tilespmem:s11+$0xB0] =	vst.add.f32.msk $0xffff, v4  }
0x39a: {  	[tilespmem:s11+$0x130] =	vst.add.f32.msk $0xffff, v5  }
0x39b: {  	v4 =	vld [tilespmem:s10+$0x14440]  }
.Ltmp8:
0x39c: {  	v2 =	vld [tilespmem:s0+$0x14440];
	(pc) =	sbr.rel @p3 .LBB2_10-.Ltmp8, $4  }
0x39d: {  	[tilespmem:s11+$0x1E0] =	vst.add.f32.msk $0xffff, v3  }
0x39e: {  	v3 =	vld [tilespmem:s16+$0x14470]  }
0x39f: {  	[tilespmem:s11+$0x40] =	vst.add.f32.msk $0xffff, v6  }
0x3a0: {  	s13 =	sadd.s32 $0x4, s13;
	[tilespmem:s11+$0xC0] =	vst.add.f32.msk $0xffff, v4  }
0x3a1: {  	[tilespmem:s11+$0x140] =	vst.add.f32.msk $0xffff, v2  }
0x3a2: {  	v57 =	vld [tilespmem:s4+$0x14450]  }
0x3a3: {  	v4 =	vld [tilespmem:s10+$0x14450]  }
0x3a4: {  	v5 =	vld [tilespmem:s0+$0x14450];
	_ =	sdelay $0x1  }
0x3a5: {  	v60 =	vld [tilespmem:s9+$0x14470]  }
0x3a6: {  	[tilespmem:s11+$0x50] =	vst.add.f32.msk $0xffff, v57  }
0x3a7: {  	[tilespmem:s11+$0xD0] =	vst.add.f32.msk $0xffff, v4  }
0x3a8: {  	[tilespmem:s11+$0x150] =	vst.add.f32.msk $0xffff, v5  }
0x3a9: {  	v2 =	vld [tilespmem:s4+$0x14460]  }
0x3aa: {  	v58 =	vld [tilespmem:s10+$0x14460]  }
0x3ab: {  	v59 =	vld [tilespmem:s0+$0x14460]  }
0x3ac: {  	[tilespmem:s8+$0x70] =	vst.add.f32.msk $0xffff, v0  }
0x3ad: {  	[tilespmem:s8+$0xF0] =	vst.add.f32.msk $0xffff, v1  }
0x3ae: {  	[tilespmem:s11+$0x60] =	vst.add.f32.msk $0xffff, v2  }
0x3af: {  	[tilespmem:s11+$0xE0] =	vst.add.f32.msk $0xffff, v58  }
0x3b0: {  	[tilespmem:s11+$0x160] =	vst.add.f32.msk $0xffff, v59  }
0x3b1: {  	v61 =	vld [tilespmem:s4+$0x14470]  }
0x3b2: {  	v62 =	vld [tilespmem:s10+$0x14470]  }
0x3b3: {  	v63 =	vld [tilespmem:s0+$0x14470]  }
0x3b4: {  	[tilespmem:s11+$0x1F0] =	vst.add.f32.msk $0xffff, v3  }
.Ltmp9:
0x3b5: {  	[tilespmem:s8+$0x170] =	vst.add.f32.msk $0xffff, v60;
	(pc) =	sbr.rel .LBB2_12-.Ltmp9, $4  }
0x3b6: {  	s30 =	smul.u32 $0xA00, s18;
	[tilespmem:s11+$0x70] =	vst.add.f32.msk $0xffff, v61  }
0x3b7: {  	[tilespmem:s11+$0xF0] =	vst.add.f32.msk $0xffff, v62  }
0x3b8: {  	s31 =	simm.s32 $0xF000;
	s0 =	sadd.s32 s5, s30;
	[tilespmem:s11+$0x170] =	vst.add.f32.msk $0xffff, v63  }
0x3b9: {  	[hbm4b:s0+s7] =	stream.linear.scatter [tilespmem:s31], [sflag:$0xC], $0x5000, $0x38;
	[tilespmem:$0x18400] =	vst v63  }
.LBB2_14:
0x3ba: {  	_ =	sfence.sel $0x180000  }
0x3bb: {  	[bflag:$0x0] =	sbarrier.arrive $0xFFFF  }
0x3bc: {  	_ =	strace $0x9000004A  }
0x3bd: {  	s0 =	stileid.u32;
	[bflag:$0x2] =	sbarrier.arrive $0xFFFF  }
0x3be: {  	p0 =	sne.s32 s0, $0x0;
	s0 =	rddreg [dreg:$0x4]  }
0x3bf: {  	s0 =	sadd.s32 @!p0 $0x100000, s0  }
0x3c0: {  	[sflag:s0] =	ssyncadd.tile.s32 @!p0 $0x1;
	_ =	shalt  }
.Lfunc_end2:
_tile_overlayer_lowered:
.L_overlay_start_2:
0x3c1: {  	(tag) =	ssettag $0x2  }
0x3c2: {  	s0 =	rddreg [dreg:$0x0];
	s2 =	stileid.u32  }
0x3c3: {  	s1 =	rddreg [dreg:$0x1];
	p0 =	sne.s32 s2, $0x0  }
0x3c4: {  	s3 =	rddreg [dreg:$0x2];
	[bflag:$0x3] =	sbarrier.arrive $0xFFFF;
	s2 =	simm.s32 @!p0 $0x1C0D  }
0x3c5: {  	[timem:s3], [sflag:s2] =	dma.local @!p0 [hbm:s0], s1  }
0x3c6: {  	s0 =	simm.s32 @!p0 $0xD  }
0x3c7: {  	_ =	swait.ge @!p0 [sflag:s0], s1  }
0x3c8: {  	s1 =	ssub.s32 @!p0 $0x0, s1;
	[sflag:s0] =	ssyncset.done @!p0 $0x0  }
0x3c9: {  	[sflag:s0] =	ssyncadd.s32 @!p0 s1  }
0x3ca: {  	[bflag:$0x3] =	sbarrier.arrive $0xFFFF  }
0x3cb: {  	_ =	shalt  }

</sc_bundles>
